<compile_context>
chip_gen: v7x
topology: tpu7x:2x2x1
jax: 0.10.2.dev20260603
libtpu: 0.0.44.dev20260713+nightly
codegen_flags: <defaults>
</compile_context>

<pallas_src>
import jax
import jax.numpy as jnp
from jax import lax
from jax.experimental import pallas as pl
from jax.experimental.pallas import tpu as pltpu
from jax.experimental.pallas import tpu_sc as plsc

N = 10000
D = 256
OUT = 256
HEADS = 4
NNZ = 160000

NC = 2
NS = 16
LANES = 16
HC = OUT // NC
CHUNK = 64
NNZP = 163840
EPW = NNZP // NS
NCH = EPW // CHUNK
RPW = 624


BLK = 1000


def _tc_body(x_ref, atta_ref, attw_ref, w1_ref, w2_ref, bsum_ref,
             z_ref, base_ref):
    x = x_ref[...]
    scores = jnp.dot(x, atta_ref[...].T,
                     preferred_element_type=jnp.float32)
    scores = jnp.where(scores >= 0, scores, 0.2 * scores)
    head_live = lax.broadcasted_iota(jnp.int32, (BLK, 8), 1) < HEADS
    scores = jnp.where(head_live, scores, -1e30)
    scores = scores - jnp.max(scores, axis=1, keepdims=True)
    e = jnp.exp(scores)
    alpha = e / jnp.sum(e, axis=1, keepdims=True)

    f = jnp.zeros((BLK, D), jnp.float32)
    for h in range(HEADS):
        f = f + alpha[:, h:h + 1] * jnp.dot(
            x, attw_ref[h], preferred_element_type=jnp.float32)

    y1 = jnp.dot(f, w1_ref[...], preferred_element_type=jnp.float32)
    z = y1 + jnp.dot(f * f, w2_ref[...], preferred_element_type=jnp.float32)
    base = y1 + bsum_ref[...]
    z_ref[0] = z[:, :HC]
    z_ref[1] = z[:, HC:]
    base_ref[0] = base[:, :HC]
    base_ref[1] = base[:, HC:]


def _tc_dense(feats, att_a_pad, att_W, w1, w2, bsum):
    grid = N // BLK
    return pl.pallas_call(
        _tc_body,
        grid=(grid,),
        in_specs=[
            pl.BlockSpec((BLK, D), lambda i: (i, 0)),
            pl.BlockSpec((8, D), lambda i: (0, 0)),
            pl.BlockSpec((HEADS, D, D), lambda i: (0, 0, 0)),
            pl.BlockSpec((D, OUT), lambda i: (0, 0)),
            pl.BlockSpec((D, OUT), lambda i: (0, 0)),
            pl.BlockSpec((1, OUT), lambda i: (0, 0)),
        ],
        out_specs=[
            pl.BlockSpec((NC, BLK, HC), lambda i: (0, i, 0)),
            pl.BlockSpec((NC, BLK, HC), lambda i: (0, i, 0)),
        ],
        out_shape=[
            jax.ShapeDtypeStruct((NC, N, HC), jnp.float32),
            jax.ShapeDtypeStruct((NC, N, HC), jnp.float32),
        ],
    )(feats, att_a_pad, att_W, w1, w2, bsum)




def _sc_body(z_hbm, base_hbm, rows_hbm, cols_hbm, vrep_hbm, out_hbm,
             cols_v, vb0, vb1, gb0, gb1, sb0, sb1,
             si0, si1, si2, si3, acc,
             gs0, gs1, vs0, vs1, ss0, ss1):
    c = lax.axis_index("c")
    s = lax.axis_index("s")
    vbuf = (vb0, vb1)
    gbuf = (gb0, gb1)
    sbuf = (sb0, sb1)
    sidx = (si0, si1, si2, si3)
    gsem = (gs0, gs1)
    vsem = (vs0, vs1)
    ssem = (ss0, ss1)

    r0 = s * RPW
    pltpu.sync_copy(base_hbm.at[pl.ds(c * N + r0, RPW)], acc.at[pl.ds(r0, RPW)])

    @pl.when(s == NS - 1)
    def _():
        pltpu.sync_copy(base_hbm.at[pl.ds(c * N + NS * RPW, N - NS * RPW)],
                        acc.at[pl.ds(NS * RPW, N - NS * RPW)])

    eb = s * EPW
    pltpu.sync_copy(cols_hbm.at[pl.ds(c * NNZP + eb, EPW)], cols_v)

    plsc.subcore_barrier()

    def start(j, b, b4):
        pltpu.async_copy(
            vrep_hbm.at[pl.ds((eb + j * CHUNK) * LANES, CHUNK * LANES)],
            vbuf[b], vsem[b])
        pltpu.async_copy(rows_hbm.at[pl.ds(eb + j * CHUNK, CHUNK)],
                         sidx[b4], gsem[b])
        pltpu.async_copy(z_hbm.at[cols_v.at[pl.ds(j * CHUNK, CHUNK)]],
                         gbuf[b], gsem[b])

    def wait(j, b, b4):
        pltpu.make_async_copy(
            vrep_hbm.at[pl.ds((eb + j * CHUNK) * LANES, CHUNK * LANES)],
            vbuf[b], vsem[b]).wait()
        pltpu.make_async_copy(rows_hbm.at[pl.ds(eb + j * CHUNK, CHUNK)],
                              sidx[b4], gsem[b]).wait()
        pltpu.make_async_copy(z_hbm.at[cols_v.at[pl.ds(j * CHUNK, CHUNK)]],
                              gbuf[b], gsem[b]).wait()

    def wait_scatter(b):
        pltpu.make_async_copy(sbuf[b], acc.at[sidx[0]], ssem[b]).wait()

    for b in range(2):
        start(b, b, b)

    def quad(jj, carry):
        for b4 in range(4):
            j = 4 * jj + b4
            b = b4 % 2
            wait(j, b, b4)

            @pl.when(j >= 2)
            def _():
                wait_scatter(b)

            def scale(g, cy):
                for u in range(8):
                    e = g * 8 + u
                    vspl = vbuf[b][pl.ds(e * LANES, LANES)]
                    for d in range(HC // LANES):
                        sbuf[b][e, pl.ds(d * LANES, LANES)] = (
                            gbuf[b][e, pl.ds(d * LANES, LANES)] * vspl)
                return cy

            lax.fori_loop(0, CHUNK // 8, scale, 0)
            pltpu.async_copy(sbuf[b], acc.at[sidx[b4]], ssem[b], add=True)

            @pl.when(j + 2 < NCH)
            def _():
                start(j + 2, b, (b4 + 2) % 4)
        return carry

    lax.fori_loop(0, NCH // 4, quad, 0)

    for b in range(2):
        wait_scatter(b)

    plsc.subcore_barrier()

    pltpu.sync_copy(acc.at[pl.ds(r0, RPW)],
                    out_hbm.at[pl.ds(r0, RPW), pl.ds(c * HC, HC)])

    @pl.when(s == NS - 1)
    def _():
        pltpu.sync_copy(acc.at[pl.ds(NS * RPW, N - NS * RPW)],
                        out_hbm.at[pl.ds(NS * RPW, N - NS * RPW),
                                   pl.ds(c * HC, HC)])


def _sc_spmm(z2, base2, rows, cols2, vrep):
    mesh = plsc.VectorSubcoreMesh(core_axis_name="c", subcore_axis_name="s",
                                  num_cores=NC, num_subcores=NS)
    return pl.kernel(
        _sc_body,
        out_type=jax.ShapeDtypeStruct((N, OUT), jnp.float32),
        mesh=mesh,
        scratch_types=[
            pltpu.VMEM((EPW,), jnp.int32),
            pltpu.VMEM((CHUNK * LANES,), jnp.float32),
            pltpu.VMEM((CHUNK * LANES,), jnp.float32),
            pltpu.VMEM((CHUNK, HC), jnp.float32),
            pltpu.VMEM((CHUNK, HC), jnp.float32),
            pltpu.VMEM((CHUNK, HC), jnp.float32),
            pltpu.VMEM((CHUNK, HC), jnp.float32),
            pltpu.VMEM((CHUNK,), jnp.int32),
            pltpu.VMEM((CHUNK,), jnp.int32),
            pltpu.VMEM((CHUNK,), jnp.int32),
            pltpu.VMEM((CHUNK,), jnp.int32),
            pltpu.VMEM_SHARED((N, HC), jnp.float32),
            pltpu.SemaphoreType.DMA,
            pltpu.SemaphoreType.DMA,
            pltpu.SemaphoreType.DMA,
            pltpu.SemaphoreType.DMA,
            pltpu.SemaphoreType.DMA,
            pltpu.SemaphoreType.DMA,
        ],
    )(z2, base2, rows, cols2, vrep)




def kernel(userFeatures, itemFeatures, att_a, att_W, affine1_W, affine1_b,
           affine2_W, affine2_b, lap_vals, lap_rows, lap_cols):
    feats = jnp.concatenate([userFeatures, itemFeatures], axis=0)
    att_a_pad = jnp.zeros((8, D), jnp.float32).at[:HEADS].set(att_a)
    bsum = (affine1_b + affine2_b).reshape(1, OUT)
    z2, base2 = _tc_dense(feats, att_a_pad, att_W, affine1_W, affine2_W,
                          bsum)
    z2 = z2.reshape(NC * N, HC)
    base2 = base2.reshape(NC * N, HC)

    pad = NNZP - NNZ
    rows = jnp.concatenate(
        [lap_rows.astype(jnp.int32), jnp.zeros((pad,), jnp.int32)])
    cols = jnp.concatenate(
        [lap_cols.astype(jnp.int32), jnp.zeros((pad,), jnp.int32)])
    cols2 = jnp.concatenate([cols, cols + N])
    vrep = jnp.repeat(
        jnp.concatenate([lap_vals, jnp.zeros((pad,), jnp.float32)]), LANES)

    return _sc_spmm(z2, base2, rows, cols2, vrep)

# --- scband reference (transcript-rebuilt; emitter-appended) ---
"""Pipeline reference for scband-galayer-48687749267743 (READ-ONLY COPY).

The authoritative reference and input builder live on the scoring server;
editing this copy changes nothing except your own understanding.
"""

import jax, jax.numpy as jnp
import numpy as np

N_USERS = 5000
N_ITEMS = 5000
N = N_USERS + N_ITEMS
D = 256
OUT = 256
HEADS = 4
NNZ = 160000


def setup_inputs(seed: int = 0) -> dict:
    key = jax.random.key(seed)
    ks = jax.random.split(key, 12)
    userFeatures = jax.random.normal(ks[0], (N_USERS, D), dtype=jnp.float32)
    itemFeatures = jax.random.normal(ks[1], (N_ITEMS, D), dtype=jnp.float32)
    lap_rows = jax.random.randint(ks[2], (NNZ,), 0, N, dtype=jnp.int64 if jax.config.jax_enable_x64 else jnp.int32)
    lap_cols = jax.random.randint(ks[3], (NNZ,), 0, N, dtype=jnp.int64 if jax.config.jax_enable_x64 else jnp.int32)
    lap_vals = jax.random.uniform(ks[4], (NNZ,), dtype=jnp.float32)
    # ATTLayer params: per-head attention vector and per-head transform
    att_a = jax.random.normal(ks[5], (HEADS, D), dtype=jnp.float32) * 0.05
    att_W = jax.random.normal(ks[6], (HEADS, D, D), dtype=jnp.float32) * 0.05
    # affine layers (xavier-like scale)
    affine1_W = jax.random.normal(ks[7], (D, OUT), dtype=jnp.float32) * (2.0 / (D + OUT)) ** 0.5
    affine1_b = jnp.zeros((OUT,), dtype=jnp.float32)
    affine2_W = jax.random.normal(ks[8], (D, OUT), dtype=jnp.float32) * (2.0 / (D + OUT)) ** 0.5
    affine2_b = jnp.zeros((OUT,), dtype=jnp.float32)
    return {
        "userFeatures": userFeatures,
        "itemFeatures": itemFeatures,
        "att_a": att_a,
        "att_W": att_W,
        "affine1_W": affine1_W,
        "affine1_b": affine1_b,
        "affine2_W": affine2_W,
        "affine2_b": affine2_b,
        "lap_vals": lap_vals,
        "lap_rows": lap_rows,
        "lap_cols": lap_cols,
    }


def _att(feats, att_a, att_W):
    # per-node multi-head attention gate (dropout is identity in eval)
    scores = jnp.einsum("nd,hd->nh", feats, att_a)
    scores = jax.nn.leaky_relu(scores, negative_slope=0.2)
    alpha = jax.nn.softmax(scores, axis=1)
    head_out = jnp.einsum("nd,hdo->nho", feats, att_W)
    return jnp.einsum("nh,nho->no", alpha, head_out)


def _spmm(rows, cols, vals, x):
    # sparse(COO) @ dense via gather + scatter-add
    gathered = vals[:, None] * jnp.take(x, cols, axis=0)
    return jnp.zeros_like(x).at[rows].add(gathered)


def reference(userFeatures, itemFeatures, att_a, att_W, affine1_W, affine1_b, affine2_W, affine2_b, lap_vals, lap_rows, lap_cols):
    feats = jnp.concatenate([userFeatures, itemFeatures], axis=0)
    features = _att(feats, att_a, att_W)
    # L1 = laplacianMat + selfLoop  =>  spmm(L1, f) = spmm(lap, f) + f
    feature1 = (_spmm(lap_rows, lap_cols, lap_vals, features) + features) @ affine1_W + affine1_b
    inter_feature = features * features
    feature2 = _spmm(lap_rows, lap_cols, lap_vals, inter_feature) @ affine2_W + affine2_b
    return feature1 + feature2


if False:  # reference __main__ guard neutralized (emitter)
    out = reference(**setup_inputs())
    print(out.shape, out.dtype)

if __name__ == "__main__":
    import jax
    _d = setup_inputs()
    print(jax.jit(kernel)(*tuple(_d.values())))

</pallas_src>

<mosaic_0001>
#map = affine_map<(d0, d1) -> (0, 0)>
#map1 = affine_map<(d0, d1) -> (0)>
module attributes {stable_mosaic.version = 14 : i64} {
  func.func @_sc_body(%arg0: i32, %arg1: i32, %arg2: memref<20000x128xf32, #tpu.memory_space<hbm>>, %arg3: memref<20000x128xf32, #tpu.memory_space<hbm>>, %arg4: memref<163840xi32, #tpu.memory_space<hbm>>, %arg5: memref<327680xi32, #tpu.memory_space<hbm>>, %arg6: memref<2621440xf32, #tpu.memory_space<hbm>>, %arg7: memref<10000x256xf32, #tpu.memory_space<hbm>>, %arg8: memref<10240xi32, #tpu.memory_space<vmem>>, %arg9: memref<1024xf32, #tpu.memory_space<vmem>>, %arg10: memref<1024xf32, #tpu.memory_space<vmem>>, %arg11: memref<64x128xf32, #tpu.memory_space<vmem>>, %arg12: memref<64x128xf32, #tpu.memory_space<vmem>>, %arg13: memref<64x128xf32, #tpu.memory_space<vmem>>, %arg14: memref<64x128xf32, #tpu.memory_space<vmem>>, %arg15: memref<64xi32, #tpu.memory_space<vmem>>, %arg16: memref<64xi32, #tpu.memory_space<vmem>>, %arg17: memref<64xi32, #tpu.memory_space<vmem>>, %arg18: memref<64xi32, #tpu.memory_space<vmem>>, %arg19: memref<10000x128xf32, #tpu.memory_space<vmem_shared>>, %arg20: memref<!tpu.dma_semaphore, #tpu.memory_space<semaphore_mem>>, %arg21: memref<!tpu.dma_semaphore, #tpu.memory_space<semaphore_mem>>, %arg22: memref<!tpu.dma_semaphore, #tpu.memory_space<semaphore_mem>>, %arg23: memref<!tpu.dma_semaphore, #tpu.memory_space<semaphore_mem>>, %arg24: memref<!tpu.dma_semaphore, #tpu.memory_space<semaphore_mem>>, %arg25: memref<!tpu.dma_semaphore, #tpu.memory_space<semaphore_mem>>) attributes {dimension_semantics = [#tpu.dimension_semantics<core_parallel>, #tpu.dimension_semantics<subcore_parallel>], iteration_bounds = array<i64: 2, 16>, scalar_prefetch = 0 : i64, scratch_operands = 18 : i64, tpu.core_type = #tpu.core_type<sc_vector_subcore>, window_params = [{transform_indices = #map}, {transform_indices = #map}, {transform_indices = #map1}, {transform_indices = #map1}, {transform_indices = #map1}, {transform_indices = #map}]} {
    %mul3A = arith.constant 624 : i32
    %mul3A_0 = arith.muli %arg1, %mul3A : i32
    %mul3A_1 = arith.constant 10000 : i32
    %mul3A_2 = arith.muli %arg0, %mul3A_1 : i32
    %add3A = arith.addi %mul3A_2, %mul3A_0 : i32
    "tpu.region"() ({
      %run_scoped3A = tpu.sem_alloc : memref<!tpu.dma_semaphore, #tpu.memory_space<semaphore_mem>>
      %dma_start3A_57 = arith.constant 0 : i32
      %dma_start3A_58 = tpu.memref_slice %arg19[%mul3A_0, %dma_start3A_57] : memref<10000x128xf32, #tpu.memory_space<vmem_shared>> -> memref<624x128xf32, #tpu.memory_space<vmem_shared>>
      %dma_start3A_59 = arith.constant 0 : i32
      %dma_start3A_60 = tpu.memref_slice %arg3[%add3A, %dma_start3A_59] : memref<20000x128xf32, #tpu.memory_space<hbm>> -> memref<624x128xf32, #tpu.memory_space<hbm>>
      tpu.enqueue_dma source(%dma_start3A_60 : memref<624x128xf32, #tpu.memory_space<hbm>>) target(%dma_start3A_58 : memref<624x128xf32, #tpu.memory_space<vmem_shared>>) target_semaphore(%run_scoped3A : memref<!tpu.dma_semaphore, #tpu.memory_space<semaphore_mem>>)
      %dma_wait3A_61 = arith.constant 0 : i32
      %dma_wait3A_62 = tpu.memref_slice %arg19[%mul3A_0, %dma_wait3A_61] : memref<10000x128xf32, #tpu.memory_space<vmem_shared>> -> memref<624x128xf32, #tpu.memory_space<vmem_shared>>
      %dma_wait3A_63 = arith.constant 0 : i32
      %dma_wait3A_64 = tpu.memref_slice %arg3[%add3A, %dma_wait3A_63] : memref<20000x128xf32, #tpu.memory_space<hbm>> -> memref<624x128xf32, #tpu.memory_space<hbm>>
      tpu.wait_dma2 semaphore(%run_scoped3A : memref<!tpu.dma_semaphore, #tpu.memory_space<semaphore_mem>>) src(%dma_wait3A_64 : memref<624x128xf32, #tpu.memory_space<hbm>>) dst(%dma_wait3A_62 : memref<624x128xf32, #tpu.memory_space<vmem_shared>>)
      tpu.yield
    }) : () -> ()
    %eq3A = arith.constant 15 : i32
    %eq3A_3 = arith.cmpi eq, %arg1, %eq3A : i32
    %convert_element_type3A = arith.extui %eq3A_3 : i1 to i32
    %cond3A = arith.constant 0 : i32
    %cond3A_4 = arith.cmpi ne, %convert_element_type3A, %cond3A : i32
    scf.if %cond3A_4 {
      %mul3A_57 = arith.constant 10000 : i32
      %mul3A_58 = arith.muli %arg0, %mul3A_57 : i32
      %add3A_59 = arith.constant 9984 : i32
      %add3A_60 = arith.addi %mul3A_58, %add3A_59 : i32
      "tpu.region"() ({
        %run_scoped3A = tpu.sem_alloc : memref<!tpu.dma_semaphore, #tpu.memory_space<semaphore_mem>>
        %dma_start3A_61 = arith.constant 9984 : i32
        %dma_start3A_62 = arith.constant 0 : i32
        %dma_start3A_63 = tpu.memref_slice %arg19[%dma_start3A_61, %dma_start3A_62] : memref<10000x128xf32, #tpu.memory_space<vmem_shared>> -> memref<16x128xf32, #tpu.memory_space<vmem_shared>>
        %dma_start3A_64 = arith.constant 0 : i32
        %dma_start3A_65 = tpu.memref_slice %arg3[%add3A_60, %dma_start3A_64] : memref<20000x128xf32, #tpu.memory_space<hbm>> -> memref<16x128xf32, #tpu.memory_space<hbm>>
        tpu.enqueue_dma source(%dma_start3A_65 : memref<16x128xf32, #tpu.memory_space<hbm>>) target(%dma_start3A_63 : memref<16x128xf32, #tpu.memory_space<vmem_shared>>) target_semaphore(%run_scoped3A : memref<!tpu.dma_semaphore, #tpu.memory_space<semaphore_mem>>)
        %dma_wait3A_66 = arith.constant 9984 : i32
        %dma_wait3A_67 = arith.constant 0 : i32
        %dma_wait3A_68 = tpu.memref_slice %arg19[%dma_wait3A_66, %dma_wait3A_67] : memref<10000x128xf32, #tpu.memory_space<vmem_shared>> -> memref<16x128xf32, #tpu.memory_space<vmem_shared>>
        %dma_wait3A_69 = arith.constant 0 : i32
        %dma_wait3A_70 = tpu.memref_slice %arg3[%add3A_60, %dma_wait3A_69] : memref<20000x128xf32, #tpu.memory_space<hbm>> -> memref<16x128xf32, #tpu.memory_space<hbm>>
        tpu.wait_dma2 semaphore(%run_scoped3A : memref<!tpu.dma_semaphore, #tpu.memory_space<semaphore_mem>>) src(%dma_wait3A_70 : memref<16x128xf32, #tpu.memory_space<hbm>>) dst(%dma_wait3A_68 : memref<16x128xf32, #tpu.memory_space<vmem_shared>>)
        tpu.yield
      }) : () -> ()
    } else {
    }
    %mul3A_5 = arith.constant 10240 : i32
    %mul3A_6 = arith.muli %arg1, %mul3A_5 : i32
    %mul3A_7 = arith.constant 163840 : i32
    %mul3A_8 = arith.muli %arg0, %mul3A_7 : i32
    %add3A_9 = arith.addi %mul3A_8, %mul3A_6 : i32
    "tpu.region"() ({
      %run_scoped3A = tpu.sem_alloc : memref<!tpu.dma_semaphore, #tpu.memory_space<semaphore_mem>>
      %dma_start3A_57 = tpu.memref_slice %arg5[%add3A_9] : memref<327680xi32, #tpu.memory_space<hbm>> -> memref<10240xi32, #tpu.memory_space<hbm>>
      %dma_start3A_58 = tpu.memref_slice %arg5[%add3A_9] : memref<327680xi32, #tpu.memory_space<hbm>> -> memref<10240xi32, #tpu.memory_space<hbm>>
      tpu.enqueue_dma source(%dma_start3A_58 : memref<10240xi32, #tpu.memory_space<hbm>>) target(%arg8 : memref<10240xi32, #tpu.memory_space<vmem>>) target_semaphore(%run_scoped3A : memref<!tpu.dma_semaphore, #tpu.memory_space<semaphore_mem>>)
      %dma_wait3A_59 = tpu.memref_slice %arg5[%add3A_9] : memref<327680xi32, #tpu.memory_space<hbm>> -> memref<10240xi32, #tpu.memory_space<hbm>>
      %dma_wait3A_60 = tpu.memref_slice %arg5[%add3A_9] : memref<327680xi32, #tpu.memory_space<hbm>> -> memref<10240xi32, #tpu.memory_space<hbm>>
      tpu.wait_dma2 semaphore(%run_scoped3A : memref<!tpu.dma_semaphore, #tpu.memory_space<semaphore_mem>>) src(%dma_wait3A_60 : memref<10240xi32, #tpu.memory_space<hbm>>) dst(%arg8 : memref<10240xi32, #tpu.memory_space<vmem>>)
      tpu.yield
    }) : () -> ()
    %barrier3A = arith.constant 0 : index
    tpu.barrier barrier_id(%barrier3A)
    %add3A_10 = arith.constant 0 : i32
    %add3A_11 = arith.addi %mul3A_6, %add3A_10 : i32
    %mul3A_12 = arith.constant 16 : i32
    %mul3A_13 = arith.muli %add3A_11, %mul3A_12 : i32
    %dma_start3A = tpu.memref_slice %arg6[%mul3A_13] : memref<2621440xf32, #tpu.memory_space<hbm>> -> memref<1024xf32, #tpu.memory_space<hbm>>
    %dma_start3A_14 = tpu.memref_slice %arg6[%mul3A_13] : memref<2621440xf32, #tpu.memory_space<hbm>> -> memref<1024xf32, #tpu.memory_space<hbm>>
    tpu.enqueue_dma source(%dma_start3A_14 : memref<1024xf32, #tpu.memory_space<hbm>>) target(%arg9 : memref<1024xf32, #tpu.memory_space<vmem>>) target_semaphore(%arg22 : memref<!tpu.dma_semaphore, #tpu.memory_space<semaphore_mem>>)
    %add3A_15 = arith.constant 0 : i32
    %add3A_16 = arith.addi %mul3A_6, %add3A_15 : i32
    %dma_start3A_17 = tpu.memref_slice %arg4[%add3A_16] : memref<163840xi32, #tpu.memory_space<hbm>> -> memref<64xi32, #tpu.memory_space<hbm>>
    %dma_start3A_18 = tpu.memref_slice %arg4[%add3A_16] : memref<163840xi32, #tpu.memory_space<hbm>> -> memref<64xi32, #tpu.memory_space<hbm>>
    tpu.enqueue_dma source(%dma_start3A_18 : memref<64xi32, #tpu.memory_space<hbm>>) target(%arg15 : memref<64xi32, #tpu.memory_space<vmem>>) target_semaphore(%arg20 : memref<!tpu.dma_semaphore, #tpu.memory_space<semaphore_mem>>)
    %dma_start3A_19 = arith.constant 0 : i32
    %dma_start3A_20 = tpu.memref_slice %arg8[%dma_start3A_19] : memref<10240xi32, #tpu.memory_space<vmem>> -> memref<64xi32, #tpu.memory_space<vmem>>
    %dma_start3A_21 = arith.constant 0 : i32
    %dma_start3A_22 = arith.constant 0 : i32
    %dma_start3A_23 = tpu.memref_slice %arg2[%dma_start3A_21, %dma_start3A_22] : memref<20000x128xf32, #tpu.memory_space<hbm>> -> memref<20000x128xf32, #tpu.memory_space<hbm>>
    tpu.enqueue_indirect_dma source(%dma_start3A_23 : memref<20000x128xf32, #tpu.memory_space<hbm>>) target(%arg11 : memref<64x128xf32, #tpu.memory_space<vmem>>) offsets(%dma_start3A_20 : memref<64xi32, #tpu.memory_space<vmem>>) semaphore(%arg20 : memref<!tpu.dma_semaphore, #tpu.memory_space<semaphore_mem>>)
    %add3A_24 = arith.constant 64 : i32
    %add3A_25 = arith.addi %mul3A_6, %add3A_24 : i32
    %mul3A_26 = arith.constant 16 : i32
    %mul3A_27 = arith.muli %add3A_25, %mul3A_26 : i32
    %dma_start3A_28 = tpu.memref_slice %arg6[%mul3A_27] : memref<2621440xf32, #tpu.memory_space<hbm>> -> memref<1024xf32, #tpu.memory_space<hbm>>
    %dma_start3A_29 = tpu.memref_slice %arg6[%mul3A_27] : memref<2621440xf32, #tpu.memory_space<hbm>> -> memref<1024xf32, #tpu.memory_space<hbm>>
    tpu.enqueue_dma source(%dma_start3A_29 : memref<1024xf32, #tpu.memory_space<hbm>>) target(%arg10 : memref<1024xf32, #tpu.memory_space<vmem>>) target_semaphore(%arg23 : memref<!tpu.dma_semaphore, #tpu.memory_space<semaphore_mem>>)
    %add3A_30 = arith.constant 64 : i32
    %add3A_31 = arith.addi %mul3A_6, %add3A_30 : i32
    %dma_start3A_32 = tpu.memref_slice %arg4[%add3A_31] : memref<163840xi32, #tpu.memory_space<hbm>> -> memref<64xi32, #tpu.memory_space<hbm>>
    %dma_start3A_33 = tpu.memref_slice %arg4[%add3A_31] : memref<163840xi32, #tpu.memory_space<hbm>> -> memref<64xi32, #tpu.memory_space<hbm>>
    tpu.enqueue_dma source(%dma_start3A_33 : memref<64xi32, #tpu.memory_space<hbm>>) target(%arg16 : memref<64xi32, #tpu.memory_space<vmem>>) target_semaphore(%arg21 : memref<!tpu.dma_semaphore, #tpu.memory_space<semaphore_mem>>)
    %dma_start3A_34 = arith.constant 64 : i32
    %dma_start3A_35 = tpu.memref_slice %arg8[%dma_start3A_34] : memref<10240xi32, #tpu.memory_space<vmem>> -> memref<64xi32, #tpu.memory_space<vmem>>
    %dma_start3A_36 = arith.constant 0 : i32
    %dma_start3A_37 = arith.constant 0 : i32
    %dma_start3A_38 = tpu.memref_slice %arg2[%dma_start3A_36, %dma_start3A_37] : memref<20000x128xf32, #tpu.memory_space<hbm>> -> memref<20000x128xf32, #tpu.memory_space<hbm>>
    tpu.enqueue_indirect_dma source(%dma_start3A_38 : memref<20000x128xf32, #tpu.memory_space<hbm>>) target(%arg12 : memref<64x128xf32, #tpu.memory_space<vmem>>) offsets(%dma_start3A_35 : memref<64xi32, #tpu.memory_space<vmem>>) semaphore(%arg21 : memref<!tpu.dma_semaphore, #tpu.memory_space<semaphore_mem>>)
    %scan3A = arith.constant 0 : i32
    %scan3A_39 = arith.constant 0 : i32
    %scan3A_40 = arith.constant 40 : i32
    %scan3A_41 = arith.addi %scan3A_39, %scan3A_40 : i32
    %scan3A_42 = arith.constant 1 : i32
    scf.for %scan3A_57 = %scan3A_39 to %scan3A_41 step %scan3A_42  : i32 {
      %mul3A_58 = arith.constant 4 : i32
      %mul3A_59 = arith.muli %mul3A_58, %scan3A_57 : i32
      %add3A_60 = arith.constant 0 : i32
      %add3A_61 = arith.addi %mul3A_59, %add3A_60 : i32
      %mul3A_62 = arith.constant 64 : i32
      %mul3A_63 = arith.muli %add3A_61, %mul3A_62 : i32
      %add3A_64 = arith.addi %mul3A_6, %mul3A_63 : i32
      %mul3A_65 = arith.constant 16 : i32
      %mul3A_66 = arith.muli %add3A_64, %mul3A_65 : i32
      %dma_wait3A_67 = tpu.memref_slice %arg6[%mul3A_66] : memref<2621440xf32, #tpu.memory_space<hbm>> -> memref<1024xf32, #tpu.memory_space<hbm>>
      %dma_wait3A_68 = tpu.memref_slice %arg6[%mul3A_66] : memref<2621440xf32, #tpu.memory_space<hbm>> -> memref<1024xf32, #tpu.memory_space<hbm>>
      tpu.wait_dma2 semaphore(%arg22 : memref<!tpu.dma_semaphore, #tpu.memory_space<semaphore_mem>>) src(%dma_wait3A_68 : memref<1024xf32, #tpu.memory_space<hbm>>) dst(%arg9 : memref<1024xf32, #tpu.memory_space<vmem>>)
      %mul3A_69 = arith.constant 64 : i32
      %mul3A_70 = arith.muli %add3A_61, %mul3A_69 : i32
      %add3A_71 = arith.addi %mul3A_6, %mul3A_70 : i32
      %dma_wait3A_72 = tpu.memref_slice %arg4[%add3A_71] : memref<163840xi32, #tpu.memory_space<hbm>> -> memref<64xi32, #tpu.memory_space<hbm>>
      %dma_wait3A_73 = tpu.memref_slice %arg4[%add3A_71] : memref<163840xi32, #tpu.memory_space<hbm>> -> memref<64xi32, #tpu.memory_space<hbm>>
      tpu.wait_dma2 semaphore(%arg20 : memref<!tpu.dma_semaphore, #tpu.memory_space<semaphore_mem>>) src(%dma_wait3A_73 : memref<64xi32, #tpu.memory_space<hbm>>) dst(%arg15 : memref<64xi32, #tpu.memory_space<vmem>>)
      %mul3A_74 = arith.constant 64 : i32
      %mul3A_75 = arith.muli %add3A_61, %mul3A_74 : i32
      %dma_wait3A_76 = tpu.memref_slice %arg8[%mul3A_75] : memref<10240xi32, #tpu.memory_space<vmem>> -> memref<64xi32, #tpu.memory_space<vmem>>
      %dma_wait3A_77 = arith.constant 0 : i32
      %dma_wait3A_78 = arith.constant 0 : i32
      %dma_wait3A_79 = tpu.memref_slice %arg2[%dma_wait3A_77, %dma_wait3A_78] : memref<20000x128xf32, #tpu.memory_space<hbm>> -> memref<20000x128xf32, #tpu.memory_space<hbm>>
      tpu.wait_indirect_dma semaphore(%arg20 : memref<!tpu.dma_semaphore, #tpu.memory_space<semaphore_mem>>) src(%dma_wait3A_79 : memref<20000x128xf32, #tpu.memory_space<hbm>>) dst(%arg11 : memref<64x128xf32, #tpu.memory_space<vmem>>)
      %ge3A = arith.constant 2 : i32
      %ge3A_80 = arith.cmpi sge, %add3A_61, %ge3A : i32
      %convert_element_type3A_81 = arith.extui %ge3A_80 : i1 to i32
      %cond3A_82 = arith.constant 0 : i32
      %cond3A_83 = arith.cmpi ne, %convert_element_type3A_81, %cond3A_82 : i32
      scf.if %cond3A_83 {
        %dma_wait3A_228 = arith.constant 0 : i32
        %dma_wait3A_229 = arith.constant 0 : i32
        %dma_wait3A_230 = tpu.memref_slice %arg19[%dma_wait3A_228, %dma_wait3A_229] : memref<10000x128xf32, #tpu.memory_space<vmem_shared>> -> memref<10000x128xf32, #tpu.memory_space<vmem_shared>>
        tpu.wait_indirect_dma semaphore(%arg24 : memref<!tpu.dma_semaphore, #tpu.memory_space<semaphore_mem>>) src(%arg13 : memref<64x128xf32, #tpu.memory_space<vmem>>) dst(%dma_wait3A_230 : memref<10000x128xf32, #tpu.memory_space<vmem_shared>>)
      } else {
      }
      %scan3A_84 = arith.constant 0 : i32
      %scan3A_85 = arith.constant 0 : i32
      %scan3A_86 = arith.constant 8 : i32
      %scan3A_87 = arith.addi %scan3A_85, %scan3A_86 : i32
      %scan3A_88 = arith.constant 1 : i32
      scf.for %scan3A_228 = %scan3A_85 to %scan3A_87 step %scan3A_88  : i32 {
        %mul3A_229 = arith.constant 8 : i32
        %mul3A_230 = arith.muli %scan3A_228, %mul3A_229 : i32
        %add3A_231 = arith.constant 0 : i32
        %add3A_232 = arith.addi %mul3A_230, %add3A_231 : i32
        %mul3A_233 = arith.constant 16 : i32
        %mul3A_234 = arith.muli %add3A_232, %mul3A_233 : i32
        %get3A = arith.index_cast %mul3A_234 : i32 to index
        %get3A_235 = tpu.vector_load %arg9[%get3A] {strides = array<i32>} : memref<1024xf32, #tpu.memory_space<vmem>>, vector<16xf32>,
        %get3A_236 = vector.shape_cast %get3A_235 : vector<16xf32> to vector<16xf32>
        %get3A_237 = arith.index_cast %add3A_232 : i32 to index
        %get3A_238 = arith.constant 0 : index
        %get3A_239 = tpu.vector_load %arg11[%get3A_237, %get3A_238] {strides = array<i32>} : memref<64x128xf32, #tpu.memory_space<vmem>>, vector<1x16xf32>,
        %get3A_240 = vector.shape_cast %get3A_239 : vector<1x16xf32> to vector<16xf32>
        %mul3A_241 = arith.mulf %get3A_240, %get3A_236 : vector<16xf32>
        %swap3A = arith.index_cast %add3A_232 : i32 to index
        %swap3A_242 = arith.constant 0 : index
        %swap3A_243 = tpu.vector_load %arg13[%swap3A, %swap3A_242] {strides = array<i32>} : memref<64x128xf32, #tpu.memory_space<vmem>>, vector<1x16xf32>,
        %swap3A_244 = vector.shape_cast %swap3A_243 : vector<1x16xf32> to vector<16xf32>
        %swap3A_245 = vector.shape_cast %mul3A_241 : vector<16xf32> to vector<1x16xf32>
        tpu.vector_store %arg13[%swap3A, %swap3A_242], %swap3A_245 {strides = array<i32>} : memref<64x128xf32, #tpu.memory_space<vmem>>, vector<1x16xf32>,
        %get3A_246 = arith.index_cast %add3A_232 : i32 to index
        %get3A_247 = arith.constant 16 : index
        %get3A_248 = tpu.vector_load %arg11[%get3A_246, %get3A_247] {strides = array<i32>} : memref<64x128xf32, #tpu.memory_space<vmem>>, vector<1x16xf32>,
        %get3A_249 = vector.shape_cast %get3A_248 : vector<1x16xf32> to vector<16xf32>
        %mul3A_250 = arith.mulf %get3A_249, %get3A_236 : vector<16xf32>
        %swap3A_251 = arith.index_cast %add3A_232 : i32 to index
        %swap3A_252 = arith.constant 16 : index
        %swap3A_253 = tpu.vector_load %arg13[%swap3A_251, %swap3A_252] {strides = array<i32>} : memref<64x128xf32, #tpu.memory_space<vmem>>, vector<1x16xf32>,
        %swap3A_254 = vector.shape_cast %swap3A_253 : vector<1x16xf32> to vector<16xf32>
        %swap3A_255 = vector.shape_cast %mul3A_250 : vector<16xf32> to vector<1x16xf32>
        tpu.vector_store %arg13[%swap3A_251, %swap3A_252], %swap3A_255 {strides = array<i32>} : memref<64x128xf32, #tpu.memory_space<vmem>>, vector<1x16xf32>,
        %get3A_256 = arith.index_cast %add3A_232 : i32 to index
        %get3A_257 = arith.constant 32 : index
        %get3A_258 = tpu.vector_load %arg11[%get3A_256, %get3A_257] {strides = array<i32>} : memref<64x128xf32, #tpu.memory_space<vmem>>, vector<1x16xf32>,
        %get3A_259 = vector.shape_cast %get3A_258 : vector<1x16xf32> to vector<16xf32>
        %mul3A_260 = arith.mulf %get3A_259, %get3A_236 : vector<16xf32>
        %swap3A_261 = arith.index_cast %add3A_232 : i32 to index
        %swap3A_262 = arith.constant 32 : index
        %swap3A_263 = tpu.vector_load %arg13[%swap3A_261, %swap3A_262] {strides = array<i32>} : memref<64x128xf32, #tpu.memory_space<vmem>>, vector<1x16xf32>,
        %swap3A_264 = vector.shape_cast %swap3A_263 : vector<1x16xf32> to vector<16xf32>
        %swap3A_265 = vector.shape_cast %mul3A_260 : vector<16xf32> to vector<1x16xf32>
        tpu.vector_store %arg13[%swap3A_261, %swap3A_262], %swap3A_265 {strides = array<i32>} : memref<64x128xf32, #tpu.memory_space<vmem>>, vector<1x16xf32>,
        %get3A_266 = arith.index_cast %add3A_232 : i32 to index
        %get3A_267 = arith.constant 48 : index
        %get3A_268 = tpu.vector_load %arg11[%get3A_266, %get3A_267] {strides = array<i32>} : memref<64x128xf32, #tpu.memory_space<vmem>>, vector<1x16xf32>,
        %get3A_269 = vector.shape_cast %get3A_268 : vector<1x16xf32> to vector<16xf32>
        %mul3A_270 = arith.mulf %get3A_269, %get3A_236 : vector<16xf32>
        %swap3A_271 = arith.index_cast %add3A_232 : i32 to index
        %swap3A_272 = arith.constant 48 : index
        %swap3A_273 = tpu.vector_load %arg13[%swap3A_271, %swap3A_272] {strides = array<i32>} : memref<64x128xf32, #tpu.memory_space<vmem>>, vector<1x16xf32>,
        %swap3A_274 = vector.shape_cast %swap3A_273 : vector<1x16xf32> to vector<16xf32>
        %swap3A_275 = vector.shape_cast %mul3A_270 : vector<16xf32> to vector<1x16xf32>
        tpu.vector_store %arg13[%swap3A_271, %swap3A_272], %swap3A_275 {strides = array<i32>} : memref<64x128xf32, #tpu.memory_space<vmem>>, vector<1x16xf32>,
        %get3A_276 = arith.index_cast %add3A_232 : i32 to index
        %get3A_277 = arith.constant 64 : index
        %get3A_278 = tpu.vector_load %arg11[%get3A_276, %get3A_277] {strides = array<i32>} : memref<64x128xf32, #tpu.memory_space<vmem>>, vector<1x16xf32>,
        %get3A_279 = vector.shape_cast %get3A_278 : vector<1x16xf32> to vector<16xf32>
        %mul3A_280 = arith.mulf %get3A_279, %get3A_236 : vector<16xf32>
        %swap3A_281 = arith.index_cast %add3A_232 : i32 to index
        %swap3A_282 = arith.constant 64 : index
        %swap3A_283 = tpu.vector_load %arg13[%swap3A_281, %swap3A_282] {strides = array<i32>} : memref<64x128xf32, #tpu.memory_space<vmem>>, vector<1x16xf32>,
        %swap3A_284 = vector.shape_cast %swap3A_283 : vector<1x16xf32> to vector<16xf32>
        %swap3A_285 = vector.shape_cast %mul3A_280 : vector<16xf32> to vector<1x16xf32>
        tpu.vector_store %arg13[%swap3A_281, %swap3A_282], %swap3A_285 {strides = array<i32>} : memref<64x128xf32, #tpu.memory_space<vmem>>, vector<1x16xf32>,
        %get3A_286 = arith.index_cast %add3A_232 : i32 to index
        %get3A_287 = arith.constant 80 : index
        %get3A_288 = tpu.vector_load %arg11[%get3A_286, %get3A_287] {strides = array<i32>} : memref<64x128xf32, #tpu.memory_space<vmem>>, vector<1x16xf32>,
        %get3A_289 = vector.shape_cast %get3A_288 : vector<1x16xf32> to vector<16xf32>
        %mul3A_290 = arith.mulf %get3A_289, %get3A_236 : vector<16xf32>
        %swap3A_291 = arith.index_cast %add3A_232 : i32 to index
        %swap3A_292 = arith.constant 80 : index
        %swap3A_293 = tpu.vector_load %arg13[%swap3A_291, %swap3A_292] {strides = array<i32>} : memref<64x128xf32, #tpu.memory_space<vmem>>, vector<1x16xf32>,
        %swap3A_294 = vector.shape_cast %swap3A_293 : vector<1x16xf32> to vector<16xf32>
        %swap3A_295 = vector.shape_cast %mul3A_290 : vector<16xf32> to vector<1x16xf32>
        tpu.vector_store %arg13[%swap3A_291, %swap3A_292], %swap3A_295 {strides = array<i32>} : memref<64x128xf32, #tpu.memory_space<vmem>>, vector<1x16xf32>,
        %get3A_296 = arith.index_cast %add3A_232 : i32 to index
        %get3A_297 = arith.constant 96 : index
        %get3A_298 = tpu.vector_load %arg11[%get3A_296, %get3A_297] {strides = array<i32>} : memref<64x128xf32, #tpu.memory_space<vmem>>, vector<1x16xf32>,
        %get3A_299 = vector.shape_cast %get3A_298 : vector<1x16xf32> to vector<16xf32>
        %mul3A_300 = arith.mulf %get3A_299, %get3A_236 : vector<16xf32>
        %swap3A_301 = arith.index_cast %add3A_232 : i32 to index
        %swap3A_302 = arith.constant 96 : index
        %swap3A_303 = tpu.vector_load %arg13[%swap3A_301, %swap3A_302] {strides = array<i32>} : memref<64x128xf32, #tpu.memory_space<vmem>>, vector<1x16xf32>,
        %swap3A_304 = vector.shape_cast %swap3A_303 : vector<1x16xf32> to vector<16xf32>
        %swap3A_305 = vector.shape_cast %mul3A_300 : vector<16xf32> to vector<1x16xf32>
        tpu.vector_store %arg13[%swap3A_301, %swap3A_302], %swap3A_305 {strides = array<i32>} : memref<64x128xf32, #tpu.memory_space<vmem>>, vector<1x16xf32>,
        %get3A_306 = arith.index_cast %add3A_232 : i32 to index
        %get3A_307 = arith.constant 112 : index
        %get3A_308 = tpu.vector_load %arg11[%get3A_306, %get3A_307] {strides = array<i32>} : memref<64x128xf32, #tpu.memory_space<vmem>>, vector<1x16xf32>,
        %get3A_309 = vector.shape_cast %get3A_308 : vector<1x16xf32> to vector<16xf32>
        %mul3A_310 = arith.mulf %get3A_309, %get3A_236 : vector<16xf32>
        %swap3A_311 = arith.index_cast %add3A_232 : i32 to index
        %swap3A_312 = arith.constant 112 : index
        %swap3A_313 = tpu.vector_load %arg13[%swap3A_311, %swap3A_312] {strides = array<i32>} : memref<64x128xf32, #tpu.memory_space<vmem>>, vector<1x16xf32>,
        %swap3A_314 = vector.shape_cast %swap3A_313 : vector<1x16xf32> to vector<16xf32>
        %swap3A_315 = vector.shape_cast %mul3A_310 : vector<16xf32> to vector<1x16xf32>
        tpu.vector_store %arg13[%swap3A_311, %swap3A_312], %swap3A_315 {strides = array<i32>} : memref<64x128xf32, #tpu.memory_space<vmem>>, vector<1x16xf32>,
        %mul3A_316 = arith.constant 8 : i32
        %mul3A_317 = arith.muli %scan3A_228, %mul3A_316 : i32
        %add3A_318 = arith.constant 1 : i32
        %add3A_319 = arith.addi %mul3A_317, %add3A_318 : i32
        %mul3A_320 = arith.constant 16 : i32
        %mul3A_321 = arith.muli %add3A_319, %mul3A_320 : i32
        %get3A_322 = arith.index_cast %mul3A_321 : i32 to index
        %get3A_323 = tpu.vector_load %arg9[%get3A_322] {strides = array<i32>} : memref<1024xf32, #tpu.memory_space<vmem>>, vector<16xf32>,
        %get3A_324 = vector.shape_cast %get3A_323 : vector<16xf32> to vector<16xf32>
        %get3A_325 = arith.index_cast %add3A_319 : i32 to index
        %get3A_326 = arith.constant 0 : index
        %get3A_327 = tpu.vector_load %arg11[%get3A_325, %get3A_326] {strides = array<i32>} : memref<64x128xf32, #tpu.memory_space<vmem>>, vector<1x16xf32>,
        %get3A_328 = vector.shape_cast %get3A_327 : vector<1x16xf32> to vector<16xf32>
        %mul3A_329 = arith.mulf %get3A_328, %get3A_324 : vector<16xf32>
        %swap3A_330 = arith.index_cast %add3A_319 : i32 to index
        %swap3A_331 = arith.constant 0 : index
        %swap3A_332 = tpu.vector_load %arg13[%swap3A_330, %swap3A_331] {strides = array<i32>} : memref<64x128xf32, #tpu.memory_space<vmem>>, vector<1x16xf32>,
        %swap3A_333 = vector.shape_cast %swap3A_332 : vector<1x16xf32> to vector<16xf32>
        %swap3A_334 = vector.shape_cast %mul3A_329 : vector<16xf32> to vector<1x16xf32>
        tpu.vector_store %arg13[%swap3A_330, %swap3A_331], %swap3A_334 {strides = array<i32>} : memref<64x128xf32, #tpu.memory_space<vmem>>, vector<1x16xf32>,
        %get3A_335 = arith.index_cast %add3A_319 : i32 to index
        %get3A_336 = arith.constant 16 : index
        %get3A_337 = tpu.vector_load %arg11[%get3A_335, %get3A_336] {strides = array<i32>} : memref<64x128xf32, #tpu.memory_space<vmem>>, vector<1x16xf32>,
        %get3A_338 = vector.shape_cast %get3A_337 : vector<1x16xf32> to vector<16xf32>
        %mul3A_339 = arith.mulf %get3A_338, %get3A_324 : vector<16xf32>
        %swap3A_340 = arith.index_cast %add3A_319 : i32 to index
        %swap3A_341 = arith.constant 16 : index
        %swap3A_342 = tpu.vector_load %arg13[%swap3A_340, %swap3A_341] {strides = array<i32>} : memref<64x128xf32, #tpu.memory_space<vmem>>, vector<1x16xf32>,
        %swap3A_343 = vector.shape_cast %swap3A_342 : vector<1x16xf32> to vector<16xf32>
        %swap3A_344 = vector.shape_cast %mul3A_339 : vector<16xf32> to vector<1x16xf32>
        tpu.vector_store %arg13[%swap3A_340, %swap3A_341], %swap3A_344 {strides = array<i32>} : memref<64x128xf32, #tpu.memory_space<vmem>>, vector<1x16xf32>,
        %get3A_345 = arith.index_cast %add3A_319 : i32 to index
        %get3A_346 = arith.constant 32 : index
        %get3A_347 = tpu.vector_load %arg11[%get3A_345, %get3A_346] {strides = array<i32>} : memref<64x128xf32, #tpu.memory_space<vmem>>, vector<1x16xf32>,
        %get3A_348 = vector.shape_cast %get3A_347 : vector<1x16xf32> to vector<16xf32>
        %mul3A_349 = arith.mulf %get3A_348, %get3A_324 : vector<16xf32>
        %swap3A_350 = arith.index_cast %add3A_319 : i32 to index
        %swap3A_351 = arith.constant 32 : index
        %swap3A_352 = tpu.vector_load %arg13[%swap3A_350, %swap3A_351] {strides = array<i32>} : memref<64x128xf32, #tpu.memory_space<vmem>>, vector<1x16xf32>,
        %swap3A_353 = vector.shape_cast %swap3A_352 : vector<1x16xf32> to vector<16xf32>
        %swap3A_354 = vector.shape_cast %mul3A_349 : vector<16xf32> to vector<1x16xf32>
        tpu.vector_store %arg13[%swap3A_350, %swap3A_351], %swap3A_354 {strides = array<i32>} : memref<64x128xf32, #tpu.memory_space<vmem>>, vector<1x16xf32>,
        %get3A_355 = arith.index_cast %add3A_319 : i32 to index
        %get3A_356 = arith.constant 48 : index
        %get3A_357 = tpu.vector_load %arg11[%get3A_355, %get3A_356] {strides = array<i32>} : memref<64x128xf32, #tpu.memory_space<vmem>>, vector<1x16xf32>,
        %get3A_358 = vector.shape_cast %get3A_357 : vector<1x16xf32> to vector<16xf32>
        %mul3A_359 = arith.mulf %get3A_358, %get3A_324 : vector<16xf32>
        %swap3A_360 = arith.index_cast %add3A_319 : i32 to index
        %swap3A_361 = arith.constant 48 : index
        %swap3A_362 = tpu.vector_load %arg13[%swap3A_360, %swap3A_361] {strides = array<i32>} : memref<64x128xf32, #tpu.memory_space<vmem>>, vector<1x16xf32>,
        %swap3A_363 = vector.shape_cast %swap3A_362 : vector<1x16xf32> to vector<16xf32>
        %swap3A_364 = vector.shape_cast %mul3A_359 : vector<16xf32> to vector<1x16xf32>
        tpu.vector_store %arg13[%swap3A_360, %swap3A_361], %swap3A_364 {strides = array<i32>} : memref<64x128xf32, #tpu.memory_space<vmem>>, vector<1x16xf32>,
        %get3A_365 = arith.index_cast %add3A_319 : i32 to index
        %get3A_366 = arith.constant 64 : index
        %get3A_367 = tpu.vector_load %arg11[%get3A_365, %get3A_366] {strides = array<i32>} : memref<64x128xf32, #tpu.memory_space<vmem>>, vector<1x16xf32>,
        %get3A_368 = vector.shape_cast %get3A_367 : vector<1x16xf32> to vector<16xf32>
        %mul3A_369 = arith.mulf %get3A_368, %get3A_324 : vector<16xf32>
        %swap3A_370 = arith.index_cast %add3A_319 : i32 to index
        %swap3A_371 = arith.constant 64 : index
        %swap3A_372 = tpu.vector_load %arg13[%swap3A_370, %swap3A_371] {strides = array<i32>} : memref<64x128xf32, #tpu.memory_space<vmem>>, vector<1x16xf32>,
        %swap3A_373 = vector.shape_cast %swap3A_372 : vector<1x16xf32> to vector<16xf32>
        %swap3A_374 = vector.shape_cast %mul3A_369 : vector<16xf32> to vector<1x16xf32>
        tpu.vector_store %arg13[%swap3A_370, %swap3A_371], %swap3A_374 {strides = array<i32>} : memref<64x128xf32, #tpu.memory_space<vmem>>, vector<1x16xf32>,
        %get3A_375 = arith.index_cast %add3A_319 : i32 to index
        %get3A_376 = arith.constant 80 : index
        %get3A_377 = tpu.vector_load %arg11[%get3A_375, %get3A_376] {strides = array<i32>} : memref<64x128xf32, #tpu.memory_space<vmem>>, vector<1x16xf32>,
        %get3A_378 = vector.shape_cast %get3A_377 : vector<1x16xf32> to vector<16xf32>
        %mul3A_379 = arith.mulf %get3A_378, %get3A_324 : vector<16xf32>
        %swap3A_380 = arith.index_cast %add3A_319 : i32 to index
        %swap3A_381 = arith.constant 80 : index
        %swap3A_382 = tpu.vector_load %arg13[%swap3A_380, %swap3A_381] {strides = array<i32>} : memref<64x128xf32, #tpu.memory_space<vmem>>, vector<1x16xf32>,
        %swap3A_383 = vector.shape_cast %swap3A_382 : vector<1x16xf32> to vector<16xf32>
        %swap3A_384 = vector.shape_cast %mul3A_379 : vector<16xf32> to vector<1x16xf32>
        tpu.vector_store %arg13[%swap3A_380, %swap3A_381], %swap3A_384 {strides = array<i32>} : memref<64x128xf32, #tpu.memory_space<vmem>>, vector<1x16xf32>,
        %get3A_385 = arith.index_cast %add3A_319 : i32 to index
        %get3A_386 = arith.constant 96 : index
        %get3A_387 = tpu.vector_load %arg11[%get3A_385, %get3A_386] {strides = array<i32>} : memref<64x128xf32, #tpu.memory_space<vmem>>, vector<1x16xf32>,
        %get3A_388 = vector.shape_cast %get3A_387 : vector<1x16xf32> to vector<16xf32>
        %mul3A_389 = arith.mulf %get3A_388, %get3A_324 : vector<16xf32>
        %swap3A_390 = arith.index_cast %add3A_319 : i32 to index
        %swap3A_391 = arith.constant 96 : index
        %swap3A_392 = tpu.vector_load %arg13[%swap3A_390, %swap3A_391] {strides = array<i32>} : memref<64x128xf32, #tpu.memory_space<vmem>>, vector<1x16xf32>,
        %swap3A_393 = vector.shape_cast %swap3A_392 : vector<1x16xf32> to vector<16xf32>
        %swap3A_394 = vector.shape_cast %mul3A_389 : vector<16xf32> to vector<1x16xf32>
        tpu.vector_store %arg13[%swap3A_390, %swap3A_391], %swap3A_394 {strides = array<i32>} : memref<64x128xf32, #tpu.memory_space<vmem>>, vector<1x16xf32>,
        %get3A_395 = arith.index_cast %add3A_319 : i32 to index
        %get3A_396 = arith.constant 112 : index
        %get3A_397 = tpu.vector_load %arg11[%get3A_395, %get3A_396] {strides = array<i32>} : memref<64x128xf32, #tpu.memory_space<vmem>>, vector<1x16xf32>,
        %get3A_398 = vector.shape_cast %get3A_397 : vector<1x16xf32> to vector<16xf32>
        %mul3A_399 = arith.mulf %get3A_398, %get3A_324 : vector<16xf32>
        %swap3A_400 = arith.index_cast %add3A_319 : i32 to index
        %swap3A_401 = arith.constant 112 : index
        %swap3A_402 = tpu.vector_load %arg13[%swap3A_400, %swap3A_401] {strides = array<i32>} : memref<64x128xf32, #tpu.memory_space<vmem>>, vector<1x16xf32>,
        %swap3A_403 = vector.shape_cast %swap3A_402 : vector<1x16xf32> to vector<16xf32>
        %swap3A_404 = vector.shape_cast %mul3A_399 : vector<16xf32> to vector<1x16xf32>
        tpu.vector_store %arg13[%swap3A_400, %swap3A_401], %swap3A_404 {strides = array<i32>} : memref<64x128xf32, #tpu.memory_space<vmem>>, vector<1x16xf32>,
        %mul3A_405 = arith.constant 8 : i32
        %mul3A_406 = arith.muli %scan3A_228, %mul3A_405 : i32
        %add3A_407 = arith.constant 2 : i32
        %add3A_408 = arith.addi %mul3A_406, %add3A_407 : i32
        %mul3A_409 = arith.constant 16 : i32
        %mul3A_410 = arith.muli %add3A_408, %mul3A_409 : i32
        %get3A_411 = arith.index_cast %mul3A_410 : i32 to index
        %get3A_412 = tpu.vector_load %arg9[%get3A_411] {strides = array<i32>} : memref<1024xf32, #tpu.memory_space<vmem>>, vector<16xf32>,
        %get3A_413 = vector.shape_cast %get3A_412 : vector<16xf32> to vector<16xf32>
        %get3A_414 = arith.index_cast %add3A_408 : i32 to index
        %get3A_415 = arith.constant 0 : index
        %get3A_416 = tpu.vector_load %arg11[%get3A_414, %get3A_415] {strides = array<i32>} : memref<64x128xf32, #tpu.memory_space<vmem>>, vector<1x16xf32>,
        %get3A_417 = vector.shape_cast %get3A_416 : vector<1x16xf32> to vector<16xf32>
        %mul3A_418 = arith.mulf %get3A_417, %get3A_413 : vector<16xf32>
        %swap3A_419 = arith.index_cast %add3A_408 : i32 to index
        %swap3A_420 = arith.constant 0 : index
        %swap3A_421 = tpu.vector_load %arg13[%swap3A_419, %swap3A_420] {strides = array<i32>} : memref<64x128xf32, #tpu.memory_space<vmem>>, vector<1x16xf32>,
        %swap3A_422 = vector.shape_cast %swap3A_421 : vector<1x16xf32> to vector<16xf32>
        %swap3A_423 = vector.shape_cast %mul3A_418 : vector<16xf32> to vector<1x16xf32>
        tpu.vector_store %arg13[%swap3A_419, %swap3A_420], %swap3A_423 {strides = array<i32>} : memref<64x128xf32, #tpu.memory_space<vmem>>, vector<1x16xf32>,
        %get3A_424 = arith.index_cast %add3A_408 : i32 to index
        %get3A_425 = arith.constant 16 : index
        %get3A_426 = tpu.vector_load %arg11[%get3A_424, %get3A_425] {strides = array<i32>} : memref<64x128xf32, #tpu.memory_space<vmem>>, vector<1x16xf32>,
        %get3A_427 = vector.shape_cast %get3A_426 : vector<1x16xf32> to vector<16xf32>
        %mul3A_428 = arith.mulf %get3A_427, %get3A_413 : vector<16xf32>
        %swap3A_429 = arith.index_cast %add3A_408 : i32 to index
        %swap3A_430 = arith.constant 16 : index
        %swap3A_431 = tpu.vector_load %arg13[%swap3A_429, %swap3A_430] {strides = array<i32>} : memref<64x128xf32, #tpu.memory_space<vmem>>, vector<1x16xf32>,
        %swap3A_432 = vector.shape_cast %swap3A_431 : vector<1x16xf32> to vector<16xf32>
        %swap3A_433 = vector.shape_cast %mul3A_428 : vector<16xf32> to vector<1x16xf32>
        tpu.vector_store %arg13[%swap3A_429, %swap3A_430], %swap3A_433 {strides = array<i32>} : memref<64x128xf32, #tpu.memory_space<vmem>>, vector<1x16xf32>,
        %get3A_434 = arith.index_cast %add3A_408 : i32 to index
        %get3A_435 = arith.constant 32 : index
        %get3A_436 = tpu.vector_load %arg11[%get3A_434, %get3A_435] {strides = array<i32>} : memref<64x128xf32, #tpu.memory_space<vmem>>, vector<1x16xf32>,
        %get3A_437 = vector.shape_cast %get3A_436 : vector<1x16xf32> to vector<16xf32>
        %mul3A_438 = arith.mulf %get3A_437, %get3A_413 : vector<16xf32>
        %swap3A_439 = arith.index_cast %add3A_408 : i32 to index
        %swap3A_440 = arith.constant 32 : index
        %swap3A_441 = tpu.vector_load %arg13[%swap3A_439, %swap3A_440] {strides = array<i32>} : memref<64x128xf32, #tpu.memory_space<vmem>>, vector<1x16xf32>,
        %swap3A_442 = vector.shape_cast %swap3A_441 : vector<1x16xf32> to vector<16xf32>
        %swap3A_443 = vector.shape_cast %mul3A_438 : vector<16xf32> to vector<1x16xf32>
        tpu.vector_store %arg13[%swap3A_439, %swap3A_440], %swap3A_443 {strides = array<i32>} : memref<64x128xf32, #tpu.memory_space<vmem>>, vector<1x16xf32>,
        %get3A_444 = arith.index_cast %add3A_408 : i32 to index
        %get3A_445 = arith.constant 48 : index
        %get3A_446 = tpu.vector_load %arg11[%get3A_444, %get3A_445] {strides = array<i32>} : memref<64x128xf32, #tpu.memory_space<vmem>>, vector<1x16xf32>,
        %get3A_447 = vector.shape_cast %get3A_446 : vector<1x16xf32> to vector<16xf32>
        %mul3A_448 = arith.mulf %get3A_447, %get3A_413 : vector<16xf32>
        %swap3A_449 = arith.index_cast %add3A_408 : i32 to index
        %swap3A_450 = arith.constant 48 : index
        %swap3A_451 = tpu.vector_load %arg13[%swap3A_449, %swap3A_450] {strides = array<i32>} : memref<64x128xf32, #tpu.memory_space<vmem>>, vector<1x16xf32>,
        %swap3A_452 = vector.shape_cast %swap3A_451 : vector<1x16xf32> to vector<16xf32>
        %swap3A_453 = vector.shape_cast %mul3A_448 : vector<16xf32> to vector<1x16xf32>
        tpu.vector_store %arg13[%swap3A_449, %swap3A_450], %swap3A_453 {strides = array<i32>} : memref<64x128xf32, #tpu.memory_space<vmem>>, vector<1x16xf32>,
        %get3A_454 = arith.index_cast %add3A_408 : i32 to index
        %get3A_455 = arith.constant 64 : index
        %get3A_456 = tpu.vector_load %arg11[%get3A_454, %get3A_455] {strides = array<i32>} : memref<64x128xf32, #tpu.memory_space<vmem>>, vector<1x16xf32>,
        %get3A_457 = vector.shape_cast %get3A_456 : vector<1x16xf32> to vector<16xf32>
        %mul3A_458 = arith.mulf %get3A_457, %get3A_413 : vector<16xf32>
        %swap3A_459 = arith.index_cast %add3A_408 : i32 to index
        %swap3A_460 = arith.constant 64 : index
        %swap3A_461 = tpu.vector_load %arg13[%swap3A_459, %swap3A_460] {strides = array<i32>} : memref<64x128xf32, #tpu.memory_space<vmem>>, vector<1x16xf32>,
        %swap3A_462 = vector.shape_cast %swap3A_461 : vector<1x16xf32> to vector<16xf32>
        %swap3A_463 = vector.shape_cast %mul3A_458 : vector<16xf32> to vector<1x16xf32>
        tpu.vector_store %arg13[%swap3A_459, %swap3A_460], %swap3A_463 {strides = array<i32>} : memref<64x128xf32, #tpu.memory_space<vmem>>, vector<1x16xf32>,
        %get3A_464 = arith.index_cast %add3A_408 : i32 to index
        %get3A_465 = arith.constant 80 : index
        %get3A_466 = tpu.vector_load %arg11[%get3A_464, %get3A_465] {strides = array<i32>} : memref<64x128xf32, #tpu.memory_space<vmem>>, vector<1x16xf32>,
        %get3A_467 = vector.shape_cast %get3A_466 : vector<1x16xf32> to vector<16xf32>
        %mul3A_468 = arith.mulf %get3A_467, %get3A_413 : vector<16xf32>
        %swap3A_469 = arith.index_cast %add3A_408 : i32 to index
        %swap3A_470 = arith.constant 80 : index
        %swap3A_471 = tpu.vector_load %arg13[%swap3A_469, %swap3A_470] {strides = array<i32>} : memref<64x128xf32, #tpu.memory_space<vmem>>, vector<1x16xf32>,
        %swap3A_472 = vector.shape_cast %swap3A_471 : vector<1x16xf32> to vector<16xf32>
        %swap3A_473 = vector.shape_cast %mul3A_468 : vector<16xf32> to vector<1x16xf32>
        tpu.vector_store %arg13[%swap3A_469, %swap3A_470], %swap3A_473 {strides = array<i32>} : memref<64x128xf32, #tpu.memory_space<vmem>>, vector<1x16xf32>,
        %get3A_474 = arith.index_cast %add3A_408 : i32 to index
        %get3A_475 = arith.constant 96 : index
        %get3A_476 = tpu.vector_load %arg11[%get3A_474, %get3A_475] {strides = array<i32>} : memref<64x128xf32, #tpu.memory_space<vmem>>, vector<1x16xf32>,
        %get3A_477 = vector.shape_cast %get3A_476 : vector<1x16xf32> to vector<16xf32>
        %mul3A_478 = arith.mulf %get3A_477, %get3A_413 : vector<16xf32>
        %swap3A_479 = arith.index_cast %add3A_408 : i32 to index
        %swap3A_480 = arith.constant 96 : index
        %swap3A_481 = tpu.vector_load %arg13[%swap3A_479, %swap3A_480] {strides = array<i32>} : memref<64x128xf32, #tpu.memory_space<vmem>>, vector<1x16xf32>,
        %swap3A_482 = vector.shape_cast %swap3A_481 : vector<1x16xf32> to vector<16xf32>
        %swap3A_483 = vector.shape_cast %mul3A_478 : vector<16xf32> to vector<1x16xf32>
        tpu.vector_store %arg13[%swap3A_479, %swap3A_480], %swap3A_483 {strides = array<i32>} : memref<64x128xf32, #tpu.memory_space<vmem>>, vector<1x16xf32>,
        %get3A_484 = arith.index_cast %add3A_408 : i32 to index
        %get3A_485 = arith.constant 112 : index
        %get3A_486 = tpu.vector_load %arg11[%get3A_484, %get3A_485] {strides = array<i32>} : memref<64x128xf32, #tpu.memory_space<vmem>>, vector<1x16xf32>,
        %get3A_487 = vector.shape_cast %get3A_486 : vector<1x16xf32> to vector<16xf32>
        %mul3A_488 = arith.mulf %get3A_487, %get3A_413 : vector<16xf32>
        %swap3A_489 = arith.index_cast %add3A_408 : i32 to index
        %swap3A_490 = arith.constant 112 : index
        %swap3A_491 = tpu.vector_load %arg13[%swap3A_489, %swap3A_490] {strides = array<i32>} : memref<64x128xf32, #tpu.memory_space<vmem>>, vector<1x16xf32>,
        %swap3A_492 = vector.shape_cast %swap3A_491 : vector<1x16xf32> to vector<16xf32>
        %swap3A_493 = vector.shape_cast %mul3A_488 : vector<16xf32> to vector<1x16xf32>
        tpu.vector_store %arg13[%swap3A_489, %swap3A_490], %swap3A_493 {strides = array<i32>} : memref<64x128xf32, #tpu.memory_space<vmem>>, vector<1x16xf32>,
        %mul3A_494 = arith.constant 8 : i32
        %mul3A_495 = arith.muli %scan3A_228, %mul3A_494 : i32
        %add3A_496 = arith.constant 3 : i32
        %add3A_497 = arith.addi %mul3A_495, %add3A_496 : i32
        %mul3A_498 = arith.constant 16 : i32
        %mul3A_499 = arith.muli %add3A_497, %mul3A_498 : i32
        %get3A_500 = arith.index_cast %mul3A_499 : i32 to index
        %get3A_501 = tpu.vector_load %arg9[%get3A_500] {strides = array<i32>} : memref<1024xf32, #tpu.memory_space<vmem>>, vector<16xf32>,
        %get3A_502 = vector.shape_cast %get3A_501 : vector<16xf32> to vector<16xf32>
        %get3A_503 = arith.index_cast %add3A_497 : i32 to index
        %get3A_504 = arith.constant 0 : index
        %get3A_505 = tpu.vector_load %arg11[%get3A_503, %get3A_504] {strides = array<i32>} : memref<64x128xf32, #tpu.memory_space<vmem>>, vector<1x16xf32>,
        %get3A_506 = vector.shape_cast %get3A_505 : vector<1x16xf32> to vector<16xf32>
        %mul3A_507 = arith.mulf %get3A_506, %get3A_502 : vector<16xf32>
        %swap3A_508 = arith.index_cast %add3A_497 : i32 to index
        %swap3A_509 = arith.constant 0 : index
        %swap3A_510 = tpu.vector_load %arg13[%swap3A_508, %swap3A_509] {strides = array<i32>} : memref<64x128xf32, #tpu.memory_space<vmem>>, vector<1x16xf32>,
        %swap3A_511 = vector.shape_cast %swap3A_510 : vector<1x16xf32> to vector<16xf32>
        %swap3A_512 = vector.shape_cast %mul3A_507 : vector<16xf32> to vector<1x16xf32>
        tpu.vector_store %arg13[%swap3A_508, %swap3A_509], %swap3A_512 {strides = array<i32>} : memref<64x128xf32, #tpu.memory_space<vmem>>, vector<1x16xf32>,
        %get3A_513 = arith.index_cast %add3A_497 : i32 to index
        %get3A_514 = arith.constant 16 : index
        %get3A_515 = tpu.vector_load %arg11[%get3A_513, %get3A_514] {strides = array<i32>} : memref<64x128xf32, #tpu.memory_space<vmem>>, vector<1x16xf32>,
        %get3A_516 = vector.shape_cast %get3A_515 : vector<1x16xf32> to vector<16xf32>
        %mul3A_517 = arith.mulf %get3A_516, %get3A_502 : vector<16xf32>
        %swap3A_518 = arith.index_cast %add3A_497 : i32 to index
        %swap3A_519 = arith.constant 16 : index
        %swap3A_520 = tpu.vector_load %arg13[%swap3A_518, %swap3A_519] {strides = array<i32>} : memref<64x128xf32, #tpu.memory_space<vmem>>, vector<1x16xf32>,
        %swap3A_521 = vector.shape_cast %swap3A_520 : vector<1x16xf32> to vector<16xf32>
        %swap3A_522 = vector.shape_cast %mul3A_517 : vector<16xf32> to vector<1x16xf32>
        tpu.vector_store %arg13[%swap3A_518, %swap3A_519], %swap3A_522 {strides = array<i32>} : memref<64x128xf32, #tpu.memory_space<vmem>>, vector<1x16xf32>,
        %get3A_523 = arith.index_cast %add3A_497 : i32 to index
        %get3A_524 = arith.constant 32 : index
        %get3A_525 = tpu.vector_load %arg11[%get3A_523, %get3A_524] {strides = array<i32>} : memref<64x128xf32, #tpu.memory_space<vmem>>, vector<1x16xf32>,
        %get3A_526 = vector.shape_cast %get3A_525 : vector<1x16xf32> to vector<16xf32>
        %mul3A_527 = arith.mulf %get3A_526, %get3A_502 : vector<16xf32>
        %swap3A_528 = arith.index_cast %add3A_497 : i32 to index
        %swap3A_529 = arith.constant 32 : index
        %swap3A_530 = tpu.vector_load %arg13[%swap3A_528, %swap3A_529] {strides = array<i32>} : memref<64x128xf32, #tpu.memory_space<vmem>>, vector<1x16xf32>,
        %swap3A_531 = vector.shape_cast %swap3A_530 : vector<1x16xf32> to vector<16xf32>
        %swap3A_532 = vector.shape_cast %mul3A_527 : vector<16xf32> to vector<1x16xf32>
        tpu.vector_store %arg13[%swap3A_528, %swap3A_529], %swap3A_532 {strides = array<i32>} : memref<64x128xf32, #tpu.memory_space<vmem>>, vector<1x16xf32>,
        %get3A_533 = arith.index_cast %add3A_497 : i32 to index
        %get3A_534 = arith.constant 48 : index
        %get3A_535 = tpu.vector_load %arg11[%get3A_533, %get3A_534] {strides = array<i32>} : memref<64x128xf32, #tpu.memory_space<vmem>>, vector<1x16xf32>,
        %get3A_536 = vector.shape_cast %get3A_535 : vector<1x16xf32> to vector<16xf32>
        %mul3A_537 = arith.mulf %get3A_536, %get3A_502 : vector<16xf32>
        %swap3A_538 = arith.index_cast %add3A_497 : i32 to index
        %swap3A_539 = arith.constant 48 : index
        %swap3A_540 = tpu.vector_load %arg13[%swap3A_538, %swap3A_539] {strides = array<i32>} : memref<64x128xf32, #tpu.memory_space<vmem>>, vector<1x16xf32>,
        %swap3A_541 = vector.shape_cast %swap3A_540 : vector<1x16xf32> to vector<16xf32>
        %swap3A_542 = vector.shape_cast %mul3A_537 : vector<16xf32> to vector<1x16xf32>
        tpu.vector_store %arg13[%swap3A_538, %swap3A_539], %swap3A_542 {strides = array<i32>} : memref<64x128xf32, #tpu.memory_space<vmem>>, vector<1x16xf32>,
        %get3A_543 = arith.index_cast %add3A_497 : i32 to index
        %get3A_544 = arith.constant 64 : index
        %get3A_545 = tpu.vector_load %arg11[%get3A_543, %get3A_544] {strides = array<i32>} : memref<64x128xf32, #tpu.memory_space<vmem>>, vector<1x16xf32>,
        %get3A_546 = vector.shape_cast %get3A_545 : vector<1x16xf32> to vector<16xf32>
        %mul3A_547 = arith.mulf %get3A_546, %get3A_502 : vector<16xf32>
        %swap3A_548 = arith.index_cast %add3A_497 : i32 to index
        %swap3A_549 = arith.constant 64 : index
        %swap3A_550 = tpu.vector_load %arg13[%swap3A_548, %swap3A_549] {strides = array<i32>} : memref<64x128xf32, #tpu.memory_space<vmem>>, vector<1x16xf32>,
        %swap3A_551 = vector.shape_cast %swap3A_550 : vector<1x16xf32> to vector<16xf32>
        %swap3A_552 = vector.shape_cast %mul3A_547 : vector<16xf32> to vector<1x16xf32>
        tpu.vector_store %arg13[%swap3A_548, %swap3A_549], %swap3A_552 {strides = array<i32>} : memref<64x128xf32, #tpu.memory_space<vmem>>, vector<1x16xf32>,
        %get3A_553 = arith.index_cast %add3A_497 : i32 to index
        %get3A_554 = arith.constant 80 : index
        %get3A_555 = tpu.vector_load %arg11[%get3A_553, %get3A_554] {strides = array<i32>} : memref<64x128xf32, #tpu.memory_space<vmem>>, vector<1x16xf32>,
        %get3A_556 = vector.shape_cast %get3A_555 : vector<1x16xf32> to vector<16xf32>
        %mul3A_557 = arith.mulf %get3A_556, %get3A_502 : vector<16xf32>
        %swap3A_558 = arith.index_cast %add3A_497 : i32 to index
        %swap3A_559 = arith.constant 80 : index
        %swap3A_560 = tpu.vector_load %arg13[%swap3A_558, %swap3A_559] {strides = array<i32>} : memref<64x128xf32, #tpu.memory_space<vmem>>, vector<1x16xf32>,
        %swap3A_561 = vector.shape_cast %swap3A_560 : vector<1x16xf32> to vector<16xf32>
        %swap3A_562 = vector.shape_cast %mul3A_557 : vector<16xf32> to vector<1x16xf32>
        tpu.vector_store %arg13[%swap3A_558, %swap3A_559], %swap3A_562 {strides = array<i32>} : memref<64x128xf32, #tpu.memory_space<vmem>>, vector<1x16xf32>,
        %get3A_563 = arith.index_cast %add3A_497 : i32 to index
        %get3A_564 = arith.constant 96 : index
        %get3A_565 = tpu.vector_load %arg11[%get3A_563, %get3A_564] {strides = array<i32>} : memref<64x128xf32, #tpu.memory_space<vmem>>, vector<1x16xf32>,
        %get3A_566 = vector.shape_cast %get3A_565 : vector<1x16xf32> to vector<16xf32>
        %mul3A_567 = arith.mulf %get3A_566, %get3A_502 : vector<16xf32>
        %swap3A_568 = arith.index_cast %add3A_497 : i32 to index
        %swap3A_569 = arith.constant 96 : index
        %swap3A_570 = tpu.vector_load %arg13[%swap3A_568, %swap3A_569] {strides = array<i32>} : memref<64x128xf32, #tpu.memory_space<vmem>>, vector<1x16xf32>,
        %swap3A_571 = vector.shape_cast %swap3A_570 : vector<1x16xf32> to vector<16xf32>
        %swap3A_572 = vector.shape_cast %mul3A_567 : vector<16xf32> to vector<1x16xf32>
        tpu.vector_store %arg13[%swap3A_568, %swap3A_569], %swap3A_572 {strides = array<i32>} : memref<64x128xf32, #tpu.memory_space<vmem>>, vector<1x16xf32>,
        %get3A_573 = arith.index_cast %add3A_497 : i32 to index
        %get3A_574 = arith.constant 112 : index
        %get3A_575 = tpu.vector_load %arg11[%get3A_573, %get3A_574] {strides = array<i32>} : memref<64x128xf32, #tpu.memory_space<vmem>>, vector<1x16xf32>,
        %get3A_576 = vector.shape_cast %get3A_575 : vector<1x16xf32> to vector<16xf32>
        %mul3A_577 = arith.mulf %get3A_576, %get3A_502 : vector<16xf32>
        %swap3A_578 = arith.index_cast %add3A_497 : i32 to index
        %swap3A_579 = arith.constant 112 : index
        %swap3A_580 = tpu.vector_load %arg13[%swap3A_578, %swap3A_579] {strides = array<i32>} : memref<64x128xf32, #tpu.memory_space<vmem>>, vector<1x16xf32>,
        %swap3A_581 = vector.shape_cast %swap3A_580 : vector<1x16xf32> to vector<16xf32>
        %swap3A_582 = vector.shape_cast %mul3A_577 : vector<16xf32> to vector<1x16xf32>
        tpu.vector_store %arg13[%swap3A_578, %swap3A_579], %swap3A_582 {strides = array<i32>} : memref<64x128xf32, #tpu.memory_space<vmem>>, vector<1x16xf32>,
        %mul3A_583 = arith.constant 8 : i32
        %mul3A_584 = arith.muli %scan3A_228, %mul3A_583 : i32
        %add3A_585 = arith.constant 4 : i32
        %add3A_586 = arith.addi %mul3A_584, %add3A_585 : i32
        %mul3A_587 = arith.constant 16 : i32
        %mul3A_588 = arith.muli %add3A_586, %mul3A_587 : i32
        %get3A_589 = arith.index_cast %mul3A_588 : i32 to index
        %get3A_590 = tpu.vector_load %arg9[%get3A_589] {strides = array<i32>} : memref<1024xf32, #tpu.memory_space<vmem>>, vector<16xf32>,
        %get3A_591 = vector.shape_cast %get3A_590 : vector<16xf32> to vector<16xf32>
        %get3A_592 = arith.index_cast %add3A_586 : i32 to index
        %get3A_593 = arith.constant 0 : index
        %get3A_594 = tpu.vector_load %arg11[%get3A_592, %get3A_593] {strides = array<i32>} : memref<64x128xf32, #tpu.memory_space<vmem>>, vector<1x16xf32>,
        %get3A_595 = vector.shape_cast %get3A_594 : vector<1x16xf32> to vector<16xf32>
        %mul3A_596 = arith.mulf %get3A_595, %get3A_591 : vector<16xf32>
        %swap3A_597 = arith.index_cast %add3A_586 : i32 to index
        %swap3A_598 = arith.constant 0 : index
        %swap3A_599 = tpu.vector_load %arg13[%swap3A_597, %swap3A_598] {strides = array<i32>} : memref<64x128xf32, #tpu.memory_space<vmem>>, vector<1x16xf32>,
        %swap3A_600 = vector.shape_cast %swap3A_599 : vector<1x16xf32> to vector<16xf32>
        %swap3A_601 = vector.shape_cast %mul3A_596 : vector<16xf32> to vector<1x16xf32>
        tpu.vector_store %arg13[%swap3A_597, %swap3A_598], %swap3A_601 {strides = array<i32>} : memref<64x128xf32, #tpu.memory_space<vmem>>, vector<1x16xf32>,
        %get3A_602 = arith.index_cast %add3A_586 : i32 to index
        %get3A_603 = arith.constant 16 : index
        %get3A_604 = tpu.vector_load %arg11[%get3A_602, %get3A_603] {strides = array<i32>} : memref<64x128xf32, #tpu.memory_space<vmem>>, vector<1x16xf32>,
        %get3A_605 = vector.shape_cast %get3A_604 : vector<1x16xf32> to vector<16xf32>
        %mul3A_606 = arith.mulf %get3A_605, %get3A_591 : vector<16xf32>
        %swap3A_607 = arith.index_cast %add3A_586 : i32 to index
        %swap3A_608 = arith.constant 16 : index
        %swap3A_609 = tpu.vector_load %arg13[%swap3A_607, %swap3A_608] {strides = array<i32>} : memref<64x128xf32, #tpu.memory_space<vmem>>, vector<1x16xf32>,
        %swap3A_610 = vector.shape_cast %swap3A_609 : vector<1x16xf32> to vector<16xf32>
        %swap3A_611 = vector.shape_cast %mul3A_606 : vector<16xf32> to vector<1x16xf32>
        tpu.vector_store %arg13[%swap3A_607, %swap3A_608], %swap3A_611 {strides = array<i32>} : memref<64x128xf32, #tpu.memory_space<vmem>>, vector<1x16xf32>,
        %get3A_612 = arith.index_cast %add3A_586 : i32 to index
        %get3A_613 = arith.constant 32 : index
        %get3A_614 = tpu.vector_load %arg11[%get3A_612, %get3A_613] {strides = array<i32>} : memref<64x128xf32, #tpu.memory_space<vmem>>, vector<1x16xf32>,
        %get3A_615 = vector.shape_cast %get3A_614 : vector<1x16xf32> to vector<16xf32>
        %mul3A_616 = arith.mulf %get3A_615, %get3A_591 : vector<16xf32>
        %swap3A_617 = arith.index_cast %add3A_586 : i32 to index
        %swap3A_618 = arith.constant 32 : index
        %swap3A_619 = tpu.vector_load %arg13[%swap3A_617, %swap3A_618] {strides = array<i32>} : memref<64x128xf32, #tpu.memory_space<vmem>>, vector<1x16xf32>,
        %swap3A_620 = vector.shape_cast %swap3A_619 : vector<1x16xf32> to vector<16xf32>
        %swap3A_621 = vector.shape_cast %mul3A_616 : vector<16xf32> to vector<1x16xf32>
        tpu.vector_store %arg13[%swap3A_617, %swap3A_618], %swap3A_621 {strides = array<i32>} : memref<64x128xf32, #tpu.memory_space<vmem>>, vector<1x16xf32>,
        %get3A_622 = arith.index_cast %add3A_586 : i32 to index
        %get3A_623 = arith.constant 48 : index
        %get3A_624 = tpu.vector_load %arg11[%get3A_622, %get3A_623] {strides = array<i32>} : memref<64x128xf32, #tpu.memory_space<vmem>>, vector<1x16xf32>,
        %get3A_625 = vector.shape_cast %get3A_624 : vector<1x16xf32> to vector<16xf32>
        %mul3A_626 = arith.mulf %get3A_625, %get3A_591 : vector<16xf32>
        %swap3A_627 = arith.index_cast %add3A_586 : i32 to index
        %swap3A_628 = arith.constant 48 : index
        %swap3A_629 = tpu.vector_load %arg13[%swap3A_627, %swap3A_628] {strides = array<i32>} : memref<64x128xf32, #tpu.memory_space<vmem>>, vector<1x16xf32>,
        %swap3A_630 = vector.shape_cast %swap3A_629 : vector<1x16xf32> to vector<16xf32>
        %swap3A_631 = vector.shape_cast %mul3A_626 : vector<16xf32> to vector<1x16xf32>
        tpu.vector_store %arg13[%swap3A_627, %swap3A_628], %swap3A_631 {strides = array<i32>} : memref<64x128xf32, #tpu.memory_space<vmem>>, vector<1x16xf32>,
        %get3A_632 = arith.index_cast %add3A_586 : i32 to index
        %get3A_633 = arith.constant 64 : index
        %get3A_634 = tpu.vector_load %arg11[%get3A_632, %get3A_633] {strides = array<i32>} : memref<64x128xf32, #tpu.memory_space<vmem>>, vector<1x16xf32>,
        %get3A_635 = vector.shape_cast %get3A_634 : vector<1x16xf32> to vector<16xf32>
        %mul3A_636 = arith.mulf %get3A_635, %get3A_591 : vector<16xf32>
        %swap3A_637 = arith.index_cast %add3A_586 : i32 to index
        %swap3A_638 = arith.constant 64 : index
        %swap3A_639 = tpu.vector_load %arg13[%swap3A_637, %swap3A_638] {strides = array<i32>} : memref<64x128xf32, #tpu.memory_space<vmem>>, vector<1x16xf32>,
        %swap3A_640 = vector.shape_cast %swap3A_639 : vector<1x16xf32> to vector<16xf32>
        %swap3A_641 = vector.shape_cast %mul3A_636 : vector<16xf32> to vector<1x16xf32>
        tpu.vector_store %arg13[%swap3A_637, %swap3A_638], %swap3A_641 {strides = array<i32>} : memref<64x128xf32, #tpu.memory_space<vmem>>, vector<1x16xf32>,
        %get3A_642 = arith.index_cast %add3A_586 : i32 to index
        %get3A_643 = arith.constant 80 : index
        %get3A_644 = tpu.vector_load %arg11[%get3A_642, %get3A_643] {strides = array<i32>} : memref<64x128xf32, #tpu.memory_space<vmem>>, vector<1x16xf32>,
        %get3A_645 = vector.shape_cast %get3A_644 : vector<1x16xf32> to vector<16xf32>
        %mul3A_646 = arith.mulf %get3A_645, %get3A_591 : vector<16xf32>
        %swap3A_647 = arith.index_cast %add3A_586 : i32 to index
        %swap3A_648 = arith.constant 80 : index
        %swap3A_649 = tpu.vector_load %arg13[%swap3A_647, %swap3A_648] {strides = array<i32>} : memref<64x128xf32, #tpu.memory_space<vmem>>, vector<1x16xf32>,
        %swap3A_650 = vector.shape_cast %swap3A_649 : vector<1x16xf32> to vector<16xf32>
        %swap3A_651 = vector.shape_cast %mul3A_646 : vector<16xf32> to vector<1x16xf32>
        tpu.vector_store %arg13[%swap3A_647, %swap3A_648], %swap3A_651 {strides = array<i32>} : memref<64x128xf32, #tpu.memory_space<vmem>>, vector<1x16xf32>,
        %get3A_652 = arith.index_cast %add3A_586 : i32 to index
        %get3A_653 = arith.constant 96 : index
        %get3A_654 = tpu.vector_load %arg11[%get3A_652, %get3A_653] {strides = array<i32>} : memref<64x128xf32, #tpu.memory_space<vmem>>, vector<1x16xf32>,
        %get3A_655 = vector.shape_cast %get3A_654 : vector<1x16xf32> to vector<16xf32>
        %mul3A_656 = arith.mulf %get3A_655, %get3A_591 : vector<16xf32>
        %swap3A_657 = arith.index_cast %add3A_586 : i32 to index
        %swap3A_658 = arith.constant 96 : index
        %swap3A_659 = tpu.vector_load %arg13[%swap3A_657, %swap3A_658] {strides = array<i32>} : memref<64x128xf32, #tpu.memory_space<vmem>>, vector<1x16xf32>,
        %swap3A_660 = vector.shape_cast %swap3A_659 : vector<1x16xf32> to vector<16xf32>
        %swap3A_661 = vector.shape_cast %mul3A_656 : vector<16xf32> to vector<1x16xf32>
        tpu.vector_store %arg13[%swap3A_657, %swap3A_658], %swap3A_661 {strides = array<i32>} : memref<64x128xf32, #tpu.memory_space<vmem>>, vector<1x16xf32>,
        %get3A_662 = arith.index_cast %add3A_586 : i32 to index
        %get3A_663 = arith.constant 112 : index
        %get3A_664 = tpu.vector_load %arg11[%get3A_662, %get3A_663] {strides = array<i32>} : memref<64x128xf32, #tpu.memory_space<vmem>>, vector<1x16xf32>,
        %get3A_665 = vector.shape_cast %get3A_664 : vector<1x16xf32> to vector<16xf32>
        %mul3A_666 = arith.mulf %get3A_665, %get3A_591 : vector<16xf32>
        %swap3A_667 = arith.index_cast %add3A_586 : i32 to index
        %swap3A_668 = arith.constant 112 : index
        %swap3A_669 = tpu.vector_load %arg13[%swap3A_667, %swap3A_668] {strides = array<i32>} : memref<64x128xf32, #tpu.memory_space<vmem>>, vector<1x16xf32>,
        %swap3A_670 = vector.shape_cast %swap3A_669 : vector<1x16xf32> to vector<16xf32>
        %swap3A_671 = vector.shape_cast %mul3A_666 : vector<16xf32> to vector<1x16xf32>
        tpu.vector_store %arg13[%swap3A_667, %swap3A_668], %swap3A_671 {strides = array<i32>} : memref<64x128xf32, #tpu.memory_space<vmem>>, vector<1x16xf32>,
        %mul3A_672 = arith.constant 8 : i32
        %mul3A_673 = arith.muli %scan3A_228, %mul3A_672 : i32
        %add3A_674 = arith.constant 5 : i32
        %add3A_675 = arith.addi %mul3A_673, %add3A_674 : i32
        %mul3A_676 = arith.constant 16 : i32
        %mul3A_677 = arith.muli %add3A_675, %mul3A_676 : i32
        %get3A_678 = arith.index_cast %mul3A_677 : i32 to index
        %get3A_679 = tpu.vector_load %arg9[%get3A_678] {strides = array<i32>} : memref<1024xf32, #tpu.memory_space<vmem>>, vector<16xf32>,
        %get3A_680 = vector.shape_cast %get3A_679 : vector<16xf32> to vector<16xf32>
        %get3A_681 = arith.index_cast %add3A_675 : i32 to index
        %get3A_682 = arith.constant 0 : index
        %get3A_683 = tpu.vector_load %arg11[%get3A_681, %get3A_682] {strides = array<i32>} : memref<64x128xf32, #tpu.memory_space<vmem>>, vector<1x16xf32>,
        %get3A_684 = vector.shape_cast %get3A_683 : vector<1x16xf32> to vector<16xf32>
        %mul3A_685 = arith.mulf %get3A_684, %get3A_680 : vector<16xf32>
        %swap3A_686 = arith.index_cast %add3A_675 : i32 to index
        %swap3A_687 = arith.constant 0 : index
        %swap3A_688 = tpu.vector_load %arg13[%swap3A_686, %swap3A_687] {strides = array<i32>} : memref<64x128xf32, #tpu.memory_space<vmem>>, vector<1x16xf32>,
        %swap3A_689 = vector.shape_cast %swap3A_688 : vector<1x16xf32> to vector<16xf32>
        %swap3A_690 = vector.shape_cast %mul3A_685 : vector<16xf32> to vector<1x16xf32>
        tpu.vector_store %arg13[%swap3A_686, %swap3A_687], %swap3A_690 {strides = array<i32>} : memref<64x128xf32, #tpu.memory_space<vmem>>, vector<1x16xf32>,
        %get3A_691 = arith.index_cast %add3A_675 : i32 to index
        %get3A_692 = arith.constant 16 : index
        %get3A_693 = tpu.vector_load %arg11[%get3A_691, %get3A_692] {strides = array<i32>} : memref<64x128xf32, #tpu.memory_space<vmem>>, vector<1x16xf32>,
        %get3A_694 = vector.shape_cast %get3A_693 : vector<1x16xf32> to vector<16xf32>
        %mul3A_695 = arith.mulf %get3A_694, %get3A_680 : vector<16xf32>
        %swap3A_696 = arith.index_cast %add3A_675 : i32 to index
        %swap3A_697 = arith.constant 16 : index
        %swap3A_698 = tpu.vector_load %arg13[%swap3A_696, %swap3A_697] {strides = array<i32>} : memref<64x128xf32, #tpu.memory_space<vmem>>, vector<1x16xf32>,
        %swap3A_699 = vector.shape_cast %swap3A_698 : vector<1x16xf32> to vector<16xf32>
        %swap3A_700 = vector.shape_cast %mul3A_695 : vector<16xf32> to vector<1x16xf32>
        tpu.vector_store %arg13[%swap3A_696, %swap3A_697], %swap3A_700 {strides = array<i32>} : memref<64x128xf32, #tpu.memory_space<vmem>>, vector<1x16xf32>,
        %get3A_701 = arith.index_cast %add3A_675 : i32 to index
        %get3A_702 = arith.constant 32 : index
        %get3A_703 = tpu.vector_load %arg11[%get3A_701, %get3A_702] {strides = array<i32>} : memref<64x128xf32, #tpu.memory_space<vmem>>, vector<1x16xf32>,
        %get3A_704 = vector.shape_cast %get3A_703 : vector<1x16xf32> to vector<16xf32>
        %mul3A_705 = arith.mulf %get3A_704, %get3A_680 : vector<16xf32>
        %swap3A_706 = arith.index_cast %add3A_675 : i32 to index
        %swap3A_707 = arith.constant 32 : index
        %swap3A_708 = tpu.vector_load %arg13[%swap3A_706, %swap3A_707] {strides = array<i32>} : memref<64x128xf32, #tpu.memory_space<vmem>>, vector<1x16xf32>,
        %swap3A_709 = vector.shape_cast %swap3A_708 : vector<1x16xf32> to vector<16xf32>
        %swap3A_710 = vector.shape_cast %mul3A_705 : vector<16xf32> to vector<1x16xf32>
        tpu.vector_store %arg13[%swap3A_706, %swap3A_707], %swap3A_710 {strides = array<i32>} : memref<64x128xf32, #tpu.memory_space<vmem>>, vector<1x16xf32>,
        %get3A_711 = arith.index_cast %add3A_675 : i32 to index
        %get3A_712 = arith.constant 48 : index
        %get3A_713 = tpu.vector_load %arg11[%get3A_711, %get3A_712] {strides = array<i32>} : memref<64x128xf32, #tpu.memory_space<vmem>>, vector<1x16xf32>,
        %get3A_714 = vector.shape_cast %get3A_713 : vector<1x16xf32> to vector<16xf32>
        %mul3A_715 = arith.mulf %get3A_714, %get3A_680 : vector<16xf32>
        %swap3A_716 = arith.index_cast %add3A_675 : i32 to index
        %swap3A_717 = arith.constant 48 : index
        %swap3A_718 = tpu.vector_load %arg13[%swap3A_716, %swap3A_717] {strides = array<i32>} : memref<64x128xf32, #tpu.memory_space<vmem>>, vector<1x16xf32>,
        %swap3A_719 = vector.shape_cast %swap3A_718 : vector<1x16xf32> to vector<16xf32>
        %swap3A_720 = vector.shape_cast %mul3A_715 : vector<16xf32> to vector<1x16xf32>
        tpu.vector_store %arg13[%swap3A_716, %swap3A_717], %swap3A_720 {strides = array<i32>} : memref<64x128xf32, #tpu.memory_space<vmem>>, vector<1x16xf32>,
        %get3A_721 = arith.index_cast %add3A_675 : i32 to index
        %get3A_722 = arith.constant 64 : index
        %get3A_723 = tpu.vector_load %arg11[%get3A_721, %get3A_722] {strides = array<i32>} : memref<64x128xf32, #tpu.memory_space<vmem>>, vector<1x16xf32>,
        %get3A_724 = vector.shape_cast %get3A_723 : vector<1x16xf32> to vector<16xf32>
        %mul3A_725 = arith.mulf %get3A_724, %get3A_680 : vector<16xf32>
        %swap3A_726 = arith.index_cast %add3A_675 : i32 to index
        %swap3A_727 = arith.constant 64 : index
        %swap3A_728 = tpu.vector_load %arg13[%swap3A_726, %swap3A_727] {strides = array<i32>} : memref<64x128xf32, #tpu.memory_space<vmem>>, vector<1x16xf32>,
        %swap3A_729 = vector.shape_cast %swap3A_728 : vector<1x16xf32> to vector<16xf32>
        %swap3A_730 = vector.shape_cast %mul3A_725 : vector<16xf32> to vector<1x16xf32>
        tpu.vector_store %arg13[%swap3A_726, %swap3A_727], %swap3A_730 {strides = array<i32>} : memref<64x128xf32, #tpu.memory_space<vmem>>, vector<1x16xf32>,
        %get3A_731 = arith.index_cast %add3A_675 : i32 to index
        %get3A_732 = arith.constant 80 : index
        %get3A_733 = tpu.vector_load %arg11[%get3A_731, %get3A_732] {strides = array<i32>} : memref<64x128xf32, #tpu.memory_space<vmem>>, vector<1x16xf32>,
        %get3A_734 = vector.shape_cast %get3A_733 : vector<1x16xf32> to vector<16xf32>
        %mul3A_735 = arith.mulf %get3A_734, %get3A_680 : vector<16xf32>
        %swap3A_736 = arith.index_cast %add3A_675 : i32 to index
        %swap3A_737 = arith.constant 80 : index
        %swap3A_738 = tpu.vector_load %arg13[%swap3A_736, %swap3A_737] {strides = array<i32>} : memref<64x128xf32, #tpu.memory_space<vmem>>, vector<1x16xf32>,
        %swap3A_739 = vector.shape_cast %swap3A_738 : vector<1x16xf32> to vector<16xf32>
        %swap3A_740 = vector.shape_cast %mul3A_735 : vector<16xf32> to vector<1x16xf32>
        tpu.vector_store %arg13[%swap3A_736, %swap3A_737], %swap3A_740 {strides = array<i32>} : memref<64x128xf32, #tpu.memory_space<vmem>>, vector<1x16xf32>,
        %get3A_741 = arith.index_cast %add3A_675 : i32 to index
        %get3A_742 = arith.constant 96 : index
        %get3A_743 = tpu.vector_load %arg11[%get3A_741, %get3A_742] {strides = array<i32>} : memref<64x128xf32, #tpu.memory_space<vmem>>, vector<1x16xf32>,
        %get3A_744 = vector.shape_cast %get3A_743 : vector<1x16xf32> to vector<16xf32>
        %mul3A_745 = arith.mulf %get3A_744, %get3A_680 : vector<16xf32>
        %swap3A_746 = arith.index_cast %add3A_675 : i32 to index
        %swap3A_747 = arith.constant 96 : index
        %swap3A_748 = tpu.vector_load %arg13[%swap3A_746, %swap3A_747] {strides = array<i32>} : memref<64x128xf32, #tpu.memory_space<vmem>>, vector<1x16xf32>,
        %swap3A_749 = vector.shape_cast %swap3A_748 : vector<1x16xf32> to vector<16xf32>
        %swap3A_750 = vector.shape_cast %mul3A_745 : vector<16xf32> to vector<1x16xf32>
        tpu.vector_store %arg13[%swap3A_746, %swap3A_747], %swap3A_750 {strides = array<i32>} : memref<64x128xf32, #tpu.memory_space<vmem>>, vector<1x16xf32>,
        %get3A_751 = arith.index_cast %add3A_675 : i32 to index
        %get3A_752 = arith.constant 112 : index
        %get3A_753 = tpu.vector_load %arg11[%get3A_751, %get3A_752] {strides = array<i32>} : memref<64x128xf32, #tpu.memory_space<vmem>>, vector<1x16xf32>,
        %get3A_754 = vector.shape_cast %get3A_753 : vector<1x16xf32> to vector<16xf32>
        %mul3A_755 = arith.mulf %get3A_754, %get3A_680 : vector<16xf32>
        %swap3A_756 = arith.index_cast %add3A_675 : i32 to index
        %swap3A_757 = arith.constant 112 : index
        %swap3A_758 = tpu.vector_load %arg13[%swap3A_756, %swap3A_757] {strides = array<i32>} : memref<64x128xf32, #tpu.memory_space<vmem>>, vector<1x16xf32>,
        %swap3A_759 = vector.shape_cast %swap3A_758 : vector<1x16xf32> to vector<16xf32>
        %swap3A_760 = vector.shape_cast %mul3A_755 : vector<16xf32> to vector<1x16xf32>
        tpu.vector_store %arg13[%swap3A_756, %swap3A_757], %swap3A_760 {strides = array<i32>} : memref<64x128xf32, #tpu.memory_space<vmem>>, vector<1x16xf32>,
        %mul3A_761 = arith.constant 8 : i32
        %mul3A_762 = arith.muli %scan3A_228, %mul3A_761 : i32
        %add3A_763 = arith.constant 6 : i32
        %add3A_764 = arith.addi %mul3A_762, %add3A_763 : i32
        %mul3A_765 = arith.constant 16 : i32
        %mul3A_766 = arith.muli %add3A_764, %mul3A_765 : i32
        %get3A_767 = arith.index_cast %mul3A_766 : i32 to index
        %get3A_768 = tpu.vector_load %arg9[%get3A_767] {strides = array<i32>} : memref<1024xf32, #tpu.memory_space<vmem>>, vector<16xf32>,
        %get3A_769 = vector.shape_cast %get3A_768 : vector<16xf32> to vector<16xf32>
        %get3A_770 = arith.index_cast %add3A_764 : i32 to index
        %get3A_771 = arith.constant 0 : index
        %get3A_772 = tpu.vector_load %arg11[%get3A_770, %get3A_771] {strides = array<i32>} : memref<64x128xf32, #tpu.memory_space<vmem>>, vector<1x16xf32>,
        %get3A_773 = vector.shape_cast %get3A_772 : vector<1x16xf32> to vector<16xf32>
        %mul3A_774 = arith.mulf %get3A_773, %get3A_769 : vector<16xf32>
        %swap3A_775 = arith.index_cast %add3A_764 : i32 to index
        %swap3A_776 = arith.constant 0 : index
        %swap3A_777 = tpu.vector_load %arg13[%swap3A_775, %swap3A_776] {strides = array<i32>} : memref<64x128xf32, #tpu.memory_space<vmem>>, vector<1x16xf32>,
        %swap3A_778 = vector.shape_cast %swap3A_777 : vector<1x16xf32> to vector<16xf32>
        %swap3A_779 = vector.shape_cast %mul3A_774 : vector<16xf32> to vector<1x16xf32>
        tpu.vector_store %arg13[%swap3A_775, %swap3A_776], %swap3A_779 {strides = array<i32>} : memref<64x128xf32, #tpu.memory_space<vmem>>, vector<1x16xf32>,
        %get3A_780 = arith.index_cast %add3A_764 : i32 to index
        %get3A_781 = arith.constant 16 : index
        %get3A_782 = tpu.vector_load %arg11[%get3A_780, %get3A_781] {strides = array<i32>} : memref<64x128xf32, #tpu.memory_space<vmem>>, vector<1x16xf32>,
        %get3A_783 = vector.shape_cast %get3A_782 : vector<1x16xf32> to vector<16xf32>
        %mul3A_784 = arith.mulf %get3A_783, %get3A_769 : vector<16xf32>
        %swap3A_785 = arith.index_cast %add3A_764 : i32 to index
        %swap3A_786 = arith.constant 16 : index
        %swap3A_787 = tpu.vector_load %arg13[%swap3A_785, %swap3A_786] {strides = array<i32>} : memref<64x128xf32, #tpu.memory_space<vmem>>, vector<1x16xf32>,
        %swap3A_788 = vector.shape_cast %swap3A_787 : vector<1x16xf32> to vector<16xf32>
        %swap3A_789 = vector.shape_cast %mul3A_784 : vector<16xf32> to vector<1x16xf32>
        tpu.vector_store %arg13[%swap3A_785, %swap3A_786], %swap3A_789 {strides = array<i32>} : memref<64x128xf32, #tpu.memory_space<vmem>>, vector<1x16xf32>,
        %get3A_790 = arith.index_cast %add3A_764 : i32 to index
        %get3A_791 = arith.constant 32 : index
        %get3A_792 = tpu.vector_load %arg11[%get3A_790, %get3A_791] {strides = array<i32>} : memref<64x128xf32, #tpu.memory_space<vmem>>, vector<1x16xf32>,
        %get3A_793 = vector.shape_cast %get3A_792 : vector<1x16xf32> to vector<16xf32>
        %mul3A_794 = arith.mulf %get3A_793, %get3A_769 : vector<16xf32>
        %swap3A_795 = arith.index_cast %add3A_764 : i32 to index
        %swap3A_796 = arith.constant 32 : index
        %swap3A_797 = tpu.vector_load %arg13[%swap3A_795, %swap3A_796] {strides = array<i32>} : memref<64x128xf32, #tpu.memory_space<vmem>>, vector<1x16xf32>,
        %swap3A_798 = vector.shape_cast %swap3A_797 : vector<1x16xf32> to vector<16xf32>
        %swap3A_799 = vector.shape_cast %mul3A_794 : vector<16xf32> to vector<1x16xf32>
        tpu.vector_store %arg13[%swap3A_795, %swap3A_796], %swap3A_799 {strides = array<i32>} : memref<64x128xf32, #tpu.memory_space<vmem>>, vector<1x16xf32>,
        %get3A_800 = arith.index_cast %add3A_764 : i32 to index
        %get3A_801 = arith.constant 48 : index
        %get3A_802 = tpu.vector_load %arg11[%get3A_800, %get3A_801] {strides = array<i32>} : memref<64x128xf32, #tpu.memory_space<vmem>>, vector<1x16xf32>,
        %get3A_803 = vector.shape_cast %get3A_802 : vector<1x16xf32> to vector<16xf32>
        %mul3A_804 = arith.mulf %get3A_803, %get3A_769 : vector<16xf32>
        %swap3A_805 = arith.index_cast %add3A_764 : i32 to index
        %swap3A_806 = arith.constant 48 : index
        %swap3A_807 = tpu.vector_load %arg13[%swap3A_805, %swap3A_806] {strides = array<i32>} : memref<64x128xf32, #tpu.memory_space<vmem>>, vector<1x16xf32>,
        %swap3A_808 = vector.shape_cast %swap3A_807 : vector<1x16xf32> to vector<16xf32>
        %swap3A_809 = vector.shape_cast %mul3A_804 : vector<16xf32> to vector<1x16xf32>
        tpu.vector_store %arg13[%swap3A_805, %swap3A_806], %swap3A_809 {strides = array<i32>} : memref<64x128xf32, #tpu.memory_space<vmem>>, vector<1x16xf32>,
        %get3A_810 = arith.index_cast %add3A_764 : i32 to index
        %get3A_811 = arith.constant 64 : index
        %get3A_812 = tpu.vector_load %arg11[%get3A_810, %get3A_811] {strides = array<i32>} : memref<64x128xf32, #tpu.memory_space<vmem>>, vector<1x16xf32>,
        %get3A_813 = vector.shape_cast %get3A_812 : vector<1x16xf32> to vector<16xf32>
        %mul3A_814 = arith.mulf %get3A_813, %get3A_769 : vector<16xf32>
        %swap3A_815 = arith.index_cast %add3A_764 : i32 to index
        %swap3A_816 = arith.constant 64 : index
        %swap3A_817 = tpu.vector_load %arg13[%swap3A_815, %swap3A_816] {strides = array<i32>} : memref<64x128xf32, #tpu.memory_space<vmem>>, vector<1x16xf32>,
        %swap3A_818 = vector.shape_cast %swap3A_817 : vector<1x16xf32> to vector<16xf32>
        %swap3A_819 = vector.shape_cast %mul3A_814 : vector<16xf32> to vector<1x16xf32>
        tpu.vector_store %arg13[%swap3A_815, %swap3A_816], %swap3A_819 {strides = array<i32>} : memref<64x128xf32, #tpu.memory_space<vmem>>, vector<1x16xf32>,
        %get3A_820 = arith.index_cast %add3A_764 : i32 to index
        %get3A_821 = arith.constant 80 : index
        %get3A_822 = tpu.vector_load %arg11[%get3A_820, %get3A_821] {strides = array<i32>} : memref<64x128xf32, #tpu.memory_space<vmem>>, vector<1x16xf32>,
        %get3A_823 = vector.shape_cast %get3A_822 : vector<1x16xf32> to vector<16xf32>
        %mul3A_824 = arith.mulf %get3A_823, %get3A_769 : vector<16xf32>
        %swap3A_825 = arith.index_cast %add3A_764 : i32 to index
        %swap3A_826 = arith.constant 80 : index
        %swap3A_827 = tpu.vector_load %arg13[%swap3A_825, %swap3A_826] {strides = array<i32>} : memref<64x128xf32, #tpu.memory_space<vmem>>, vector<1x16xf32>,
        %swap3A_828 = vector.shape_cast %swap3A_827 : vector<1x16xf32> to vector<16xf32>
        %swap3A_829 = vector.shape_cast %mul3A_824 : vector<16xf32> to vector<1x16xf32>
        tpu.vector_store %arg13[%swap3A_825, %swap3A_826], %swap3A_829 {strides = array<i32>} : memref<64x128xf32, #tpu.memory_space<vmem>>, vector<1x16xf32>,
        %get3A_830 = arith.index_cast %add3A_764 : i32 to index
        %get3A_831 = arith.constant 96 : index
        %get3A_832 = tpu.vector_load %arg11[%get3A_830, %get3A_831] {strides = array<i32>} : memref<64x128xf32, #tpu.memory_space<vmem>>, vector<1x16xf32>,
        %get3A_833 = vector.shape_cast %get3A_832 : vector<1x16xf32> to vector<16xf32>
        %mul3A_834 = arith.mulf %get3A_833, %get3A_769 : vector<16xf32>
        %swap3A_835 = arith.index_cast %add3A_764 : i32 to index
        %swap3A_836 = arith.constant 96 : index
        %swap3A_837 = tpu.vector_load %arg13[%swap3A_835, %swap3A_836] {strides = array<i32>} : memref<64x128xf32, #tpu.memory_space<vmem>>, vector<1x16xf32>,
        %swap3A_838 = vector.shape_cast %swap3A_837 : vector<1x16xf32> to vector<16xf32>
        %swap3A_839 = vector.shape_cast %mul3A_834 : vector<16xf32> to vector<1x16xf32>
        tpu.vector_store %arg13[%swap3A_835, %swap3A_836], %swap3A_839 {strides = array<i32>} : memref<64x128xf32, #tpu.memory_space<vmem>>, vector<1x16xf32>,
        %get3A_840 = arith.index_cast %add3A_764 : i32 to index
        %get3A_841 = arith.constant 112 : index
        %get3A_842 = tpu.vector_load %arg11[%get3A_840, %get3A_841] {strides = array<i32>} : memref<64x128xf32, #tpu.memory_space<vmem>>, vector<1x16xf32>,
        %get3A_843 = vector.shape_cast %get3A_842 : vector<1x16xf32> to vector<16xf32>
        %mul3A_844 = arith.mulf %get3A_843, %get3A_769 : vector<16xf32>
        %swap3A_845 = arith.index_cast %add3A_764 : i32 to index
        %swap3A_846 = arith.constant 112 : index
        %swap3A_847 = tpu.vector_load %arg13[%swap3A_845, %swap3A_846] {strides = array<i32>} : memref<64x128xf32, #tpu.memory_space<vmem>>, vector<1x16xf32>,
        %swap3A_848 = vector.shape_cast %swap3A_847 : vector<1x16xf32> to vector<16xf32>
        %swap3A_849 = vector.shape_cast %mul3A_844 : vector<16xf32> to vector<1x16xf32>
        tpu.vector_store %arg13[%swap3A_845, %swap3A_846], %swap3A_849 {strides = array<i32>} : memref<64x128xf32, #tpu.memory_space<vmem>>, vector<1x16xf32>,
        %mul3A_850 = arith.constant 8 : i32
        %mul3A_851 = arith.muli %scan3A_228, %mul3A_850 : i32
        %add3A_852 = arith.constant 7 : i32
        %add3A_853 = arith.addi %mul3A_851, %add3A_852 : i32
        %mul3A_854 = arith.constant 16 : i32
        %mul3A_855 = arith.muli %add3A_853, %mul3A_854 : i32
        %get3A_856 = arith.index_cast %mul3A_855 : i32 to index
        %get3A_857 = tpu.vector_load %arg9[%get3A_856] {strides = array<i32>} : memref<1024xf32, #tpu.memory_space<vmem>>, vector<16xf32>,
        %get3A_858 = vector.shape_cast %get3A_857 : vector<16xf32> to vector<16xf32>
        %get3A_859 = arith.index_cast %add3A_853 : i32 to index
        %get3A_860 = arith.constant 0 : index
        %get3A_861 = tpu.vector_load %arg11[%get3A_859, %get3A_860] {strides = array<i32>} : memref<64x128xf32, #tpu.memory_space<vmem>>, vector<1x16xf32>,
        %get3A_862 = vector.shape_cast %get3A_861 : vector<1x16xf32> to vector<16xf32>
        %mul3A_863 = arith.mulf %get3A_862, %get3A_858 : vector<16xf32>
        %swap3A_864 = arith.index_cast %add3A_853 : i32 to index
        %swap3A_865 = arith.constant 0 : index
        %swap3A_866 = tpu.vector_load %arg13[%swap3A_864, %swap3A_865] {strides = array<i32>} : memref<64x128xf32, #tpu.memory_space<vmem>>, vector<1x16xf32>,
        %swap3A_867 = vector.shape_cast %swap3A_866 : vector<1x16xf32> to vector<16xf32>
        %swap3A_868 = vector.shape_cast %mul3A_863 : vector<16xf32> to vector<1x16xf32>
        tpu.vector_store %arg13[%swap3A_864, %swap3A_865], %swap3A_868 {strides = array<i32>} : memref<64x128xf32, #tpu.memory_space<vmem>>, vector<1x16xf32>,
        %get3A_869 = arith.index_cast %add3A_853 : i32 to index
        %get3A_870 = arith.constant 16 : index
        %get3A_871 = tpu.vector_load %arg11[%get3A_869, %get3A_870] {strides = array<i32>} : memref<64x128xf32, #tpu.memory_space<vmem>>, vector<1x16xf32>,
        %get3A_872 = vector.shape_cast %get3A_871 : vector<1x16xf32> to vector<16xf32>
        %mul3A_873 = arith.mulf %get3A_872, %get3A_858 : vector<16xf32>
        %swap3A_874 = arith.index_cast %add3A_853 : i32 to index
        %swap3A_875 = arith.constant 16 : index
        %swap3A_876 = tpu.vector_load %arg13[%swap3A_874, %swap3A_875] {strides = array<i32>} : memref<64x128xf32, #tpu.memory_space<vmem>>, vector<1x16xf32>,
        %swap3A_877 = vector.shape_cast %swap3A_876 : vector<1x16xf32> to vector<16xf32>
        %swap3A_878 = vector.shape_cast %mul3A_873 : vector<16xf32> to vector<1x16xf32>
        tpu.vector_store %arg13[%swap3A_874, %swap3A_875], %swap3A_878 {strides = array<i32>} : memref<64x128xf32, #tpu.memory_space<vmem>>, vector<1x16xf32>,
        %get3A_879 = arith.index_cast %add3A_853 : i32 to index
        %get3A_880 = arith.constant 32 : index
        %get3A_881 = tpu.vector_load %arg11[%get3A_879, %get3A_880] {strides = array<i32>} : memref<64x128xf32, #tpu.memory_space<vmem>>, vector<1x16xf32>,
        %get3A_882 = vector.shape_cast %get3A_881 : vector<1x16xf32> to vector<16xf32>
        %mul3A_883 = arith.mulf %get3A_882, %get3A_858 : vector<16xf32>
        %swap3A_884 = arith.index_cast %add3A_853 : i32 to index
        %swap3A_885 = arith.constant 32 : index
        %swap3A_886 = tpu.vector_load %arg13[%swap3A_884, %swap3A_885] {strides = array<i32>} : memref<64x128xf32, #tpu.memory_space<vmem>>, vector<1x16xf32>,
        %swap3A_887 = vector.shape_cast %swap3A_886 : vector<1x16xf32> to vector<16xf32>
        %swap3A_888 = vector.shape_cast %mul3A_883 : vector<16xf32> to vector<1x16xf32>
        tpu.vector_store %arg13[%swap3A_884, %swap3A_885], %swap3A_888 {strides = array<i32>} : memref<64x128xf32, #tpu.memory_space<vmem>>, vector<1x16xf32>,
        %get3A_889 = arith.index_cast %add3A_853 : i32 to index
        %get3A_890 = arith.constant 48 : index
        %get3A_891 = tpu.vector_load %arg11[%get3A_889, %get3A_890] {strides = array<i32>} : memref<64x128xf32, #tpu.memory_space<vmem>>, vector<1x16xf32>,
        %get3A_892 = vector.shape_cast %get3A_891 : vector<1x16xf32> to vector<16xf32>
        %mul3A_893 = arith.mulf %get3A_892, %get3A_858 : vector<16xf32>
        %swap3A_894 = arith.index_cast %add3A_853 : i32 to index
        %swap3A_895 = arith.constant 48 : index
        %swap3A_896 = tpu.vector_load %arg13[%swap3A_894, %swap3A_895] {strides = array<i32>} : memref<64x128xf32, #tpu.memory_space<vmem>>, vector<1x16xf32>,
        %swap3A_897 = vector.shape_cast %swap3A_896 : vector<1x16xf32> to vector<16xf32>
        %swap3A_898 = vector.shape_cast %mul3A_893 : vector<16xf32> to vector<1x16xf32>
        tpu.vector_store %arg13[%swap3A_894, %swap3A_895], %swap3A_898 {strides = array<i32>} : memref<64x128xf32, #tpu.memory_space<vmem>>, vector<1x16xf32>,
        %get3A_899 = arith.index_cast %add3A_853 : i32 to index
        %get3A_900 = arith.constant 64 : index
        %get3A_901 = tpu.vector_load %arg11[%get3A_899, %get3A_900] {strides = array<i32>} : memref<64x128xf32, #tpu.memory_space<vmem>>, vector<1x16xf32>,
        %get3A_902 = vector.shape_cast %get3A_901 : vector<1x16xf32> to vector<16xf32>
        %mul3A_903 = arith.mulf %get3A_902, %get3A_858 : vector<16xf32>
        %swap3A_904 = arith.index_cast %add3A_853 : i32 to index
        %swap3A_905 = arith.constant 64 : index
        %swap3A_906 = tpu.vector_load %arg13[%swap3A_904, %swap3A_905] {strides = array<i32>} : memref<64x128xf32, #tpu.memory_space<vmem>>, vector<1x16xf32>,
        %swap3A_907 = vector.shape_cast %swap3A_906 : vector<1x16xf32> to vector<16xf32>
        %swap3A_908 = vector.shape_cast %mul3A_903 : vector<16xf32> to vector<1x16xf32>
        tpu.vector_store %arg13[%swap3A_904, %swap3A_905], %swap3A_908 {strides = array<i32>} : memref<64x128xf32, #tpu.memory_space<vmem>>, vector<1x16xf32>,
        %get3A_909 = arith.index_cast %add3A_853 : i32 to index
        %get3A_910 = arith.constant 80 : index
        %get3A_911 = tpu.vector_load %arg11[%get3A_909, %get3A_910] {strides = array<i32>} : memref<64x128xf32, #tpu.memory_space<vmem>>, vector<1x16xf32>,
        %get3A_912 = vector.shape_cast %get3A_911 : vector<1x16xf32> to vector<16xf32>
        %mul3A_913 = arith.mulf %get3A_912, %get3A_858 : vector<16xf32>
        %swap3A_914 = arith.index_cast %add3A_853 : i32 to index
        %swap3A_915 = arith.constant 80 : index
        %swap3A_916 = tpu.vector_load %arg13[%swap3A_914, %swap3A_915] {strides = array<i32>} : memref<64x128xf32, #tpu.memory_space<vmem>>, vector<1x16xf32>,
        %swap3A_917 = vector.shape_cast %swap3A_916 : vector<1x16xf32> to vector<16xf32>
        %swap3A_918 = vector.shape_cast %mul3A_913 : vector<16xf32> to vector<1x16xf32>
        tpu.vector_store %arg13[%swap3A_914, %swap3A_915], %swap3A_918 {strides = array<i32>} : memref<64x128xf32, #tpu.memory_space<vmem>>, vector<1x16xf32>,
        %get3A_919 = arith.index_cast %add3A_853 : i32 to index
        %get3A_920 = arith.constant 96 : index
        %get3A_921 = tpu.vector_load %arg11[%get3A_919, %get3A_920] {strides = array<i32>} : memref<64x128xf32, #tpu.memory_space<vmem>>, vector<1x16xf32>,
        %get3A_922 = vector.shape_cast %get3A_921 : vector<1x16xf32> to vector<16xf32>
        %mul3A_923 = arith.mulf %get3A_922, %get3A_858 : vector<16xf32>
        %swap3A_924 = arith.index_cast %add3A_853 : i32 to index
        %swap3A_925 = arith.constant 96 : index
        %swap3A_926 = tpu.vector_load %arg13[%swap3A_924, %swap3A_925] {strides = array<i32>} : memref<64x128xf32, #tpu.memory_space<vmem>>, vector<1x16xf32>,
        %swap3A_927 = vector.shape_cast %swap3A_926 : vector<1x16xf32> to vector<16xf32>
        %swap3A_928 = vector.shape_cast %mul3A_923 : vector<16xf32> to vector<1x16xf32>
        tpu.vector_store %arg13[%swap3A_924, %swap3A_925], %swap3A_928 {strides = array<i32>} : memref<64x128xf32, #tpu.memory_space<vmem>>, vector<1x16xf32>,
        %get3A_929 = arith.index_cast %add3A_853 : i32 to index
        %get3A_930 = arith.constant 112 : index
        %get3A_931 = tpu.vector_load %arg11[%get3A_929, %get3A_930] {strides = array<i32>} : memref<64x128xf32, #tpu.memory_space<vmem>>, vector<1x16xf32>,
        %get3A_932 = vector.shape_cast %get3A_931 : vector<1x16xf32> to vector<16xf32>
        %mul3A_933 = arith.mulf %get3A_932, %get3A_858 : vector<16xf32>
        %swap3A_934 = arith.index_cast %add3A_853 : i32 to index
        %swap3A_935 = arith.constant 112 : index
        %swap3A_936 = tpu.vector_load %arg13[%swap3A_934, %swap3A_935] {strides = array<i32>} : memref<64x128xf32, #tpu.memory_space<vmem>>, vector<1x16xf32>,
        %swap3A_937 = vector.shape_cast %swap3A_936 : vector<1x16xf32> to vector<16xf32>
        %swap3A_938 = vector.shape_cast %mul3A_933 : vector<16xf32> to vector<1x16xf32>
        tpu.vector_store %arg13[%swap3A_934, %swap3A_935], %swap3A_938 {strides = array<i32>} : memref<64x128xf32, #tpu.memory_space<vmem>>, vector<1x16xf32>,
      }
      %scan3A_89 = arith.constant 8 : i32
      %dma_start3A_90 = arith.constant 0 : i32
      %dma_start3A_91 = arith.constant 0 : i32
      %dma_start3A_92 = tpu.memref_slice %arg19[%dma_start3A_90, %dma_start3A_91] : memref<10000x128xf32, #tpu.memory_space<vmem_shared>> -> memref<10000x128xf32, #tpu.memory_space<vmem_shared>>
      tpu.enqueue_indirect_dma source(%arg13 : memref<64x128xf32, #tpu.memory_space<vmem>>) target(%dma_start3A_92 : memref<10000x128xf32, #tpu.memory_space<vmem_shared>>) offsets(%arg15 : memref<64xi32, #tpu.memory_space<vmem>>) semaphore(%arg24 : memref<!tpu.dma_semaphore, #tpu.memory_space<semaphore_mem>>) {add = true}
      %add3A_93 = arith.constant 2 : i32
      %add3A_94 = arith.addi %add3A_61, %add3A_93 : i32
      %lt3A = arith.constant 160 : i32
      %lt3A_95 = arith.cmpi slt, %add3A_94, %lt3A : i32
      %convert_element_type3A_96 = arith.extui %lt3A_95 : i1 to i32
      %cond3A_97 = arith.constant 0 : i32
      %cond3A_98 = arith.cmpi ne, %convert_element_type3A_96, %cond3A_97 : i32
      scf.if %cond3A_98 {
        %add3A_228 = arith.constant 2 : i32
        %add3A_229 = arith.addi %add3A_61, %add3A_228 : i32
        %mul3A_230 = arith.constant 64 : i32
        %mul3A_231 = arith.muli %add3A_229, %mul3A_230 : i32
        %add3A_232 = arith.addi %mul3A_6, %mul3A_231 : i32
        %mul3A_233 = arith.constant 16 : i32
        %mul3A_234 = arith.muli %add3A_232, %mul3A_233 : i32
        %dma_start3A_235 = tpu.memref_slice %arg6[%mul3A_234] : memref<2621440xf32, #tpu.memory_space<hbm>> -> memref<1024xf32, #tpu.memory_space<hbm>>
        %dma_start3A_236 = tpu.memref_slice %arg6[%mul3A_234] : memref<2621440xf32, #tpu.memory_space<hbm>> -> memref<1024xf32, #tpu.memory_space<hbm>>
        tpu.enqueue_dma source(%dma_start3A_236 : memref<1024xf32, #tpu.memory_space<hbm>>) target(%arg9 : memref<1024xf32, #tpu.memory_space<vmem>>) target_semaphore(%arg22 : memref<!tpu.dma_semaphore, #tpu.memory_space<semaphore_mem>>)
        %mul3A_237 = arith.constant 64 : i32
        %mul3A_238 = arith.muli %add3A_229, %mul3A_237 : i32
        %add3A_239 = arith.addi %mul3A_6, %mul3A_238 : i32
        %dma_start3A_240 = tpu.memref_slice %arg4[%add3A_239] : memref<163840xi32, #tpu.memory_space<hbm>> -> memref<64xi32, #tpu.memory_space<hbm>>
        %dma_start3A_241 = tpu.memref_slice %arg4[%add3A_239] : memref<163840xi32, #tpu.memory_space<hbm>> -> memref<64xi32, #tpu.memory_space<hbm>>
        tpu.enqueue_dma source(%dma_start3A_241 : memref<64xi32, #tpu.memory_space<hbm>>) target(%arg17 : memref<64xi32, #tpu.memory_space<vmem>>) target_semaphore(%arg20 : memref<!tpu.dma_semaphore, #tpu.memory_space<semaphore_mem>>)
        %mul3A_242 = arith.constant 64 : i32
        %mul3A_243 = arith.muli %add3A_229, %mul3A_242 : i32
        %dma_start3A_244 = tpu.memref_slice %arg8[%mul3A_243] : memref<10240xi32, #tpu.memory_space<vmem>> -> memref<64xi32, #tpu.memory_space<vmem>>
        %dma_start3A_245 = arith.constant 0 : i32
        %dma_start3A_246 = arith.constant 0 : i32
        %dma_start3A_247 = tpu.memref_slice %arg2[%dma_start3A_245, %dma_start3A_246] : memref<20000x128xf32, #tpu.memory_space<hbm>> -> memref<20000x128xf32, #tpu.memory_space<hbm>>
        tpu.enqueue_indirect_dma source(%dma_start3A_247 : memref<20000x128xf32, #tpu.memory_space<hbm>>) target(%arg11 : memref<64x128xf32, #tpu.memory_space<vmem>>) offsets(%dma_start3A_244 : memref<64xi32, #tpu.memory_space<vmem>>) semaphore(%arg20 : memref<!tpu.dma_semaphore, #tpu.memory_space<semaphore_mem>>)
      } else {
      }
      %mul3A_99 = arith.constant 4 : i32
      %mul3A_100 = arith.muli %mul3A_99, %scan3A_57 : i32
      %add3A_101 = arith.constant 1 : i32
      %add3A_102 = arith.addi %mul3A_100, %add3A_101 : i32
      %mul3A_103 = arith.constant 64 : i32
      %mul3A_104 = arith.muli %add3A_102, %mul3A_103 : i32
      %add3A_105 = arith.addi %mul3A_6, %mul3A_104 : i32
      %mul3A_106 = arith.constant 16 : i32
      %mul3A_107 = arith.muli %add3A_105, %mul3A_106 : i32
      %dma_wait3A_108 = tpu.memref_slice %arg6[%mul3A_107] : memref<2621440xf32, #tpu.memory_space<hbm>> -> memref<1024xf32, #tpu.memory_space<hbm>>
      %dma_wait3A_109 = tpu.memref_slice %arg6[%mul3A_107] : memref<2621440xf32, #tpu.memory_space<hbm>> -> memref<1024xf32, #tpu.memory_space<hbm>>
      tpu.wait_dma2 semaphore(%arg23 : memref<!tpu.dma_semaphore, #tpu.memory_space<semaphore_mem>>) src(%dma_wait3A_109 : memref<1024xf32, #tpu.memory_space<hbm>>) dst(%arg10 : memref<1024xf32, #tpu.memory_space<vmem>>)
      %mul3A_110 = arith.constant 64 : i32
      %mul3A_111 = arith.muli %add3A_102, %mul3A_110 : i32
      %add3A_112 = arith.addi %mul3A_6, %mul3A_111 : i32
      %dma_wait3A_113 = tpu.memref_slice %arg4[%add3A_112] : memref<163840xi32, #tpu.memory_space<hbm>> -> memref<64xi32, #tpu.memory_space<hbm>>
      %dma_wait3A_114 = tpu.memref_slice %arg4[%add3A_112] : memref<163840xi32, #tpu.memory_space<hbm>> -> memref<64xi32, #tpu.memory_space<hbm>>
      tpu.wait_dma2 semaphore(%arg21 : memref<!tpu.dma_semaphore, #tpu.memory_space<semaphore_mem>>) src(%dma_wait3A_114 : memref<64xi32, #tpu.memory_space<hbm>>) dst(%arg16 : memref<64xi32, #tpu.memory_space<vmem>>)
      %mul3A_115 = arith.constant 64 : i32
      %mul3A_116 = arith.muli %add3A_102, %mul3A_115 : i32
      %dma_wait3A_117 = tpu.memref_slice %arg8[%mul3A_116] : memref<10240xi32, #tpu.memory_space<vmem>> -> memref<64xi32, #tpu.memory_space<vmem>>
      %dma_wait3A_118 = arith.constant 0 : i32
      %dma_wait3A_119 = arith.constant 0 : i32
      %dma_wait3A_120 = tpu.memref_slice %arg2[%dma_wait3A_118, %dma_wait3A_119] : memref<20000x128xf32, #tpu.memory_space<hbm>> -> memref<20000x128xf32, #tpu.memory_space<hbm>>
      tpu.wait_indirect_dma semaphore(%arg21 : memref<!tpu.dma_semaphore, #tpu.memory_space<semaphore_mem>>) src(%dma_wait3A_120 : memref<20000x128xf32, #tpu.memory_space<hbm>>) dst(%arg12 : memref<64x128xf32, #tpu.memory_space<vmem>>)
      %ge3A_121 = arith.constant 2 : i32
      %ge3A_122 = arith.cmpi sge, %add3A_102, %ge3A_121 : i32
      %convert_element_type3A_123 = arith.extui %ge3A_122 : i1 to i32
      %cond3A_124 = arith.constant 0 : i32
      %cond3A_125 = arith.cmpi ne, %convert_element_type3A_123, %cond3A_124 : i32
      scf.if %cond3A_125 {
        %dma_wait3A_228 = arith.constant 0 : i32
        %dma_wait3A_229 = arith.constant 0 : i32
        %dma_wait3A_230 = tpu.memref_slice %arg19[%dma_wait3A_228, %dma_wait3A_229] : memref<10000x128xf32, #tpu.memory_space<vmem_shared>> -> memref<10000x128xf32, #tpu.memory_space<vmem_shared>>
        tpu.wait_indirect_dma semaphore(%arg25 : memref<!tpu.dma_semaphore, #tpu.memory_space<semaphore_mem>>) src(%arg14 : memref<64x128xf32, #tpu.memory_space<vmem>>) dst(%dma_wait3A_230 : memref<10000x128xf32, #tpu.memory_space<vmem_shared>>)
      } else {
      }
      %scan3A_126 = arith.constant 0 : i32
      %scan3A_127 = arith.constant 0 : i32
      %scan3A_128 = arith.constant 8 : i32
      %scan3A_129 = arith.addi %scan3A_127, %scan3A_128 : i32
      %scan3A_130 = arith.constant 1 : i32
      scf.for %scan3A_228 = %scan3A_127 to %scan3A_129 step %scan3A_130  : i32 {
        %mul3A_229 = arith.constant 8 : i32
        %mul3A_230 = arith.muli %scan3A_228, %mul3A_229 : i32
        %add3A_231 = arith.constant 0 : i32
        %add3A_232 = arith.addi %mul3A_230, %add3A_231 : i32
        %mul3A_233 = arith.constant 16 : i32
        %mul3A_234 = arith.muli %add3A_232, %mul3A_233 : i32
        %get3A = arith.index_cast %mul3A_234 : i32 to index
        %get3A_235 = tpu.vector_load %arg10[%get3A] {strides = array<i32>} : memref<1024xf32, #tpu.memory_space<vmem>>, vector<16xf32>,
        %get3A_236 = vector.shape_cast %get3A_235 : vector<16xf32> to vector<16xf32>
        %get3A_237 = arith.index_cast %add3A_232 : i32 to index
        %get3A_238 = arith.constant 0 : index
        %get3A_239 = tpu.vector_load %arg12[%get3A_237, %get3A_238] {strides = array<i32>} : memref<64x128xf32, #tpu.memory_space<vmem>>, vector<1x16xf32>,
        %get3A_240 = vector.shape_cast %get3A_239 : vector<1x16xf32> to vector<16xf32>
        %mul3A_241 = arith.mulf %get3A_240, %get3A_236 : vector<16xf32>
        %swap3A = arith.index_cast %add3A_232 : i32 to index
        %swap3A_242 = arith.constant 0 : index
        %swap3A_243 = tpu.vector_load %arg14[%swap3A, %swap3A_242] {strides = array<i32>} : memref<64x128xf32, #tpu.memory_space<vmem>>, vector<1x16xf32>,
        %swap3A_244 = vector.shape_cast %swap3A_243 : vector<1x16xf32> to vector<16xf32>
        %swap3A_245 = vector.shape_cast %mul3A_241 : vector<16xf32> to vector<1x16xf32>
        tpu.vector_store %arg14[%swap3A, %swap3A_242], %swap3A_245 {strides = array<i32>} : memref<64x128xf32, #tpu.memory_space<vmem>>, vector<1x16xf32>,
        %get3A_246 = arith.index_cast %add3A_232 : i32 to index
        %get3A_247 = arith.constant 16 : index
        %get3A_248 = tpu.vector_load %arg12[%get3A_246, %get3A_247] {strides = array<i32>} : memref<64x128xf32, #tpu.memory_space<vmem>>, vector<1x16xf32>,
        %get3A_249 = vector.shape_cast %get3A_248 : vector<1x16xf32> to vector<16xf32>
        %mul3A_250 = arith.mulf %get3A_249, %get3A_236 : vector<16xf32>
        %swap3A_251 = arith.index_cast %add3A_232 : i32 to index
        %swap3A_252 = arith.constant 16 : index
        %swap3A_253 = tpu.vector_load %arg14[%swap3A_251, %swap3A_252] {strides = array<i32>} : memref<64x128xf32, #tpu.memory_space<vmem>>, vector<1x16xf32>,
        %swap3A_254 = vector.shape_cast %swap3A_253 : vector<1x16xf32> to vector<16xf32>
        %swap3A_255 = vector.shape_cast %mul3A_250 : vector<16xf32> to vector<1x16xf32>
        tpu.vector_store %arg14[%swap3A_251, %swap3A_252], %swap3A_255 {strides = array<i32>} : memref<64x128xf32, #tpu.memory_space<vmem>>, vector<1x16xf32>,
        %get3A_256 = arith.index_cast %add3A_232 : i32 to index
        %get3A_257 = arith.constant 32 : index
        %get3A_258 = tpu.vector_load %arg12[%get3A_256, %get3A_257] {strides = array<i32>} : memref<64x128xf32, #tpu.memory_space<vmem>>, vector<1x16xf32>,
        %get3A_259 = vector.shape_cast %get3A_258 : vector<1x16xf32> to vector<16xf32>
        %mul3A_260 = arith.mulf %get3A_259, %get3A_236 : vector<16xf32>
        %swap3A_261 = arith.index_cast %add3A_232 : i32 to index
        %swap3A_262 = arith.constant 32 : index
        %swap3A_263 = tpu.vector_load %arg14[%swap3A_261, %swap3A_262] {strides = array<i32>} : memref<64x128xf32, #tpu.memory_space<vmem>>, vector<1x16xf32>,
        %swap3A_264 = vector.shape_cast %swap3A_263 : vector<1x16xf32> to vector<16xf32>
        %swap3A_265 = vector.shape_cast %mul3A_260 : vector<16xf32> to vector<1x16xf32>
        tpu.vector_store %arg14[%swap3A_261, %swap3A_262], %swap3A_265 {strides = array<i32>} : memref<64x128xf32, #tpu.memory_space<vmem>>, vector<1x16xf32>,
        %get3A_266 = arith.index_cast %add3A_232 : i32 to index
        %get3A_267 = arith.constant 48 : index
        %get3A_268 = tpu.vector_load %arg12[%get3A_266, %get3A_267] {strides = array<i32>} : memref<64x128xf32, #tpu.memory_space<vmem>>, vector<1x16xf32>,
        %get3A_269 = vector.shape_cast %get3A_268 : vector<1x16xf32> to vector<16xf32>
        %mul3A_270 = arith.mulf %get3A_269, %get3A_236 : vector<16xf32>
        %swap3A_271 = arith.index_cast %add3A_232 : i32 to index
        %swap3A_272 = arith.constant 48 : index
        %swap3A_273 = tpu.vector_load %arg14[%swap3A_271, %swap3A_272] {strides = array<i32>} : memref<64x128xf32, #tpu.memory_space<vmem>>, vector<1x16xf32>,
        %swap3A_274 = vector.shape_cast %swap3A_273 : vector<1x16xf32> to vector<16xf32>
        %swap3A_275 = vector.shape_cast %mul3A_270 : vector<16xf32> to vector<1x16xf32>
        tpu.vector_store %arg14[%swap3A_271, %swap3A_272], %swap3A_275 {strides = array<i32>} : memref<64x128xf32, #tpu.memory_space<vmem>>, vector<1x16xf32>,
        %get3A_276 = arith.index_cast %add3A_232 : i32 to index
        %get3A_277 = arith.constant 64 : index
        %get3A_278 = tpu.vector_load %arg12[%get3A_276, %get3A_277] {strides = array<i32>} : memref<64x128xf32, #tpu.memory_space<vmem>>, vector<1x16xf32>,
        %get3A_279 = vector.shape_cast %get3A_278 : vector<1x16xf32> to vector<16xf32>
        %mul3A_280 = arith.mulf %get3A_279, %get3A_236 : vector<16xf32>
        %swap3A_281 = arith.index_cast %add3A_232 : i32 to index
        %swap3A_282 = arith.constant 64 : index
        %swap3A_283 = tpu.vector_load %arg14[%swap3A_281, %swap3A_282] {strides = array<i32>} : memref<64x128xf32, #tpu.memory_space<vmem>>, vector<1x16xf32>,
        %swap3A_284 = vector.shape_cast %swap3A_283 : vector<1x16xf32> to vector<16xf32>
        %swap3A_285 = vector.shape_cast %mul3A_280 : vector<16xf32> to vector<1x16xf32>
        tpu.vector_store %arg14[%swap3A_281, %swap3A_282], %swap3A_285 {strides = array<i32>} : memref<64x128xf32, #tpu.memory_space<vmem>>, vector<1x16xf32>,
        %get3A_286 = arith.index_cast %add3A_232 : i32 to index
        %get3A_287 = arith.constant 80 : index
        %get3A_288 = tpu.vector_load %arg12[%get3A_286, %get3A_287] {strides = array<i32>} : memref<64x128xf32, #tpu.memory_space<vmem>>, vector<1x16xf32>,
        %get3A_289 = vector.shape_cast %get3A_288 : vector<1x16xf32> to vector<16xf32>
        %mul3A_290 = arith.mulf %get3A_289, %get3A_236 : vector<16xf32>
        %swap3A_291 = arith.index_cast %add3A_232 : i32 to index
        %swap3A_292 = arith.constant 80 : index
        %swap3A_293 = tpu.vector_load %arg14[%swap3A_291, %swap3A_292] {strides = array<i32>} : memref<64x128xf32, #tpu.memory_space<vmem>>, vector<1x16xf32>,
        %swap3A_294 = vector.shape_cast %swap3A_293 : vector<1x16xf32> to vector<16xf32>
        %swap3A_295 = vector.shape_cast %mul3A_290 : vector<16xf32> to vector<1x16xf32>
        tpu.vector_store %arg14[%swap3A_291, %swap3A_292], %swap3A_295 {strides = array<i32>} : memref<64x128xf32, #tpu.memory_space<vmem>>, vector<1x16xf32>,
        %get3A_296 = arith.index_cast %add3A_232 : i32 to index
        %get3A_297 = arith.constant 96 : index
        %get3A_298 = tpu.vector_load %arg12[%get3A_296, %get3A_297] {strides = array<i32>} : memref<64x128xf32, #tpu.memory_space<vmem>>, vector<1x16xf32>,
        %get3A_299 = vector.shape_cast %get3A_298 : vector<1x16xf32> to vector<16xf32>
        %mul3A_300 = arith.mulf %get3A_299, %get3A_236 : vector<16xf32>
        %swap3A_301 = arith.index_cast %add3A_232 : i32 to index
        %swap3A_302 = arith.constant 96 : index
        %swap3A_303 = tpu.vector_load %arg14[%swap3A_301, %swap3A_302] {strides = array<i32>} : memref<64x128xf32, #tpu.memory_space<vmem>>, vector<1x16xf32>,
        %swap3A_304 = vector.shape_cast %swap3A_303 : vector<1x16xf32> to vector<16xf32>
        %swap3A_305 = vector.shape_cast %mul3A_300 : vector<16xf32> to vector<1x16xf32>
        tpu.vector_store %arg14[%swap3A_301, %swap3A_302], %swap3A_305 {strides = array<i32>} : memref<64x128xf32, #tpu.memory_space<vmem>>, vector<1x16xf32>,
        %get3A_306 = arith.index_cast %add3A_232 : i32 to index
        %get3A_307 = arith.constant 112 : index
        %get3A_308 = tpu.vector_load %arg12[%get3A_306, %get3A_307] {strides = array<i32>} : memref<64x128xf32, #tpu.memory_space<vmem>>, vector<1x16xf32>,
        %get3A_309 = vector.shape_cast %get3A_308 : vector<1x16xf32> to vector<16xf32>
        %mul3A_310 = arith.mulf %get3A_309, %get3A_236 : vector<16xf32>
        %swap3A_311 = arith.index_cast %add3A_232 : i32 to index
        %swap3A_312 = arith.constant 112 : index
        %swap3A_313 = tpu.vector_load %arg14[%swap3A_311, %swap3A_312] {strides = array<i32>} : memref<64x128xf32, #tpu.memory_space<vmem>>, vector<1x16xf32>,
        %swap3A_314 = vector.shape_cast %swap3A_313 : vector<1x16xf32> to vector<16xf32>
        %swap3A_315 = vector.shape_cast %mul3A_310 : vector<16xf32> to vector<1x16xf32>
        tpu.vector_store %arg14[%swap3A_311, %swap3A_312], %swap3A_315 {strides = array<i32>} : memref<64x128xf32, #tpu.memory_space<vmem>>, vector<1x16xf32>,
        %mul3A_316 = arith.constant 8 : i32
        %mul3A_317 = arith.muli %scan3A_228, %mul3A_316 : i32
        %add3A_318 = arith.constant 1 : i32
        %add3A_319 = arith.addi %mul3A_317, %add3A_318 : i32
        %mul3A_320 = arith.constant 16 : i32
        %mul3A_321 = arith.muli %add3A_319, %mul3A_320 : i32
        %get3A_322 = arith.index_cast %mul3A_321 : i32 to index
        %get3A_323 = tpu.vector_load %arg10[%get3A_322] {strides = array<i32>} : memref<1024xf32, #tpu.memory_space<vmem>>, vector<16xf32>,
        %get3A_324 = vector.shape_cast %get3A_323 : vector<16xf32> to vector<16xf32>
        %get3A_325 = arith.index_cast %add3A_319 : i32 to index
        %get3A_326 = arith.constant 0 : index
        %get3A_327 = tpu.vector_load %arg12[%get3A_325, %get3A_326] {strides = array<i32>} : memref<64x128xf32, #tpu.memory_space<vmem>>, vector<1x16xf32>,
        %get3A_328 = vector.shape_cast %get3A_327 : vector<1x16xf32> to vector<16xf32>
        %mul3A_329 = arith.mulf %get3A_328, %get3A_324 : vector<16xf32>
        %swap3A_330 = arith.index_cast %add3A_319 : i32 to index
        %swap3A_331 = arith.constant 0 : index
        %swap3A_332 = tpu.vector_load %arg14[%swap3A_330, %swap3A_331] {strides = array<i32>} : memref<64x128xf32, #tpu.memory_space<vmem>>, vector<1x16xf32>,
        %swap3A_333 = vector.shape_cast %swap3A_332 : vector<1x16xf32> to vector<16xf32>
        %swap3A_334 = vector.shape_cast %mul3A_329 : vector<16xf32> to vector<1x16xf32>
        tpu.vector_store %arg14[%swap3A_330, %swap3A_331], %swap3A_334 {strides = array<i32>} : memref<64x128xf32, #tpu.memory_space<vmem>>, vector<1x16xf32>,
        %get3A_335 = arith.index_cast %add3A_319 : i32 to index
        %get3A_336 = arith.constant 16 : index
        %get3A_337 = tpu.vector_load %arg12[%get3A_335, %get3A_336] {strides = array<i32>} : memref<64x128xf32, #tpu.memory_space<vmem>>, vector<1x16xf32>,
        %get3A_338 = vector.shape_cast %get3A_337 : vector<1x16xf32> to vector<16xf32>
        %mul3A_339 = arith.mulf %get3A_338, %get3A_324 : vector<16xf32>
        %swap3A_340 = arith.index_cast %add3A_319 : i32 to index
        %swap3A_341 = arith.constant 16 : index
        %swap3A_342 = tpu.vector_load %arg14[%swap3A_340, %swap3A_341] {strides = array<i32>} : memref<64x128xf32, #tpu.memory_space<vmem>>, vector<1x16xf32>,
        %swap3A_343 = vector.shape_cast %swap3A_342 : vector<1x16xf32> to vector<16xf32>
        %swap3A_344 = vector.shape_cast %mul3A_339 : vector<16xf32> to vector<1x16xf32>
        tpu.vector_store %arg14[%swap3A_340, %swap3A_341], %swap3A_344 {strides = array<i32>} : memref<64x128xf32, #tpu.memory_space<vmem>>, vector<1x16xf32>,
        %get3A_345 = arith.index_cast %add3A_319 : i32 to index
        %get3A_346 = arith.constant 32 : index
        %get3A_347 = tpu.vector_load %arg12[%get3A_345, %get3A_346] {strides = array<i32>} : memref<64x128xf32, #tpu.memory_space<vmem>>, vector<1x16xf32>,
        %get3A_348 = vector.shape_cast %get3A_347 : vector<1x16xf32> to vector<16xf32>
        %mul3A_349 = arith.mulf %get3A_348, %get3A_324 : vector<16xf32>
        %swap3A_350 = arith.index_cast %add3A_319 : i32 to index
        %swap3A_351 = arith.constant 32 : index
        %swap3A_352 = tpu.vector_load %arg14[%swap3A_350, %swap3A_351] {strides = array<i32>} : memref<64x128xf32, #tpu.memory_space<vmem>>, vector<1x16xf32>,
        %swap3A_353 = vector.shape_cast %swap3A_352 : vector<1x16xf32> to vector<16xf32>
        %swap3A_354 = vector.shape_cast %mul3A_349 : vector<16xf32> to vector<1x16xf32>
        tpu.vector_store %arg14[%swap3A_350, %swap3A_351], %swap3A_354 {strides = array<i32>} : memref<64x128xf32, #tpu.memory_space<vmem>>, vector<1x16xf32>,
        %get3A_355 = arith.index_cast %add3A_319 : i32 to index
        %get3A_356 = arith.constant 48 : index
        %get3A_357 = tpu.vector_load %arg12[%get3A_355, %get3A_356] {strides = array<i32>} : memref<64x128xf32, #tpu.memory_space<vmem>>, vector<1x16xf32>,
        %get3A_358 = vector.shape_cast %get3A_357 : vector<1x16xf32> to vector<16xf32>
        %mul3A_359 = arith.mulf %get3A_358, %get3A_324 : vector<16xf32>
        %swap3A_360 = arith.index_cast %add3A_319 : i32 to index
        %swap3A_361 = arith.constant 48 : index
        %swap3A_362 = tpu.vector_load %arg14[%swap3A_360, %swap3A_361] {strides = array<i32>} : memref<64x128xf32, #tpu.memory_space<vmem>>, vector<1x16xf32>,
        %swap3A_363 = vector.shape_cast %swap3A_362 : vector<1x16xf32> to vector<16xf32>
        %swap3A_364 = vector.shape_cast %mul3A_359 : vector<16xf32> to vector<1x16xf32>
        tpu.vector_store %arg14[%swap3A_360, %swap3A_361], %swap3A_364 {strides = array<i32>} : memref<64x128xf32, #tpu.memory_space<vmem>>, vector<1x16xf32>,
        %get3A_365 = arith.index_cast %add3A_319 : i32 to index
        %get3A_366 = arith.constant 64 : index
        %get3A_367 = tpu.vector_load %arg12[%get3A_365, %get3A_366] {strides = array<i32>} : memref<64x128xf32, #tpu.memory_space<vmem>>, vector<1x16xf32>,
        %get3A_368 = vector.shape_cast %get3A_367 : vector<1x16xf32> to vector<16xf32>
        %mul3A_369 = arith.mulf %get3A_368, %get3A_324 : vector<16xf32>
        %swap3A_370 = arith.index_cast %add3A_319 : i32 to index
        %swap3A_371 = arith.constant 64 : index
        %swap3A_372 = tpu.vector_load %arg14[%swap3A_370, %swap3A_371] {strides = array<i32>} : memref<64x128xf32, #tpu.memory_space<vmem>>, vector<1x16xf32>,
        %swap3A_373 = vector.shape_cast %swap3A_372 : vector<1x16xf32> to vector<16xf32>
        %swap3A_374 = vector.shape_cast %mul3A_369 : vector<16xf32> to vector<1x16xf32>
        tpu.vector_store %arg14[%swap3A_370, %swap3A_371], %swap3A_374 {strides = array<i32>} : memref<64x128xf32, #tpu.memory_space<vmem>>, vector<1x16xf32>,
        %get3A_375 = arith.index_cast %add3A_319 : i32 to index
        %get3A_376 = arith.constant 80 : index
        %get3A_377 = tpu.vector_load %arg12[%get3A_375, %get3A_376] {strides = array<i32>} : memref<64x128xf32, #tpu.memory_space<vmem>>, vector<1x16xf32>,
        %get3A_378 = vector.shape_cast %get3A_377 : vector<1x16xf32> to vector<16xf32>
        %mul3A_379 = arith.mulf %get3A_378, %get3A_324 : vector<16xf32>
        %swap3A_380 = arith.index_cast %add3A_319 : i32 to index
        %swap3A_381 = arith.constant 80 : index
        %swap3A_382 = tpu.vector_load %arg14[%swap3A_380, %swap3A_381] {strides = array<i32>} : memref<64x128xf32, #tpu.memory_space<vmem>>, vector<1x16xf32>,
        %swap3A_383 = vector.shape_cast %swap3A_382 : vector<1x16xf32> to vector<16xf32>
        %swap3A_384 = vector.shape_cast %mul3A_379 : vector<16xf32> to vector<1x16xf32>
        tpu.vector_store %arg14[%swap3A_380, %swap3A_381], %swap3A_384 {strides = array<i32>} : memref<64x128xf32, #tpu.memory_space<vmem>>, vector<1x16xf32>,
        %get3A_385 = arith.index_cast %add3A_319 : i32 to index
        %get3A_386 = arith.constant 96 : index
        %get3A_387 = tpu.vector_load %arg12[%get3A_385, %get3A_386] {strides = array<i32>} : memref<64x128xf32, #tpu.memory_space<vmem>>, vector<1x16xf32>,
        %get3A_388 = vector.shape_cast %get3A_387 : vector<1x16xf32> to vector<16xf32>
        %mul3A_389 = arith.mulf %get3A_388, %get3A_324 : vector<16xf32>
        %swap3A_390 = arith.index_cast %add3A_319 : i32 to index
        %swap3A_391 = arith.constant 96 : index
        %swap3A_392 = tpu.vector_load %arg14[%swap3A_390, %swap3A_391] {strides = array<i32>} : memref<64x128xf32, #tpu.memory_space<vmem>>, vector<1x16xf32>,
        %swap3A_393 = vector.shape_cast %swap3A_392 : vector<1x16xf32> to vector<16xf32>
        %swap3A_394 = vector.shape_cast %mul3A_389 : vector<16xf32> to vector<1x16xf32>
        tpu.vector_store %arg14[%swap3A_390, %swap3A_391], %swap3A_394 {strides = array<i32>} : memref<64x128xf32, #tpu.memory_space<vmem>>, vector<1x16xf32>,
        %get3A_395 = arith.index_cast %add3A_319 : i32 to index
        %get3A_396 = arith.constant 112 : index
        %get3A_397 = tpu.vector_load %arg12[%get3A_395, %get3A_396] {strides = array<i32>} : memref<64x128xf32, #tpu.memory_space<vmem>>, vector<1x16xf32>,
        %get3A_398 = vector.shape_cast %get3A_397 : vector<1x16xf32> to vector<16xf32>
        %mul3A_399 = arith.mulf %get3A_398, %get3A_324 : vector<16xf32>
        %swap3A_400 = arith.index_cast %add3A_319 : i32 to index
        %swap3A_401 = arith.constant 112 : index
        %swap3A_402 = tpu.vector_load %arg14[%swap3A_400, %swap3A_401] {strides = array<i32>} : memref<64x128xf32, #tpu.memory_space<vmem>>, vector<1x16xf32>,
        %swap3A_403 = vector.shape_cast %swap3A_402 : vector<1x16xf32> to vector<16xf32>
        %swap3A_404 = vector.shape_cast %mul3A_399 : vector<16xf32> to vector<1x16xf32>
        tpu.vector_store %arg14[%swap3A_400, %swap3A_401], %swap3A_404 {strides = array<i32>} : memref<64x128xf32, #tpu.memory_space<vmem>>, vector<1x16xf32>,
        %mul3A_405 = arith.constant 8 : i32
        %mul3A_406 = arith.muli %scan3A_228, %mul3A_405 : i32
        %add3A_407 = arith.constant 2 : i32
        %add3A_408 = arith.addi %mul3A_406, %add3A_407 : i32
        %mul3A_409 = arith.constant 16 : i32
        %mul3A_410 = arith.muli %add3A_408, %mul3A_409 : i32
        %get3A_411 = arith.index_cast %mul3A_410 : i32 to index
        %get3A_412 = tpu.vector_load %arg10[%get3A_411] {strides = array<i32>} : memref<1024xf32, #tpu.memory_space<vmem>>, vector<16xf32>,
        %get3A_413 = vector.shape_cast %get3A_412 : vector<16xf32> to vector<16xf32>
        %get3A_414 = arith.index_cast %add3A_408 : i32 to index
        %get3A_415 = arith.constant 0 : index
        %get3A_416 = tpu.vector_load %arg12[%get3A_414, %get3A_415] {strides = array<i32>} : memref<64x128xf32, #tpu.memory_space<vmem>>, vector<1x16xf32>,
        %get3A_417 = vector.shape_cast %get3A_416 : vector<1x16xf32> to vector<16xf32>
        %mul3A_418 = arith.mulf %get3A_417, %get3A_413 : vector<16xf32>
        %swap3A_419 = arith.index_cast %add3A_408 : i32 to index
        %swap3A_420 = arith.constant 0 : index
        %swap3A_421 = tpu.vector_load %arg14[%swap3A_419, %swap3A_420] {strides = array<i32>} : memref<64x128xf32, #tpu.memory_space<vmem>>, vector<1x16xf32>,
        %swap3A_422 = vector.shape_cast %swap3A_421 : vector<1x16xf32> to vector<16xf32>
        %swap3A_423 = vector.shape_cast %mul3A_418 : vector<16xf32> to vector<1x16xf32>
        tpu.vector_store %arg14[%swap3A_419, %swap3A_420], %swap3A_423 {strides = array<i32>} : memref<64x128xf32, #tpu.memory_space<vmem>>, vector<1x16xf32>,
        %get3A_424 = arith.index_cast %add3A_408 : i32 to index
        %get3A_425 = arith.constant 16 : index
        %get3A_426 = tpu.vector_load %arg12[%get3A_424, %get3A_425] {strides = array<i32>} : memref<64x128xf32, #tpu.memory_space<vmem>>, vector<1x16xf32>,
        %get3A_427 = vector.shape_cast %get3A_426 : vector<1x16xf32> to vector<16xf32>
        %mul3A_428 = arith.mulf %get3A_427, %get3A_413 : vector<16xf32>
        %swap3A_429 = arith.index_cast %add3A_408 : i32 to index
        %swap3A_430 = arith.constant 16 : index
        %swap3A_431 = tpu.vector_load %arg14[%swap3A_429, %swap3A_430] {strides = array<i32>} : memref<64x128xf32, #tpu.memory_space<vmem>>, vector<1x16xf32>,
        %swap3A_432 = vector.shape_cast %swap3A_431 : vector<1x16xf32> to vector<16xf32>
        %swap3A_433 = vector.shape_cast %mul3A_428 : vector<16xf32> to vector<1x16xf32>
        tpu.vector_store %arg14[%swap3A_429, %swap3A_430], %swap3A_433 {strides = array<i32>} : memref<64x128xf32, #tpu.memory_space<vmem>>, vector<1x16xf32>,
        %get3A_434 = arith.index_cast %add3A_408 : i32 to index
        %get3A_435 = arith.constant 32 : index
        %get3A_436 = tpu.vector_load %arg12[%get3A_434, %get3A_435] {strides = array<i32>} : memref<64x128xf32, #tpu.memory_space<vmem>>, vector<1x16xf32>,
        %get3A_437 = vector.shape_cast %get3A_436 : vector<1x16xf32> to vector<16xf32>
        %mul3A_438 = arith.mulf %get3A_437, %get3A_413 : vector<16xf32>
        %swap3A_439 = arith.index_cast %add3A_408 : i32 to index
        %swap3A_440 = arith.constant 32 : index
        %swap3A_441 = tpu.vector_load %arg14[%swap3A_439, %swap3A_440] {strides = array<i32>} : memref<64x128xf32, #tpu.memory_space<vmem>>, vector<1x16xf32>,
        %swap3A_442 = vector.shape_cast %swap3A_441 : vector<1x16xf32> to vector<16xf32>
        %swap3A_443 = vector.shape_cast %mul3A_438 : vector<16xf32> to vector<1x16xf32>
        tpu.vector_store %arg14[%swap3A_439, %swap3A_440], %swap3A_443 {strides = array<i32>} : memref<64x128xf32, #tpu.memory_space<vmem>>, vector<1x16xf32>,
        %get3A_444 = arith.index_cast %add3A_408 : i32 to index
        %get3A_445 = arith.constant 48 : index
        %get3A_446 = tpu.vector_load %arg12[%get3A_444, %get3A_445] {strides = array<i32>} : memref<64x128xf32, #tpu.memory_space<vmem>>, vector<1x16xf32>,
        %get3A_447 = vector.shape_cast %get3A_446 : vector<1x16xf32> to vector<16xf32>
        %mul3A_448 = arith.mulf %get3A_447, %get3A_413 : vector<16xf32>
        %swap3A_449 = arith.index_cast %add3A_408 : i32 to index
        %swap3A_450 = arith.constant 48 : index
        %swap3A_451 = tpu.vector_load %arg14[%swap3A_449, %swap3A_450] {strides = array<i32>} : memref<64x128xf32, #tpu.memory_space<vmem>>, vector<1x16xf32>,
        %swap3A_452 = vector.shape_cast %swap3A_451 : vector<1x16xf32> to vector<16xf32>
        %swap3A_453 = vector.shape_cast %mul3A_448 : vector<16xf32> to vector<1x16xf32>
        tpu.vector_store %arg14[%swap3A_449, %swap3A_450], %swap3A_453 {strides = array<i32>} : memref<64x128xf32, #tpu.memory_space<vmem>>, vector<1x16xf32>,
        %get3A_454 = arith.index_cast %add3A_408 : i32 to index
        %get3A_455 = arith.constant 64 : index
        %get3A_456 = tpu.vector_load %arg12[%get3A_454, %get3A_455] {strides = array<i32>} : memref<64x128xf32, #tpu.memory_space<vmem>>, vector<1x16xf32>,
        %get3A_457 = vector.shape_cast %get3A_456 : vector<1x16xf32> to vector<16xf32>
        %mul3A_458 = arith.mulf %get3A_457, %get3A_413 : vector<16xf32>
        %swap3A_459 = arith.index_cast %add3A_408 : i32 to index
        %swap3A_460 = arith.constant 64 : index
        %swap3A_461 = tpu.vector_load %arg14[%swap3A_459, %swap3A_460] {strides = array<i32>} : memref<64x128xf32, #tpu.memory_space<vmem>>, vector<1x16xf32>,
        %swap3A_462 = vector.shape_cast %swap3A_461 : vector<1x16xf32> to vector<16xf32>
        %swap3A_463 = vector.shape_cast %mul3A_458 : vector<16xf32> to vector<1x16xf32>
        tpu.vector_store %arg14[%swap3A_459, %swap3A_460], %swap3A_463 {strides = array<i32>} : memref<64x128xf32, #tpu.memory_space<vmem>>, vector<1x16xf32>,
        %get3A_464 = arith.index_cast %add3A_408 : i32 to index
        %get3A_465 = arith.constant 80 : index
        %get3A_466 = tpu.vector_load %arg12[%get3A_464, %get3A_465] {strides = array<i32>} : memref<64x128xf32, #tpu.memory_space<vmem>>, vector<1x16xf32>,
        %get3A_467 = vector.shape_cast %get3A_466 : vector<1x16xf32> to vector<16xf32>
        %mul3A_468 = arith.mulf %get3A_467, %get3A_413 : vector<16xf32>
        %swap3A_469 = arith.index_cast %add3A_408 : i32 to index
        %swap3A_470 = arith.constant 80 : index
        %swap3A_471 = tpu.vector_load %arg14[%swap3A_469, %swap3A_470] {strides = array<i32>} : memref<64x128xf32, #tpu.memory_space<vmem>>, vector<1x16xf32>,
        %swap3A_472 = vector.shape_cast %swap3A_471 : vector<1x16xf32> to vector<16xf32>
        %swap3A_473 = vector.shape_cast %mul3A_468 : vector<16xf32> to vector<1x16xf32>
        tpu.vector_store %arg14[%swap3A_469, %swap3A_470], %swap3A_473 {strides = array<i32>} : memref<64x128xf32, #tpu.memory_space<vmem>>, vector<1x16xf32>,
        %get3A_474 = arith.index_cast %add3A_408 : i32 to index
        %get3A_475 = arith.constant 96 : index
        %get3A_476 = tpu.vector_load %arg12[%get3A_474, %get3A_475] {strides = array<i32>} : memref<64x128xf32, #tpu.memory_space<vmem>>, vector<1x16xf32>,
        %get3A_477 = vector.shape_cast %get3A_476 : vector<1x16xf32> to vector<16xf32>
        %mul3A_478 = arith.mulf %get3A_477, %get3A_413 : vector<16xf32>
        %swap3A_479 = arith.index_cast %add3A_408 : i32 to index
        %swap3A_480 = arith.constant 96 : index
        %swap3A_481 = tpu.vector_load %arg14[%swap3A_479, %swap3A_480] {strides = array<i32>} : memref<64x128xf32, #tpu.memory_space<vmem>>, vector<1x16xf32>,
        %swap3A_482 = vector.shape_cast %swap3A_481 : vector<1x16xf32> to vector<16xf32>
        %swap3A_483 = vector.shape_cast %mul3A_478 : vector<16xf32> to vector<1x16xf32>
        tpu.vector_store %arg14[%swap3A_479, %swap3A_480], %swap3A_483 {strides = array<i32>} : memref<64x128xf32, #tpu.memory_space<vmem>>, vector<1x16xf32>,
        %get3A_484 = arith.index_cast %add3A_408 : i32 to index
        %get3A_485 = arith.constant 112 : index
        %get3A_486 = tpu.vector_load %arg12[%get3A_484, %get3A_485] {strides = array<i32>} : memref<64x128xf32, #tpu.memory_space<vmem>>, vector<1x16xf32>,
        %get3A_487 = vector.shape_cast %get3A_486 : vector<1x16xf32> to vector<16xf32>
        %mul3A_488 = arith.mulf %get3A_487, %get3A_413 : vector<16xf32>
        %swap3A_489 = arith.index_cast %add3A_408 : i32 to index
        %swap3A_490 = arith.constant 112 : index
        %swap3A_491 = tpu.vector_load %arg14[%swap3A_489, %swap3A_490] {strides = array<i32>} : memref<64x128xf32, #tpu.memory_space<vmem>>, vector<1x16xf32>,
        %swap3A_492 = vector.shape_cast %swap3A_491 : vector<1x16xf32> to vector<16xf32>
        %swap3A_493 = vector.shape_cast %mul3A_488 : vector<16xf32> to vector<1x16xf32>
        tpu.vector_store %arg14[%swap3A_489, %swap3A_490], %swap3A_493 {strides = array<i32>} : memref<64x128xf32, #tpu.memory_space<vmem>>, vector<1x16xf32>,
        %mul3A_494 = arith.constant 8 : i32
        %mul3A_495 = arith.muli %scan3A_228, %mul3A_494 : i32
        %add3A_496 = arith.constant 3 : i32
        %add3A_497 = arith.addi %mul3A_495, %add3A_496 : i32
        %mul3A_498 = arith.constant 16 : i32
        %mul3A_499 = arith.muli %add3A_497, %mul3A_498 : i32
        %get3A_500 = arith.index_cast %mul3A_499 : i32 to index
        %get3A_501 = tpu.vector_load %arg10[%get3A_500] {strides = array<i32>} : memref<1024xf32, #tpu.memory_space<vmem>>, vector<16xf32>,
        %get3A_502 = vector.shape_cast %get3A_501 : vector<16xf32> to vector<16xf32>
        %get3A_503 = arith.index_cast %add3A_497 : i32 to index
        %get3A_504 = arith.constant 0 : index
        %get3A_505 = tpu.vector_load %arg12[%get3A_503, %get3A_504] {strides = array<i32>} : memref<64x128xf32, #tpu.memory_space<vmem>>, vector<1x16xf32>,
        %get3A_506 = vector.shape_cast %get3A_505 : vector<1x16xf32> to vector<16xf32>
        %mul3A_507 = arith.mulf %get3A_506, %get3A_502 : vector<16xf32>
        %swap3A_508 = arith.index_cast %add3A_497 : i32 to index
        %swap3A_509 = arith.constant 0 : index
        %swap3A_510 = tpu.vector_load %arg14[%swap3A_508, %swap3A_509] {strides = array<i32>} : memref<64x128xf32, #tpu.memory_space<vmem>>, vector<1x16xf32>,
        %swap3A_511 = vector.shape_cast %swap3A_510 : vector<1x16xf32> to vector<16xf32>
        %swap3A_512 = vector.shape_cast %mul3A_507 : vector<16xf32> to vector<1x16xf32>
        tpu.vector_store %arg14[%swap3A_508, %swap3A_509], %swap3A_512 {strides = array<i32>} : memref<64x128xf32, #tpu.memory_space<vmem>>, vector<1x16xf32>,
        %get3A_513 = arith.index_cast %add3A_497 : i32 to index
        %get3A_514 = arith.constant 16 : index
        %get3A_515 = tpu.vector_load %arg12[%get3A_513, %get3A_514] {strides = array<i32>} : memref<64x128xf32, #tpu.memory_space<vmem>>, vector<1x16xf32>,
        %get3A_516 = vector.shape_cast %get3A_515 : vector<1x16xf32> to vector<16xf32>
        %mul3A_517 = arith.mulf %get3A_516, %get3A_502 : vector<16xf32>
        %swap3A_518 = arith.index_cast %add3A_497 : i32 to index
        %swap3A_519 = arith.constant 16 : index
        %swap3A_520 = tpu.vector_load %arg14[%swap3A_518, %swap3A_519] {strides = array<i32>} : memref<64x128xf32, #tpu.memory_space<vmem>>, vector<1x16xf32>,
        %swap3A_521 = vector.shape_cast %swap3A_520 : vector<1x16xf32> to vector<16xf32>
        %swap3A_522 = vector.shape_cast %mul3A_517 : vector<16xf32> to vector<1x16xf32>
        tpu.vector_store %arg14[%swap3A_518, %swap3A_519], %swap3A_522 {strides = array<i32>} : memref<64x128xf32, #tpu.memory_space<vmem>>, vector<1x16xf32>,
        %get3A_523 = arith.index_cast %add3A_497 : i32 to index
        %get3A_524 = arith.constant 32 : index
        %get3A_525 = tpu.vector_load %arg12[%get3A_523, %get3A_524] {strides = array<i32>} : memref<64x128xf32, #tpu.memory_space<vmem>>, vector<1x16xf32>,
        %get3A_526 = vector.shape_cast %get3A_525 : vector<1x16xf32> to vector<16xf32>
        %mul3A_527 = arith.mulf %get3A_526, %get3A_502 : vector<16xf32>
        %swap3A_528 = arith.index_cast %add3A_497 : i32 to index
        %swap3A_529 = arith.constant 32 : index
        %swap3A_530 = tpu.vector_load %arg14[%swap3A_528, %swap3A_529] {strides = array<i32>} : memref<64x128xf32, #tpu.memory_space<vmem>>, vector<1x16xf32>,
        %swap3A_531 = vector.shape_cast %swap3A_530 : vector<1x16xf32> to vector<16xf32>
        %swap3A_532 = vector.shape_cast %mul3A_527 : vector<16xf32> to vector<1x16xf32>
        tpu.vector_store %arg14[%swap3A_528, %swap3A_529], %swap3A_532 {strides = array<i32>} : memref<64x128xf32, #tpu.memory_space<vmem>>, vector<1x16xf32>,
        %get3A_533 = arith.index_cast %add3A_497 : i32 to index
        %get3A_534 = arith.constant 48 : index
        %get3A_535 = tpu.vector_load %arg12[%get3A_533, %get3A_534] {strides = array<i32>} : memref<64x128xf32, #tpu.memory_space<vmem>>, vector<1x16xf32>,
        %get3A_536 = vector.shape_cast %get3A_535 : vector<1x16xf32> to vector<16xf32>
        %mul3A_537 = arith.mulf %get3A_536, %get3A_502 : vector<16xf32>
        %swap3A_538 = arith.index_cast %add3A_497 : i32 to index
        %swap3A_539 = arith.constant 48 : index
        %swap3A_540 = tpu.vector_load %arg14[%swap3A_538, %swap3A_539] {strides = array<i32>} : memref<64x128xf32, #tpu.memory_space<vmem>>, vector<1x16xf32>,
        %swap3A_541 = vector.shape_cast %swap3A_540 : vector<1x16xf32> to vector<16xf32>
        %swap3A_542 = vector.shape_cast %mul3A_537 : vector<16xf32> to vector<1x16xf32>
        tpu.vector_store %arg14[%swap3A_538, %swap3A_539], %swap3A_542 {strides = array<i32>} : memref<64x128xf32, #tpu.memory_space<vmem>>, vector<1x16xf32>,
        %get3A_543 = arith.index_cast %add3A_497 : i32 to index
        %get3A_544 = arith.constant 64 : index
        %get3A_545 = tpu.vector_load %arg12[%get3A_543, %get3A_544] {strides = array<i32>} : memref<64x128xf32, #tpu.memory_space<vmem>>, vector<1x16xf32>,
        %get3A_546 = vector.shape_cast %get3A_545 : vector<1x16xf32> to vector<16xf32>
        %mul3A_547 = arith.mulf %get3A_546, %get3A_502 : vector<16xf32>
        %swap3A_548 = arith.index_cast %add3A_497 : i32 to index
        %swap3A_549 = arith.constant 64 : index
        %swap3A_550 = tpu.vector_load %arg14[%swap3A_548, %swap3A_549] {strides = array<i32>} : memref<64x128xf32, #tpu.memory_space<vmem>>, vector<1x16xf32>,
        %swap3A_551 = vector.shape_cast %swap3A_550 : vector<1x16xf32> to vector<16xf32>
        %swap3A_552 = vector.shape_cast %mul3A_547 : vector<16xf32> to vector<1x16xf32>
        tpu.vector_store %arg14[%swap3A_548, %swap3A_549], %swap3A_552 {strides = array<i32>} : memref<64x128xf32, #tpu.memory_space<vmem>>, vector<1x16xf32>,
        %get3A_553 = arith.index_cast %add3A_497 : i32 to index
        %get3A_554 = arith.constant 80 : index
        %get3A_555 = tpu.vector_load %arg12[%get3A_553, %get3A_554] {strides = array<i32>} : memref<64x128xf32, #tpu.memory_space<vmem>>, vector<1x16xf32>,
        %get3A_556 = vector.shape_cast %get3A_555 : vector<1x16xf32> to vector<16xf32>
        %mul3A_557 = arith.mulf %get3A_556, %get3A_502 : vector<16xf32>
        %swap3A_558 = arith.index_cast %add3A_497 : i32 to index
        %swap3A_559 = arith.constant 80 : index
        %swap3A_560 = tpu.vector_load %arg14[%swap3A_558, %swap3A_559] {strides = array<i32>} : memref<64x128xf32, #tpu.memory_space<vmem>>, vector<1x16xf32>,
        %swap3A_561 = vector.shape_cast %swap3A_560 : vector<1x16xf32> to vector<16xf32>
        %swap3A_562 = vector.shape_cast %mul3A_557 : vector<16xf32> to vector<1x16xf32>
        tpu.vector_store %arg14[%swap3A_558, %swap3A_559], %swap3A_562 {strides = array<i32>} : memref<64x128xf32, #tpu.memory_space<vmem>>, vector<1x16xf32>,
        %get3A_563 = arith.index_cast %add3A_497 : i32 to index
        %get3A_564 = arith.constant 96 : index
        %get3A_565 = tpu.vector_load %arg12[%get3A_563, %get3A_564] {strides = array<i32>} : memref<64x128xf32, #tpu.memory_space<vmem>>, vector<1x16xf32>,
        %get3A_566 = vector.shape_cast %get3A_565 : vector<1x16xf32> to vector<16xf32>
        %mul3A_567 = arith.mulf %get3A_566, %get3A_502 : vector<16xf32>
        %swap3A_568 = arith.index_cast %add3A_497 : i32 to index
        %swap3A_569 = arith.constant 96 : index
        %swap3A_570 = tpu.vector_load %arg14[%swap3A_568, %swap3A_569] {strides = array<i32>} : memref<64x128xf32, #tpu.memory_space<vmem>>, vector<1x16xf32>,
        %swap3A_571 = vector.shape_cast %swap3A_570 : vector<1x16xf32> to vector<16xf32>
        %swap3A_572 = vector.shape_cast %mul3A_567 : vector<16xf32> to vector<1x16xf32>
        tpu.vector_store %arg14[%swap3A_568, %swap3A_569], %swap3A_572 {strides = array<i32>} : memref<64x128xf32, #tpu.memory_space<vmem>>, vector<1x16xf32>,
        %get3A_573 = arith.index_cast %add3A_497 : i32 to index
        %get3A_574 = arith.constant 112 : index
        %get3A_575 = tpu.vector_load %arg12[%get3A_573, %get3A_574] {strides = array<i32>} : memref<64x128xf32, #tpu.memory_space<vmem>>, vector<1x16xf32>,
        %get3A_576 = vector.shape_cast %get3A_575 : vector<1x16xf32> to vector<16xf32>
        %mul3A_577 = arith.mulf %get3A_576, %get3A_502 : vector<16xf32>
        %swap3A_578 = arith.index_cast %add3A_497 : i32 to index
        %swap3A_579 = arith.constant 112 : index
        %swap3A_580 = tpu.vector_load %arg14[%swap3A_578, %swap3A_579] {strides = array<i32>} : memref<64x128xf32, #tpu.memory_space<vmem>>, vector<1x16xf32>,
        %swap3A_581 = vector.shape_cast %swap3A_580 : vector<1x16xf32> to vector<16xf32>
        %swap3A_582 = vector.shape_cast %mul3A_577 : vector<16xf32> to vector<1x16xf32>
        tpu.vector_store %arg14[%swap3A_578, %swap3A_579], %swap3A_582 {strides = array<i32>} : memref<64x128xf32, #tpu.memory_space<vmem>>, vector<1x16xf32>,
        %mul3A_583 = arith.constant 8 : i32
        %mul3A_584 = arith.muli %scan3A_228, %mul3A_583 : i32
        %add3A_585 = arith.constant 4 : i32
        %add3A_586 = arith.addi %mul3A_584, %add3A_585 : i32
        %mul3A_587 = arith.constant 16 : i32
        %mul3A_588 = arith.muli %add3A_586, %mul3A_587 : i32
        %get3A_589 = arith.index_cast %mul3A_588 : i32 to index
        %get3A_590 = tpu.vector_load %arg10[%get3A_589] {strides = array<i32>} : memref<1024xf32, #tpu.memory_space<vmem>>, vector<16xf32>,
        %get3A_591 = vector.shape_cast %get3A_590 : vector<16xf32> to vector<16xf32>
        %get3A_592 = arith.index_cast %add3A_586 : i32 to index
        %get3A_593 = arith.constant 0 : index
        %get3A_594 = tpu.vector_load %arg12[%get3A_592, %get3A_593] {strides = array<i32>} : memref<64x128xf32, #tpu.memory_space<vmem>>, vector<1x16xf32>,
        %get3A_595 = vector.shape_cast %get3A_594 : vector<1x16xf32> to vector<16xf32>
        %mul3A_596 = arith.mulf %get3A_595, %get3A_591 : vector<16xf32>
        %swap3A_597 = arith.index_cast %add3A_586 : i32 to index
        %swap3A_598 = arith.constant 0 : index
        %swap3A_599 = tpu.vector_load %arg14[%swap3A_597, %swap3A_598] {strides = array<i32>} : memref<64x128xf32, #tpu.memory_space<vmem>>, vector<1x16xf32>,
        %swap3A_600 = vector.shape_cast %swap3A_599 : vector<1x16xf32> to vector<16xf32>
        %swap3A_601 = vector.shape_cast %mul3A_596 : vector<16xf32> to vector<1x16xf32>
        tpu.vector_store %arg14[%swap3A_597, %swap3A_598], %swap3A_601 {strides = array<i32>} : memref<64x128xf32, #tpu.memory_space<vmem>>, vector<1x16xf32>,
        %get3A_602 = arith.index_cast %add3A_586 : i32 to index
        %get3A_603 = arith.constant 16 : index
        %get3A_604 = tpu.vector_load %arg12[%get3A_602, %get3A_603] {strides = array<i32>} : memref<64x128xf32, #tpu.memory_space<vmem>>, vector<1x16xf32>,
        %get3A_605 = vector.shape_cast %get3A_604 : vector<1x16xf32> to vector<16xf32>
        %mul3A_606 = arith.mulf %get3A_605, %get3A_591 : vector<16xf32>
        %swap3A_607 = arith.index_cast %add3A_586 : i32 to index
        %swap3A_608 = arith.constant 16 : index
        %swap3A_609 = tpu.vector_load %arg14[%swap3A_607, %swap3A_608] {strides = array<i32>} : memref<64x128xf32, #tpu.memory_space<vmem>>, vector<1x16xf32>,
        %swap3A_610 = vector.shape_cast %swap3A_609 : vector<1x16xf32> to vector<16xf32>
        %swap3A_611 = vector.shape_cast %mul3A_606 : vector<16xf32> to vector<1x16xf32>
        tpu.vector_store %arg14[%swap3A_607, %swap3A_608], %swap3A_611 {strides = array<i32>} : memref<64x128xf32, #tpu.memory_space<vmem>>, vector<1x16xf32>,
        %get3A_612 = arith.index_cast %add3A_586 : i32 to index
        %get3A_613 = arith.constant 32 : index
        %get3A_614 = tpu.vector_load %arg12[%get3A_612, %get3A_613] {strides = array<i32>} : memref<64x128xf32, #tpu.memory_space<vmem>>, vector<1x16xf32>,
        %get3A_615 = vector.shape_cast %get3A_614 : vector<1x16xf32> to vector<16xf32>
        %mul3A_616 = arith.mulf %get3A_615, %get3A_591 : vector<16xf32>
        %swap3A_617 = arith.index_cast %add3A_586 : i32 to index
        %swap3A_618 = arith.constant 32 : index
        %swap3A_619 = tpu.vector_load %arg14[%swap3A_617, %swap3A_618] {strides = array<i32>} : memref<64x128xf32, #tpu.memory_space<vmem>>, vector<1x16xf32>,
        %swap3A_620 = vector.shape_cast %swap3A_619 : vector<1x16xf32> to vector<16xf32>
        %swap3A_621 = vector.shape_cast %mul3A_616 : vector<16xf32> to vector<1x16xf32>
        tpu.vector_store %arg14[%swap3A_617, %swap3A_618], %swap3A_621 {strides = array<i32>} : memref<64x128xf32, #tpu.memory_space<vmem>>, vector<1x16xf32>,
        %get3A_622 = arith.index_cast %add3A_586 : i32 to index
        %get3A_623 = arith.constant 48 : index
        %get3A_624 = tpu.vector_load %arg12[%get3A_622, %get3A_623] {strides = array<i32>} : memref<64x128xf32, #tpu.memory_space<vmem>>, vector<1x16xf32>,
        %get3A_625 = vector.shape_cast %get3A_624 : vector<1x16xf32> to vector<16xf32>
        %mul3A_626 = arith.mulf %get3A_625, %get3A_591 : vector<16xf32>
        %swap3A_627 = arith.index_cast %add3A_586 : i32 to index
        %swap3A_628 = arith.constant 48 : index
        %swap3A_629 = tpu.vector_load %arg14[%swap3A_627, %swap3A_628] {strides = array<i32>} : memref<64x128xf32, #tpu.memory_space<vmem>>, vector<1x16xf32>,
        %swap3A_630 = vector.shape_cast %swap3A_629 : vector<1x16xf32> to vector<16xf32>
        %swap3A_631 = vector.shape_cast %mul3A_626 : vector<16xf32> to vector<1x16xf32>
        tpu.vector_store %arg14[%swap3A_627, %swap3A_628], %swap3A_631 {strides = array<i32>} : memref<64x128xf32, #tpu.memory_space<vmem>>, vector<1x16xf32>,
        %get3A_632 = arith.index_cast %add3A_586 : i32 to index
        %get3A_633 = arith.constant 64 : index
        %get3A_634 = tpu.vector_load %arg12[%get3A_632, %get3A_633] {strides = array<i32>} : memref<64x128xf32, #tpu.memory_space<vmem>>, vector<1x16xf32>,
        %get3A_635 = vector.shape_cast %get3A_634 : vector<1x16xf32> to vector<16xf32>
        %mul3A_636 = arith.mulf %get3A_635, %get3A_591 : vector<16xf32>
        %swap3A_637 = arith.index_cast %add3A_586 : i32 to index
        %swap3A_638 = arith.constant 64 : index
        %swap3A_639 = tpu.vector_load %arg14[%swap3A_637, %swap3A_638] {strides = array<i32>} : memref<64x128xf32, #tpu.memory_space<vmem>>, vector<1x16xf32>,
        %swap3A_640 = vector.shape_cast %swap3A_639 : vector<1x16xf32> to vector<16xf32>
        %swap3A_641 = vector.shape_cast %mul3A_636 : vector<16xf32> to vector<1x16xf32>
        tpu.vector_store %arg14[%swap3A_637, %swap3A_638], %swap3A_641 {strides = array<i32>} : memref<64x128xf32, #tpu.memory_space<vmem>>, vector<1x16xf32>,
        %get3A_642 = arith.index_cast %add3A_586 : i32 to index
        %get3A_643 = arith.constant 80 : index
        %get3A_644 = tpu.vector_load %arg12[%get3A_642, %get3A_643] {strides = array<i32>} : memref<64x128xf32, #tpu.memory_space<vmem>>, vector<1x16xf32>,
        %get3A_645 = vector.shape_cast %get3A_644 : vector<1x16xf32> to vector<16xf32>
        %mul3A_646 = arith.mulf %get3A_645, %get3A_591 : vector<16xf32>
        %swap3A_647 = arith.index_cast %add3A_586 : i32 to index
        %swap3A_648 = arith.constant 80 : index
        %swap3A_649 = tpu.vector_load %arg14[%swap3A_647, %swap3A_648] {strides = array<i32>} : memref<64x128xf32, #tpu.memory_space<vmem>>, vector<1x16xf32>,
        %swap3A_650 = vector.shape_cast %swap3A_649 : vector<1x16xf32> to vector<16xf32>
        %swap3A_651 = vector.shape_cast %mul3A_646 : vector<16xf32> to vector<1x16xf32>
        tpu.vector_store %arg14[%swap3A_647, %swap3A_648], %swap3A_651 {strides = array<i32>} : memref<64x128xf32, #tpu.memory_space<vmem>>, vector<1x16xf32>,
        %get3A_652 = arith.index_cast %add3A_586 : i32 to index
        %get3A_653 = arith.constant 96 : index
        %get3A_654 = tpu.vector_load %arg12[%get3A_652, %get3A_653] {strides = array<i32>} : memref<64x128xf32, #tpu.memory_space<vmem>>, vector<1x16xf32>,
        %get3A_655 = vector.shape_cast %get3A_654 : vector<1x16xf32> to vector<16xf32>
        %mul3A_656 = arith.mulf %get3A_655, %get3A_591 : vector<16xf32>
        %swap3A_657 = arith.index_cast %add3A_586 : i32 to index
        %swap3A_658 = arith.constant 96 : index
        %swap3A_659 = tpu.vector_load %arg14[%swap3A_657, %swap3A_658] {strides = array<i32>} : memref<64x128xf32, #tpu.memory_space<vmem>>, vector<1x16xf32>,
        %swap3A_660 = vector.shape_cast %swap3A_659 : vector<1x16xf32> to vector<16xf32>
        %swap3A_661 = vector.shape_cast %mul3A_656 : vector<16xf32> to vector<1x16xf32>
        tpu.vector_store %arg14[%swap3A_657, %swap3A_658], %swap3A_661 {strides = array<i32>} : memref<64x128xf32, #tpu.memory_space<vmem>>, vector<1x16xf32>,
        %get3A_662 = arith.index_cast %add3A_586 : i32 to index
        %get3A_663 = arith.constant 112 : index
        %get3A_664 = tpu.vector_load %arg12[%get3A_662, %get3A_663] {strides = array<i32>} : memref<64x128xf32, #tpu.memory_space<vmem>>, vector<1x16xf32>,
        %get3A_665 = vector.shape_cast %get3A_664 : vector<1x16xf32> to vector<16xf32>
        %mul3A_666 = arith.mulf %get3A_665, %get3A_591 : vector<16xf32>
        %swap3A_667 = arith.index_cast %add3A_586 : i32 to index
        %swap3A_668 = arith.constant 112 : index
        %swap3A_669 = tpu.vector_load %arg14[%swap3A_667, %swap3A_668] {strides = array<i32>} : memref<64x128xf32, #tpu.memory_space<vmem>>, vector<1x16xf32>,
        %swap3A_670 = vector.shape_cast %swap3A_669 : vector<1x16xf32> to vector<16xf32>
        %swap3A_671 = vector.shape_cast %mul3A_666 : vector<16xf32> to vector<1x16xf32>
        tpu.vector_store %arg14[%swap3A_667, %swap3A_668], %swap3A_671 {strides = array<i32>} : memref<64x128xf32, #tpu.memory_space<vmem>>, vector<1x16xf32>,
        %mul3A_672 = arith.constant 8 : i32
        %mul3A_673 = arith.muli %scan3A_228, %mul3A_672 : i32
        %add3A_674 = arith.constant 5 : i32
        %add3A_675 = arith.addi %mul3A_673, %add3A_674 : i32
        %mul3A_676 = arith.constant 16 : i32
        %mul3A_677 = arith.muli %add3A_675, %mul3A_676 : i32
        %get3A_678 = arith.index_cast %mul3A_677 : i32 to index
        %get3A_679 = tpu.vector_load %arg10[%get3A_678] {strides = array<i32>} : memref<1024xf32, #tpu.memory_space<vmem>>, vector<16xf32>,
        %get3A_680 = vector.shape_cast %get3A_679 : vector<16xf32> to vector<16xf32>
        %get3A_681 = arith.index_cast %add3A_675 : i32 to index
        %get3A_682 = arith.constant 0 : index
        %get3A_683 = tpu.vector_load %arg12[%get3A_681, %get3A_682] {strides = array<i32>} : memref<64x128xf32, #tpu.memory_space<vmem>>, vector<1x16xf32>,
        %get3A_684 = vector.shape_cast %get3A_683 : vector<1x16xf32> to vector<16xf32>
        %mul3A_685 = arith.mulf %get3A_684, %get3A_680 : vector<16xf32>
        %swap3A_686 = arith.index_cast %add3A_675 : i32 to index
        %swap3A_687 = arith.constant 0 : index
        %swap3A_688 = tpu.vector_load %arg14[%swap3A_686, %swap3A_687] {strides = array<i32>} : memref<64x128xf32, #tpu.memory_space<vmem>>, vector<1x16xf32>,
        %swap3A_689 = vector.shape_cast %swap3A_688 : vector<1x16xf32> to vector<16xf32>
        %swap3A_690 = vector.shape_cast %mul3A_685 : vector<16xf32> to vector<1x16xf32>
        tpu.vector_store %arg14[%swap3A_686, %swap3A_687], %swap3A_690 {strides = array<i32>} : memref<64x128xf32, #tpu.memory_space<vmem>>, vector<1x16xf32>,
        %get3A_691 = arith.index_cast %add3A_675 : i32 to index
        %get3A_692 = arith.constant 16 : index
        %get3A_693 = tpu.vector_load %arg12[%get3A_691, %get3A_692] {strides = array<i32>} : memref<64x128xf32, #tpu.memory_space<vmem>>, vector<1x16xf32>,
        %get3A_694 = vector.shape_cast %get3A_693 : vector<1x16xf32> to vector<16xf32>
        %mul3A_695 = arith.mulf %get3A_694, %get3A_680 : vector<16xf32>
        %swap3A_696 = arith.index_cast %add3A_675 : i32 to index
        %swap3A_697 = arith.constant 16 : index
        %swap3A_698 = tpu.vector_load %arg14[%swap3A_696, %swap3A_697] {strides = array<i32>} : memref<64x128xf32, #tpu.memory_space<vmem>>, vector<1x16xf32>,
        %swap3A_699 = vector.shape_cast %swap3A_698 : vector<1x16xf32> to vector<16xf32>
        %swap3A_700 = vector.shape_cast %mul3A_695 : vector<16xf32> to vector<1x16xf32>
        tpu.vector_store %arg14[%swap3A_696, %swap3A_697], %swap3A_700 {strides = array<i32>} : memref<64x128xf32, #tpu.memory_space<vmem>>, vector<1x16xf32>,
        %get3A_701 = arith.index_cast %add3A_675 : i32 to index
        %get3A_702 = arith.constant 32 : index
        %get3A_703 = tpu.vector_load %arg12[%get3A_701, %get3A_702] {strides = array<i32>} : memref<64x128xf32, #tpu.memory_space<vmem>>, vector<1x16xf32>,
        %get3A_704 = vector.shape_cast %get3A_703 : vector<1x16xf32> to vector<16xf32>
        %mul3A_705 = arith.mulf %get3A_704, %get3A_680 : vector<16xf32>
        %swap3A_706 = arith.index_cast %add3A_675 : i32 to index
        %swap3A_707 = arith.constant 32 : index
        %swap3A_708 = tpu.vector_load %arg14[%swap3A_706, %swap3A_707] {strides = array<i32>} : memref<64x128xf32, #tpu.memory_space<vmem>>, vector<1x16xf32>,
        %swap3A_709 = vector.shape_cast %swap3A_708 : vector<1x16xf32> to vector<16xf32>
        %swap3A_710 = vector.shape_cast %mul3A_705 : vector<16xf32> to vector<1x16xf32>
        tpu.vector_store %arg14[%swap3A_706, %swap3A_707], %swap3A_710 {strides = array<i32>} : memref<64x128xf32, #tpu.memory_space<vmem>>, vector<1x16xf32>,
        %get3A_711 = arith.index_cast %add3A_675 : i32 to index
        %get3A_712 = arith.constant 48 : index
        %get3A_713 = tpu.vector_load %arg12[%get3A_711, %get3A_712] {strides = array<i32>} : memref<64x128xf32, #tpu.memory_space<vmem>>, vector<1x16xf32>,
        %get3A_714 = vector.shape_cast %get3A_713 : vector<1x16xf32> to vector<16xf32>
        %mul3A_715 = arith.mulf %get3A_714, %get3A_680 : vector<16xf32>
        %swap3A_716 = arith.index_cast %add3A_675 : i32 to index
        %swap3A_717 = arith.constant 48 : index
        %swap3A_718 = tpu.vector_load %arg14[%swap3A_716, %swap3A_717] {strides = array<i32>} : memref<64x128xf32, #tpu.memory_space<vmem>>, vector<1x16xf32>,
        %swap3A_719 = vector.shape_cast %swap3A_718 : vector<1x16xf32> to vector<16xf32>
        %swap3A_720 = vector.shape_cast %mul3A_715 : vector<16xf32> to vector<1x16xf32>
        tpu.vector_store %arg14[%swap3A_716, %swap3A_717], %swap3A_720 {strides = array<i32>} : memref<64x128xf32, #tpu.memory_space<vmem>>, vector<1x16xf32>,
        %get3A_721 = arith.index_cast %add3A_675 : i32 to index
        %get3A_722 = arith.constant 64 : index
        %get3A_723 = tpu.vector_load %arg12[%get3A_721, %get3A_722] {strides = array<i32>} : memref<64x128xf32, #tpu.memory_space<vmem>>, vector<1x16xf32>,
        %get3A_724 = vector.shape_cast %get3A_723 : vector<1x16xf32> to vector<16xf32>
        %mul3A_725 = arith.mulf %get3A_724, %get3A_680 : vector<16xf32>
        %swap3A_726 = arith.index_cast %add3A_675 : i32 to index
        %swap3A_727 = arith.constant 64 : index
        %swap3A_728 = tpu.vector_load %arg14[%swap3A_726, %swap3A_727] {strides = array<i32>} : memref<64x128xf32, #tpu.memory_space<vmem>>, vector<1x16xf32>,
        %swap3A_729 = vector.shape_cast %swap3A_728 : vector<1x16xf32> to vector<16xf32>
        %swap3A_730 = vector.shape_cast %mul3A_725 : vector<16xf32> to vector<1x16xf32>
        tpu.vector_store %arg14[%swap3A_726, %swap3A_727], %swap3A_730 {strides = array<i32>} : memref<64x128xf32, #tpu.memory_space<vmem>>, vector<1x16xf32>,
        %get3A_731 = arith.index_cast %add3A_675 : i32 to index
        %get3A_732 = arith.constant 80 : index
        %get3A_733 = tpu.vector_load %arg12[%get3A_731, %get3A_732] {strides = array<i32>} : memref<64x128xf32, #tpu.memory_space<vmem>>, vector<1x16xf32>,
        %get3A_734 = vector.shape_cast %get3A_733 : vector<1x16xf32> to vector<16xf32>
        %mul3A_735 = arith.mulf %get3A_734, %get3A_680 : vector<16xf32>
        %swap3A_736 = arith.index_cast %add3A_675 : i32 to index
        %swap3A_737 = arith.constant 80 : index
        %swap3A_738 = tpu.vector_load %arg14[%swap3A_736, %swap3A_737] {strides = array<i32>} : memref<64x128xf32, #tpu.memory_space<vmem>>, vector<1x16xf32>,
        %swap3A_739 = vector.shape_cast %swap3A_738 : vector<1x16xf32> to vector<16xf32>
        %swap3A_740 = vector.shape_cast %mul3A_735 : vector<16xf32> to vector<1x16xf32>
        tpu.vector_store %arg14[%swap3A_736, %swap3A_737], %swap3A_740 {strides = array<i32>} : memref<64x128xf32, #tpu.memory_space<vmem>>, vector<1x16xf32>,
        %get3A_741 = arith.index_cast %add3A_675 : i32 to index
        %get3A_742 = arith.constant 96 : index
        %get3A_743 = tpu.vector_load %arg12[%get3A_741, %get3A_742] {strides = array<i32>} : memref<64x128xf32, #tpu.memory_space<vmem>>, vector<1x16xf32>,
        %get3A_744 = vector.shape_cast %get3A_743 : vector<1x16xf32> to vector<16xf32>
        %mul3A_745 = arith.mulf %get3A_744, %get3A_680 : vector<16xf32>
        %swap3A_746 = arith.index_cast %add3A_675 : i32 to index
        %swap3A_747 = arith.constant 96 : index
        %swap3A_748 = tpu.vector_load %arg14[%swap3A_746, %swap3A_747] {strides = array<i32>} : memref<64x128xf32, #tpu.memory_space<vmem>>, vector<1x16xf32>,
        %swap3A_749 = vector.shape_cast %swap3A_748 : vector<1x16xf32> to vector<16xf32>
        %swap3A_750 = vector.shape_cast %mul3A_745 : vector<16xf32> to vector<1x16xf32>
        tpu.vector_store %arg14[%swap3A_746, %swap3A_747], %swap3A_750 {strides = array<i32>} : memref<64x128xf32, #tpu.memory_space<vmem>>, vector<1x16xf32>,
        %get3A_751 = arith.index_cast %add3A_675 : i32 to index
        %get3A_752 = arith.constant 112 : index
        %get3A_753 = tpu.vector_load %arg12[%get3A_751, %get3A_752] {strides = array<i32>} : memref<64x128xf32, #tpu.memory_space<vmem>>, vector<1x16xf32>,
        %get3A_754 = vector.shape_cast %get3A_753 : vector<1x16xf32> to vector<16xf32>
        %mul3A_755 = arith.mulf %get3A_754, %get3A_680 : vector<16xf32>
        %swap3A_756 = arith.index_cast %add3A_675 : i32 to index
        %swap3A_757 = arith.constant 112 : index
        %swap3A_758 = tpu.vector_load %arg14[%swap3A_756, %swap3A_757] {strides = array<i32>} : memref<64x128xf32, #tpu.memory_space<vmem>>, vector<1x16xf32>,
        %swap3A_759 = vector.shape_cast %swap3A_758 : vector<1x16xf32> to vector<16xf32>
        %swap3A_760 = vector.shape_cast %mul3A_755 : vector<16xf32> to vector<1x16xf32>
        tpu.vector_store %arg14[%swap3A_756, %swap3A_757], %swap3A_760 {strides = array<i32>} : memref<64x128xf32, #tpu.memory_space<vmem>>, vector<1x16xf32>,
        %mul3A_761 = arith.constant 8 : i32
        %mul3A_762 = arith.muli %scan3A_228, %mul3A_761 : i32
        %add3A_763 = arith.constant 6 : i32
        %add3A_764 = arith.addi %mul3A_762, %add3A_763 : i32
        %mul3A_765 = arith.constant 16 : i32
        %mul3A_766 = arith.muli %add3A_764, %mul3A_765 : i32
        %get3A_767 = arith.index_cast %mul3A_766 : i32 to index
        %get3A_768 = tpu.vector_load %arg10[%get3A_767] {strides = array<i32>} : memref<1024xf32, #tpu.memory_space<vmem>>, vector<16xf32>,
        %get3A_769 = vector.shape_cast %get3A_768 : vector<16xf32> to vector<16xf32>
        %get3A_770 = arith.index_cast %add3A_764 : i32 to index
        %get3A_771 = arith.constant 0 : index
        %get3A_772 = tpu.vector_load %arg12[%get3A_770, %get3A_771] {strides = array<i32>} : memref<64x128xf32, #tpu.memory_space<vmem>>, vector<1x16xf32>,
        %get3A_773 = vector.shape_cast %get3A_772 : vector<1x16xf32> to vector<16xf32>
        %mul3A_774 = arith.mulf %get3A_773, %get3A_769 : vector<16xf32>
        %swap3A_775 = arith.index_cast %add3A_764 : i32 to index
        %swap3A_776 = arith.constant 0 : index
        %swap3A_777 = tpu.vector_load %arg14[%swap3A_775, %swap3A_776] {strides = array<i32>} : memref<64x128xf32, #tpu.memory_space<vmem>>, vector<1x16xf32>,
        %swap3A_778 = vector.shape_cast %swap3A_777 : vector<1x16xf32> to vector<16xf32>
        %swap3A_779 = vector.shape_cast %mul3A_774 : vector<16xf32> to vector<1x16xf32>
        tpu.vector_store %arg14[%swap3A_775, %swap3A_776], %swap3A_779 {strides = array<i32>} : memref<64x128xf32, #tpu.memory_space<vmem>>, vector<1x16xf32>,
        %get3A_780 = arith.index_cast %add3A_764 : i32 to index
        %get3A_781 = arith.constant 16 : index
        %get3A_782 = tpu.vector_load %arg12[%get3A_780, %get3A_781] {strides = array<i32>} : memref<64x128xf32, #tpu.memory_space<vmem>>, vector<1x16xf32>,
        %get3A_783 = vector.shape_cast %get3A_782 : vector<1x16xf32> to vector<16xf32>
        %mul3A_784 = arith.mulf %get3A_783, %get3A_769 : vector<16xf32>
        %swap3A_785 = arith.index_cast %add3A_764 : i32 to index
        %swap3A_786 = arith.constant 16 : index
        %swap3A_787 = tpu.vector_load %arg14[%swap3A_785, %swap3A_786] {strides = array<i32>} : memref<64x128xf32, #tpu.memory_space<vmem>>, vector<1x16xf32>,
        %swap3A_788 = vector.shape_cast %swap3A_787 : vector<1x16xf32> to vector<16xf32>
        %swap3A_789 = vector.shape_cast %mul3A_784 : vector<16xf32> to vector<1x16xf32>
        tpu.vector_store %arg14[%swap3A_785, %swap3A_786], %swap3A_789 {strides = array<i32>} : memref<64x128xf32, #tpu.memory_space<vmem>>, vector<1x16xf32>,
        %get3A_790 = arith.index_cast %add3A_764 : i32 to index
        %get3A_791 = arith.constant 32 : index
        %get3A_792 = tpu.vector_load %arg12[%get3A_790, %get3A_791] {strides = array<i32>} : memref<64x128xf32, #tpu.memory_space<vmem>>, vector<1x16xf32>,
        %get3A_793 = vector.shape_cast %get3A_792 : vector<1x16xf32> to vector<16xf32>
        %mul3A_794 = arith.mulf %get3A_793, %get3A_769 : vector<16xf32>
        %swap3A_795 = arith.index_cast %add3A_764 : i32 to index
        %swap3A_796 = arith.constant 32 : index
        %swap3A_797 = tpu.vector_load %arg14[%swap3A_795, %swap3A_796] {strides = array<i32>} : memref<64x128xf32, #tpu.memory_space<vmem>>, vector<1x16xf32>,
        %swap3A_798 = vector.shape_cast %swap3A_797 : vector<1x16xf32> to vector<16xf32>
        %swap3A_799 = vector.shape_cast %mul3A_794 : vector<16xf32> to vector<1x16xf32>
        tpu.vector_store %arg14[%swap3A_795, %swap3A_796], %swap3A_799 {strides = array<i32>} : memref<64x128xf32, #tpu.memory_space<vmem>>, vector<1x16xf32>,
        %get3A_800 = arith.index_cast %add3A_764 : i32 to index
        %get3A_801 = arith.constant 48 : index
        %get3A_802 = tpu.vector_load %arg12[%get3A_800, %get3A_801] {strides = array<i32>} : memref<64x128xf32, #tpu.memory_space<vmem>>, vector<1x16xf32>,
        %get3A_803 = vector.shape_cast %get3A_802 : vector<1x16xf32> to vector<16xf32>
        %mul3A_804 = arith.mulf %get3A_803, %get3A_769 : vector<16xf32>
        %swap3A_805 = arith.index_cast %add3A_764 : i32 to index
        %swap3A_806 = arith.constant 48 : index
        %swap3A_807 = tpu.vector_load %arg14[%swap3A_805, %swap3A_806] {strides = array<i32>} : memref<64x128xf32, #tpu.memory_space<vmem>>, vector<1x16xf32>,
        %swap3A_808 = vector.shape_cast %swap3A_807 : vector<1x16xf32> to vector<16xf32>
        %swap3A_809 = vector.shape_cast %mul3A_804 : vector<16xf32> to vector<1x16xf32>
        tpu.vector_store %arg14[%swap3A_805, %swap3A_806], %swap3A_809 {strides = array<i32>} : memref<64x128xf32, #tpu.memory_space<vmem>>, vector<1x16xf32>,
        %get3A_810 = arith.index_cast %add3A_764 : i32 to index
        %get3A_811 = arith.constant 64 : index
        %get3A_812 = tpu.vector_load %arg12[%get3A_810, %get3A_811] {strides = array<i32>} : memref<64x128xf32, #tpu.memory_space<vmem>>, vector<1x16xf32>,
        %get3A_813 = vector.shape_cast %get3A_812 : vector<1x16xf32> to vector<16xf32>
        %mul3A_814 = arith.mulf %get3A_813, %get3A_769 : vector<16xf32>
        %swap3A_815 = arith.index_cast %add3A_764 : i32 to index
        %swap3A_816 = arith.constant 64 : index
        %swap3A_817 = tpu.vector_load %arg14[%swap3A_815, %swap3A_816] {strides = array<i32>} : memref<64x128xf32, #tpu.memory_space<vmem>>, vector<1x16xf32>,
        %swap3A_818 = vector.shape_cast %swap3A_817 : vector<1x16xf32> to vector<16xf32>
        %swap3A_819 = vector.shape_cast %mul3A_814 : vector<16xf32> to vector<1x16xf32>
        tpu.vector_store %arg14[%swap3A_815, %swap3A_816], %swap3A_819 {strides = array<i32>} : memref<64x128xf32, #tpu.memory_space<vmem>>, vector<1x16xf32>,
        %get3A_820 = arith.index_cast %add3A_764 : i32 to index
        %get3A_821 = arith.constant 80 : index
        %get3A_822 = tpu.vector_load %arg12[%get3A_820, %get3A_821] {strides = array<i32>} : memref<64x128xf32, #tpu.memory_space<vmem>>, vector<1x16xf32>,
        %get3A_823 = vector.shape_cast %get3A_822 : vector<1x16xf32> to vector<16xf32>
        %mul3A_824 = arith.mulf %get3A_823, %get3A_769 : vector<16xf32>
        %swap3A_825 = arith.index_cast %add3A_764 : i32 to index
        %swap3A_826 = arith.constant 80 : index
        %swap3A_827 = tpu.vector_load %arg14[%swap3A_825, %swap3A_826] {strides = array<i32>} : memref<64x128xf32, #tpu.memory_space<vmem>>, vector<1x16xf32>,
        %swap3A_828 = vector.shape_cast %swap3A_827 : vector<1x16xf32> to vector<16xf32>
        %swap3A_829 = vector.shape_cast %mul3A_824 : vector<16xf32> to vector<1x16xf32>
        tpu.vector_store %arg14[%swap3A_825, %swap3A_826], %swap3A_829 {strides = array<i32>} : memref<64x128xf32, #tpu.memory_space<vmem>>, vector<1x16xf32>,
        %get3A_830 = arith.index_cast %add3A_764 : i32 to index
        %get3A_831 = arith.constant 96 : index
        %get3A_832 = tpu.vector_load %arg12[%get3A_830, %get3A_831] {strides = array<i32>} : memref<64x128xf32, #tpu.memory_space<vmem>>, vector<1x16xf32>,
        %get3A_833 = vector.shape_cast %get3A_832 : vector<1x16xf32> to vector<16xf32>
        %mul3A_834 = arith.mulf %get3A_833, %get3A_769 : vector<16xf32>
        %swap3A_835 = arith.index_cast %add3A_764 : i32 to index
        %swap3A_836 = arith.constant 96 : index
        %swap3A_837 = tpu.vector_load %arg14[%swap3A_835, %swap3A_836] {strides = array<i32>} : memref<64x128xf32, #tpu.memory_space<vmem>>, vector<1x16xf32>,
        %swap3A_838 = vector.shape_cast %swap3A_837 : vector<1x16xf32> to vector<16xf32>
        %swap3A_839 = vector.shape_cast %mul3A_834 : vector<16xf32> to vector<1x16xf32>
        tpu.vector_store %arg14[%swap3A_835, %swap3A_836], %swap3A_839 {strides = array<i32>} : memref<64x128xf32, #tpu.memory_space<vmem>>, vector<1x16xf32>,
        %get3A_840 = arith.index_cast %add3A_764 : i32 to index
        %get3A_841 = arith.constant 112 : index
        %get3A_842 = tpu.vector_load %arg12[%get3A_840, %get3A_841] {strides = array<i32>} : memref<64x128xf32, #tpu.memory_space<vmem>>, vector<1x16xf32>,
        %get3A_843 = vector.shape_cast %get3A_842 : vector<1x16xf32> to vector<16xf32>
        %mul3A_844 = arith.mulf %get3A_843, %get3A_769 : vector<16xf32>
        %swap3A_845 = arith.index_cast %add3A_764 : i32 to index
        %swap3A_846 = arith.constant 112 : index
        %swap3A_847 = tpu.vector_load %arg14[%swap3A_845, %swap3A_846] {strides = array<i32>} : memref<64x128xf32, #tpu.memory_space<vmem>>, vector<1x16xf32>,
        %swap3A_848 = vector.shape_cast %swap3A_847 : vector<1x16xf32> to vector<16xf32>
        %swap3A_849 = vector.shape_cast %mul3A_844 : vector<16xf32> to vector<1x16xf32>
        tpu.vector_store %arg14[%swap3A_845, %swap3A_846], %swap3A_849 {strides = array<i32>} : memref<64x128xf32, #tpu.memory_space<vmem>>, vector<1x16xf32>,
        %mul3A_850 = arith.constant 8 : i32
        %mul3A_851 = arith.muli %scan3A_228, %mul3A_850 : i32
        %add3A_852 = arith.constant 7 : i32
        %add3A_853 = arith.addi %mul3A_851, %add3A_852 : i32
        %mul3A_854 = arith.constant 16 : i32
        %mul3A_855 = arith.muli %add3A_853, %mul3A_854 : i32
        %get3A_856 = arith.index_cast %mul3A_855 : i32 to index
        %get3A_857 = tpu.vector_load %arg10[%get3A_856] {strides = array<i32>} : memref<1024xf32, #tpu.memory_space<vmem>>, vector<16xf32>,
        %get3A_858 = vector.shape_cast %get3A_857 : vector<16xf32> to vector<16xf32>
        %get3A_859 = arith.index_cast %add3A_853 : i32 to index
        %get3A_860 = arith.constant 0 : index
        %get3A_861 = tpu.vector_load %arg12[%get3A_859, %get3A_860] {strides = array<i32>} : memref<64x128xf32, #tpu.memory_space<vmem>>, vector<1x16xf32>,
        %get3A_862 = vector.shape_cast %get3A_861 : vector<1x16xf32> to vector<16xf32>
        %mul3A_863 = arith.mulf %get3A_862, %get3A_858 : vector<16xf32>
        %swap3A_864 = arith.index_cast %add3A_853 : i32 to index
        %swap3A_865 = arith.constant 0 : index
        %swap3A_866 = tpu.vector_load %arg14[%swap3A_864, %swap3A_865] {strides = array<i32>} : memref<64x128xf32, #tpu.memory_space<vmem>>, vector<1x16xf32>,
        %swap3A_867 = vector.shape_cast %swap3A_866 : vector<1x16xf32> to vector<16xf32>
        %swap3A_868 = vector.shape_cast %mul3A_863 : vector<16xf32> to vector<1x16xf32>
        tpu.vector_store %arg14[%swap3A_864, %swap3A_865], %swap3A_868 {strides = array<i32>} : memref<64x128xf32, #tpu.memory_space<vmem>>, vector<1x16xf32>,
        %get3A_869 = arith.index_cast %add3A_853 : i32 to index
        %get3A_870 = arith.constant 16 : index
        %get3A_871 = tpu.vector_load %arg12[%get3A_869, %get3A_870] {strides = array<i32>} : memref<64x128xf32, #tpu.memory_space<vmem>>, vector<1x16xf32>,
        %get3A_872 = vector.shape_cast %get3A_871 : vector<1x16xf32> to vector<16xf32>
        %mul3A_873 = arith.mulf %get3A_872, %get3A_858 : vector<16xf32>
        %swap3A_874 = arith.index_cast %add3A_853 : i32 to index
        %swap3A_875 = arith.constant 16 : index
        %swap3A_876 = tpu.vector_load %arg14[%swap3A_874, %swap3A_875] {strides = array<i32>} : memref<64x128xf32, #tpu.memory_space<vmem>>, vector<1x16xf32>,
        %swap3A_877 = vector.shape_cast %swap3A_876 : vector<1x16xf32> to vector<16xf32>
        %swap3A_878 = vector.shape_cast %mul3A_873 : vector<16xf32> to vector<1x16xf32>
        tpu.vector_store %arg14[%swap3A_874, %swap3A_875], %swap3A_878 {strides = array<i32>} : memref<64x128xf32, #tpu.memory_space<vmem>>, vector<1x16xf32>,
        %get3A_879 = arith.index_cast %add3A_853 : i32 to index
        %get3A_880 = arith.constant 32 : index
        %get3A_881 = tpu.vector_load %arg12[%get3A_879, %get3A_880] {strides = array<i32>} : memref<64x128xf32, #tpu.memory_space<vmem>>, vector<1x16xf32>,
        %get3A_882 = vector.shape_cast %get3A_881 : vector<1x16xf32> to vector<16xf32>
        %mul3A_883 = arith.mulf %get3A_882, %get3A_858 : vector<16xf32>
        %swap3A_884 = arith.index_cast %add3A_853 : i32 to index
        %swap3A_885 = arith.constant 32 : index
        %swap3A_886 = tpu.vector_load %arg14[%swap3A_884, %swap3A_885] {strides = array<i32>} : memref<64x128xf32, #tpu.memory_space<vmem>>, vector<1x16xf32>,
        %swap3A_887 = vector.shape_cast %swap3A_886 : vector<1x16xf32> to vector<16xf32>
        %swap3A_888 = vector.shape_cast %mul3A_883 : vector<16xf32> to vector<1x16xf32>
        tpu.vector_store %arg14[%swap3A_884, %swap3A_885], %swap3A_888 {strides = array<i32>} : memref<64x128xf32, #tpu.memory_space<vmem>>, vector<1x16xf32>,
        %get3A_889 = arith.index_cast %add3A_853 : i32 to index
        %get3A_890 = arith.constant 48 : index
        %get3A_891 = tpu.vector_load %arg12[%get3A_889, %get3A_890] {strides = array<i32>} : memref<64x128xf32, #tpu.memory_space<vmem>>, vector<1x16xf32>,
        %get3A_892 = vector.shape_cast %get3A_891 : vector<1x16xf32> to vector<16xf32>
        %mul3A_893 = arith.mulf %get3A_892, %get3A_858 : vector<16xf32>
        %swap3A_894 = arith.index_cast %add3A_853 : i32 to index
        %swap3A_895 = arith.constant 48 : index
        %swap3A_896 = tpu.vector_load %arg14[%swap3A_894, %swap3A_895] {strides = array<i32>} : memref<64x128xf32, #tpu.memory_space<vmem>>, vector<1x16xf32>,
        %swap3A_897 = vector.shape_cast %swap3A_896 : vector<1x16xf32> to vector<16xf32>
        %swap3A_898 = vector.shape_cast %mul3A_893 : vector<16xf32> to vector<1x16xf32>
        tpu.vector_store %arg14[%swap3A_894, %swap3A_895], %swap3A_898 {strides = array<i32>} : memref<64x128xf32, #tpu.memory_space<vmem>>, vector<1x16xf32>,
        %get3A_899 = arith.index_cast %add3A_853 : i32 to index
        %get3A_900 = arith.constant 64 : index
        %get3A_901 = tpu.vector_load %arg12[%get3A_899, %get3A_900] {strides = array<i32>} : memref<64x128xf32, #tpu.memory_space<vmem>>, vector<1x16xf32>,
        %get3A_902 = vector.shape_cast %get3A_901 : vector<1x16xf32> to vector<16xf32>
        %mul3A_903 = arith.mulf %get3A_902, %get3A_858 : vector<16xf32>
        %swap3A_904 = arith.index_cast %add3A_853 : i32 to index
        %swap3A_905 = arith.constant 64 : index
        %swap3A_906 = tpu.vector_load %arg14[%swap3A_904, %swap3A_905] {strides = array<i32>} : memref<64x128xf32, #tpu.memory_space<vmem>>, vector<1x16xf32>,
        %swap3A_907 = vector.shape_cast %swap3A_906 : vector<1x16xf32> to vector<16xf32>
        %swap3A_908 = vector.shape_cast %mul3A_903 : vector<16xf32> to vector<1x16xf32>
        tpu.vector_store %arg14[%swap3A_904, %swap3A_905], %swap3A_908 {strides = array<i32>} : memref<64x128xf32, #tpu.memory_space<vmem>>, vector<1x16xf32>,
        %get3A_909 = arith.index_cast %add3A_853 : i32 to index
        %get3A_910 = arith.constant 80 : index
        %get3A_911 = tpu.vector_load %arg12[%get3A_909, %get3A_910] {strides = array<i32>} : memref<64x128xf32, #tpu.memory_space<vmem>>, vector<1x16xf32>,
        %get3A_912 = vector.shape_cast %get3A_911 : vector<1x16xf32> to vector<16xf32>
        %mul3A_913 = arith.mulf %get3A_912, %get3A_858 : vector<16xf32>
        %swap3A_914 = arith.index_cast %add3A_853 : i32 to index
        %swap3A_915 = arith.constant 80 : index
        %swap3A_916 = tpu.vector_load %arg14[%swap3A_914, %swap3A_915] {strides = array<i32>} : memref<64x128xf32, #tpu.memory_space<vmem>>, vector<1x16xf32>,
        %swap3A_917 = vector.shape_cast %swap3A_916 : vector<1x16xf32> to vector<16xf32>
        %swap3A_918 = vector.shape_cast %mul3A_913 : vector<16xf32> to vector<1x16xf32>
        tpu.vector_store %arg14[%swap3A_914, %swap3A_915], %swap3A_918 {strides = array<i32>} : memref<64x128xf32, #tpu.memory_space<vmem>>, vector<1x16xf32>,
        %get3A_919 = arith.index_cast %add3A_853 : i32 to index
        %get3A_920 = arith.constant 96 : index
        %get3A_921 = tpu.vector_load %arg12[%get3A_919, %get3A_920] {strides = array<i32>} : memref<64x128xf32, #tpu.memory_space<vmem>>, vector<1x16xf32>,
        %get3A_922 = vector.shape_cast %get3A_921 : vector<1x16xf32> to vector<16xf32>
        %mul3A_923 = arith.mulf %get3A_922, %get3A_858 : vector<16xf32>
        %swap3A_924 = arith.index_cast %add3A_853 : i32 to index
        %swap3A_925 = arith.constant 96 : index
        %swap3A_926 = tpu.vector_load %arg14[%swap3A_924, %swap3A_925] {strides = array<i32>} : memref<64x128xf32, #tpu.memory_space<vmem>>, vector<1x16xf32>,
        %swap3A_927 = vector.shape_cast %swap3A_926 : vector<1x16xf32> to vector<16xf32>
        %swap3A_928 = vector.shape_cast %mul3A_923 : vector<16xf32> to vector<1x16xf32>
        tpu.vector_store %arg14[%swap3A_924, %swap3A_925], %swap3A_928 {strides = array<i32>} : memref<64x128xf32, #tpu.memory_space<vmem>>, vector<1x16xf32>,
        %get3A_929 = arith.index_cast %add3A_853 : i32 to index
        %get3A_930 = arith.constant 112 : index
        %get3A_931 = tpu.vector_load %arg12[%get3A_929, %get3A_930] {strides = array<i32>} : memref<64x128xf32, #tpu.memory_space<vmem>>, vector<1x16xf32>,
        %get3A_932 = vector.shape_cast %get3A_931 : vector<1x16xf32> to vector<16xf32>
        %mul3A_933 = arith.mulf %get3A_932, %get3A_858 : vector<16xf32>
        %swap3A_934 = arith.index_cast %add3A_853 : i32 to index
        %swap3A_935 = arith.constant 112 : index
        %swap3A_936 = tpu.vector_load %arg14[%swap3A_934, %swap3A_935] {strides = array<i32>} : memref<64x128xf32, #tpu.memory_space<vmem>>, vector<1x16xf32>,
        %swap3A_937 = vector.shape_cast %swap3A_936 : vector<1x16xf32> to vector<16xf32>
        %swap3A_938 = vector.shape_cast %mul3A_933 : vector<16xf32> to vector<1x16xf32>
        tpu.vector_store %arg14[%swap3A_934, %swap3A_935], %swap3A_938 {strides = array<i32>} : memref<64x128xf32, #tpu.memory_space<vmem>>, vector<1x16xf32>,
      }
      %scan3A_131 = arith.constant 8 : i32
      %dma_start3A_132 = arith.constant 0 : i32
      %dma_start3A_133 = arith.constant 0 : i32
      %dma_start3A_134 = tpu.memref_slice %arg19[%dma_start3A_132, %dma_start3A_133] : memref<10000x128xf32, #tpu.memory_space<vmem_shared>> -> memref<10000x128xf32, #tpu.memory_space<vmem_shared>>
      tpu.enqueue_indirect_dma source(%arg14 : memref<64x128xf32, #tpu.memory_space<vmem>>) target(%dma_start3A_134 : memref<10000x128xf32, #tpu.memory_space<vmem_shared>>) offsets(%arg16 : memref<64xi32, #tpu.memory_space<vmem>>) semaphore(%arg25 : memref<!tpu.dma_semaphore, #tpu.memory_space<semaphore_mem>>) {add = true}
      %add3A_135 = arith.constant 2 : i32
      %add3A_136 = arith.addi %add3A_102, %add3A_135 : i32
      %lt3A_137 = arith.constant 160 : i32
      %lt3A_138 = arith.cmpi slt, %add3A_136, %lt3A_137 : i32
      %convert_element_type3A_139 = arith.extui %lt3A_138 : i1 to i32
      %cond3A_140 = arith.constant 0 : i32
      %cond3A_141 = arith.cmpi ne, %convert_element_type3A_139, %cond3A_140 : i32
      scf.if %cond3A_141 {
        %add3A_228 = arith.constant 2 : i32
        %add3A_229 = arith.addi %add3A_102, %add3A_228 : i32
        %mul3A_230 = arith.constant 64 : i32
        %mul3A_231 = arith.muli %add3A_229, %mul3A_230 : i32
        %add3A_232 = arith.addi %mul3A_6, %mul3A_231 : i32
        %mul3A_233 = arith.constant 16 : i32
        %mul3A_234 = arith.muli %add3A_232, %mul3A_233 : i32
        %dma_start3A_235 = tpu.memref_slice %arg6[%mul3A_234] : memref<2621440xf32, #tpu.memory_space<hbm>> -> memref<1024xf32, #tpu.memory_space<hbm>>
        %dma_start3A_236 = tpu.memref_slice %arg6[%mul3A_234] : memref<2621440xf32, #tpu.memory_space<hbm>> -> memref<1024xf32, #tpu.memory_space<hbm>>
        tpu.enqueue_dma source(%dma_start3A_236 : memref<1024xf32, #tpu.memory_space<hbm>>) target(%arg10 : memref<1024xf32, #tpu.memory_space<vmem>>) target_semaphore(%arg23 : memref<!tpu.dma_semaphore, #tpu.memory_space<semaphore_mem>>)
        %mul3A_237 = arith.constant 64 : i32
        %mul3A_238 = arith.muli %add3A_229, %mul3A_237 : i32
        %add3A_239 = arith.addi %mul3A_6, %mul3A_238 : i32
        %dma_start3A_240 = tpu.memref_slice %arg4[%add3A_239] : memref<163840xi32, #tpu.memory_space<hbm>> -> memref<64xi32, #tpu.memory_space<hbm>>
        %dma_start3A_241 = tpu.memref_slice %arg4[%add3A_239] : memref<163840xi32, #tpu.memory_space<hbm>> -> memref<64xi32, #tpu.memory_space<hbm>>
        tpu.enqueue_dma source(%dma_start3A_241 : memref<64xi32, #tpu.memory_space<hbm>>) target(%arg18 : memref<64xi32, #tpu.memory_space<vmem>>) target_semaphore(%arg21 : memref<!tpu.dma_semaphore, #tpu.memory_space<semaphore_mem>>)
        %mul3A_242 = arith.constant 64 : i32
        %mul3A_243 = arith.muli %add3A_229, %mul3A_242 : i32
        %dma_start3A_244 = tpu.memref_slice %arg8[%mul3A_243] : memref<10240xi32, #tpu.memory_space<vmem>> -> memref<64xi32, #tpu.memory_space<vmem>>
        %dma_start3A_245 = arith.constant 0 : i32
        %dma_start3A_246 = arith.constant 0 : i32
        %dma_start3A_247 = tpu.memref_slice %arg2[%dma_start3A_245, %dma_start3A_246] : memref<20000x128xf32, #tpu.memory_space<hbm>> -> memref<20000x128xf32, #tpu.memory_space<hbm>>
        tpu.enqueue_indirect_dma source(%dma_start3A_247 : memref<20000x128xf32, #tpu.memory_space<hbm>>) target(%arg12 : memref<64x128xf32, #tpu.memory_space<vmem>>) offsets(%dma_start3A_244 : memref<64xi32, #tpu.memory_space<vmem>>) semaphore(%arg21 : memref<!tpu.dma_semaphore, #tpu.memory_space<semaphore_mem>>)
      } else {
      }
      %mul3A_142 = arith.constant 4 : i32
      %mul3A_143 = arith.muli %mul3A_142, %scan3A_57 : i32
      %add3A_144 = arith.constant 2 : i32
      %add3A_145 = arith.addi %mul3A_143, %add3A_144 : i32
      %mul3A_146 = arith.constant 64 : i32
      %mul3A_147 = arith.muli %add3A_145, %mul3A_146 : i32
      %add3A_148 = arith.addi %mul3A_6, %mul3A_147 : i32
      %mul3A_149 = arith.constant 16 : i32
      %mul3A_150 = arith.muli %add3A_148, %mul3A_149 : i32
      %dma_wait3A_151 = tpu.memref_slice %arg6[%mul3A_150] : memref<2621440xf32, #tpu.memory_space<hbm>> -> memref<1024xf32, #tpu.memory_space<hbm>>
      %dma_wait3A_152 = tpu.memref_slice %arg6[%mul3A_150] : memref<2621440xf32, #tpu.memory_space<hbm>> -> memref<1024xf32, #tpu.memory_space<hbm>>
      tpu.wait_dma2 semaphore(%arg22 : memref<!tpu.dma_semaphore, #tpu.memory_space<semaphore_mem>>) src(%dma_wait3A_152 : memref<1024xf32, #tpu.memory_space<hbm>>) dst(%arg9 : memref<1024xf32, #tpu.memory_space<vmem>>)
      %mul3A_153 = arith.constant 64 : i32
      %mul3A_154 = arith.muli %add3A_145, %mul3A_153 : i32
      %add3A_155 = arith.addi %mul3A_6, %mul3A_154 : i32
      %dma_wait3A_156 = tpu.memref_slice %arg4[%add3A_155] : memref<163840xi32, #tpu.memory_space<hbm>> -> memref<64xi32, #tpu.memory_space<hbm>>
      %dma_wait3A_157 = tpu.memref_slice %arg4[%add3A_155] : memref<163840xi32, #tpu.memory_space<hbm>> -> memref<64xi32, #tpu.memory_space<hbm>>
      tpu.wait_dma2 semaphore(%arg20 : memref<!tpu.dma_semaphore, #tpu.memory_space<semaphore_mem>>) src(%dma_wait3A_157 : memref<64xi32, #tpu.memory_space<hbm>>) dst(%arg17 : memref<64xi32, #tpu.memory_space<vmem>>)
      %mul3A_158 = arith.constant 64 : i32
      %mul3A_159 = arith.muli %add3A_145, %mul3A_158 : i32
      %dma_wait3A_160 = tpu.memref_slice %arg8[%mul3A_159] : memref<10240xi32, #tpu.memory_space<vmem>> -> memref<64xi32, #tpu.memory_space<vmem>>
      %dma_wait3A_161 = arith.constant 0 : i32
      %dma_wait3A_162 = arith.constant 0 : i32
      %dma_wait3A_163 = tpu.memref_slice %arg2[%dma_wait3A_161, %dma_wait3A_162] : memref<20000x128xf32, #tpu.memory_space<hbm>> -> memref<20000x128xf32, #tpu.memory_space<hbm>>
      tpu.wait_indirect_dma semaphore(%arg20 : memref<!tpu.dma_semaphore, #tpu.memory_space<semaphore_mem>>) src(%dma_wait3A_163 : memref<20000x128xf32, #tpu.memory_space<hbm>>) dst(%arg11 : memref<64x128xf32, #tpu.memory_space<vmem>>)
      %ge3A_164 = arith.constant 2 : i32
      %ge3A_165 = arith.cmpi sge, %add3A_145, %ge3A_164 : i32
      %convert_element_type3A_166 = arith.extui %ge3A_165 : i1 to i32
      %cond3A_167 = arith.constant 0 : i32
      %cond3A_168 = arith.cmpi ne, %convert_element_type3A_166, %cond3A_167 : i32
      scf.if %cond3A_168 {
        %dma_wait3A_228 = arith.constant 0 : i32
        %dma_wait3A_229 = arith.constant 0 : i32
        %dma_wait3A_230 = tpu.memref_slice %arg19[%dma_wait3A_228, %dma_wait3A_229] : memref<10000x128xf32, #tpu.memory_space<vmem_shared>> -> memref<10000x128xf32, #tpu.memory_space<vmem_shared>>
        tpu.wait_indirect_dma semaphore(%arg24 : memref<!tpu.dma_semaphore, #tpu.memory_space<semaphore_mem>>) src(%arg13 : memref<64x128xf32, #tpu.memory_space<vmem>>) dst(%dma_wait3A_230 : memref<10000x128xf32, #tpu.memory_space<vmem_shared>>)
      } else {
      }
      %scan3A_169 = arith.constant 0 : i32
      %scan3A_170 = arith.constant 0 : i32
      %scan3A_171 = arith.constant 8 : i32
      %scan3A_172 = arith.addi %scan3A_170, %scan3A_171 : i32
      %scan3A_173 = arith.constant 1 : i32
      scf.for %scan3A_228 = %scan3A_170 to %scan3A_172 step %scan3A_173  : i32 {
        %mul3A_229 = arith.constant 8 : i32
        %mul3A_230 = arith.muli %scan3A_228, %mul3A_229 : i32
        %add3A_231 = arith.constant 0 : i32
        %add3A_232 = arith.addi %mul3A_230, %add3A_231 : i32
        %mul3A_233 = arith.constant 16 : i32
        %mul3A_234 = arith.muli %add3A_232, %mul3A_233 : i32
        %get3A = arith.index_cast %mul3A_234 : i32 to index
        %get3A_235 = tpu.vector_load %arg9[%get3A] {strides = array<i32>} : memref<1024xf32, #tpu.memory_space<vmem>>, vector<16xf32>,
        %get3A_236 = vector.shape_cast %get3A_235 : vector<16xf32> to vector<16xf32>
        %get3A_237 = arith.index_cast %add3A_232 : i32 to index
        %get3A_238 = arith.constant 0 : index
        %get3A_239 = tpu.vector_load %arg11[%get3A_237, %get3A_238] {strides = array<i32>} : memref<64x128xf32, #tpu.memory_space<vmem>>, vector<1x16xf32>,
        %get3A_240 = vector.shape_cast %get3A_239 : vector<1x16xf32> to vector<16xf32>
        %mul3A_241 = arith.mulf %get3A_240, %get3A_236 : vector<16xf32>
        %swap3A = arith.index_cast %add3A_232 : i32 to index
        %swap3A_242 = arith.constant 0 : index
        %swap3A_243 = tpu.vector_load %arg13[%swap3A, %swap3A_242] {strides = array<i32>} : memref<64x128xf32, #tpu.memory_space<vmem>>, vector<1x16xf32>,
        %swap3A_244 = vector.shape_cast %swap3A_243 : vector<1x16xf32> to vector<16xf32>
        %swap3A_245 = vector.shape_cast %mul3A_241 : vector<16xf32> to vector<1x16xf32>
        tpu.vector_store %arg13[%swap3A, %swap3A_242], %swap3A_245 {strides = array<i32>} : memref<64x128xf32, #tpu.memory_space<vmem>>, vector<1x16xf32>,
        %get3A_246 = arith.index_cast %add3A_232 : i32 to index
        %get3A_247 = arith.constant 16 : index
        %get3A_248 = tpu.vector_load %arg11[%get3A_246, %get3A_247] {strides = array<i32>} : memref<64x128xf32, #tpu.memory_space<vmem>>, vector<1x16xf32>,
        %get3A_249 = vector.shape_cast %get3A_248 : vector<1x16xf32> to vector<16xf32>
        %mul3A_250 = arith.mulf %get3A_249, %get3A_236 : vector<16xf32>
        %swap3A_251 = arith.index_cast %add3A_232 : i32 to index
        %swap3A_252 = arith.constant 16 : index
        %swap3A_253 = tpu.vector_load %arg13[%swap3A_251, %swap3A_252] {strides = array<i32>} : memref<64x128xf32, #tpu.memory_space<vmem>>, vector<1x16xf32>,
        %swap3A_254 = vector.shape_cast %swap3A_253 : vector<1x16xf32> to vector<16xf32>
        %swap3A_255 = vector.shape_cast %mul3A_250 : vector<16xf32> to vector<1x16xf32>
        tpu.vector_store %arg13[%swap3A_251, %swap3A_252], %swap3A_255 {strides = array<i32>} : memref<64x128xf32, #tpu.memory_space<vmem>>, vector<1x16xf32>,
        %get3A_256 = arith.index_cast %add3A_232 : i32 to index
        %get3A_257 = arith.constant 32 : index
        %get3A_258 = tpu.vector_load %arg11[%get3A_256, %get3A_257] {strides = array<i32>} : memref<64x128xf32, #tpu.memory_space<vmem>>, vector<1x16xf32>,
        %get3A_259 = vector.shape_cast %get3A_258 : vector<1x16xf32> to vector<16xf32>
        %mul3A_260 = arith.mulf %get3A_259, %get3A_236 : vector<16xf32>
        %swap3A_261 = arith.index_cast %add3A_232 : i32 to index
        %swap3A_262 = arith.constant 32 : index
        %swap3A_263 = tpu.vector_load %arg13[%swap3A_261, %swap3A_262] {strides = array<i32>} : memref<64x128xf32, #tpu.memory_space<vmem>>, vector<1x16xf32>,
        %swap3A_264 = vector.shape_cast %swap3A_263 : vector<1x16xf32> to vector<16xf32>
        %swap3A_265 = vector.shape_cast %mul3A_260 : vector<16xf32> to vector<1x16xf32>
        tpu.vector_store %arg13[%swap3A_261, %swap3A_262], %swap3A_265 {strides = array<i32>} : memref<64x128xf32, #tpu.memory_space<vmem>>, vector<1x16xf32>,
        %get3A_266 = arith.index_cast %add3A_232 : i32 to index
        %get3A_267 = arith.constant 48 : index
        %get3A_268 = tpu.vector_load %arg11[%get3A_266, %get3A_267] {strides = array<i32>} : memref<64x128xf32, #tpu.memory_space<vmem>>, vector<1x16xf32>,
        %get3A_269 = vector.shape_cast %get3A_268 : vector<1x16xf32> to vector<16xf32>
        %mul3A_270 = arith.mulf %get3A_269, %get3A_236 : vector<16xf32>
        %swap3A_271 = arith.index_cast %add3A_232 : i32 to index
        %swap3A_272 = arith.constant 48 : index
        %swap3A_273 = tpu.vector_load %arg13[%swap3A_271, %swap3A_272] {strides = array<i32>} : memref<64x128xf32, #tpu.memory_space<vmem>>, vector<1x16xf32>,
        %swap3A_274 = vector.shape_cast %swap3A_273 : vector<1x16xf32> to vector<16xf32>
        %swap3A_275 = vector.shape_cast %mul3A_270 : vector<16xf32> to vector<1x16xf32>
        tpu.vector_store %arg13[%swap3A_271, %swap3A_272], %swap3A_275 {strides = array<i32>} : memref<64x128xf32, #tpu.memory_space<vmem>>, vector<1x16xf32>,
        %get3A_276 = arith.index_cast %add3A_232 : i32 to index
        %get3A_277 = arith.constant 64 : index
        %get3A_278 = tpu.vector_load %arg11[%get3A_276, %get3A_277] {strides = array<i32>} : memref<64x128xf32, #tpu.memory_space<vmem>>, vector<1x16xf32>,
        %get3A_279 = vector.shape_cast %get3A_278 : vector<1x16xf32> to vector<16xf32>
        %mul3A_280 = arith.mulf %get3A_279, %get3A_236 : vector<16xf32>
        %swap3A_281 = arith.index_cast %add3A_232 : i32 to index
        %swap3A_282 = arith.constant 64 : index
        %swap3A_283 = tpu.vector_load %arg13[%swap3A_281, %swap3A_282] {strides = array<i32>} : memref<64x128xf32, #tpu.memory_space<vmem>>, vector<1x16xf32>,
        %swap3A_284 = vector.shape_cast %swap3A_283 : vector<1x16xf32> to vector<16xf32>
        %swap3A_285 = vector.shape_cast %mul3A_280 : vector<16xf32> to vector<1x16xf32>
        tpu.vector_store %arg13[%swap3A_281, %swap3A_282], %swap3A_285 {strides = array<i32>} : memref<64x128xf32, #tpu.memory_space<vmem>>, vector<1x16xf32>,
        %get3A_286 = arith.index_cast %add3A_232 : i32 to index
        %get3A_287 = arith.constant 80 : index
        %get3A_288 = tpu.vector_load %arg11[%get3A_286, %get3A_287] {strides = array<i32>} : memref<64x128xf32, #tpu.memory_space<vmem>>, vector<1x16xf32>,
        %get3A_289 = vector.shape_cast %get3A_288 : vector<1x16xf32> to vector<16xf32>
        %mul3A_290 = arith.mulf %get3A_289, %get3A_236 : vector<16xf32>
        %swap3A_291 = arith.index_cast %add3A_232 : i32 to index
        %swap3A_292 = arith.constant 80 : index
        %swap3A_293 = tpu.vector_load %arg13[%swap3A_291, %swap3A_292] {strides = array<i32>} : memref<64x128xf32, #tpu.memory_space<vmem>>, vector<1x16xf32>,
        %swap3A_294 = vector.shape_cast %swap3A_293 : vector<1x16xf32> to vector<16xf32>
        %swap3A_295 = vector.shape_cast %mul3A_290 : vector<16xf32> to vector<1x16xf32>
        tpu.vector_store %arg13[%swap3A_291, %swap3A_292], %swap3A_295 {strides = array<i32>} : memref<64x128xf32, #tpu.memory_space<vmem>>, vector<1x16xf32>,
        %get3A_296 = arith.index_cast %add3A_232 : i32 to index
        %get3A_297 = arith.constant 96 : index
        %get3A_298 = tpu.vector_load %arg11[%get3A_296, %get3A_297] {strides = array<i32>} : memref<64x128xf32, #tpu.memory_space<vmem>>, vector<1x16xf32>,
        %get3A_299 = vector.shape_cast %get3A_298 : vector<1x16xf32> to vector<16xf32>
        %mul3A_300 = arith.mulf %get3A_299, %get3A_236 : vector<16xf32>
        %swap3A_301 = arith.index_cast %add3A_232 : i32 to index
        %swap3A_302 = arith.constant 96 : index
        %swap3A_303 = tpu.vector_load %arg13[%swap3A_301, %swap3A_302] {strides = array<i32>} : memref<64x128xf32, #tpu.memory_space<vmem>>, vector<1x16xf32>,
        %swap3A_304 = vector.shape_cast %swap3A_303 : vector<1x16xf32> to vector<16xf32>
        %swap3A_305 = vector.shape_cast %mul3A_300 : vector<16xf32> to vector<1x16xf32>
        tpu.vector_store %arg13[%swap3A_301, %swap3A_302], %swap3A_305 {strides = array<i32>} : memref<64x128xf32, #tpu.memory_space<vmem>>, vector<1x16xf32>,
        %get3A_306 = arith.index_cast %add3A_232 : i32 to index
        %get3A_307 = arith.constant 112 : index
        %get3A_308 = tpu.vector_load %arg11[%get3A_306, %get3A_307] {strides = array<i32>} : memref<64x128xf32, #tpu.memory_space<vmem>>, vector<1x16xf32>,
        %get3A_309 = vector.shape_cast %get3A_308 : vector<1x16xf32> to vector<16xf32>
        %mul3A_310 = arith.mulf %get3A_309, %get3A_236 : vector<16xf32>
        %swap3A_311 = arith.index_cast %add3A_232 : i32 to index
        %swap3A_312 = arith.constant 112 : index
        %swap3A_313 = tpu.vector_load %arg13[%swap3A_311, %swap3A_312] {strides = array<i32>} : memref<64x128xf32, #tpu.memory_space<vmem>>, vector<1x16xf32>,
        %swap3A_314 = vector.shape_cast %swap3A_313 : vector<1x16xf32> to vector<16xf32>
        %swap3A_315 = vector.shape_cast %mul3A_310 : vector<16xf32> to vector<1x16xf32>
        tpu.vector_store %arg13[%swap3A_311, %swap3A_312], %swap3A_315 {strides = array<i32>} : memref<64x128xf32, #tpu.memory_space<vmem>>, vector<1x16xf32>,
        %mul3A_316 = arith.constant 8 : i32
        %mul3A_317 = arith.muli %scan3A_228, %mul3A_316 : i32
        %add3A_318 = arith.constant 1 : i32
        %add3A_319 = arith.addi %mul3A_317, %add3A_318 : i32
        %mul3A_320 = arith.constant 16 : i32
        %mul3A_321 = arith.muli %add3A_319, %mul3A_320 : i32
        %get3A_322 = arith.index_cast %mul3A_321 : i32 to index
        %get3A_323 = tpu.vector_load %arg9[%get3A_322] {strides = array<i32>} : memref<1024xf32, #tpu.memory_space<vmem>>, vector<16xf32>,
        %get3A_324 = vector.shape_cast %get3A_323 : vector<16xf32> to vector<16xf32>
        %get3A_325 = arith.index_cast %add3A_319 : i32 to index
        %get3A_326 = arith.constant 0 : index
        %get3A_327 = tpu.vector_load %arg11[%get3A_325, %get3A_326] {strides = array<i32>} : memref<64x128xf32, #tpu.memory_space<vmem>>, vector<1x16xf32>,
        %get3A_328 = vector.shape_cast %get3A_327 : vector<1x16xf32> to vector<16xf32>
        %mul3A_329 = arith.mulf %get3A_328, %get3A_324 : vector<16xf32>
        %swap3A_330 = arith.index_cast %add3A_319 : i32 to index
        %swap3A_331 = arith.constant 0 : index
        %swap3A_332 = tpu.vector_load %arg13[%swap3A_330, %swap3A_331] {strides = array<i32>} : memref<64x128xf32, #tpu.memory_space<vmem>>, vector<1x16xf32>,
        %swap3A_333 = vector.shape_cast %swap3A_332 : vector<1x16xf32> to vector<16xf32>
        %swap3A_334 = vector.shape_cast %mul3A_329 : vector<16xf32> to vector<1x16xf32>
        tpu.vector_store %arg13[%swap3A_330, %swap3A_331], %swap3A_334 {strides = array<i32>} : memref<64x128xf32, #tpu.memory_space<vmem>>, vector<1x16xf32>,
        %get3A_335 = arith.index_cast %add3A_319 : i32 to index
        %get3A_336 = arith.constant 16 : index
        %get3A_337 = tpu.vector_load %arg11[%get3A_335, %get3A_336] {strides = array<i32>} : memref<64x128xf32, #tpu.memory_space<vmem>>, vector<1x16xf32>,
        %get3A_338 = vector.shape_cast %get3A_337 : vector<1x16xf32> to vector<16xf32>
        %mul3A_339 = arith.mulf %get3A_338, %get3A_324 : vector<16xf32>
        %swap3A_340 = arith.index_cast %add3A_319 : i32 to index
        %swap3A_341 = arith.constant 16 : index
        %swap3A_342 = tpu.vector_load %arg13[%swap3A_340, %swap3A_341] {strides = array<i32>} : memref<64x128xf32, #tpu.memory_space<vmem>>, vector<1x16xf32>,
        %swap3A_343 = vector.shape_cast %swap3A_342 : vector<1x16xf32> to vector<16xf32>
        %swap3A_344 = vector.shape_cast %mul3A_339 : vector<16xf32> to vector<1x16xf32>
        tpu.vector_store %arg13[%swap3A_340, %swap3A_341], %swap3A_344 {strides = array<i32>} : memref<64x128xf32, #tpu.memory_space<vmem>>, vector<1x16xf32>,
        %get3A_345 = arith.index_cast %add3A_319 : i32 to index
        %get3A_346 = arith.constant 32 : index
        %get3A_347 = tpu.vector_load %arg11[%get3A_345, %get3A_346] {strides = array<i32>} : memref<64x128xf32, #tpu.memory_space<vmem>>, vector<1x16xf32>,
        %get3A_348 = vector.shape_cast %get3A_347 : vector<1x16xf32> to vector<16xf32>
        %mul3A_349 = arith.mulf %get3A_348, %get3A_324 : vector<16xf32>
        %swap3A_350 = arith.index_cast %add3A_319 : i32 to index
        %swap3A_351 = arith.constant 32 : index
        %swap3A_352 = tpu.vector_load %arg13[%swap3A_350, %swap3A_351] {strides = array<i32>} : memref<64x128xf32, #tpu.memory_space<vmem>>, vector<1x16xf32>,
        %swap3A_353 = vector.shape_cast %swap3A_352 : vector<1x16xf32> to vector<16xf32>
        %swap3A_354 = vector.shape_cast %mul3A_349 : vector<16xf32> to vector<1x16xf32>
        tpu.vector_store %arg13[%swap3A_350, %swap3A_351], %swap3A_354 {strides = array<i32>} : memref<64x128xf32, #tpu.memory_space<vmem>>, vector<1x16xf32>,
        %get3A_355 = arith.index_cast %add3A_319 : i32 to index
        %get3A_356 = arith.constant 48 : index
        %get3A_357 = tpu.vector_load %arg11[%get3A_355, %get3A_356] {strides = array<i32>} : memref<64x128xf32, #tpu.memory_space<vmem>>, vector<1x16xf32>,
        %get3A_358 = vector.shape_cast %get3A_357 : vector<1x16xf32> to vector<16xf32>
        %mul3A_359 = arith.mulf %get3A_358, %get3A_324 : vector<16xf32>
        %swap3A_360 = arith.index_cast %add3A_319 : i32 to index
        %swap3A_361 = arith.constant 48 : index
        %swap3A_362 = tpu.vector_load %arg13[%swap3A_360, %swap3A_361] {strides = array<i32>} : memref<64x128xf32, #tpu.memory_space<vmem>>, vector<1x16xf32>,
        %swap3A_363 = vector.shape_cast %swap3A_362 : vector<1x16xf32> to vector<16xf32>
        %swap3A_364 = vector.shape_cast %mul3A_359 : vector<16xf32> to vector<1x16xf32>
        tpu.vector_store %arg13[%swap3A_360, %swap3A_361], %swap3A_364 {strides = array<i32>} : memref<64x128xf32, #tpu.memory_space<vmem>>, vector<1x16xf32>,
        %get3A_365 = arith.index_cast %add3A_319 : i32 to index
        %get3A_366 = arith.constant 64 : index
        %get3A_367 = tpu.vector_load %arg11[%get3A_365, %get3A_366] {strides = array<i32>} : memref<64x128xf32, #tpu.memory_space<vmem>>, vector<1x16xf32>,
        %get3A_368 = vector.shape_cast %get3A_367 : vector<1x16xf32> to vector<16xf32>
        %mul3A_369 = arith.mulf %get3A_368, %get3A_324 : vector<16xf32>
        %swap3A_370 = arith.index_cast %add3A_319 : i32 to index
        %swap3A_371 = arith.constant 64 : index
        %swap3A_372 = tpu.vector_load %arg13[%swap3A_370, %swap3A_371] {strides = array<i32>} : memref<64x128xf32, #tpu.memory_space<vmem>>, vector<1x16xf32>,
        %swap3A_373 = vector.shape_cast %swap3A_372 : vector<1x16xf32> to vector<16xf32>
        %swap3A_374 = vector.shape_cast %mul3A_369 : vector<16xf32> to vector<1x16xf32>
        tpu.vector_store %arg13[%swap3A_370, %swap3A_371], %swap3A_374 {strides = array<i32>} : memref<64x128xf32, #tpu.memory_space<vmem>>, vector<1x16xf32>,
        %get3A_375 = arith.index_cast %add3A_319 : i32 to index
        %get3A_376 = arith.constant 80 : index
        %get3A_377 = tpu.vector_load %arg11[%get3A_375, %get3A_376] {strides = array<i32>} : memref<64x128xf32, #tpu.memory_space<vmem>>, vector<1x16xf32>,
        %get3A_378 = vector.shape_cast %get3A_377 : vector<1x16xf32> to vector<16xf32>
        %mul3A_379 = arith.mulf %get3A_378, %get3A_324 : vector<16xf32>
        %swap3A_380 = arith.index_cast %add3A_319 : i32 to index
        %swap3A_381 = arith.constant 80 : index
        %swap3A_382 = tpu.vector_load %arg13[%swap3A_380, %swap3A_381] {strides = array<i32>} : memref<64x128xf32, #tpu.memory_space<vmem>>, vector<1x16xf32>,
        %swap3A_383 = vector.shape_cast %swap3A_382 : vector<1x16xf32> to vector<16xf32>
        %swap3A_384 = vector.shape_cast %mul3A_379 : vector<16xf32> to vector<1x16xf32>
        tpu.vector_store %arg13[%swap3A_380, %swap3A_381], %swap3A_384 {strides = array<i32>} : memref<64x128xf32, #tpu.memory_space<vmem>>, vector<1x16xf32>,
        %get3A_385 = arith.index_cast %add3A_319 : i32 to index
        %get3A_386 = arith.constant 96 : index
        %get3A_387 = tpu.vector_load %arg11[%get3A_385, %get3A_386] {strides = array<i32>} : memref<64x128xf32, #tpu.memory_space<vmem>>, vector<1x16xf32>,
        %get3A_388 = vector.shape_cast %get3A_387 : vector<1x16xf32> to vector<16xf32>
        %mul3A_389 = arith.mulf %get3A_388, %get3A_324 : vector<16xf32>
        %swap3A_390 = arith.index_cast %add3A_319 : i32 to index
        %swap3A_391 = arith.constant 96 : index
        %swap3A_392 = tpu.vector_load %arg13[%swap3A_390, %swap3A_391] {strides = array<i32>} : memref<64x128xf32, #tpu.memory_space<vmem>>, vector<1x16xf32>,
        %swap3A_393 = vector.shape_cast %swap3A_392 : vector<1x16xf32> to vector<16xf32>
        %swap3A_394 = vector.shape_cast %mul3A_389 : vector<16xf32> to vector<1x16xf32>
        tpu.vector_store %arg13[%swap3A_390, %swap3A_391], %swap3A_394 {strides = array<i32>} : memref<64x128xf32, #tpu.memory_space<vmem>>, vector<1x16xf32>,
        %get3A_395 = arith.index_cast %add3A_319 : i32 to index
        %get3A_396 = arith.constant 112 : index
        %get3A_397 = tpu.vector_load %arg11[%get3A_395, %get3A_396] {strides = array<i32>} : memref<64x128xf32, #tpu.memory_space<vmem>>, vector<1x16xf32>,
        %get3A_398 = vector.shape_cast %get3A_397 : vector<1x16xf32> to vector<16xf32>
        %mul3A_399 = arith.mulf %get3A_398, %get3A_324 : vector<16xf32>
        %swap3A_400 = arith.index_cast %add3A_319 : i32 to index
        %swap3A_401 = arith.constant 112 : index
        %swap3A_402 = tpu.vector_load %arg13[%swap3A_400, %swap3A_401] {strides = array<i32>} : memref<64x128xf32, #tpu.memory_space<vmem>>, vector<1x16xf32>,
        %swap3A_403 = vector.shape_cast %swap3A_402 : vector<1x16xf32> to vector<16xf32>
        %swap3A_404 = vector.shape_cast %mul3A_399 : vector<16xf32> to vector<1x16xf32>
        tpu.vector_store %arg13[%swap3A_400, %swap3A_401], %swap3A_404 {strides = array<i32>} : memref<64x128xf32, #tpu.memory_space<vmem>>, vector<1x16xf32>,
        %mul3A_405 = arith.constant 8 : i32
        %mul3A_406 = arith.muli %scan3A_228, %mul3A_405 : i32
        %add3A_407 = arith.constant 2 : i32
        %add3A_408 = arith.addi %mul3A_406, %add3A_407 : i32
        %mul3A_409 = arith.constant 16 : i32
        %mul3A_410 = arith.muli %add3A_408, %mul3A_409 : i32
        %get3A_411 = arith.index_cast %mul3A_410 : i32 to index
        %get3A_412 = tpu.vector_load %arg9[%get3A_411] {strides = array<i32>} : memref<1024xf32, #tpu.memory_space<vmem>>, vector<16xf32>,
        %get3A_413 = vector.shape_cast %get3A_412 : vector<16xf32> to vector<16xf32>
        %get3A_414 = arith.index_cast %add3A_408 : i32 to index
        %get3A_415 = arith.constant 0 : index
        %get3A_416 = tpu.vector_load %arg11[%get3A_414, %get3A_415] {strides = array<i32>} : memref<64x128xf32, #tpu.memory_space<vmem>>, vector<1x16xf32>,
        %get3A_417 = vector.shape_cast %get3A_416 : vector<1x16xf32> to vector<16xf32>
        %mul3A_418 = arith.mulf %get3A_417, %get3A_413 : vector<16xf32>
        %swap3A_419 = arith.index_cast %add3A_408 : i32 to index
        %swap3A_420 = arith.constant 0 : index
        %swap3A_421 = tpu.vector_load %arg13[%swap3A_419, %swap3A_420] {strides = array<i32>} : memref<64x128xf32, #tpu.memory_space<vmem>>, vector<1x16xf32>,
        %swap3A_422 = vector.shape_cast %swap3A_421 : vector<1x16xf32> to vector<16xf32>
        %swap3A_423 = vector.shape_cast %mul3A_418 : vector<16xf32> to vector<1x16xf32>
        tpu.vector_store %arg13[%swap3A_419, %swap3A_420], %swap3A_423 {strides = array<i32>} : memref<64x128xf32, #tpu.memory_space<vmem>>, vector<1x16xf32>,
        %get3A_424 = arith.index_cast %add3A_408 : i32 to index
        %get3A_425 = arith.constant 16 : index
        %get3A_426 = tpu.vector_load %arg11[%get3A_424, %get3A_425] {strides = array<i32>} : memref<64x128xf32, #tpu.memory_space<vmem>>, vector<1x16xf32>,
        %get3A_427 = vector.shape_cast %get3A_426 : vector<1x16xf32> to vector<16xf32>
        %mul3A_428 = arith.mulf %get3A_427, %get3A_413 : vector<16xf32>
        %swap3A_429 = arith.index_cast %add3A_408 : i32 to index
        %swap3A_430 = arith.constant 16 : index
        %swap3A_431 = tpu.vector_load %arg13[%swap3A_429, %swap3A_430] {strides = array<i32>} : memref<64x128xf32, #tpu.memory_space<vmem>>, vector<1x16xf32>,
        %swap3A_432 = vector.shape_cast %swap3A_431 : vector<1x16xf32> to vector<16xf32>
        %swap3A_433 = vector.shape_cast %mul3A_428 : vector<16xf32> to vector<1x16xf32>
        tpu.vector_store %arg13[%swap3A_429, %swap3A_430], %swap3A_433 {strides = array<i32>} : memref<64x128xf32, #tpu.memory_space<vmem>>, vector<1x16xf32>,
        %get3A_434 = arith.index_cast %add3A_408 : i32 to index
        %get3A_435 = arith.constant 32 : index
        %get3A_436 = tpu.vector_load %arg11[%get3A_434, %get3A_435] {strides = array<i32>} : memref<64x128xf32, #tpu.memory_space<vmem>>, vector<1x16xf32>,
        %get3A_437 = vector.shape_cast %get3A_436 : vector<1x16xf32> to vector<16xf32>
        %mul3A_438 = arith.mulf %get3A_437, %get3A_413 : vector<16xf32>
        %swap3A_439 = arith.index_cast %add3A_408 : i32 to index
        %swap3A_440 = arith.constant 32 : index
        %swap3A_441 = tpu.vector_load %arg13[%swap3A_439, %swap3A_440] {strides = array<i32>} : memref<64x128xf32, #tpu.memory_space<vmem>>, vector<1x16xf32>,
        %swap3A_442 = vector.shape_cast %swap3A_441 : vector<1x16xf32> to vector<16xf32>
        %swap3A_443 = vector.shape_cast %mul3A_438 : vector<16xf32> to vector<1x16xf32>
        tpu.vector_store %arg13[%swap3A_439, %swap3A_440], %swap3A_443 {strides = array<i32>} : memref<64x128xf32, #tpu.memory_space<vmem>>, vector<1x16xf32>,
        %get3A_444 = arith.index_cast %add3A_408 : i32 to index
        %get3A_445 = arith.constant 48 : index
        %get3A_446 = tpu.vector_load %arg11[%get3A_444, %get3A_445] {strides = array<i32>} : memref<64x128xf32, #tpu.memory_space<vmem>>, vector<1x16xf32>,
        %get3A_447 = vector.shape_cast %get3A_446 : vector<1x16xf32> to vector<16xf32>
        %mul3A_448 = arith.mulf %get3A_447, %get3A_413 : vector<16xf32>
        %swap3A_449 = arith.index_cast %add3A_408 : i32 to index
        %swap3A_450 = arith.constant 48 : index
        %swap3A_451 = tpu.vector_load %arg13[%swap3A_449, %swap3A_450] {strides = array<i32>} : memref<64x128xf32, #tpu.memory_space<vmem>>, vector<1x16xf32>,
        %swap3A_452 = vector.shape_cast %swap3A_451 : vector<1x16xf32> to vector<16xf32>
        %swap3A_453 = vector.shape_cast %mul3A_448 : vector<16xf32> to vector<1x16xf32>
        tpu.vector_store %arg13[%swap3A_449, %swap3A_450], %swap3A_453 {strides = array<i32>} : memref<64x128xf32, #tpu.memory_space<vmem>>, vector<1x16xf32>,
        %get3A_454 = arith.index_cast %add3A_408 : i32 to index
        %get3A_455 = arith.constant 64 : index
        %get3A_456 = tpu.vector_load %arg11[%get3A_454, %get3A_455] {strides = array<i32>} : memref<64x128xf32, #tpu.memory_space<vmem>>, vector<1x16xf32>,
        %get3A_457 = vector.shape_cast %get3A_456 : vector<1x16xf32> to vector<16xf32>
        %mul3A_458 = arith.mulf %get3A_457, %get3A_413 : vector<16xf32>
        %swap3A_459 = arith.index_cast %add3A_408 : i32 to index
        %swap3A_460 = arith.constant 64 : index
        %swap3A_461 = tpu.vector_load %arg13[%swap3A_459, %swap3A_460] {strides = array<i32>} : memref<64x128xf32, #tpu.memory_space<vmem>>, vector<1x16xf32>,
        %swap3A_462 = vector.shape_cast %swap3A_461 : vector<1x16xf32> to vector<16xf32>
        %swap3A_463 = vector.shape_cast %mul3A_458 : vector<16xf32> to vector<1x16xf32>
        tpu.vector_store %arg13[%swap3A_459, %swap3A_460], %swap3A_463 {strides = array<i32>} : memref<64x128xf32, #tpu.memory_space<vmem>>, vector<1x16xf32>,
        %get3A_464 = arith.index_cast %add3A_408 : i32 to index
        %get3A_465 = arith.constant 80 : index
        %get3A_466 = tpu.vector_load %arg11[%get3A_464, %get3A_465] {strides = array<i32>} : memref<64x128xf32, #tpu.memory_space<vmem>>, vector<1x16xf32>,
        %get3A_467 = vector.shape_cast %get3A_466 : vector<1x16xf32> to vector<16xf32>
        %mul3A_468 = arith.mulf %get3A_467, %get3A_413 : vector<16xf32>
        %swap3A_469 = arith.index_cast %add3A_408 : i32 to index
        %swap3A_470 = arith.constant 80 : index
        %swap3A_471 = tpu.vector_load %arg13[%swap3A_469, %swap3A_470] {strides = array<i32>} : memref<64x128xf32, #tpu.memory_space<vmem>>, vector<1x16xf32>,
        %swap3A_472 = vector.shape_cast %swap3A_471 : vector<1x16xf32> to vector<16xf32>
        %swap3A_473 = vector.shape_cast %mul3A_468 : vector<16xf32> to vector<1x16xf32>
        tpu.vector_store %arg13[%swap3A_469, %swap3A_470], %swap3A_473 {strides = array<i32>} : memref<64x128xf32, #tpu.memory_space<vmem>>, vector<1x16xf32>,
        %get3A_474 = arith.index_cast %add3A_408 : i32 to index
        %get3A_475 = arith.constant 96 : index
        %get3A_476 = tpu.vector_load %arg11[%get3A_474, %get3A_475] {strides = array<i32>} : memref<64x128xf32, #tpu.memory_space<vmem>>, vector<1x16xf32>,
        %get3A_477 = vector.shape_cast %get3A_476 : vector<1x16xf32> to vector<16xf32>
        %mul3A_478 = arith.mulf %get3A_477, %get3A_413 : vector<16xf32>
        %swap3A_479 = arith.index_cast %add3A_408 : i32 to index
        %swap3A_480 = arith.constant 96 : index
        %swap3A_481 = tpu.vector_load %arg13[%swap3A_479, %swap3A_480] {strides = array<i32>} : memref<64x128xf32, #tpu.memory_space<vmem>>, vector<1x16xf32>,
        %swap3A_482 = vector.shape_cast %swap3A_481 : vector<1x16xf32> to vector<16xf32>
        %swap3A_483 = vector.shape_cast %mul3A_478 : vector<16xf32> to vector<1x16xf32>
        tpu.vector_store %arg13[%swap3A_479, %swap3A_480], %swap3A_483 {strides = array<i32>} : memref<64x128xf32, #tpu.memory_space<vmem>>, vector<1x16xf32>,
        %get3A_484 = arith.index_cast %add3A_408 : i32 to index
        %get3A_485 = arith.constant 112 : index
        %get3A_486 = tpu.vector_load %arg11[%get3A_484, %get3A_485] {strides = array<i32>} : memref<64x128xf32, #tpu.memory_space<vmem>>, vector<1x16xf32>,
        %get3A_487 = vector.shape_cast %get3A_486 : vector<1x16xf32> to vector<16xf32>
        %mul3A_488 = arith.mulf %get3A_487, %get3A_413 : vector<16xf32>
        %swap3A_489 = arith.index_cast %add3A_408 : i32 to index
        %swap3A_490 = arith.constant 112 : index
        %swap3A_491 = tpu.vector_load %arg13[%swap3A_489, %swap3A_490] {strides = array<i32>} : memref<64x128xf32, #tpu.memory_space<vmem>>, vector<1x16xf32>,
        %swap3A_492 = vector.shape_cast %swap3A_491 : vector<1x16xf32> to vector<16xf32>
        %swap3A_493 = vector.shape_cast %mul3A_488 : vector<16xf32> to vector<1x16xf32>
        tpu.vector_store %arg13[%swap3A_489, %swap3A_490], %swap3A_493 {strides = array<i32>} : memref<64x128xf32, #tpu.memory_space<vmem>>, vector<1x16xf32>,
        %mul3A_494 = arith.constant 8 : i32
        %mul3A_495 = arith.muli %scan3A_228, %mul3A_494 : i32
        %add3A_496 = arith.constant 3 : i32
        %add3A_497 = arith.addi %mul3A_495, %add3A_496 : i32
        %mul3A_498 = arith.constant 16 : i32
        %mul3A_499 = arith.muli %add3A_497, %mul3A_498 : i32
        %get3A_500 = arith.index_cast %mul3A_499 : i32 to index
        %get3A_501 = tpu.vector_load %arg9[%get3A_500] {strides = array<i32>} : memref<1024xf32, #tpu.memory_space<vmem>>, vector<16xf32>,
        %get3A_502 = vector.shape_cast %get3A_501 : vector<16xf32> to vector<16xf32>
        %get3A_503 = arith.index_cast %add3A_497 : i32 to index
        %get3A_504 = arith.constant 0 : index
        %get3A_505 = tpu.vector_load %arg11[%get3A_503, %get3A_504] {strides = array<i32>} : memref<64x128xf32, #tpu.memory_space<vmem>>, vector<1x16xf32>,
        %get3A_506 = vector.shape_cast %get3A_505 : vector<1x16xf32> to vector<16xf32>
        %mul3A_507 = arith.mulf %get3A_506, %get3A_502 : vector<16xf32>
        %swap3A_508 = arith.index_cast %add3A_497 : i32 to index
        %swap3A_509 = arith.constant 0 : index
        %swap3A_510 = tpu.vector_load %arg13[%swap3A_508, %swap3A_509] {strides = array<i32>} : memref<64x128xf32, #tpu.memory_space<vmem>>, vector<1x16xf32>,
        %swap3A_511 = vector.shape_cast %swap3A_510 : vector<1x16xf32> to vector<16xf32>
        %swap3A_512 = vector.shape_cast %mul3A_507 : vector<16xf32> to vector<1x16xf32>
        tpu.vector_store %arg13[%swap3A_508, %swap3A_509], %swap3A_512 {strides = array<i32>} : memref<64x128xf32, #tpu.memory_space<vmem>>, vector<1x16xf32>,
        %get3A_513 = arith.index_cast %add3A_497 : i32 to index
        %get3A_514 = arith.constant 16 : index
        %get3A_515 = tpu.vector_load %arg11[%get3A_513, %get3A_514] {strides = array<i32>} : memref<64x128xf32, #tpu.memory_space<vmem>>, vector<1x16xf32>,
        %get3A_516 = vector.shape_cast %get3A_515 : vector<1x16xf32> to vector<16xf32>
        %mul3A_517 = arith.mulf %get3A_516, %get3A_502 : vector<16xf32>
        %swap3A_518 = arith.index_cast %add3A_497 : i32 to index
        %swap3A_519 = arith.constant 16 : index
        %swap3A_520 = tpu.vector_load %arg13[%swap3A_518, %swap3A_519] {strides = array<i32>} : memref<64x128xf32, #tpu.memory_space<vmem>>, vector<1x16xf32>,
        %swap3A_521 = vector.shape_cast %swap3A_520 : vector<1x16xf32> to vector<16xf32>
        %swap3A_522 = vector.shape_cast %mul3A_517 : vector<16xf32> to vector<1x16xf32>
        tpu.vector_store %arg13[%swap3A_518, %swap3A_519], %swap3A_522 {strides = array<i32>} : memref<64x128xf32, #tpu.memory_space<vmem>>, vector<1x16xf32>,
        %get3A_523 = arith.index_cast %add3A_497 : i32 to index
        %get3A_524 = arith.constant 32 : index
        %get3A_525 = tpu.vector_load %arg11[%get3A_523, %get3A_524] {strides = array<i32>} : memref<64x128xf32, #tpu.memory_space<vmem>>, vector<1x16xf32>,
        %get3A_526 = vector.shape_cast %get3A_525 : vector<1x16xf32> to vector<16xf32>
        %mul3A_527 = arith.mulf %get3A_526, %get3A_502 : vector<16xf32>
        %swap3A_528 = arith.index_cast %add3A_497 : i32 to index
        %swap3A_529 = arith.constant 32 : index
        %swap3A_530 = tpu.vector_load %arg13[%swap3A_528, %swap3A_529] {strides = array<i32>} : memref<64x128xf32, #tpu.memory_space<vmem>>, vector<1x16xf32>,
        %swap3A_531 = vector.shape_cast %swap3A_530 : vector<1x16xf32> to vector<16xf32>
        %swap3A_532 = vector.shape_cast %mul3A_527 : vector<16xf32> to vector<1x16xf32>
        tpu.vector_store %arg13[%swap3A_528, %swap3A_529], %swap3A_532 {strides = array<i32>} : memref<64x128xf32, #tpu.memory_space<vmem>>, vector<1x16xf32>,
        %get3A_533 = arith.index_cast %add3A_497 : i32 to index
        %get3A_534 = arith.constant 48 : index
        %get3A_535 = tpu.vector_load %arg11[%get3A_533, %get3A_534] {strides = array<i32>} : memref<64x128xf32, #tpu.memory_space<vmem>>, vector<1x16xf32>,
        %get3A_536 = vector.shape_cast %get3A_535 : vector<1x16xf32> to vector<16xf32>
        %mul3A_537 = arith.mulf %get3A_536, %get3A_502 : vector<16xf32>
        %swap3A_538 = arith.index_cast %add3A_497 : i32 to index
        %swap3A_539 = arith.constant 48 : index
        %swap3A_540 = tpu.vector_load %arg13[%swap3A_538, %swap3A_539] {strides = array<i32>} : memref<64x128xf32, #tpu.memory_space<vmem>>, vector<1x16xf32>,
        %swap3A_541 = vector.shape_cast %swap3A_540 : vector<1x16xf32> to vector<16xf32>
        %swap3A_542 = vector.shape_cast %mul3A_537 : vector<16xf32> to vector<1x16xf32>
        tpu.vector_store %arg13[%swap3A_538, %swap3A_539], %swap3A_542 {strides = array<i32>} : memref<64x128xf32, #tpu.memory_space<vmem>>, vector<1x16xf32>,
        %get3A_543 = arith.index_cast %add3A_497 : i32 to index
        %get3A_544 = arith.constant 64 : index
        %get3A_545 = tpu.vector_load %arg11[%get3A_543, %get3A_544] {strides = array<i32>} : memref<64x128xf32, #tpu.memory_space<vmem>>, vector<1x16xf32>,
        %get3A_546 = vector.shape_cast %get3A_545 : vector<1x16xf32> to vector<16xf32>
        %mul3A_547 = arith.mulf %get3A_546, %get3A_502 : vector<16xf32>
        %swap3A_548 = arith.index_cast %add3A_497 : i32 to index
        %swap3A_549 = arith.constant 64 : index
        %swap3A_550 = tpu.vector_load %arg13[%swap3A_548, %swap3A_549] {strides = array<i32>} : memref<64x128xf32, #tpu.memory_space<vmem>>, vector<1x16xf32>,
        %swap3A_551 = vector.shape_cast %swap3A_550 : vector<1x16xf32> to vector<16xf32>
        %swap3A_552 = vector.shape_cast %mul3A_547 : vector<16xf32> to vector<1x16xf32>
        tpu.vector_store %arg13[%swap3A_548, %swap3A_549], %swap3A_552 {strides = array<i32>} : memref<64x128xf32, #tpu.memory_space<vmem>>, vector<1x16xf32>,
        %get3A_553 = arith.index_cast %add3A_497 : i32 to index
        %get3A_554 = arith.constant 80 : index
        %get3A_555 = tpu.vector_load %arg11[%get3A_553, %get3A_554] {strides = array<i32>} : memref<64x128xf32, #tpu.memory_space<vmem>>, vector<1x16xf32>,
        %get3A_556 = vector.shape_cast %get3A_555 : vector<1x16xf32> to vector<16xf32>
        %mul3A_557 = arith.mulf %get3A_556, %get3A_502 : vector<16xf32>
        %swap3A_558 = arith.index_cast %add3A_497 : i32 to index
        %swap3A_559 = arith.constant 80 : index
        %swap3A_560 = tpu.vector_load %arg13[%swap3A_558, %swap3A_559] {strides = array<i32>} : memref<64x128xf32, #tpu.memory_space<vmem>>, vector<1x16xf32>,
        %swap3A_561 = vector.shape_cast %swap3A_560 : vector<1x16xf32> to vector<16xf32>
        %swap3A_562 = vector.shape_cast %mul3A_557 : vector<16xf32> to vector<1x16xf32>
        tpu.vector_store %arg13[%swap3A_558, %swap3A_559], %swap3A_562 {strides = array<i32>} : memref<64x128xf32, #tpu.memory_space<vmem>>, vector<1x16xf32>,
        %get3A_563 = arith.index_cast %add3A_497 : i32 to index
        %get3A_564 = arith.constant 96 : index
        %get3A_565 = tpu.vector_load %arg11[%get3A_563, %get3A_564] {strides = array<i32>} : memref<64x128xf32, #tpu.memory_space<vmem>>, vector<1x16xf32>,
        %get3A_566 = vector.shape_cast %get3A_565 : vector<1x16xf32> to vector<16xf32>
        %mul3A_567 = arith.mulf %get3A_566, %get3A_502 : vector<16xf32>
        %swap3A_568 = arith.index_cast %add3A_497 : i32 to index
        %swap3A_569 = arith.constant 96 : index
        %swap3A_570 = tpu.vector_load %arg13[%swap3A_568, %swap3A_569] {strides = array<i32>} : memref<64x128xf32, #tpu.memory_space<vmem>>, vector<1x16xf32>,
        %swap3A_571 = vector.shape_cast %swap3A_570 : vector<1x16xf32> to vector<16xf32>
        %swap3A_572 = vector.shape_cast %mul3A_567 : vector<16xf32> to vector<1x16xf32>
        tpu.vector_store %arg13[%swap3A_568, %swap3A_569], %swap3A_572 {strides = array<i32>} : memref<64x128xf32, #tpu.memory_space<vmem>>, vector<1x16xf32>,
        %get3A_573 = arith.index_cast %add3A_497 : i32 to index
        %get3A_574 = arith.constant 112 : index
        %get3A_575 = tpu.vector_load %arg11[%get3A_573, %get3A_574] {strides = array<i32>} : memref<64x128xf32, #tpu.memory_space<vmem>>, vector<1x16xf32>,
        %get3A_576 = vector.shape_cast %get3A_575 : vector<1x16xf32> to vector<16xf32>
        %mul3A_577 = arith.mulf %get3A_576, %get3A_502 : vector<16xf32>
        %swap3A_578 = arith.index_cast %add3A_497 : i32 to index
        %swap3A_579 = arith.constant 112 : index
        %swap3A_580 = tpu.vector_load %arg13[%swap3A_578, %swap3A_579] {strides = array<i32>} : memref<64x128xf32, #tpu.memory_space<vmem>>, vector<1x16xf32>,
        %swap3A_581 = vector.shape_cast %swap3A_580 : vector<1x16xf32> to vector<16xf32>
        %swap3A_582 = vector.shape_cast %mul3A_577 : vector<16xf32> to vector<1x16xf32>
        tpu.vector_store %arg13[%swap3A_578, %swap3A_579], %swap3A_582 {strides = array<i32>} : memref<64x128xf32, #tpu.memory_space<vmem>>, vector<1x16xf32>,
        %mul3A_583 = arith.constant 8 : i32
        %mul3A_584 = arith.muli %scan3A_228, %mul3A_583 : i32
        %add3A_585 = arith.constant 4 : i32
        %add3A_586 = arith.addi %mul3A_584, %add3A_585 : i32
        %mul3A_587 = arith.constant 16 : i32
        %mul3A_588 = arith.muli %add3A_586, %mul3A_587 : i32
        %get3A_589 = arith.index_cast %mul3A_588 : i32 to index
        %get3A_590 = tpu.vector_load %arg9[%get3A_589] {strides = array<i32>} : memref<1024xf32, #tpu.memory_space<vmem>>, vector<16xf32>,
        %get3A_591 = vector.shape_cast %get3A_590 : vector<16xf32> to vector<16xf32>
        %get3A_592 = arith.index_cast %add3A_586 : i32 to index
        %get3A_593 = arith.constant 0 : index
        %get3A_594 = tpu.vector_load %arg11[%get3A_592, %get3A_593] {strides = array<i32>} : memref<64x128xf32, #tpu.memory_space<vmem>>, vector<1x16xf32>,
        %get3A_595 = vector.shape_cast %get3A_594 : vector<1x16xf32> to vector<16xf32>
        %mul3A_596 = arith.mulf %get3A_595, %get3A_591 : vector<16xf32>
        %swap3A_597 = arith.index_cast %add3A_586 : i32 to index
        %swap3A_598 = arith.constant 0 : index
        %swap3A_599 = tpu.vector_load %arg13[%swap3A_597, %swap3A_598] {strides = array<i32>} : memref<64x128xf32, #tpu.memory_space<vmem>>, vector<1x16xf32>,
        %swap3A_600 = vector.shape_cast %swap3A_599 : vector<1x16xf32> to vector<16xf32>
        %swap3A_601 = vector.shape_cast %mul3A_596 : vector<16xf32> to vector<1x16xf32>
        tpu.vector_store %arg13[%swap3A_597, %swap3A_598], %swap3A_601 {strides = array<i32>} : memref<64x128xf32, #tpu.memory_space<vmem>>, vector<1x16xf32>,
        %get3A_602 = arith.index_cast %add3A_586 : i32 to index
        %get3A_603 = arith.constant 16 : index
        %get3A_604 = tpu.vector_load %arg11[%get3A_602, %get3A_603] {strides = array<i32>} : memref<64x128xf32, #tpu.memory_space<vmem>>, vector<1x16xf32>,
        %get3A_605 = vector.shape_cast %get3A_604 : vector<1x16xf32> to vector<16xf32>
        %mul3A_606 = arith.mulf %get3A_605, %get3A_591 : vector<16xf32>
        %swap3A_607 = arith.index_cast %add3A_586 : i32 to index
        %swap3A_608 = arith.constant 16 : index
        %swap3A_609 = tpu.vector_load %arg13[%swap3A_607, %swap3A_608] {strides = array<i32>} : memref<64x128xf32, #tpu.memory_space<vmem>>, vector<1x16xf32>,
        %swap3A_610 = vector.shape_cast %swap3A_609 : vector<1x16xf32> to vector<16xf32>
        %swap3A_611 = vector.shape_cast %mul3A_606 : vector<16xf32> to vector<1x16xf32>
        tpu.vector_store %arg13[%swap3A_607, %swap3A_608], %swap3A_611 {strides = array<i32>} : memref<64x128xf32, #tpu.memory_space<vmem>>, vector<1x16xf32>,
        %get3A_612 = arith.index_cast %add3A_586 : i32 to index
        %get3A_613 = arith.constant 32 : index
        %get3A_614 = tpu.vector_load %arg11[%get3A_612, %get3A_613] {strides = array<i32>} : memref<64x128xf32, #tpu.memory_space<vmem>>, vector<1x16xf32>,
        %get3A_615 = vector.shape_cast %get3A_614 : vector<1x16xf32> to vector<16xf32>
        %mul3A_616 = arith.mulf %get3A_615, %get3A_591 : vector<16xf32>
        %swap3A_617 = arith.index_cast %add3A_586 : i32 to index
        %swap3A_618 = arith.constant 32 : index
        %swap3A_619 = tpu.vector_load %arg13[%swap3A_617, %swap3A_618] {strides = array<i32>} : memref<64x128xf32, #tpu.memory_space<vmem>>, vector<1x16xf32>,
        %swap3A_620 = vector.shape_cast %swap3A_619 : vector<1x16xf32> to vector<16xf32>
        %swap3A_621 = vector.shape_cast %mul3A_616 : vector<16xf32> to vector<1x16xf32>
        tpu.vector_store %arg13[%swap3A_617, %swap3A_618], %swap3A_621 {strides = array<i32>} : memref<64x128xf32, #tpu.memory_space<vmem>>, vector<1x16xf32>,
        %get3A_622 = arith.index_cast %add3A_586 : i32 to index
        %get3A_623 = arith.constant 48 : index
        %get3A_624 = tpu.vector_load %arg11[%get3A_622, %get3A_623] {strides = array<i32>} : memref<64x128xf32, #tpu.memory_space<vmem>>, vector<1x16xf32>,
        %get3A_625 = vector.shape_cast %get3A_624 : vector<1x16xf32> to vector<16xf32>
        %mul3A_626 = arith.mulf %get3A_625, %get3A_591 : vector<16xf32>
        %swap3A_627 = arith.index_cast %add3A_586 : i32 to index
        %swap3A_628 = arith.constant 48 : index
        %swap3A_629 = tpu.vector_load %arg13[%swap3A_627, %swap3A_628] {strides = array<i32>} : memref<64x128xf32, #tpu.memory_space<vmem>>, vector<1x16xf32>,
        %swap3A_630 = vector.shape_cast %swap3A_629 : vector<1x16xf32> to vector<16xf32>
        %swap3A_631 = vector.shape_cast %mul3A_626 : vector<16xf32> to vector<1x16xf32>
        tpu.vector_store %arg13[%swap3A_627, %swap3A_628], %swap3A_631 {strides = array<i32>} : memref<64x128xf32, #tpu.memory_space<vmem>>, vector<1x16xf32>,
        %get3A_632 = arith.index_cast %add3A_586 : i32 to index
        %get3A_633 = arith.constant 64 : index
        %get3A_634 = tpu.vector_load %arg11[%get3A_632, %get3A_633] {strides = array<i32>} : memref<64x128xf32, #tpu.memory_space<vmem>>, vector<1x16xf32>,
        %get3A_635 = vector.shape_cast %get3A_634 : vector<1x16xf32> to vector<16xf32>
        %mul3A_636 = arith.mulf %get3A_635, %get3A_591 : vector<16xf32>
        %swap3A_637 = arith.index_cast %add3A_586 : i32 to index
        %swap3A_638 = arith.constant 64 : index
        %swap3A_639 = tpu.vector_load %arg13[%swap3A_637, %swap3A_638] {strides = array<i32>} : memref<64x128xf32, #tpu.memory_space<vmem>>, vector<1x16xf32>,
        %swap3A_640 = vector.shape_cast %swap3A_639 : vector<1x16xf32> to vector<16xf32>
        %swap3A_641 = vector.shape_cast %mul3A_636 : vector<16xf32> to vector<1x16xf32>
        tpu.vector_store %arg13[%swap3A_637, %swap3A_638], %swap3A_641 {strides = array<i32>} : memref<64x128xf32, #tpu.memory_space<vmem>>, vector<1x16xf32>,
        %get3A_642 = arith.index_cast %add3A_586 : i32 to index
        %get3A_643 = arith.constant 80 : index
        %get3A_644 = tpu.vector_load %arg11[%get3A_642, %get3A_643] {strides = array<i32>} : memref<64x128xf32, #tpu.memory_space<vmem>>, vector<1x16xf32>,
        %get3A_645 = vector.shape_cast %get3A_644 : vector<1x16xf32> to vector<16xf32>
        %mul3A_646 = arith.mulf %get3A_645, %get3A_591 : vector<16xf32>
        %swap3A_647 = arith.index_cast %add3A_586 : i32 to index
        %swap3A_648 = arith.constant 80 : index
        %swap3A_649 = tpu.vector_load %arg13[%swap3A_647, %swap3A_648] {strides = array<i32>} : memref<64x128xf32, #tpu.memory_space<vmem>>, vector<1x16xf32>,
        %swap3A_650 = vector.shape_cast %swap3A_649 : vector<1x16xf32> to vector<16xf32>
        %swap3A_651 = vector.shape_cast %mul3A_646 : vector<16xf32> to vector<1x16xf32>
        tpu.vector_store %arg13[%swap3A_647, %swap3A_648], %swap3A_651 {strides = array<i32>} : memref<64x128xf32, #tpu.memory_space<vmem>>, vector<1x16xf32>,
        %get3A_652 = arith.index_cast %add3A_586 : i32 to index
        %get3A_653 = arith.constant 96 : index
        %get3A_654 = tpu.vector_load %arg11[%get3A_652, %get3A_653] {strides = array<i32>} : memref<64x128xf32, #tpu.memory_space<vmem>>, vector<1x16xf32>,
        %get3A_655 = vector.shape_cast %get3A_654 : vector<1x16xf32> to vector<16xf32>
        %mul3A_656 = arith.mulf %get3A_655, %get3A_591 : vector<16xf32>
        %swap3A_657 = arith.index_cast %add3A_586 : i32 to index
        %swap3A_658 = arith.constant 96 : index
        %swap3A_659 = tpu.vector_load %arg13[%swap3A_657, %swap3A_658] {strides = array<i32>} : memref<64x128xf32, #tpu.memory_space<vmem>>, vector<1x16xf32>,
        %swap3A_660 = vector.shape_cast %swap3A_659 : vector<1x16xf32> to vector<16xf32>
        %swap3A_661 = vector.shape_cast %mul3A_656 : vector<16xf32> to vector<1x16xf32>
        tpu.vector_store %arg13[%swap3A_657, %swap3A_658], %swap3A_661 {strides = array<i32>} : memref<64x128xf32, #tpu.memory_space<vmem>>, vector<1x16xf32>,
        %get3A_662 = arith.index_cast %add3A_586 : i32 to index
        %get3A_663 = arith.constant 112 : index
        %get3A_664 = tpu.vector_load %arg11[%get3A_662, %get3A_663] {strides = array<i32>} : memref<64x128xf32, #tpu.memory_space<vmem>>, vector<1x16xf32>,
        %get3A_665 = vector.shape_cast %get3A_664 : vector<1x16xf32> to vector<16xf32>
        %mul3A_666 = arith.mulf %get3A_665, %get3A_591 : vector<16xf32>
        %swap3A_667 = arith.index_cast %add3A_586 : i32 to index
        %swap3A_668 = arith.constant 112 : index
        %swap3A_669 = tpu.vector_load %arg13[%swap3A_667, %swap3A_668] {strides = array<i32>} : memref<64x128xf32, #tpu.memory_space<vmem>>, vector<1x16xf32>,
        %swap3A_670 = vector.shape_cast %swap3A_669 : vector<1x16xf32> to vector<16xf32>
        %swap3A_671 = vector.shape_cast %mul3A_666 : vector<16xf32> to vector<1x16xf32>
        tpu.vector_store %arg13[%swap3A_667, %swap3A_668], %swap3A_671 {strides = array<i32>} : memref<64x128xf32, #tpu.memory_space<vmem>>, vector<1x16xf32>,
        %mul3A_672 = arith.constant 8 : i32
        %mul3A_673 = arith.muli %scan3A_228, %mul3A_672 : i32
        %add3A_674 = arith.constant 5 : i32
        %add3A_675 = arith.addi %mul3A_673, %add3A_674 : i32
        %mul3A_676 = arith.constant 16 : i32
        %mul3A_677 = arith.muli %add3A_675, %mul3A_676 : i32
        %get3A_678 = arith.index_cast %mul3A_677 : i32 to index
        %get3A_679 = tpu.vector_load %arg9[%get3A_678] {strides = array<i32>} : memref<1024xf32, #tpu.memory_space<vmem>>, vector<16xf32>,
        %get3A_680 = vector.shape_cast %get3A_679 : vector<16xf32> to vector<16xf32>
        %get3A_681 = arith.index_cast %add3A_675 : i32 to index
        %get3A_682 = arith.constant 0 : index
        %get3A_683 = tpu.vector_load %arg11[%get3A_681, %get3A_682] {strides = array<i32>} : memref<64x128xf32, #tpu.memory_space<vmem>>, vector<1x16xf32>,
        %get3A_684 = vector.shape_cast %get3A_683 : vector<1x16xf32> to vector<16xf32>
        %mul3A_685 = arith.mulf %get3A_684, %get3A_680 : vector<16xf32>
        %swap3A_686 = arith.index_cast %add3A_675 : i32 to index
        %swap3A_687 = arith.constant 0 : index
        %swap3A_688 = tpu.vector_load %arg13[%swap3A_686, %swap3A_687] {strides = array<i32>} : memref<64x128xf32, #tpu.memory_space<vmem>>, vector<1x16xf32>,
        %swap3A_689 = vector.shape_cast %swap3A_688 : vector<1x16xf32> to vector<16xf32>
        %swap3A_690 = vector.shape_cast %mul3A_685 : vector<16xf32> to vector<1x16xf32>
        tpu.vector_store %arg13[%swap3A_686, %swap3A_687], %swap3A_690 {strides = array<i32>} : memref<64x128xf32, #tpu.memory_space<vmem>>, vector<1x16xf32>,
        %get3A_691 = arith.index_cast %add3A_675 : i32 to index
        %get3A_692 = arith.constant 16 : index
        %get3A_693 = tpu.vector_load %arg11[%get3A_691, %get3A_692] {strides = array<i32>} : memref<64x128xf32, #tpu.memory_space<vmem>>, vector<1x16xf32>,
        %get3A_694 = vector.shape_cast %get3A_693 : vector<1x16xf32> to vector<16xf32>
        %mul3A_695 = arith.mulf %get3A_694, %get3A_680 : vector<16xf32>
        %swap3A_696 = arith.index_cast %add3A_675 : i32 to index
        %swap3A_697 = arith.constant 16 : index
        %swap3A_698 = tpu.vector_load %arg13[%swap3A_696, %swap3A_697] {strides = array<i32>} : memref<64x128xf32, #tpu.memory_space<vmem>>, vector<1x16xf32>,
        %swap3A_699 = vector.shape_cast %swap3A_698 : vector<1x16xf32> to vector<16xf32>
        %swap3A_700 = vector.shape_cast %mul3A_695 : vector<16xf32> to vector<1x16xf32>
        tpu.vector_store %arg13[%swap3A_696, %swap3A_697], %swap3A_700 {strides = array<i32>} : memref<64x128xf32, #tpu.memory_space<vmem>>, vector<1x16xf32>,
        %get3A_701 = arith.index_cast %add3A_675 : i32 to index
        %get3A_702 = arith.constant 32 : index
        %get3A_703 = tpu.vector_load %arg11[%get3A_701, %get3A_702] {strides = array<i32>} : memref<64x128xf32, #tpu.memory_space<vmem>>, vector<1x16xf32>,
        %get3A_704 = vector.shape_cast %get3A_703 : vector<1x16xf32> to vector<16xf32>
        %mul3A_705 = arith.mulf %get3A_704, %get3A_680 : vector<16xf32>
        %swap3A_706 = arith.index_cast %add3A_675 : i32 to index
        %swap3A_707 = arith.constant 32 : index
        %swap3A_708 = tpu.vector_load %arg13[%swap3A_706, %swap3A_707] {strides = array<i32>} : memref<64x128xf32, #tpu.memory_space<vmem>>, vector<1x16xf32>,
        %swap3A_709 = vector.shape_cast %swap3A_708 : vector<1x16xf32> to vector<16xf32>
        %swap3A_710 = vector.shape_cast %mul3A_705 : vector<16xf32> to vector<1x16xf32>
        tpu.vector_store %arg13[%swap3A_706, %swap3A_707], %swap3A_710 {strides = array<i32>} : memref<64x128xf32, #tpu.memory_space<vmem>>, vector<1x16xf32>,
        %get3A_711 = arith.index_cast %add3A_675 : i32 to index
        %get3A_712 = arith.constant 48 : index
        %get3A_713 = tpu.vector_load %arg11[%get3A_711, %get3A_712] {strides = array<i32>} : memref<64x128xf32, #tpu.memory_space<vmem>>, vector<1x16xf32>,
        %get3A_714 = vector.shape_cast %get3A_713 : vector<1x16xf32> to vector<16xf32>
        %mul3A_715 = arith.mulf %get3A_714, %get3A_680 : vector<16xf32>
        %swap3A_716 = arith.index_cast %add3A_675 : i32 to index
        %swap3A_717 = arith.constant 48 : index
        %swap3A_718 = tpu.vector_load %arg13[%swap3A_716, %swap3A_717] {strides = array<i32>} : memref<64x128xf32, #tpu.memory_space<vmem>>, vector<1x16xf32>,
        %swap3A_719 = vector.shape_cast %swap3A_718 : vector<1x16xf32> to vector<16xf32>
        %swap3A_720 = vector.shape_cast %mul3A_715 : vector<16xf32> to vector<1x16xf32>
        tpu.vector_store %arg13[%swap3A_716, %swap3A_717], %swap3A_720 {strides = array<i32>} : memref<64x128xf32, #tpu.memory_space<vmem>>, vector<1x16xf32>,
        %get3A_721 = arith.index_cast %add3A_675 : i32 to index
        %get3A_722 = arith.constant 64 : index
        %get3A_723 = tpu.vector_load %arg11[%get3A_721, %get3A_722] {strides = array<i32>} : memref<64x128xf32, #tpu.memory_space<vmem>>, vector<1x16xf32>,
        %get3A_724 = vector.shape_cast %get3A_723 : vector<1x16xf32> to vector<16xf32>
        %mul3A_725 = arith.mulf %get3A_724, %get3A_680 : vector<16xf32>
        %swap3A_726 = arith.index_cast %add3A_675 : i32 to index
        %swap3A_727 = arith.constant 64 : index
        %swap3A_728 = tpu.vector_load %arg13[%swap3A_726, %swap3A_727] {strides = array<i32>} : memref<64x128xf32, #tpu.memory_space<vmem>>, vector<1x16xf32>,
        %swap3A_729 = vector.shape_cast %swap3A_728 : vector<1x16xf32> to vector<16xf32>
        %swap3A_730 = vector.shape_cast %mul3A_725 : vector<16xf32> to vector<1x16xf32>
        tpu.vector_store %arg13[%swap3A_726, %swap3A_727], %swap3A_730 {strides = array<i32>} : memref<64x128xf32, #tpu.memory_space<vmem>>, vector<1x16xf32>,
        %get3A_731 = arith.index_cast %add3A_675 : i32 to index
        %get3A_732 = arith.constant 80 : index
        %get3A_733 = tpu.vector_load %arg11[%get3A_731, %get3A_732] {strides = array<i32>} : memref<64x128xf32, #tpu.memory_space<vmem>>, vector<1x16xf32>,
        %get3A_734 = vector.shape_cast %get3A_733 : vector<1x16xf32> to vector<16xf32>
        %mul3A_735 = arith.mulf %get3A_734, %get3A_680 : vector<16xf32>
        %swap3A_736 = arith.index_cast %add3A_675 : i32 to index
        %swap3A_737 = arith.constant 80 : index
        %swap3A_738 = tpu.vector_load %arg13[%swap3A_736, %swap3A_737] {strides = array<i32>} : memref<64x128xf32, #tpu.memory_space<vmem>>, vector<1x16xf32>,
        %swap3A_739 = vector.shape_cast %swap3A_738 : vector<1x16xf32> to vector<16xf32>
        %swap3A_740 = vector.shape_cast %mul3A_735 : vector<16xf32> to vector<1x16xf32>
        tpu.vector_store %arg13[%swap3A_736, %swap3A_737], %swap3A_740 {strides = array<i32>} : memref<64x128xf32, #tpu.memory_space<vmem>>, vector<1x16xf32>,
        %get3A_741 = arith.index_cast %add3A_675 : i32 to index
        %get3A_742 = arith.constant 96 : index
        %get3A_743 = tpu.vector_load %arg11[%get3A_741, %get3A_742] {strides = array<i32>} : memref<64x128xf32, #tpu.memory_space<vmem>>, vector<1x16xf32>,
        %get3A_744 = vector.shape_cast %get3A_743 : vector<1x16xf32> to vector<16xf32>
        %mul3A_745 = arith.mulf %get3A_744, %get3A_680 : vector<16xf32>
        %swap3A_746 = arith.index_cast %add3A_675 : i32 to index
        %swap3A_747 = arith.constant 96 : index
        %swap3A_748 = tpu.vector_load %arg13[%swap3A_746, %swap3A_747] {strides = array<i32>} : memref<64x128xf32, #tpu.memory_space<vmem>>, vector<1x16xf32>,
        %swap3A_749 = vector.shape_cast %swap3A_748 : vector<1x16xf32> to vector<16xf32>
        %swap3A_750 = vector.shape_cast %mul3A_745 : vector<16xf32> to vector<1x16xf32>
        tpu.vector_store %arg13[%swap3A_746, %swap3A_747], %swap3A_750 {strides = array<i32>} : memref<64x128xf32, #tpu.memory_space<vmem>>, vector<1x16xf32>,
        %get3A_751 = arith.index_cast %add3A_675 : i32 to index
        %get3A_752 = arith.constant 112 : index
        %get3A_753 = tpu.vector_load %arg11[%get3A_751, %get3A_752] {strides = array<i32>} : memref<64x128xf32, #tpu.memory_space<vmem>>, vector<1x16xf32>,
        %get3A_754 = vector.shape_cast %get3A_753 : vector<1x16xf32> to vector<16xf32>
        %mul3A_755 = arith.mulf %get3A_754, %get3A_680 : vector<16xf32>
        %swap3A_756 = arith.index_cast %add3A_675 : i32 to index
        %swap3A_757 = arith.constant 112 : index
        %swap3A_758 = tpu.vector_load %arg13[%swap3A_756, %swap3A_757] {strides = array<i32>} : memref<64x128xf32, #tpu.memory_space<vmem>>, vector<1x16xf32>,
        %swap3A_759 = vector.shape_cast %swap3A_758 : vector<1x16xf32> to vector<16xf32>
        %swap3A_760 = vector.shape_cast %mul3A_755 : vector<16xf32> to vector<1x16xf32>
        tpu.vector_store %arg13[%swap3A_756, %swap3A_757], %swap3A_760 {strides = array<i32>} : memref<64x128xf32, #tpu.memory_space<vmem>>, vector<1x16xf32>,
        %mul3A_761 = arith.constant 8 : i32
        %mul3A_762 = arith.muli %scan3A_228, %mul3A_761 : i32
        %add3A_763 = arith.constant 6 : i32
        %add3A_764 = arith.addi %mul3A_762, %add3A_763 : i32
        %mul3A_765 = arith.constant 16 : i32
        %mul3A_766 = arith.muli %add3A_764, %mul3A_765 : i32
        %get3A_767 = arith.index_cast %mul3A_766 : i32 to index
        %get3A_768 = tpu.vector_load %arg9[%get3A_767] {strides = array<i32>} : memref<1024xf32, #tpu.memory_space<vmem>>, vector<16xf32>,
        %get3A_769 = vector.shape_cast %get3A_768 : vector<16xf32> to vector<16xf32>
        %get3A_770 = arith.index_cast %add3A_764 : i32 to index
        %get3A_771 = arith.constant 0 : index
        %get3A_772 = tpu.vector_load %arg11[%get3A_770, %get3A_771] {strides = array<i32>} : memref<64x128xf32, #tpu.memory_space<vmem>>, vector<1x16xf32>,
        %get3A_773 = vector.shape_cast %get3A_772 : vector<1x16xf32> to vector<16xf32>
        %mul3A_774 = arith.mulf %get3A_773, %get3A_769 : vector<16xf32>
        %swap3A_775 = arith.index_cast %add3A_764 : i32 to index
        %swap3A_776 = arith.constant 0 : index
        %swap3A_777 = tpu.vector_load %arg13[%swap3A_775, %swap3A_776] {strides = array<i32>} : memref<64x128xf32, #tpu.memory_space<vmem>>, vector<1x16xf32>,
        %swap3A_778 = vector.shape_cast %swap3A_777 : vector<1x16xf32> to vector<16xf32>
        %swap3A_779 = vector.shape_cast %mul3A_774 : vector<16xf32> to vector<1x16xf32>
        tpu.vector_store %arg13[%swap3A_775, %swap3A_776], %swap3A_779 {strides = array<i32>} : memref<64x128xf32, #tpu.memory_space<vmem>>, vector<1x16xf32>,
        %get3A_780 = arith.index_cast %add3A_764 : i32 to index
        %get3A_781 = arith.constant 16 : index
        %get3A_782 = tpu.vector_load %arg11[%get3A_780, %get3A_781] {strides = array<i32>} : memref<64x128xf32, #tpu.memory_space<vmem>>, vector<1x16xf32>,
        %get3A_783 = vector.shape_cast %get3A_782 : vector<1x16xf32> to vector<16xf32>
        %mul3A_784 = arith.mulf %get3A_783, %get3A_769 : vector<16xf32>
        %swap3A_785 = arith.index_cast %add3A_764 : i32 to index
        %swap3A_786 = arith.constant 16 : index
        %swap3A_787 = tpu.vector_load %arg13[%swap3A_785, %swap3A_786] {strides = array<i32>} : memref<64x128xf32, #tpu.memory_space<vmem>>, vector<1x16xf32>,
        %swap3A_788 = vector.shape_cast %swap3A_787 : vector<1x16xf32> to vector<16xf32>
        %swap3A_789 = vector.shape_cast %mul3A_784 : vector<16xf32> to vector<1x16xf32>
        tpu.vector_store %arg13[%swap3A_785, %swap3A_786], %swap3A_789 {strides = array<i32>} : memref<64x128xf32, #tpu.memory_space<vmem>>, vector<1x16xf32>,
        %get3A_790 = arith.index_cast %add3A_764 : i32 to index
        %get3A_791 = arith.constant 32 : index
        %get3A_792 = tpu.vector_load %arg11[%get3A_790, %get3A_791] {strides = array<i32>} : memref<64x128xf32, #tpu.memory_space<vmem>>, vector<1x16xf32>,
        %get3A_793 = vector.shape_cast %get3A_792 : vector<1x16xf32> to vector<16xf32>
        %mul3A_794 = arith.mulf %get3A_793, %get3A_769 : vector<16xf32>
        %swap3A_795 = arith.index_cast %add3A_764 : i32 to index
        %swap3A_796 = arith.constant 32 : index
        %swap3A_797 = tpu.vector_load %arg13[%swap3A_795, %swap3A_796] {strides = array<i32>} : memref<64x128xf32, #tpu.memory_space<vmem>>, vector<1x16xf32>,
        %swap3A_798 = vector.shape_cast %swap3A_797 : vector<1x16xf32> to vector<16xf32>
        %swap3A_799 = vector.shape_cast %mul3A_794 : vector<16xf32> to vector<1x16xf32>
        tpu.vector_store %arg13[%swap3A_795, %swap3A_796], %swap3A_799 {strides = array<i32>} : memref<64x128xf32, #tpu.memory_space<vmem>>, vector<1x16xf32>,
        %get3A_800 = arith.index_cast %add3A_764 : i32 to index
        %get3A_801 = arith.constant 48 : index
        %get3A_802 = tpu.vector_load %arg11[%get3A_800, %get3A_801] {strides = array<i32>} : memref<64x128xf32, #tpu.memory_space<vmem>>, vector<1x16xf32>,
        %get3A_803 = vector.shape_cast %get3A_802 : vector<1x16xf32> to vector<16xf32>
        %mul3A_804 = arith.mulf %get3A_803, %get3A_769 : vector<16xf32>
        %swap3A_805 = arith.index_cast %add3A_764 : i32 to index
        %swap3A_806 = arith.constant 48 : index
        %swap3A_807 = tpu.vector_load %arg13[%swap3A_805, %swap3A_806] {strides = array<i32>} : memref<64x128xf32, #tpu.memory_space<vmem>>, vector<1x16xf32>,
        %swap3A_808 = vector.shape_cast %swap3A_807 : vector<1x16xf32> to vector<16xf32>
        %swap3A_809 = vector.shape_cast %mul3A_804 : vector<16xf32> to vector<1x16xf32>
        tpu.vector_store %arg13[%swap3A_805, %swap3A_806], %swap3A_809 {strides = array<i32>} : memref<64x128xf32, #tpu.memory_space<vmem>>, vector<1x16xf32>,
        %get3A_810 = arith.index_cast %add3A_764 : i32 to index
        %get3A_811 = arith.constant 64 : index
        %get3A_812 = tpu.vector_load %arg11[%get3A_810, %get3A_811] {strides = array<i32>} : memref<64x128xf32, #tpu.memory_space<vmem>>, vector<1x16xf32>,
        %get3A_813 = vector.shape_cast %get3A_812 : vector<1x16xf32> to vector<16xf32>
        %mul3A_814 = arith.mulf %get3A_813, %get3A_769 : vector<16xf32>
        %swap3A_815 = arith.index_cast %add3A_764 : i32 to index
        %swap3A_816 = arith.constant 64 : index
        %swap3A_817 = tpu.vector_load %arg13[%swap3A_815, %swap3A_816] {strides = array<i32>} : memref<64x128xf32, #tpu.memory_space<vmem>>, vector<1x16xf32>,
        %swap3A_818 = vector.shape_cast %swap3A_817 : vector<1x16xf32> to vector<16xf32>
        %swap3A_819 = vector.shape_cast %mul3A_814 : vector<16xf32> to vector<1x16xf32>
        tpu.vector_store %arg13[%swap3A_815, %swap3A_816], %swap3A_819 {strides = array<i32>} : memref<64x128xf32, #tpu.memory_space<vmem>>, vector<1x16xf32>,
        %get3A_820 = arith.index_cast %add3A_764 : i32 to index
        %get3A_821 = arith.constant 80 : index
        %get3A_822 = tpu.vector_load %arg11[%get3A_820, %get3A_821] {strides = array<i32>} : memref<64x128xf32, #tpu.memory_space<vmem>>, vector<1x16xf32>,
        %get3A_823 = vector.shape_cast %get3A_822 : vector<1x16xf32> to vector<16xf32>
        %mul3A_824 = arith.mulf %get3A_823, %get3A_769 : vector<16xf32>
        %swap3A_825 = arith.index_cast %add3A_764 : i32 to index
        %swap3A_826 = arith.constant 80 : index
        %swap3A_827 = tpu.vector_load %arg13[%swap3A_825, %swap3A_826] {strides = array<i32>} : memref<64x128xf32, #tpu.memory_space<vmem>>, vector<1x16xf32>,
        %swap3A_828 = vector.shape_cast %swap3A_827 : vector<1x16xf32> to vector<16xf32>
        %swap3A_829 = vector.shape_cast %mul3A_824 : vector<16xf32> to vector<1x16xf32>
        tpu.vector_store %arg13[%swap3A_825, %swap3A_826], %swap3A_829 {strides = array<i32>} : memref<64x128xf32, #tpu.memory_space<vmem>>, vector<1x16xf32>,
        %get3A_830 = arith.index_cast %add3A_764 : i32 to index
        %get3A_831 = arith.constant 96 : index
        %get3A_832 = tpu.vector_load %arg11[%get3A_830, %get3A_831] {strides = array<i32>} : memref<64x128xf32, #tpu.memory_space<vmem>>, vector<1x16xf32>,
        %get3A_833 = vector.shape_cast %get3A_832 : vector<1x16xf32> to vector<16xf32>
        %mul3A_834 = arith.mulf %get3A_833, %get3A_769 : vector<16xf32>
        %swap3A_835 = arith.index_cast %add3A_764 : i32 to index
        %swap3A_836 = arith.constant 96 : index
        %swap3A_837 = tpu.vector_load %arg13[%swap3A_835, %swap3A_836] {strides = array<i32>} : memref<64x128xf32, #tpu.memory_space<vmem>>, vector<1x16xf32>,
        %swap3A_838 = vector.shape_cast %swap3A_837 : vector<1x16xf32> to vector<16xf32>
        %swap3A_839 = vector.shape_cast %mul3A_834 : vector<16xf32> to vector<1x16xf32>
        tpu.vector_store %arg13[%swap3A_835, %swap3A_836], %swap3A_839 {strides = array<i32>} : memref<64x128xf32, #tpu.memory_space<vmem>>, vector<1x16xf32>,
        %get3A_840 = arith.index_cast %add3A_764 : i32 to index
        %get3A_841 = arith.constant 112 : index
        %get3A_842 = tpu.vector_load %arg11[%get3A_840, %get3A_841] {strides = array<i32>} : memref<64x128xf32, #tpu.memory_space<vmem>>, vector<1x16xf32>,
        %get3A_843 = vector.shape_cast %get3A_842 : vector<1x16xf32> to vector<16xf32>
        %mul3A_844 = arith.mulf %get3A_843, %get3A_769 : vector<16xf32>
        %swap3A_845 = arith.index_cast %add3A_764 : i32 to index
        %swap3A_846 = arith.constant 112 : index
        %swap3A_847 = tpu.vector_load %arg13[%swap3A_845, %swap3A_846] {strides = array<i32>} : memref<64x128xf32, #tpu.memory_space<vmem>>, vector<1x16xf32>,
        %swap3A_848 = vector.shape_cast %swap3A_847 : vector<1x16xf32> to vector<16xf32>
        %swap3A_849 = vector.shape_cast %mul3A_844 : vector<16xf32> to vector<1x16xf32>
        tpu.vector_store %arg13[%swap3A_845, %swap3A_846], %swap3A_849 {strides = array<i32>} : memref<64x128xf32, #tpu.memory_space<vmem>>, vector<1x16xf32>,
        %mul3A_850 = arith.constant 8 : i32
        %mul3A_851 = arith.muli %scan3A_228, %mul3A_850 : i32
        %add3A_852 = arith.constant 7 : i32
        %add3A_853 = arith.addi %mul3A_851, %add3A_852 : i32
        %mul3A_854 = arith.constant 16 : i32
        %mul3A_855 = arith.muli %add3A_853, %mul3A_854 : i32
        %get3A_856 = arith.index_cast %mul3A_855 : i32 to index
        %get3A_857 = tpu.vector_load %arg9[%get3A_856] {strides = array<i32>} : memref<1024xf32, #tpu.memory_space<vmem>>, vector<16xf32>,
        %get3A_858 = vector.shape_cast %get3A_857 : vector<16xf32> to vector<16xf32>
        %get3A_859 = arith.index_cast %add3A_853 : i32 to index
        %get3A_860 = arith.constant 0 : index
        %get3A_861 = tpu.vector_load %arg11[%get3A_859, %get3A_860] {strides = array<i32>} : memref<64x128xf32, #tpu.memory_space<vmem>>, vector<1x16xf32>,
        %get3A_862 = vector.shape_cast %get3A_861 : vector<1x16xf32> to vector<16xf32>
        %mul3A_863 = arith.mulf %get3A_862, %get3A_858 : vector<16xf32>
        %swap3A_864 = arith.index_cast %add3A_853 : i32 to index
        %swap3A_865 = arith.constant 0 : index
        %swap3A_866 = tpu.vector_load %arg13[%swap3A_864, %swap3A_865] {strides = array<i32>} : memref<64x128xf32, #tpu.memory_space<vmem>>, vector<1x16xf32>,
        %swap3A_867 = vector.shape_cast %swap3A_866 : vector<1x16xf32> to vector<16xf32>
        %swap3A_868 = vector.shape_cast %mul3A_863 : vector<16xf32> to vector<1x16xf32>
        tpu.vector_store %arg13[%swap3A_864, %swap3A_865], %swap3A_868 {strides = array<i32>} : memref<64x128xf32, #tpu.memory_space<vmem>>, vector<1x16xf32>,
        %get3A_869 = arith.index_cast %add3A_853 : i32 to index
        %get3A_870 = arith.constant 16 : index
        %get3A_871 = tpu.vector_load %arg11[%get3A_869, %get3A_870] {strides = array<i32>} : memref<64x128xf32, #tpu.memory_space<vmem>>, vector<1x16xf32>,
        %get3A_872 = vector.shape_cast %get3A_871 : vector<1x16xf32> to vector<16xf32>
        %mul3A_873 = arith.mulf %get3A_872, %get3A_858 : vector<16xf32>
        %swap3A_874 = arith.index_cast %add3A_853 : i32 to index
        %swap3A_875 = arith.constant 16 : index
        %swap3A_876 = tpu.vector_load %arg13[%swap3A_874, %swap3A_875] {strides = array<i32>} : memref<64x128xf32, #tpu.memory_space<vmem>>, vector<1x16xf32>,
        %swap3A_877 = vector.shape_cast %swap3A_876 : vector<1x16xf32> to vector<16xf32>
        %swap3A_878 = vector.shape_cast %mul3A_873 : vector<16xf32> to vector<1x16xf32>
        tpu.vector_store %arg13[%swap3A_874, %swap3A_875], %swap3A_878 {strides = array<i32>} : memref<64x128xf32, #tpu.memory_space<vmem>>, vector<1x16xf32>,
        %get3A_879 = arith.index_cast %add3A_853 : i32 to index
        %get3A_880 = arith.constant 32 : index
        %get3A_881 = tpu.vector_load %arg11[%get3A_879, %get3A_880] {strides = array<i32>} : memref<64x128xf32, #tpu.memory_space<vmem>>, vector<1x16xf32>,
        %get3A_882 = vector.shape_cast %get3A_881 : vector<1x16xf32> to vector<16xf32>
        %mul3A_883 = arith.mulf %get3A_882, %get3A_858 : vector<16xf32>
        %swap3A_884 = arith.index_cast %add3A_853 : i32 to index
        %swap3A_885 = arith.constant 32 : index
        %swap3A_886 = tpu.vector_load %arg13[%swap3A_884, %swap3A_885] {strides = array<i32>} : memref<64x128xf32, #tpu.memory_space<vmem>>, vector<1x16xf32>,
        %swap3A_887 = vector.shape_cast %swap3A_886 : vector<1x16xf32> to vector<16xf32>
        %swap3A_888 = vector.shape_cast %mul3A_883 : vector<16xf32> to vector<1x16xf32>
        tpu.vector_store %arg13[%swap3A_884, %swap3A_885], %swap3A_888 {strides = array<i32>} : memref<64x128xf32, #tpu.memory_space<vmem>>, vector<1x16xf32>,
        %get3A_889 = arith.index_cast %add3A_853 : i32 to index
        %get3A_890 = arith.constant 48 : index
        %get3A_891 = tpu.vector_load %arg11[%get3A_889, %get3A_890] {strides = array<i32>} : memref<64x128xf32, #tpu.memory_space<vmem>>, vector<1x16xf32>,
        %get3A_892 = vector.shape_cast %get3A_891 : vector<1x16xf32> to vector<16xf32>
        %mul3A_893 = arith.mulf %get3A_892, %get3A_858 : vector<16xf32>
        %swap3A_894 = arith.index_cast %add3A_853 : i32 to index
        %swap3A_895 = arith.constant 48 : index
        %swap3A_896 = tpu.vector_load %arg13[%swap3A_894, %swap3A_895] {strides = array<i32>} : memref<64x128xf32, #tpu.memory_space<vmem>>, vector<1x16xf32>,
        %swap3A_897 = vector.shape_cast %swap3A_896 : vector<1x16xf32> to vector<16xf32>
        %swap3A_898 = vector.shape_cast %mul3A_893 : vector<16xf32> to vector<1x16xf32>
        tpu.vector_store %arg13[%swap3A_894, %swap3A_895], %swap3A_898 {strides = array<i32>} : memref<64x128xf32, #tpu.memory_space<vmem>>, vector<1x16xf32>,
        %get3A_899 = arith.index_cast %add3A_853 : i32 to index
        %get3A_900 = arith.constant 64 : index
        %get3A_901 = tpu.vector_load %arg11[%get3A_899, %get3A_900] {strides = array<i32>} : memref<64x128xf32, #tpu.memory_space<vmem>>, vector<1x16xf32>,
        %get3A_902 = vector.shape_cast %get3A_901 : vector<1x16xf32> to vector<16xf32>
        %mul3A_903 = arith.mulf %get3A_902, %get3A_858 : vector<16xf32>
        %swap3A_904 = arith.index_cast %add3A_853 : i32 to index
        %swap3A_905 = arith.constant 64 : index
        %swap3A_906 = tpu.vector_load %arg13[%swap3A_904, %swap3A_905] {strides = array<i32>} : memref<64x128xf32, #tpu.memory_space<vmem>>, vector<1x16xf32>,
        %swap3A_907 = vector.shape_cast %swap3A_906 : vector<1x16xf32> to vector<16xf32>
        %swap3A_908 = vector.shape_cast %mul3A_903 : vector<16xf32> to vector<1x16xf32>
        tpu.vector_store %arg13[%swap3A_904, %swap3A_905], %swap3A_908 {strides = array<i32>} : memref<64x128xf32, #tpu.memory_space<vmem>>, vector<1x16xf32>,
        %get3A_909 = arith.index_cast %add3A_853 : i32 to index
        %get3A_910 = arith.constant 80 : index
        %get3A_911 = tpu.vector_load %arg11[%get3A_909, %get3A_910] {strides = array<i32>} : memref<64x128xf32, #tpu.memory_space<vmem>>, vector<1x16xf32>,
        %get3A_912 = vector.shape_cast %get3A_911 : vector<1x16xf32> to vector<16xf32>
        %mul3A_913 = arith.mulf %get3A_912, %get3A_858 : vector<16xf32>
        %swap3A_914 = arith.index_cast %add3A_853 : i32 to index
        %swap3A_915 = arith.constant 80 : index
        %swap3A_916 = tpu.vector_load %arg13[%swap3A_914, %swap3A_915] {strides = array<i32>} : memref<64x128xf32, #tpu.memory_space<vmem>>, vector<1x16xf32>,
        %swap3A_917 = vector.shape_cast %swap3A_916 : vector<1x16xf32> to vector<16xf32>
        %swap3A_918 = vector.shape_cast %mul3A_913 : vector<16xf32> to vector<1x16xf32>
        tpu.vector_store %arg13[%swap3A_914, %swap3A_915], %swap3A_918 {strides = array<i32>} : memref<64x128xf32, #tpu.memory_space<vmem>>, vector<1x16xf32>,
        %get3A_919 = arith.index_cast %add3A_853 : i32 to index
        %get3A_920 = arith.constant 96 : index
        %get3A_921 = tpu.vector_load %arg11[%get3A_919, %get3A_920] {strides = array<i32>} : memref<64x128xf32, #tpu.memory_space<vmem>>, vector<1x16xf32>,
        %get3A_922 = vector.shape_cast %get3A_921 : vector<1x16xf32> to vector<16xf32>
        %mul3A_923 = arith.mulf %get3A_922, %get3A_858 : vector<16xf32>
        %swap3A_924 = arith.index_cast %add3A_853 : i32 to index
        %swap3A_925 = arith.constant 96 : index
        %swap3A_926 = tpu.vector_load %arg13[%swap3A_924, %swap3A_925] {strides = array<i32>} : memref<64x128xf32, #tpu.memory_space<vmem>>, vector<1x16xf32>,
        %swap3A_927 = vector.shape_cast %swap3A_926 : vector<1x16xf32> to vector<16xf32>
        %swap3A_928 = vector.shape_cast %mul3A_923 : vector<16xf32> to vector<1x16xf32>
        tpu.vector_store %arg13[%swap3A_924, %swap3A_925], %swap3A_928 {strides = array<i32>} : memref<64x128xf32, #tpu.memory_space<vmem>>, vector<1x16xf32>,
        %get3A_929 = arith.index_cast %add3A_853 : i32 to index
        %get3A_930 = arith.constant 112 : index
        %get3A_931 = tpu.vector_load %arg11[%get3A_929, %get3A_930] {strides = array<i32>} : memref<64x128xf32, #tpu.memory_space<vmem>>, vector<1x16xf32>,
        %get3A_932 = vector.shape_cast %get3A_931 : vector<1x16xf32> to vector<16xf32>
        %mul3A_933 = arith.mulf %get3A_932, %get3A_858 : vector<16xf32>
        %swap3A_934 = arith.index_cast %add3A_853 : i32 to index
        %swap3A_935 = arith.constant 112 : index
        %swap3A_936 = tpu.vector_load %arg13[%swap3A_934, %swap3A_935] {strides = array<i32>} : memref<64x128xf32, #tpu.memory_space<vmem>>, vector<1x16xf32>,
        %swap3A_937 = vector.shape_cast %swap3A_936 : vector<1x16xf32> to vector<16xf32>
        %swap3A_938 = vector.shape_cast %mul3A_933 : vector<16xf32> to vector<1x16xf32>
        tpu.vector_store %arg13[%swap3A_934, %swap3A_935], %swap3A_938 {strides = array<i32>} : memref<64x128xf32, #tpu.memory_space<vmem>>, vector<1x16xf32>,
      }
      %scan3A_174 = arith.constant 8 : i32
      %dma_start3A_175 = arith.constant 0 : i32
      %dma_start3A_176 = arith.constant 0 : i32
      %dma_start3A_177 = tpu.memref_slice %arg19[%dma_start3A_175, %dma_start3A_176] : memref<10000x128xf32, #tpu.memory_space<vmem_shared>> -> memref<10000x128xf32, #tpu.memory_space<vmem_shared>>
      tpu.enqueue_indirect_dma source(%arg13 : memref<64x128xf32, #tpu.memory_space<vmem>>) target(%dma_start3A_177 : memref<10000x128xf32, #tpu.memory_space<vmem_shared>>) offsets(%arg17 : memref<64xi32, #tpu.memory_space<vmem>>) semaphore(%arg24 : memref<!tpu.dma_semaphore, #tpu.memory_space<semaphore_mem>>) {add = true}
      %add3A_178 = arith.constant 2 : i32
      %add3A_179 = arith.addi %add3A_145, %add3A_178 : i32
      %lt3A_180 = arith.constant 160 : i32
      %lt3A_181 = arith.cmpi slt, %add3A_179, %lt3A_180 : i32
      %convert_element_type3A_182 = arith.extui %lt3A_181 : i1 to i32
      %cond3A_183 = arith.constant 0 : i32
      %cond3A_184 = arith.cmpi ne, %convert_element_type3A_182, %cond3A_183 : i32
      scf.if %cond3A_184 {
        %add3A_228 = arith.constant 2 : i32
        %add3A_229 = arith.addi %add3A_145, %add3A_228 : i32
        %mul3A_230 = arith.constant 64 : i32
        %mul3A_231 = arith.muli %add3A_229, %mul3A_230 : i32
        %add3A_232 = arith.addi %mul3A_6, %mul3A_231 : i32
        %mul3A_233 = arith.constant 16 : i32
        %mul3A_234 = arith.muli %add3A_232, %mul3A_233 : i32
        %dma_start3A_235 = tpu.memref_slice %arg6[%mul3A_234] : memref<2621440xf32, #tpu.memory_space<hbm>> -> memref<1024xf32, #tpu.memory_space<hbm>>
        %dma_start3A_236 = tpu.memref_slice %arg6[%mul3A_234] : memref<2621440xf32, #tpu.memory_space<hbm>> -> memref<1024xf32, #tpu.memory_space<hbm>>
        tpu.enqueue_dma source(%dma_start3A_236 : memref<1024xf32, #tpu.memory_space<hbm>>) target(%arg9 : memref<1024xf32, #tpu.memory_space<vmem>>) target_semaphore(%arg22 : memref<!tpu.dma_semaphore, #tpu.memory_space<semaphore_mem>>)
        %mul3A_237 = arith.constant 64 : i32
        %mul3A_238 = arith.muli %add3A_229, %mul3A_237 : i32
        %add3A_239 = arith.addi %mul3A_6, %mul3A_238 : i32
        %dma_start3A_240 = tpu.memref_slice %arg4[%add3A_239] : memref<163840xi32, #tpu.memory_space<hbm>> -> memref<64xi32, #tpu.memory_space<hbm>>
        %dma_start3A_241 = tpu.memref_slice %arg4[%add3A_239] : memref<163840xi32, #tpu.memory_space<hbm>> -> memref<64xi32, #tpu.memory_space<hbm>>
        tpu.enqueue_dma source(%dma_start3A_241 : memref<64xi32, #tpu.memory_space<hbm>>) target(%arg15 : memref<64xi32, #tpu.memory_space<vmem>>) target_semaphore(%arg20 : memref<!tpu.dma_semaphore, #tpu.memory_space<semaphore_mem>>)
        %mul3A_242 = arith.constant 64 : i32
        %mul3A_243 = arith.muli %add3A_229, %mul3A_242 : i32
        %dma_start3A_244 = tpu.memref_slice %arg8[%mul3A_243] : memref<10240xi32, #tpu.memory_space<vmem>> -> memref<64xi32, #tpu.memory_space<vmem>>
        %dma_start3A_245 = arith.constant 0 : i32
        %dma_start3A_246 = arith.constant 0 : i32
        %dma_start3A_247 = tpu.memref_slice %arg2[%dma_start3A_245, %dma_start3A_246] : memref<20000x128xf32, #tpu.memory_space<hbm>> -> memref<20000x128xf32, #tpu.memory_space<hbm>>
        tpu.enqueue_indirect_dma source(%dma_start3A_247 : memref<20000x128xf32, #tpu.memory_space<hbm>>) target(%arg11 : memref<64x128xf32, #tpu.memory_space<vmem>>) offsets(%dma_start3A_244 : memref<64xi32, #tpu.memory_space<vmem>>) semaphore(%arg20 : memref<!tpu.dma_semaphore, #tpu.memory_space<semaphore_mem>>)
      } else {
      }
      %mul3A_185 = arith.constant 4 : i32
      %mul3A_186 = arith.muli %mul3A_185, %scan3A_57 : i32
      %add3A_187 = arith.constant 3 : i32
      %add3A_188 = arith.addi %mul3A_186, %add3A_187 : i32
      %mul3A_189 = arith.constant 64 : i32
      %mul3A_190 = arith.muli %add3A_188, %mul3A_189 : i32
      %add3A_191 = arith.addi %mul3A_6, %mul3A_190 : i32
      %mul3A_192 = arith.constant 16 : i32
      %mul3A_193 = arith.muli %add3A_191, %mul3A_192 : i32
      %dma_wait3A_194 = tpu.memref_slice %arg6[%mul3A_193] : memref<2621440xf32, #tpu.memory_space<hbm>> -> memref<1024xf32, #tpu.memory_space<hbm>>
      %dma_wait3A_195 = tpu.memref_slice %arg6[%mul3A_193] : memref<2621440xf32, #tpu.memory_space<hbm>> -> memref<1024xf32, #tpu.memory_space<hbm>>
      tpu.wait_dma2 semaphore(%arg23 : memref<!tpu.dma_semaphore, #tpu.memory_space<semaphore_mem>>) src(%dma_wait3A_195 : memref<1024xf32, #tpu.memory_space<hbm>>) dst(%arg10 : memref<1024xf32, #tpu.memory_space<vmem>>)
      %mul3A_196 = arith.constant 64 : i32
      %mul3A_197 = arith.muli %add3A_188, %mul3A_196 : i32
      %add3A_198 = arith.addi %mul3A_6, %mul3A_197 : i32
      %dma_wait3A_199 = tpu.memref_slice %arg4[%add3A_198] : memref<163840xi32, #tpu.memory_space<hbm>> -> memref<64xi32, #tpu.memory_space<hbm>>
      %dma_wait3A_200 = tpu.memref_slice %arg4[%add3A_198] : memref<163840xi32, #tpu.memory_space<hbm>> -> memref<64xi32, #tpu.memory_space<hbm>>
      tpu.wait_dma2 semaphore(%arg21 : memref<!tpu.dma_semaphore, #tpu.memory_space<semaphore_mem>>) src(%dma_wait3A_200 : memref<64xi32, #tpu.memory_space<hbm>>) dst(%arg18 : memref<64xi32, #tpu.memory_space<vmem>>)
      %mul3A_201 = arith.constant 64 : i32
      %mul3A_202 = arith.muli %add3A_188, %mul3A_201 : i32
      %dma_wait3A_203 = tpu.memref_slice %arg8[%mul3A_202] : memref<10240xi32, #tpu.memory_space<vmem>> -> memref<64xi32, #tpu.memory_space<vmem>>
      %dma_wait3A_204 = arith.constant 0 : i32
      %dma_wait3A_205 = arith.constant 0 : i32
      %dma_wait3A_206 = tpu.memref_slice %arg2[%dma_wait3A_204, %dma_wait3A_205] : memref<20000x128xf32, #tpu.memory_space<hbm>> -> memref<20000x128xf32, #tpu.memory_space<hbm>>
      tpu.wait_indirect_dma semaphore(%arg21 : memref<!tpu.dma_semaphore, #tpu.memory_space<semaphore_mem>>) src(%dma_wait3A_206 : memref<20000x128xf32, #tpu.memory_space<hbm>>) dst(%arg12 : memref<64x128xf32, #tpu.memory_space<vmem>>)
      %ge3A_207 = arith.constant 2 : i32
      %ge3A_208 = arith.cmpi sge, %add3A_188, %ge3A_207 : i32
      %convert_element_type3A_209 = arith.extui %ge3A_208 : i1 to i32
      %cond3A_210 = arith.constant 0 : i32
      %cond3A_211 = arith.cmpi ne, %convert_element_type3A_209, %cond3A_210 : i32
      scf.if %cond3A_211 {
        %dma_wait3A_228 = arith.constant 0 : i32
        %dma_wait3A_229 = arith.constant 0 : i32
        %dma_wait3A_230 = tpu.memref_slice %arg19[%dma_wait3A_228, %dma_wait3A_229] : memref<10000x128xf32, #tpu.memory_space<vmem_shared>> -> memref<10000x128xf32, #tpu.memory_space<vmem_shared>>
        tpu.wait_indirect_dma semaphore(%arg25 : memref<!tpu.dma_semaphore, #tpu.memory_space<semaphore_mem>>) src(%arg14 : memref<64x128xf32, #tpu.memory_space<vmem>>) dst(%dma_wait3A_230 : memref<10000x128xf32, #tpu.memory_space<vmem_shared>>)
      } else {
      }
      %scan3A_212 = arith.constant 0 : i32
      %scan3A_213 = arith.constant 0 : i32
      %scan3A_214 = arith.constant 8 : i32
      %scan3A_215 = arith.addi %scan3A_213, %scan3A_214 : i32
      %scan3A_216 = arith.constant 1 : i32
      scf.for %scan3A_228 = %scan3A_213 to %scan3A_215 step %scan3A_216  : i32 {
        %mul3A_229 = arith.constant 8 : i32
        %mul3A_230 = arith.muli %scan3A_228, %mul3A_229 : i32
        %add3A_231 = arith.constant 0 : i32
        %add3A_232 = arith.addi %mul3A_230, %add3A_231 : i32
        %mul3A_233 = arith.constant 16 : i32
        %mul3A_234 = arith.muli %add3A_232, %mul3A_233 : i32
        %get3A = arith.index_cast %mul3A_234 : i32 to index
        %get3A_235 = tpu.vector_load %arg10[%get3A] {strides = array<i32>} : memref<1024xf32, #tpu.memory_space<vmem>>, vector<16xf32>,
        %get3A_236 = vector.shape_cast %get3A_235 : vector<16xf32> to vector<16xf32>
        %get3A_237 = arith.index_cast %add3A_232 : i32 to index
        %get3A_238 = arith.constant 0 : index
        %get3A_239 = tpu.vector_load %arg12[%get3A_237, %get3A_238] {strides = array<i32>} : memref<64x128xf32, #tpu.memory_space<vmem>>, vector<1x16xf32>,
        %get3A_240 = vector.shape_cast %get3A_239 : vector<1x16xf32> to vector<16xf32>
        %mul3A_241 = arith.mulf %get3A_240, %get3A_236 : vector<16xf32>
        %swap3A = arith.index_cast %add3A_232 : i32 to index
        %swap3A_242 = arith.constant 0 : index
        %swap3A_243 = tpu.vector_load %arg14[%swap3A, %swap3A_242] {strides = array<i32>} : memref<64x128xf32, #tpu.memory_space<vmem>>, vector<1x16xf32>,
        %swap3A_244 = vector.shape_cast %swap3A_243 : vector<1x16xf32> to vector<16xf32>
        %swap3A_245 = vector.shape_cast %mul3A_241 : vector<16xf32> to vector<1x16xf32>
        tpu.vector_store %arg14[%swap3A, %swap3A_242], %swap3A_245 {strides = array<i32>} : memref<64x128xf32, #tpu.memory_space<vmem>>, vector<1x16xf32>,
        %get3A_246 = arith.index_cast %add3A_232 : i32 to index
        %get3A_247 = arith.constant 16 : index
        %get3A_248 = tpu.vector_load %arg12[%get3A_246, %get3A_247] {strides = array<i32>} : memref<64x128xf32, #tpu.memory_space<vmem>>, vector<1x16xf32>,
        %get3A_249 = vector.shape_cast %get3A_248 : vector<1x16xf32> to vector<16xf32>
        %mul3A_250 = arith.mulf %get3A_249, %get3A_236 : vector<16xf32>
        %swap3A_251 = arith.index_cast %add3A_232 : i32 to index
        %swap3A_252 = arith.constant 16 : index
        %swap3A_253 = tpu.vector_load %arg14[%swap3A_251, %swap3A_252] {strides = array<i32>} : memref<64x128xf32, #tpu.memory_space<vmem>>, vector<1x16xf32>,
        %swap3A_254 = vector.shape_cast %swap3A_253 : vector<1x16xf32> to vector<16xf32>
        %swap3A_255 = vector.shape_cast %mul3A_250 : vector<16xf32> to vector<1x16xf32>
        tpu.vector_store %arg14[%swap3A_251, %swap3A_252], %swap3A_255 {strides = array<i32>} : memref<64x128xf32, #tpu.memory_space<vmem>>, vector<1x16xf32>,
        %get3A_256 = arith.index_cast %add3A_232 : i32 to index
        %get3A_257 = arith.constant 32 : index
        %get3A_258 = tpu.vector_load %arg12[%get3A_256, %get3A_257] {strides = array<i32>} : memref<64x128xf32, #tpu.memory_space<vmem>>, vector<1x16xf32>,
        %get3A_259 = vector.shape_cast %get3A_258 : vector<1x16xf32> to vector<16xf32>
        %mul3A_260 = arith.mulf %get3A_259, %get3A_236 : vector<16xf32>
        %swap3A_261 = arith.index_cast %add3A_232 : i32 to index
        %swap3A_262 = arith.constant 32 : index
        %swap3A_263 = tpu.vector_load %arg14[%swap3A_261, %swap3A_262] {strides = array<i32>} : memref<64x128xf32, #tpu.memory_space<vmem>>, vector<1x16xf32>,
        %swap3A_264 = vector.shape_cast %swap3A_263 : vector<1x16xf32> to vector<16xf32>
        %swap3A_265 = vector.shape_cast %mul3A_260 : vector<16xf32> to vector<1x16xf32>
        tpu.vector_store %arg14[%swap3A_261, %swap3A_262], %swap3A_265 {strides = array<i32>} : memref<64x128xf32, #tpu.memory_space<vmem>>, vector<1x16xf32>,
        %get3A_266 = arith.index_cast %add3A_232 : i32 to index
        %get3A_267 = arith.constant 48 : index
        %get3A_268 = tpu.vector_load %arg12[%get3A_266, %get3A_267] {strides = array<i32>} : memref<64x128xf32, #tpu.memory_space<vmem>>, vector<1x16xf32>,
        %get3A_269 = vector.shape_cast %get3A_268 : vector<1x16xf32> to vector<16xf32>
        %mul3A_270 = arith.mulf %get3A_269, %get3A_236 : vector<16xf32>
        %swap3A_271 = arith.index_cast %add3A_232 : i32 to index
        %swap3A_272 = arith.constant 48 : index
        %swap3A_273 = tpu.vector_load %arg14[%swap3A_271, %swap3A_272] {strides = array<i32>} : memref<64x128xf32, #tpu.memory_space<vmem>>, vector<1x16xf32>,
        %swap3A_274 = vector.shape_cast %swap3A_273 : vector<1x16xf32> to vector<16xf32>
        %swap3A_275 = vector.shape_cast %mul3A_270 : vector<16xf32> to vector<1x16xf32>
        tpu.vector_store %arg14[%swap3A_271, %swap3A_272], %swap3A_275 {strides = array<i32>} : memref<64x128xf32, #tpu.memory_space<vmem>>, vector<1x16xf32>,
        %get3A_276 = arith.index_cast %add3A_232 : i32 to index
        %get3A_277 = arith.constant 64 : index
        %get3A_278 = tpu.vector_load %arg12[%get3A_276, %get3A_277] {strides = array<i32>} : memref<64x128xf32, #tpu.memory_space<vmem>>, vector<1x16xf32>,
        %get3A_279 = vector.shape_cast %get3A_278 : vector<1x16xf32> to vector<16xf32>
        %mul3A_280 = arith.mulf %get3A_279, %get3A_236 : vector<16xf32>
        %swap3A_281 = arith.index_cast %add3A_232 : i32 to index
        %swap3A_282 = arith.constant 64 : index
        %swap3A_283 = tpu.vector_load %arg14[%swap3A_281, %swap3A_282] {strides = array<i32>} : memref<64x128xf32, #tpu.memory_space<vmem>>, vector<1x16xf32>,
        %swap3A_284 = vector.shape_cast %swap3A_283 : vector<1x16xf32> to vector<16xf32>
        %swap3A_285 = vector.shape_cast %mul3A_280 : vector<16xf32> to vector<1x16xf32>
        tpu.vector_store %arg14[%swap3A_281, %swap3A_282], %swap3A_285 {strides = array<i32>} : memref<64x128xf32, #tpu.memory_space<vmem>>, vector<1x16xf32>,
        %get3A_286 = arith.index_cast %add3A_232 : i32 to index
        %get3A_287 = arith.constant 80 : index
        %get3A_288 = tpu.vector_load %arg12[%get3A_286, %get3A_287] {strides = array<i32>} : memref<64x128xf32, #tpu.memory_space<vmem>>, vector<1x16xf32>,
        %get3A_289 = vector.shape_cast %get3A_288 : vector<1x16xf32> to vector<16xf32>
        %mul3A_290 = arith.mulf %get3A_289, %get3A_236 : vector<16xf32>
        %swap3A_291 = arith.index_cast %add3A_232 : i32 to index
        %swap3A_292 = arith.constant 80 : index
        %swap3A_293 = tpu.vector_load %arg14[%swap3A_291, %swap3A_292] {strides = array<i32>} : memref<64x128xf32, #tpu.memory_space<vmem>>, vector<1x16xf32>,
        %swap3A_294 = vector.shape_cast %swap3A_293 : vector<1x16xf32> to vector<16xf32>
        %swap3A_295 = vector.shape_cast %mul3A_290 : vector<16xf32> to vector<1x16xf32>
        tpu.vector_store %arg14[%swap3A_291, %swap3A_292], %swap3A_295 {strides = array<i32>} : memref<64x128xf32, #tpu.memory_space<vmem>>, vector<1x16xf32>,
        %get3A_296 = arith.index_cast %add3A_232 : i32 to index
        %get3A_297 = arith.constant 96 : index
        %get3A_298 = tpu.vector_load %arg12[%get3A_296, %get3A_297] {strides = array<i32>} : memref<64x128xf32, #tpu.memory_space<vmem>>, vector<1x16xf32>,
        %get3A_299 = vector.shape_cast %get3A_298 : vector<1x16xf32> to vector<16xf32>
        %mul3A_300 = arith.mulf %get3A_299, %get3A_236 : vector<16xf32>
        %swap3A_301 = arith.index_cast %add3A_232 : i32 to index
        %swap3A_302 = arith.constant 96 : index
        %swap3A_303 = tpu.vector_load %arg14[%swap3A_301, %swap3A_302] {strides = array<i32>} : memref<64x128xf32, #tpu.memory_space<vmem>>, vector<1x16xf32>,
        %swap3A_304 = vector.shape_cast %swap3A_303 : vector<1x16xf32> to vector<16xf32>
        %swap3A_305 = vector.shape_cast %mul3A_300 : vector<16xf32> to vector<1x16xf32>
        tpu.vector_store %arg14[%swap3A_301, %swap3A_302], %swap3A_305 {strides = array<i32>} : memref<64x128xf32, #tpu.memory_space<vmem>>, vector<1x16xf32>,
        %get3A_306 = arith.index_cast %add3A_232 : i32 to index
        %get3A_307 = arith.constant 112 : index
        %get3A_308 = tpu.vector_load %arg12[%get3A_306, %get3A_307] {strides = array<i32>} : memref<64x128xf32, #tpu.memory_space<vmem>>, vector<1x16xf32>,
        %get3A_309 = vector.shape_cast %get3A_308 : vector<1x16xf32> to vector<16xf32>
        %mul3A_310 = arith.mulf %get3A_309, %get3A_236 : vector<16xf32>
        %swap3A_311 = arith.index_cast %add3A_232 : i32 to index
        %swap3A_312 = arith.constant 112 : index
        %swap3A_313 = tpu.vector_load %arg14[%swap3A_311, %swap3A_312] {strides = array<i32>} : memref<64x128xf32, #tpu.memory_space<vmem>>, vector<1x16xf32>,
        %swap3A_314 = vector.shape_cast %swap3A_313 : vector<1x16xf32> to vector<16xf32>
        %swap3A_315 = vector.shape_cast %mul3A_310 : vector<16xf32> to vector<1x16xf32>
        tpu.vector_store %arg14[%swap3A_311, %swap3A_312], %swap3A_315 {strides = array<i32>} : memref<64x128xf32, #tpu.memory_space<vmem>>, vector<1x16xf32>,
        %mul3A_316 = arith.constant 8 : i32
        %mul3A_317 = arith.muli %scan3A_228, %mul3A_316 : i32
        %add3A_318 = arith.constant 1 : i32
        %add3A_319 = arith.addi %mul3A_317, %add3A_318 : i32
        %mul3A_320 = arith.constant 16 : i32
        %mul3A_321 = arith.muli %add3A_319, %mul3A_320 : i32
        %get3A_322 = arith.index_cast %mul3A_321 : i32 to index
        %get3A_323 = tpu.vector_load %arg10[%get3A_322] {strides = array<i32>} : memref<1024xf32, #tpu.memory_space<vmem>>, vector<16xf32>,
        %get3A_324 = vector.shape_cast %get3A_323 : vector<16xf32> to vector<16xf32>
        %get3A_325 = arith.index_cast %add3A_319 : i32 to index
        %get3A_326 = arith.constant 0 : index
        %get3A_327 = tpu.vector_load %arg12[%get3A_325, %get3A_326] {strides = array<i32>} : memref<64x128xf32, #tpu.memory_space<vmem>>, vector<1x16xf32>,
        %get3A_328 = vector.shape_cast %get3A_327 : vector<1x16xf32> to vector<16xf32>
        %mul3A_329 = arith.mulf %get3A_328, %get3A_324 : vector<16xf32>
        %swap3A_330 = arith.index_cast %add3A_319 : i32 to index
        %swap3A_331 = arith.constant 0 : index
        %swap3A_332 = tpu.vector_load %arg14[%swap3A_330, %swap3A_331] {strides = array<i32>} : memref<64x128xf32, #tpu.memory_space<vmem>>, vector<1x16xf32>,
        %swap3A_333 = vector.shape_cast %swap3A_332 : vector<1x16xf32> to vector<16xf32>
        %swap3A_334 = vector.shape_cast %mul3A_329 : vector<16xf32> to vector<1x16xf32>
        tpu.vector_store %arg14[%swap3A_330, %swap3A_331], %swap3A_334 {strides = array<i32>} : memref<64x128xf32, #tpu.memory_space<vmem>>, vector<1x16xf32>,
        %get3A_335 = arith.index_cast %add3A_319 : i32 to index
        %get3A_336 = arith.constant 16 : index
        %get3A_337 = tpu.vector_load %arg12[%get3A_335, %get3A_336] {strides = array<i32>} : memref<64x128xf32, #tpu.memory_space<vmem>>, vector<1x16xf32>,
        %get3A_338 = vector.shape_cast %get3A_337 : vector<1x16xf32> to vector<16xf32>
        %mul3A_339 = arith.mulf %get3A_338, %get3A_324 : vector<16xf32>
        %swap3A_340 = arith.index_cast %add3A_319 : i32 to index
        %swap3A_341 = arith.constant 16 : index
        %swap3A_342 = tpu.vector_load %arg14[%swap3A_340, %swap3A_341] {strides = array<i32>} : memref<64x128xf32, #tpu.memory_space<vmem>>, vector<1x16xf32>,
        %swap3A_343 = vector.shape_cast %swap3A_342 : vector<1x16xf32> to vector<16xf32>
        %swap3A_344 = vector.shape_cast %mul3A_339 : vector<16xf32> to vector<1x16xf32>
        tpu.vector_store %arg14[%swap3A_340, %swap3A_341], %swap3A_344 {strides = array<i32>} : memref<64x128xf32, #tpu.memory_space<vmem>>, vector<1x16xf32>,
        %get3A_345 = arith.index_cast %add3A_319 : i32 to index
        %get3A_346 = arith.constant 32 : index
        %get3A_347 = tpu.vector_load %arg12[%get3A_345, %get3A_346] {strides = array<i32>} : memref<64x128xf32, #tpu.memory_space<vmem>>, vector<1x16xf32>,
        %get3A_348 = vector.shape_cast %get3A_347 : vector<1x16xf32> to vector<16xf32>
        %mul3A_349 = arith.mulf %get3A_348, %get3A_324 : vector<16xf32>
        %swap3A_350 = arith.index_cast %add3A_319 : i32 to index
        %swap3A_351 = arith.constant 32 : index
        %swap3A_352 = tpu.vector_load %arg14[%swap3A_350, %swap3A_351] {strides = array<i32>} : memref<64x128xf32, #tpu.memory_space<vmem>>, vector<1x16xf32>,
        %swap3A_353 = vector.shape_cast %swap3A_352 : vector<1x16xf32> to vector<16xf32>
        %swap3A_354 = vector.shape_cast %mul3A_349 : vector<16xf32> to vector<1x16xf32>
        tpu.vector_store %arg14[%swap3A_350, %swap3A_351], %swap3A_354 {strides = array<i32>} : memref<64x128xf32, #tpu.memory_space<vmem>>, vector<1x16xf32>,
        %get3A_355 = arith.index_cast %add3A_319 : i32 to index
        %get3A_356 = arith.constant 48 : index
        %get3A_357 = tpu.vector_load %arg12[%get3A_355, %get3A_356] {strides = array<i32>} : memref<64x128xf32, #tpu.memory_space<vmem>>, vector<1x16xf32>,
        %get3A_358 = vector.shape_cast %get3A_357 : vector<1x16xf32> to vector<16xf32>
        %mul3A_359 = arith.mulf %get3A_358, %get3A_324 : vector<16xf32>
        %swap3A_360 = arith.index_cast %add3A_319 : i32 to index
        %swap3A_361 = arith.constant 48 : index
        %swap3A_362 = tpu.vector_load %arg14[%swap3A_360, %swap3A_361] {strides = array<i32>} : memref<64x128xf32, #tpu.memory_space<vmem>>, vector<1x16xf32>,
        %swap3A_363 = vector.shape_cast %swap3A_362 : vector<1x16xf32> to vector<16xf32>
        %swap3A_364 = vector.shape_cast %mul3A_359 : vector<16xf32> to vector<1x16xf32>
        tpu.vector_store %arg14[%swap3A_360, %swap3A_361], %swap3A_364 {strides = array<i32>} : memref<64x128xf32, #tpu.memory_space<vmem>>, vector<1x16xf32>,
        %get3A_365 = arith.index_cast %add3A_319 : i32 to index
        %get3A_366 = arith.constant 64 : index
        %get3A_367 = tpu.vector_load %arg12[%get3A_365, %get3A_366] {strides = array<i32>} : memref<64x128xf32, #tpu.memory_space<vmem>>, vector<1x16xf32>,
        %get3A_368 = vector.shape_cast %get3A_367 : vector<1x16xf32> to vector<16xf32>
        %mul3A_369 = arith.mulf %get3A_368, %get3A_324 : vector<16xf32>
        %swap3A_370 = arith.index_cast %add3A_319 : i32 to index
        %swap3A_371 = arith.constant 64 : index
        %swap3A_372 = tpu.vector_load %arg14[%swap3A_370, %swap3A_371] {strides = array<i32>} : memref<64x128xf32, #tpu.memory_space<vmem>>, vector<1x16xf32>,
        %swap3A_373 = vector.shape_cast %swap3A_372 : vector<1x16xf32> to vector<16xf32>
        %swap3A_374 = vector.shape_cast %mul3A_369 : vector<16xf32> to vector<1x16xf32>
        tpu.vector_store %arg14[%swap3A_370, %swap3A_371], %swap3A_374 {strides = array<i32>} : memref<64x128xf32, #tpu.memory_space<vmem>>, vector<1x16xf32>,
        %get3A_375 = arith.index_cast %add3A_319 : i32 to index
        %get3A_376 = arith.constant 80 : index
        %get3A_377 = tpu.vector_load %arg12[%get3A_375, %get3A_376] {strides = array<i32>} : memref<64x128xf32, #tpu.memory_space<vmem>>, vector<1x16xf32>,
        %get3A_378 = vector.shape_cast %get3A_377 : vector<1x16xf32> to vector<16xf32>
        %mul3A_379 = arith.mulf %get3A_378, %get3A_324 : vector<16xf32>
        %swap3A_380 = arith.index_cast %add3A_319 : i32 to index
        %swap3A_381 = arith.constant 80 : index
        %swap3A_382 = tpu.vector_load %arg14[%swap3A_380, %swap3A_381] {strides = array<i32>} : memref<64x128xf32, #tpu.memory_space<vmem>>, vector<1x16xf32>,
        %swap3A_383 = vector.shape_cast %swap3A_382 : vector<1x16xf32> to vector<16xf32>
        %swap3A_384 = vector.shape_cast %mul3A_379 : vector<16xf32> to vector<1x16xf32>
        tpu.vector_store %arg14[%swap3A_380, %swap3A_381], %swap3A_384 {strides = array<i32>} : memref<64x128xf32, #tpu.memory_space<vmem>>, vector<1x16xf32>,
        %get3A_385 = arith.index_cast %add3A_319 : i32 to index
        %get3A_386 = arith.constant 96 : index
        %get3A_387 = tpu.vector_load %arg12[%get3A_385, %get3A_386] {strides = array<i32>} : memref<64x128xf32, #tpu.memory_space<vmem>>, vector<1x16xf32>,
        %get3A_388 = vector.shape_cast %get3A_387 : vector<1x16xf32> to vector<16xf32>
        %mul3A_389 = arith.mulf %get3A_388, %get3A_324 : vector<16xf32>
        %swap3A_390 = arith.index_cast %add3A_319 : i32 to index
        %swap3A_391 = arith.constant 96 : index
        %swap3A_392 = tpu.vector_load %arg14[%swap3A_390, %swap3A_391] {strides = array<i32>} : memref<64x128xf32, #tpu.memory_space<vmem>>, vector<1x16xf32>,
        %swap3A_393 = vector.shape_cast %swap3A_392 : vector<1x16xf32> to vector<16xf32>
        %swap3A_394 = vector.shape_cast %mul3A_389 : vector<16xf32> to vector<1x16xf32>
        tpu.vector_store %arg14[%swap3A_390, %swap3A_391], %swap3A_394 {strides = array<i32>} : memref<64x128xf32, #tpu.memory_space<vmem>>, vector<1x16xf32>,
        %get3A_395 = arith.index_cast %add3A_319 : i32 to index
        %get3A_396 = arith.constant 112 : index
        %get3A_397 = tpu.vector_load %arg12[%get3A_395, %get3A_396] {strides = array<i32>} : memref<64x128xf32, #tpu.memory_space<vmem>>, vector<1x16xf32>,
        %get3A_398 = vector.shape_cast %get3A_397 : vector<1x16xf32> to vector<16xf32>
        %mul3A_399 = arith.mulf %get3A_398, %get3A_324 : vector<16xf32>
        %swap3A_400 = arith.index_cast %add3A_319 : i32 to index
        %swap3A_401 = arith.constant 112 : index
        %swap3A_402 = tpu.vector_load %arg14[%swap3A_400, %swap3A_401] {strides = array<i32>} : memref<64x128xf32, #tpu.memory_space<vmem>>, vector<1x16xf32>,
        %swap3A_403 = vector.shape_cast %swap3A_402 : vector<1x16xf32> to vector<16xf32>
        %swap3A_404 = vector.shape_cast %mul3A_399 : vector<16xf32> to vector<1x16xf32>
        tpu.vector_store %arg14[%swap3A_400, %swap3A_401], %swap3A_404 {strides = array<i32>} : memref<64x128xf32, #tpu.memory_space<vmem>>, vector<1x16xf32>,
        %mul3A_405 = arith.constant 8 : i32
        %mul3A_406 = arith.muli %scan3A_228, %mul3A_405 : i32
        %add3A_407 = arith.constant 2 : i32
        %add3A_408 = arith.addi %mul3A_406, %add3A_407 : i32
        %mul3A_409 = arith.constant 16 : i32
        %mul3A_410 = arith.muli %add3A_408, %mul3A_409 : i32
        %get3A_411 = arith.index_cast %mul3A_410 : i32 to index
        %get3A_412 = tpu.vector_load %arg10[%get3A_411] {strides = array<i32>} : memref<1024xf32, #tpu.memory_space<vmem>>, vector<16xf32>,
        %get3A_413 = vector.shape_cast %get3A_412 : vector<16xf32> to vector<16xf32>
        %get3A_414 = arith.index_cast %add3A_408 : i32 to index
        %get3A_415 = arith.constant 0 : index
        %get3A_416 = tpu.vector_load %arg12[%get3A_414, %get3A_415] {strides = array<i32>} : memref<64x128xf32, #tpu.memory_space<vmem>>, vector<1x16xf32>,
        %get3A_417 = vector.shape_cast %get3A_416 : vector<1x16xf32> to vector<16xf32>
        %mul3A_418 = arith.mulf %get3A_417, %get3A_413 : vector<16xf32>
        %swap3A_419 = arith.index_cast %add3A_408 : i32 to index
        %swap3A_420 = arith.constant 0 : index
        %swap3A_421 = tpu.vector_load %arg14[%swap3A_419, %swap3A_420] {strides = array<i32>} : memref<64x128xf32, #tpu.memory_space<vmem>>, vector<1x16xf32>,
        %swap3A_422 = vector.shape_cast %swap3A_421 : vector<1x16xf32> to vector<16xf32>
        %swap3A_423 = vector.shape_cast %mul3A_418 : vector<16xf32> to vector<1x16xf32>
        tpu.vector_store %arg14[%swap3A_419, %swap3A_420], %swap3A_423 {strides = array<i32>} : memref<64x128xf32, #tpu.memory_space<vmem>>, vector<1x16xf32>,
        %get3A_424 = arith.index_cast %add3A_408 : i32 to index
        %get3A_425 = arith.constant 16 : index
        %get3A_426 = tpu.vector_load %arg12[%get3A_424, %get3A_425] {strides = array<i32>} : memref<64x128xf32, #tpu.memory_space<vmem>>, vector<1x16xf32>,
        %get3A_427 = vector.shape_cast %get3A_426 : vector<1x16xf32> to vector<16xf32>
        %mul3A_428 = arith.mulf %get3A_427, %get3A_413 : vector<16xf32>
        %swap3A_429 = arith.index_cast %add3A_408 : i32 to index
        %swap3A_430 = arith.constant 16 : index
        %swap3A_431 = tpu.vector_load %arg14[%swap3A_429, %swap3A_430] {strides = array<i32>} : memref<64x128xf32, #tpu.memory_space<vmem>>, vector<1x16xf32>,
        %swap3A_432 = vector.shape_cast %swap3A_431 : vector<1x16xf32> to vector<16xf32>
        %swap3A_433 = vector.shape_cast %mul3A_428 : vector<16xf32> to vector<1x16xf32>
        tpu.vector_store %arg14[%swap3A_429, %swap3A_430], %swap3A_433 {strides = array<i32>} : memref<64x128xf32, #tpu.memory_space<vmem>>, vector<1x16xf32>,
        %get3A_434 = arith.index_cast %add3A_408 : i32 to index
        %get3A_435 = arith.constant 32 : index
        %get3A_436 = tpu.vector_load %arg12[%get3A_434, %get3A_435] {strides = array<i32>} : memref<64x128xf32, #tpu.memory_space<vmem>>, vector<1x16xf32>,
        %get3A_437 = vector.shape_cast %get3A_436 : vector<1x16xf32> to vector<16xf32>
        %mul3A_438 = arith.mulf %get3A_437, %get3A_413 : vector<16xf32>
        %swap3A_439 = arith.index_cast %add3A_408 : i32 to index
        %swap3A_440 = arith.constant 32 : index
        %swap3A_441 = tpu.vector_load %arg14[%swap3A_439, %swap3A_440] {strides = array<i32>} : memref<64x128xf32, #tpu.memory_space<vmem>>, vector<1x16xf32>,
        %swap3A_442 = vector.shape_cast %swap3A_441 : vector<1x16xf32> to vector<16xf32>
        %swap3A_443 = vector.shape_cast %mul3A_438 : vector<16xf32> to vector<1x16xf32>
        tpu.vector_store %arg14[%swap3A_439, %swap3A_440], %swap3A_443 {strides = array<i32>} : memref<64x128xf32, #tpu.memory_space<vmem>>, vector<1x16xf32>,
        %get3A_444 = arith.index_cast %add3A_408 : i32 to index
        %get3A_445 = arith.constant 48 : index
        %get3A_446 = tpu.vector_load %arg12[%get3A_444, %get3A_445] {strides = array<i32>} : memref<64x128xf32, #tpu.memory_space<vmem>>, vector<1x16xf32>,
        %get3A_447 = vector.shape_cast %get3A_446 : vector<1x16xf32> to vector<16xf32>
        %mul3A_448 = arith.mulf %get3A_447, %get3A_413 : vector<16xf32>
        %swap3A_449 = arith.index_cast %add3A_408 : i32 to index
        %swap3A_450 = arith.constant 48 : index
        %swap3A_451 = tpu.vector_load %arg14[%swap3A_449, %swap3A_450] {strides = array<i32>} : memref<64x128xf32, #tpu.memory_space<vmem>>, vector<1x16xf32>,
        %swap3A_452 = vector.shape_cast %swap3A_451 : vector<1x16xf32> to vector<16xf32>
        %swap3A_453 = vector.shape_cast %mul3A_448 : vector<16xf32> to vector<1x16xf32>
        tpu.vector_store %arg14[%swap3A_449, %swap3A_450], %swap3A_453 {strides = array<i32>} : memref<64x128xf32, #tpu.memory_space<vmem>>, vector<1x16xf32>,
        %get3A_454 = arith.index_cast %add3A_408 : i32 to index
        %get3A_455 = arith.constant 64 : index
        %get3A_456 = tpu.vector_load %arg12[%get3A_454, %get3A_455] {strides = array<i32>} : memref<64x128xf32, #tpu.memory_space<vmem>>, vector<1x16xf32>,
        %get3A_457 = vector.shape_cast %get3A_456 : vector<1x16xf32> to vector<16xf32>
        %mul3A_458 = arith.mulf %get3A_457, %get3A_413 : vector<16xf32>
        %swap3A_459 = arith.index_cast %add3A_408 : i32 to index
        %swap3A_460 = arith.constant 64 : index
        %swap3A_461 = tpu.vector_load %arg14[%swap3A_459, %swap3A_460] {strides = array<i32>} : memref<64x128xf32, #tpu.memory_space<vmem>>, vector<1x16xf32>,
        %swap3A_462 = vector.shape_cast %swap3A_461 : vector<1x16xf32> to vector<16xf32>
        %swap3A_463 = vector.shape_cast %mul3A_458 : vector<16xf32> to vector<1x16xf32>
        tpu.vector_store %arg14[%swap3A_459, %swap3A_460], %swap3A_463 {strides = array<i32>} : memref<64x128xf32, #tpu.memory_space<vmem>>, vector<1x16xf32>,
        %get3A_464 = arith.index_cast %add3A_408 : i32 to index
        %get3A_465 = arith.constant 80 : index
        %get3A_466 = tpu.vector_load %arg12[%get3A_464, %get3A_465] {strides = array<i32>} : memref<64x128xf32, #tpu.memory_space<vmem>>, vector<1x16xf32>,
        %get3A_467 = vector.shape_cast %get3A_466 : vector<1x16xf32> to vector<16xf32>
        %mul3A_468 = arith.mulf %get3A_467, %get3A_413 : vector<16xf32>
        %swap3A_469 = arith.index_cast %add3A_408 : i32 to index
        %swap3A_470 = arith.constant 80 : index
        %swap3A_471 = tpu.vector_load %arg14[%swap3A_469, %swap3A_470] {strides = array<i32>} : memref<64x128xf32, #tpu.memory_space<vmem>>, vector<1x16xf32>,
        %swap3A_472 = vector.shape_cast %swap3A_471 : vector<1x16xf32> to vector<16xf32>
        %swap3A_473 = vector.shape_cast %mul3A_468 : vector<16xf32> to vector<1x16xf32>
        tpu.vector_store %arg14[%swap3A_469, %swap3A_470], %swap3A_473 {strides = array<i32>} : memref<64x128xf32, #tpu.memory_space<vmem>>, vector<1x16xf32>,
        %get3A_474 = arith.index_cast %add3A_408 : i32 to index
        %get3A_475 = arith.constant 96 : index
        %get3A_476 = tpu.vector_load %arg12[%get3A_474, %get3A_475] {strides = array<i32>} : memref<64x128xf32, #tpu.memory_space<vmem>>, vector<1x16xf32>,
        %get3A_477 = vector.shape_cast %get3A_476 : vector<1x16xf32> to vector<16xf32>
        %mul3A_478 = arith.mulf %get3A_477, %get3A_413 : vector<16xf32>
        %swap3A_479 = arith.index_cast %add3A_408 : i32 to index
        %swap3A_480 = arith.constant 96 : index
        %swap3A_481 = tpu.vector_load %arg14[%swap3A_479, %swap3A_480] {strides = array<i32>} : memref<64x128xf32, #tpu.memory_space<vmem>>, vector<1x16xf32>,
        %swap3A_482 = vector.shape_cast %swap3A_481 : vector<1x16xf32> to vector<16xf32>
        %swap3A_483 = vector.shape_cast %mul3A_478 : vector<16xf32> to vector<1x16xf32>
        tpu.vector_store %arg14[%swap3A_479, %swap3A_480], %swap3A_483 {strides = array<i32>} : memref<64x128xf32, #tpu.memory_space<vmem>>, vector<1x16xf32>,
        %get3A_484 = arith.index_cast %add3A_408 : i32 to index
        %get3A_485 = arith.constant 112 : index
        %get3A_486 = tpu.vector_load %arg12[%get3A_484, %get3A_485] {strides = array<i32>} : memref<64x128xf32, #tpu.memory_space<vmem>>, vector<1x16xf32>,
        %get3A_487 = vector.shape_cast %get3A_486 : vector<1x16xf32> to vector<16xf32>
        %mul3A_488 = arith.mulf %get3A_487, %get3A_413 : vector<16xf32>
        %swap3A_489 = arith.index_cast %add3A_408 : i32 to index
        %swap3A_490 = arith.constant 112 : index
        %swap3A_491 = tpu.vector_load %arg14[%swap3A_489, %swap3A_490] {strides = array<i32>} : memref<64x128xf32, #tpu.memory_space<vmem>>, vector<1x16xf32>,
        %swap3A_492 = vector.shape_cast %swap3A_491 : vector<1x16xf32> to vector<16xf32>
        %swap3A_493 = vector.shape_cast %mul3A_488 : vector<16xf32> to vector<1x16xf32>
        tpu.vector_store %arg14[%swap3A_489, %swap3A_490], %swap3A_493 {strides = array<i32>} : memref<64x128xf32, #tpu.memory_space<vmem>>, vector<1x16xf32>,
        %mul3A_494 = arith.constant 8 : i32
        %mul3A_495 = arith.muli %scan3A_228, %mul3A_494 : i32
        %add3A_496 = arith.constant 3 : i32
        %add3A_497 = arith.addi %mul3A_495, %add3A_496 : i32
        %mul3A_498 = arith.constant 16 : i32
        %mul3A_499 = arith.muli %add3A_497, %mul3A_498 : i32
        %get3A_500 = arith.index_cast %mul3A_499 : i32 to index
        %get3A_501 = tpu.vector_load %arg10[%get3A_500] {strides = array<i32>} : memref<1024xf32, #tpu.memory_space<vmem>>, vector<16xf32>,
        %get3A_502 = vector.shape_cast %get3A_501 : vector<16xf32> to vector<16xf32>
        %get3A_503 = arith.index_cast %add3A_497 : i32 to index
        %get3A_504 = arith.constant 0 : index
        %get3A_505 = tpu.vector_load %arg12[%get3A_503, %get3A_504] {strides = array<i32>} : memref<64x128xf32, #tpu.memory_space<vmem>>, vector<1x16xf32>,
        %get3A_506 = vector.shape_cast %get3A_505 : vector<1x16xf32> to vector<16xf32>
        %mul3A_507 = arith.mulf %get3A_506, %get3A_502 : vector<16xf32>
        %swap3A_508 = arith.index_cast %add3A_497 : i32 to index
        %swap3A_509 = arith.constant 0 : index
        %swap3A_510 = tpu.vector_load %arg14[%swap3A_508, %swap3A_509] {strides = array<i32>} : memref<64x128xf32, #tpu.memory_space<vmem>>, vector<1x16xf32>,
        %swap3A_511 = vector.shape_cast %swap3A_510 : vector<1x16xf32> to vector<16xf32>
        %swap3A_512 = vector.shape_cast %mul3A_507 : vector<16xf32> to vector<1x16xf32>
        tpu.vector_store %arg14[%swap3A_508, %swap3A_509], %swap3A_512 {strides = array<i32>} : memref<64x128xf32, #tpu.memory_space<vmem>>, vector<1x16xf32>,
        %get3A_513 = arith.index_cast %add3A_497 : i32 to index
        %get3A_514 = arith.constant 16 : index
        %get3A_515 = tpu.vector_load %arg12[%get3A_513, %get3A_514] {strides = array<i32>} : memref<64x128xf32, #tpu.memory_space<vmem>>, vector<1x16xf32>,
        %get3A_516 = vector.shape_cast %get3A_515 : vector<1x16xf32> to vector<16xf32>
        %mul3A_517 = arith.mulf %get3A_516, %get3A_502 : vector<16xf32>
        %swap3A_518 = arith.index_cast %add3A_497 : i32 to index
        %swap3A_519 = arith.constant 16 : index
        %swap3A_520 = tpu.vector_load %arg14[%swap3A_518, %swap3A_519] {strides = array<i32>} : memref<64x128xf32, #tpu.memory_space<vmem>>, vector<1x16xf32>,
        %swap3A_521 = vector.shape_cast %swap3A_520 : vector<1x16xf32> to vector<16xf32>
        %swap3A_522 = vector.shape_cast %mul3A_517 : vector<16xf32> to vector<1x16xf32>
        tpu.vector_store %arg14[%swap3A_518, %swap3A_519], %swap3A_522 {strides = array<i32>} : memref<64x128xf32, #tpu.memory_space<vmem>>, vector<1x16xf32>,
        %get3A_523 = arith.index_cast %add3A_497 : i32 to index
        %get3A_524 = arith.constant 32 : index
        %get3A_525 = tpu.vector_load %arg12[%get3A_523, %get3A_524] {strides = array<i32>} : memref<64x128xf32, #tpu.memory_space<vmem>>, vector<1x16xf32>,
        %get3A_526 = vector.shape_cast %get3A_525 : vector<1x16xf32> to vector<16xf32>
        %mul3A_527 = arith.mulf %get3A_526, %get3A_502 : vector<16xf32>
        %swap3A_528 = arith.index_cast %add3A_497 : i32 to index
        %swap3A_529 = arith.constant 32 : index
        %swap3A_530 = tpu.vector_load %arg14[%swap3A_528, %swap3A_529] {strides = array<i32>} : memref<64x128xf32, #tpu.memory_space<vmem>>, vector<1x16xf32>,
        %swap3A_531 = vector.shape_cast %swap3A_530 : vector<1x16xf32> to vector<16xf32>
        %swap3A_532 = vector.shape_cast %mul3A_527 : vector<16xf32> to vector<1x16xf32>
        tpu.vector_store %arg14[%swap3A_528, %swap3A_529], %swap3A_532 {strides = array<i32>} : memref<64x128xf32, #tpu.memory_space<vmem>>, vector<1x16xf32>,
        %get3A_533 = arith.index_cast %add3A_497 : i32 to index
        %get3A_534 = arith.constant 48 : index
        %get3A_535 = tpu.vector_load %arg12[%get3A_533, %get3A_534] {strides = array<i32>} : memref<64x128xf32, #tpu.memory_space<vmem>>, vector<1x16xf32>,
        %get3A_536 = vector.shape_cast %get3A_535 : vector<1x16xf32> to vector<16xf32>
        %mul3A_537 = arith.mulf %get3A_536, %get3A_502 : vector<16xf32>
        %swap3A_538 = arith.index_cast %add3A_497 : i32 to index
        %swap3A_539 = arith.constant 48 : index
        %swap3A_540 = tpu.vector_load %arg14[%swap3A_538, %swap3A_539] {strides = array<i32>} : memref<64x128xf32, #tpu.memory_space<vmem>>, vector<1x16xf32>,
        %swap3A_541 = vector.shape_cast %swap3A_540 : vector<1x16xf32> to vector<16xf32>
        %swap3A_542 = vector.shape_cast %mul3A_537 : vector<16xf32> to vector<1x16xf32>
        tpu.vector_store %arg14[%swap3A_538, %swap3A_539], %swap3A_542 {strides = array<i32>} : memref<64x128xf32, #tpu.memory_space<vmem>>, vector<1x16xf32>,
        %get3A_543 = arith.index_cast %add3A_497 : i32 to index
        %get3A_544 = arith.constant 64 : index
        %get3A_545 = tpu.vector_load %arg12[%get3A_543, %get3A_544] {strides = array<i32>} : memref<64x128xf32, #tpu.memory_space<vmem>>, vector<1x16xf32>,
        %get3A_546 = vector.shape_cast %get3A_545 : vector<1x16xf32> to vector<16xf32>
        %mul3A_547 = arith.mulf %get3A_546, %get3A_502 : vector<16xf32>
        %swap3A_548 = arith.index_cast %add3A_497 : i32 to index
        %swap3A_549 = arith.constant 64 : index
        %swap3A_550 = tpu.vector_load %arg14[%swap3A_548, %swap3A_549] {strides = array<i32>} : memref<64x128xf32, #tpu.memory_space<vmem>>, vector<1x16xf32>,
        %swap3A_551 = vector.shape_cast %swap3A_550 : vector<1x16xf32> to vector<16xf32>
        %swap3A_552 = vector.shape_cast %mul3A_547 : vector<16xf32> to vector<1x16xf32>
        tpu.vector_store %arg14[%swap3A_548, %swap3A_549], %swap3A_552 {strides = array<i32>} : memref<64x128xf32, #tpu.memory_space<vmem>>, vector<1x16xf32>,
        %get3A_553 = arith.index_cast %add3A_497 : i32 to index
        %get3A_554 = arith.constant 80 : index
        %get3A_555 = tpu.vector_load %arg12[%get3A_553, %get3A_554] {strides = array<i32>} : memref<64x128xf32, #tpu.memory_space<vmem>>, vector<1x16xf32>,
        %get3A_556 = vector.shape_cast %get3A_555 : vector<1x16xf32> to vector<16xf32>
        %mul3A_557 = arith.mulf %get3A_556, %get3A_502 : vector<16xf32>
        %swap3A_558 = arith.index_cast %add3A_497 : i32 to index
        %swap3A_559 = arith.constant 80 : index
        %swap3A_560 = tpu.vector_load %arg14[%swap3A_558, %swap3A_559] {strides = array<i32>} : memref<64x128xf32, #tpu.memory_space<vmem>>, vector<1x16xf32>,
        %swap3A_561 = vector.shape_cast %swap3A_560 : vector<1x16xf32> to vector<16xf32>
        %swap3A_562 = vector.shape_cast %mul3A_557 : vector<16xf32> to vector<1x16xf32>
        tpu.vector_store %arg14[%swap3A_558, %swap3A_559], %swap3A_562 {strides = array<i32>} : memref<64x128xf32, #tpu.memory_space<vmem>>, vector<1x16xf32>,
        %get3A_563 = arith.index_cast %add3A_497 : i32 to index
        %get3A_564 = arith.constant 96 : index
        %get3A_565 = tpu.vector_load %arg12[%get3A_563, %get3A_564] {strides = array<i32>} : memref<64x128xf32, #tpu.memory_space<vmem>>, vector<1x16xf32>,
        %get3A_566 = vector.shape_cast %get3A_565 : vector<1x16xf32> to vector<16xf32>
        %mul3A_567 = arith.mulf %get3A_566, %get3A_502 : vector<16xf32>
        %swap3A_568 = arith.index_cast %add3A_497 : i32 to index
        %swap3A_569 = arith.constant 96 : index
        %swap3A_570 = tpu.vector_load %arg14[%swap3A_568, %swap3A_569] {strides = array<i32>} : memref<64x128xf32, #tpu.memory_space<vmem>>, vector<1x16xf32>,
        %swap3A_571 = vector.shape_cast %swap3A_570 : vector<1x16xf32> to vector<16xf32>
        %swap3A_572 = vector.shape_cast %mul3A_567 : vector<16xf32> to vector<1x16xf32>
        tpu.vector_store %arg14[%swap3A_568, %swap3A_569], %swap3A_572 {strides = array<i32>} : memref<64x128xf32, #tpu.memory_space<vmem>>, vector<1x16xf32>,
        %get3A_573 = arith.index_cast %add3A_497 : i32 to index
        %get3A_574 = arith.constant 112 : index
        %get3A_575 = tpu.vector_load %arg12[%get3A_573, %get3A_574] {strides = array<i32>} : memref<64x128xf32, #tpu.memory_space<vmem>>, vector<1x16xf32>,
        %get3A_576 = vector.shape_cast %get3A_575 : vector<1x16xf32> to vector<16xf32>
        %mul3A_577 = arith.mulf %get3A_576, %get3A_502 : vector<16xf32>
        %swap3A_578 = arith.index_cast %add3A_497 : i32 to index
        %swap3A_579 = arith.constant 112 : index
        %swap3A_580 = tpu.vector_load %arg14[%swap3A_578, %swap3A_579] {strides = array<i32>} : memref<64x128xf32, #tpu.memory_space<vmem>>, vector<1x16xf32>,
        %swap3A_581 = vector.shape_cast %swap3A_580 : vector<1x16xf32> to vector<16xf32>
        %swap3A_582 = vector.shape_cast %mul3A_577 : vector<16xf32> to vector<1x16xf32>
        tpu.vector_store %arg14[%swap3A_578, %swap3A_579], %swap3A_582 {strides = array<i32>} : memref<64x128xf32, #tpu.memory_space<vmem>>, vector<1x16xf32>,
        %mul3A_583 = arith.constant 8 : i32
        %mul3A_584 = arith.muli %scan3A_228, %mul3A_583 : i32
        %add3A_585 = arith.constant 4 : i32
        %add3A_586 = arith.addi %mul3A_584, %add3A_585 : i32
        %mul3A_587 = arith.constant 16 : i32
        %mul3A_588 = arith.muli %add3A_586, %mul3A_587 : i32
        %get3A_589 = arith.index_cast %mul3A_588 : i32 to index
        %get3A_590 = tpu.vector_load %arg10[%get3A_589] {strides = array<i32>} : memref<1024xf32, #tpu.memory_space<vmem>>, vector<16xf32>,
        %get3A_591 = vector.shape_cast %get3A_590 : vector<16xf32> to vector<16xf32>
        %get3A_592 = arith.index_cast %add3A_586 : i32 to index
        %get3A_593 = arith.constant 0 : index
        %get3A_594 = tpu.vector_load %arg12[%get3A_592, %get3A_593] {strides = array<i32>} : memref<64x128xf32, #tpu.memory_space<vmem>>, vector<1x16xf32>,
        %get3A_595 = vector.shape_cast %get3A_594 : vector<1x16xf32> to vector<16xf32>
        %mul3A_596 = arith.mulf %get3A_595, %get3A_591 : vector<16xf32>
        %swap3A_597 = arith.index_cast %add3A_586 : i32 to index
        %swap3A_598 = arith.constant 0 : index
        %swap3A_599 = tpu.vector_load %arg14[%swap3A_597, %swap3A_598] {strides = array<i32>} : memref<64x128xf32, #tpu.memory_space<vmem>>, vector<1x16xf32>,
        %swap3A_600 = vector.shape_cast %swap3A_599 : vector<1x16xf32> to vector<16xf32>
        %swap3A_601 = vector.shape_cast %mul3A_596 : vector<16xf32> to vector<1x16xf32>
        tpu.vector_store %arg14[%swap3A_597, %swap3A_598], %swap3A_601 {strides = array<i32>} : memref<64x128xf32, #tpu.memory_space<vmem>>, vector<1x16xf32>,
        %get3A_602 = arith.index_cast %add3A_586 : i32 to index
        %get3A_603 = arith.constant 16 : index
        %get3A_604 = tpu.vector_load %arg12[%get3A_602, %get3A_603] {strides = array<i32>} : memref<64x128xf32, #tpu.memory_space<vmem>>, vector<1x16xf32>,
        %get3A_605 = vector.shape_cast %get3A_604 : vector<1x16xf32> to vector<16xf32>
        %mul3A_606 = arith.mulf %get3A_605, %get3A_591 : vector<16xf32>
        %swap3A_607 = arith.index_cast %add3A_586 : i32 to index
        %swap3A_608 = arith.constant 16 : index
        %swap3A_609 = tpu.vector_load %arg14[%swap3A_607, %swap3A_608] {strides = array<i32>} : memref<64x128xf32, #tpu.memory_space<vmem>>, vector<1x16xf32>,
        %swap3A_610 = vector.shape_cast %swap3A_609 : vector<1x16xf32> to vector<16xf32>
        %swap3A_611 = vector.shape_cast %mul3A_606 : vector<16xf32> to vector<1x16xf32>
        tpu.vector_store %arg14[%swap3A_607, %swap3A_608], %swap3A_611 {strides = array<i32>} : memref<64x128xf32, #tpu.memory_space<vmem>>, vector<1x16xf32>,
        %get3A_612 = arith.index_cast %add3A_586 : i32 to index
        %get3A_613 = arith.constant 32 : index
        %get3A_614 = tpu.vector_load %arg12[%get3A_612, %get3A_613] {strides = array<i32>} : memref<64x128xf32, #tpu.memory_space<vmem>>, vector<1x16xf32>,
        %get3A_615 = vector.shape_cast %get3A_614 : vector<1x16xf32> to vector<16xf32>
        %mul3A_616 = arith.mulf %get3A_615, %get3A_591 : vector<16xf32>
        %swap3A_617 = arith.index_cast %add3A_586 : i32 to index
        %swap3A_618 = arith.constant 32 : index
        %swap3A_619 = tpu.vector_load %arg14[%swap3A_617, %swap3A_618] {strides = array<i32>} : memref<64x128xf32, #tpu.memory_space<vmem>>, vector<1x16xf32>,
        %swap3A_620 = vector.shape_cast %swap3A_619 : vector<1x16xf32> to vector<16xf32>
        %swap3A_621 = vector.shape_cast %mul3A_616 : vector<16xf32> to vector<1x16xf32>
        tpu.vector_store %arg14[%swap3A_617, %swap3A_618], %swap3A_621 {strides = array<i32>} : memref<64x128xf32, #tpu.memory_space<vmem>>, vector<1x16xf32>,
        %get3A_622 = arith.index_cast %add3A_586 : i32 to index
        %get3A_623 = arith.constant 48 : index
        %get3A_624 = tpu.vector_load %arg12[%get3A_622, %get3A_623] {strides = array<i32>} : memref<64x128xf32, #tpu.memory_space<vmem>>, vector<1x16xf32>,
        %get3A_625 = vector.shape_cast %get3A_624 : vector<1x16xf32> to vector<16xf32>
        %mul3A_626 = arith.mulf %get3A_625, %get3A_591 : vector<16xf32>
        %swap3A_627 = arith.index_cast %add3A_586 : i32 to index
        %swap3A_628 = arith.constant 48 : index
        %swap3A_629 = tpu.vector_load %arg14[%swap3A_627, %swap3A_628] {strides = array<i32>} : memref<64x128xf32, #tpu.memory_space<vmem>>, vector<1x16xf32>,
        %swap3A_630 = vector.shape_cast %swap3A_629 : vector<1x16xf32> to vector<16xf32>
        %swap3A_631 = vector.shape_cast %mul3A_626 : vector<16xf32> to vector<1x16xf32>
        tpu.vector_store %arg14[%swap3A_627, %swap3A_628], %swap3A_631 {strides = array<i32>} : memref<64x128xf32, #tpu.memory_space<vmem>>, vector<1x16xf32>,
        %get3A_632 = arith.index_cast %add3A_586 : i32 to index
        %get3A_633 = arith.constant 64 : index
        %get3A_634 = tpu.vector_load %arg12[%get3A_632, %get3A_633] {strides = array<i32>} : memref<64x128xf32, #tpu.memory_space<vmem>>, vector<1x16xf32>,
        %get3A_635 = vector.shape_cast %get3A_634 : vector<1x16xf32> to vector<16xf32>
        %mul3A_636 = arith.mulf %get3A_635, %get3A_591 : vector<16xf32>
        %swap3A_637 = arith.index_cast %add3A_586 : i32 to index
        %swap3A_638 = arith.constant 64 : index
        %swap3A_639 = tpu.vector_load %arg14[%swap3A_637, %swap3A_638] {strides = array<i32>} : memref<64x128xf32, #tpu.memory_space<vmem>>, vector<1x16xf32>,
        %swap3A_640 = vector.shape_cast %swap3A_639 : vector<1x16xf32> to vector<16xf32>
        %swap3A_641 = vector.shape_cast %mul3A_636 : vector<16xf32> to vector<1x16xf32>
        tpu.vector_store %arg14[%swap3A_637, %swap3A_638], %swap3A_641 {strides = array<i32>} : memref<64x128xf32, #tpu.memory_space<vmem>>, vector<1x16xf32>,
        %get3A_642 = arith.index_cast %add3A_586 : i32 to index
        %get3A_643 = arith.constant 80 : index
        %get3A_644 = tpu.vector_load %arg12[%get3A_642, %get3A_643] {strides = array<i32>} : memref<64x128xf32, #tpu.memory_space<vmem>>, vector<1x16xf32>,
        %get3A_645 = vector.shape_cast %get3A_644 : vector<1x16xf32> to vector<16xf32>
        %mul3A_646 = arith.mulf %get3A_645, %get3A_591 : vector<16xf32>
        %swap3A_647 = arith.index_cast %add3A_586 : i32 to index
        %swap3A_648 = arith.constant 80 : index
        %swap3A_649 = tpu.vector_load %arg14[%swap3A_647, %swap3A_648] {strides = array<i32>} : memref<64x128xf32, #tpu.memory_space<vmem>>, vector<1x16xf32>,
        %swap3A_650 = vector.shape_cast %swap3A_649 : vector<1x16xf32> to vector<16xf32>
        %swap3A_651 = vector.shape_cast %mul3A_646 : vector<16xf32> to vector<1x16xf32>
        tpu.vector_store %arg14[%swap3A_647, %swap3A_648], %swap3A_651 {strides = array<i32>} : memref<64x128xf32, #tpu.memory_space<vmem>>, vector<1x16xf32>,
        %get3A_652 = arith.index_cast %add3A_586 : i32 to index
        %get3A_653 = arith.constant 96 : index
        %get3A_654 = tpu.vector_load %arg12[%get3A_652, %get3A_653] {strides = array<i32>} : memref<64x128xf32, #tpu.memory_space<vmem>>, vector<1x16xf32>,
        %get3A_655 = vector.shape_cast %get3A_654 : vector<1x16xf32> to vector<16xf32>
        %mul3A_656 = arith.mulf %get3A_655, %get3A_591 : vector<16xf32>
        %swap3A_657 = arith.index_cast %add3A_586 : i32 to index
        %swap3A_658 = arith.constant 96 : index
        %swap3A_659 = tpu.vector_load %arg14[%swap3A_657, %swap3A_658] {strides = array<i32>} : memref<64x128xf32, #tpu.memory_space<vmem>>, vector<1x16xf32>,
        %swap3A_660 = vector.shape_cast %swap3A_659 : vector<1x16xf32> to vector<16xf32>
        %swap3A_661 = vector.shape_cast %mul3A_656 : vector<16xf32> to vector<1x16xf32>
        tpu.vector_store %arg14[%swap3A_657, %swap3A_658], %swap3A_661 {strides = array<i32>} : memref<64x128xf32, #tpu.memory_space<vmem>>, vector<1x16xf32>,
        %get3A_662 = arith.index_cast %add3A_586 : i32 to index
        %get3A_663 = arith.constant 112 : index
        %get3A_664 = tpu.vector_load %arg12[%get3A_662, %get3A_663] {strides = array<i32>} : memref<64x128xf32, #tpu.memory_space<vmem>>, vector<1x16xf32>,
        %get3A_665 = vector.shape_cast %get3A_664 : vector<1x16xf32> to vector<16xf32>
        %mul3A_666 = arith.mulf %get3A_665, %get3A_591 : vector<16xf32>
        %swap3A_667 = arith.index_cast %add3A_586 : i32 to index
        %swap3A_668 = arith.constant 112 : index
        %swap3A_669 = tpu.vector_load %arg14[%swap3A_667, %swap3A_668] {strides = array<i32>} : memref<64x128xf32, #tpu.memory_space<vmem>>, vector<1x16xf32>,
        %swap3A_670 = vector.shape_cast %swap3A_669 : vector<1x16xf32> to vector<16xf32>
        %swap3A_671 = vector.shape_cast %mul3A_666 : vector<16xf32> to vector<1x16xf32>
        tpu.vector_store %arg14[%swap3A_667, %swap3A_668], %swap3A_671 {strides = array<i32>} : memref<64x128xf32, #tpu.memory_space<vmem>>, vector<1x16xf32>,
        %mul3A_672 = arith.constant 8 : i32
        %mul3A_673 = arith.muli %scan3A_228, %mul3A_672 : i32
        %add3A_674 = arith.constant 5 : i32
        %add3A_675 = arith.addi %mul3A_673, %add3A_674 : i32
        %mul3A_676 = arith.constant 16 : i32
        %mul3A_677 = arith.muli %add3A_675, %mul3A_676 : i32
        %get3A_678 = arith.index_cast %mul3A_677 : i32 to index
        %get3A_679 = tpu.vector_load %arg10[%get3A_678] {strides = array<i32>} : memref<1024xf32, #tpu.memory_space<vmem>>, vector<16xf32>,
        %get3A_680 = vector.shape_cast %get3A_679 : vector<16xf32> to vector<16xf32>
        %get3A_681 = arith.index_cast %add3A_675 : i32 to index
        %get3A_682 = arith.constant 0 : index
        %get3A_683 = tpu.vector_load %arg12[%get3A_681, %get3A_682] {strides = array<i32>} : memref<64x128xf32, #tpu.memory_space<vmem>>, vector<1x16xf32>,
        %get3A_684 = vector.shape_cast %get3A_683 : vector<1x16xf32> to vector<16xf32>
        %mul3A_685 = arith.mulf %get3A_684, %get3A_680 : vector<16xf32>
        %swap3A_686 = arith.index_cast %add3A_675 : i32 to index
        %swap3A_687 = arith.constant 0 : index
        %swap3A_688 = tpu.vector_load %arg14[%swap3A_686, %swap3A_687] {strides = array<i32>} : memref<64x128xf32, #tpu.memory_space<vmem>>, vector<1x16xf32>,
        %swap3A_689 = vector.shape_cast %swap3A_688 : vector<1x16xf32> to vector<16xf32>
        %swap3A_690 = vector.shape_cast %mul3A_685 : vector<16xf32> to vector<1x16xf32>
        tpu.vector_store %arg14[%swap3A_686, %swap3A_687], %swap3A_690 {strides = array<i32>} : memref<64x128xf32, #tpu.memory_space<vmem>>, vector<1x16xf32>,
        %get3A_691 = arith.index_cast %add3A_675 : i32 to index
        %get3A_692 = arith.constant 16 : index
        %get3A_693 = tpu.vector_load %arg12[%get3A_691, %get3A_692] {strides = array<i32>} : memref<64x128xf32, #tpu.memory_space<vmem>>, vector<1x16xf32>,
        %get3A_694 = vector.shape_cast %get3A_693 : vector<1x16xf32> to vector<16xf32>
        %mul3A_695 = arith.mulf %get3A_694, %get3A_680 : vector<16xf32>
        %swap3A_696 = arith.index_cast %add3A_675 : i32 to index
        %swap3A_697 = arith.constant 16 : index
        %swap3A_698 = tpu.vector_load %arg14[%swap3A_696, %swap3A_697] {strides = array<i32>} : memref<64x128xf32, #tpu.memory_space<vmem>>, vector<1x16xf32>,
        %swap3A_699 = vector.shape_cast %swap3A_698 : vector<1x16xf32> to vector<16xf32>
        %swap3A_700 = vector.shape_cast %mul3A_695 : vector<16xf32> to vector<1x16xf32>
        tpu.vector_store %arg14[%swap3A_696, %swap3A_697], %swap3A_700 {strides = array<i32>} : memref<64x128xf32, #tpu.memory_space<vmem>>, vector<1x16xf32>,
        %get3A_701 = arith.index_cast %add3A_675 : i32 to index
        %get3A_702 = arith.constant 32 : index
        %get3A_703 = tpu.vector_load %arg12[%get3A_701, %get3A_702] {strides = array<i32>} : memref<64x128xf32, #tpu.memory_space<vmem>>, vector<1x16xf32>,
        %get3A_704 = vector.shape_cast %get3A_703 : vector<1x16xf32> to vector<16xf32>
        %mul3A_705 = arith.mulf %get3A_704, %get3A_680 : vector<16xf32>
        %swap3A_706 = arith.index_cast %add3A_675 : i32 to index
        %swap3A_707 = arith.constant 32 : index
        %swap3A_708 = tpu.vector_load %arg14[%swap3A_706, %swap3A_707] {strides = array<i32>} : memref<64x128xf32, #tpu.memory_space<vmem>>, vector<1x16xf32>,
        %swap3A_709 = vector.shape_cast %swap3A_708 : vector<1x16xf32> to vector<16xf32>
        %swap3A_710 = vector.shape_cast %mul3A_705 : vector<16xf32> to vector<1x16xf32>
        tpu.vector_store %arg14[%swap3A_706, %swap3A_707], %swap3A_710 {strides = array<i32>} : memref<64x128xf32, #tpu.memory_space<vmem>>, vector<1x16xf32>,
        %get3A_711 = arith.index_cast %add3A_675 : i32 to index
        %get3A_712 = arith.constant 48 : index
        %get3A_713 = tpu.vector_load %arg12[%get3A_711, %get3A_712] {strides = array<i32>} : memref<64x128xf32, #tpu.memory_space<vmem>>, vector<1x16xf32>,
        %get3A_714 = vector.shape_cast %get3A_713 : vector<1x16xf32> to vector<16xf32>
        %mul3A_715 = arith.mulf %get3A_714, %get3A_680 : vector<16xf32>
        %swap3A_716 = arith.index_cast %add3A_675 : i32 to index
        %swap3A_717 = arith.constant 48 : index
        %swap3A_718 = tpu.vector_load %arg14[%swap3A_716, %swap3A_717] {strides = array<i32>} : memref<64x128xf32, #tpu.memory_space<vmem>>, vector<1x16xf32>,
        %swap3A_719 = vector.shape_cast %swap3A_718 : vector<1x16xf32> to vector<16xf32>
        %swap3A_720 = vector.shape_cast %mul3A_715 : vector<16xf32> to vector<1x16xf32>
        tpu.vector_store %arg14[%swap3A_716, %swap3A_717], %swap3A_720 {strides = array<i32>} : memref<64x128xf32, #tpu.memory_space<vmem>>, vector<1x16xf32>,
        %get3A_721 = arith.index_cast %add3A_675 : i32 to index
        %get3A_722 = arith.constant 64 : index
        %get3A_723 = tpu.vector_load %arg12[%get3A_721, %get3A_722] {strides = array<i32>} : memref<64x128xf32, #tpu.memory_space<vmem>>, vector<1x16xf32>,
        %get3A_724 = vector.shape_cast %get3A_723 : vector<1x16xf32> to vector<16xf32>
        %mul3A_725 = arith.mulf %get3A_724, %get3A_680 : vector<16xf32>
        %swap3A_726 = arith.index_cast %add3A_675 : i32 to index
        %swap3A_727 = arith.constant 64 : index
        %swap3A_728 = tpu.vector_load %arg14[%swap3A_726, %swap3A_727] {strides = array<i32>} : memref<64x128xf32, #tpu.memory_space<vmem>>, vector<1x16xf32>,
        %swap3A_729 = vector.shape_cast %swap3A_728 : vector<1x16xf32> to vector<16xf32>
        %swap3A_730 = vector.shape_cast %mul3A_725 : vector<16xf32> to vector<1x16xf32>
        tpu.vector_store %arg14[%swap3A_726, %swap3A_727], %swap3A_730 {strides = array<i32>} : memref<64x128xf32, #tpu.memory_space<vmem>>, vector<1x16xf32>,
        %get3A_731 = arith.index_cast %add3A_675 : i32 to index
        %get3A_732 = arith.constant 80 : index
        %get3A_733 = tpu.vector_load %arg12[%get3A_731, %get3A_732] {strides = array<i32>} : memref<64x128xf32, #tpu.memory_space<vmem>>, vector<1x16xf32>,
        %get3A_734 = vector.shape_cast %get3A_733 : vector<1x16xf32> to vector<16xf32>
        %mul3A_735 = arith.mulf %get3A_734, %get3A_680 : vector<16xf32>
        %swap3A_736 = arith.index_cast %add3A_675 : i32 to index
        %swap3A_737 = arith.constant 80 : index
        %swap3A_738 = tpu.vector_load %arg14[%swap3A_736, %swap3A_737] {strides = array<i32>} : memref<64x128xf32, #tpu.memory_space<vmem>>, vector<1x16xf32>,
        %swap3A_739 = vector.shape_cast %swap3A_738 : vector<1x16xf32> to vector<16xf32>
        %swap3A_740 = vector.shape_cast %mul3A_735 : vector<16xf32> to vector<1x16xf32>
        tpu.vector_store %arg14[%swap3A_736, %swap3A_737], %swap3A_740 {strides = array<i32>} : memref<64x128xf32, #tpu.memory_space<vmem>>, vector<1x16xf32>,
        %get3A_741 = arith.index_cast %add3A_675 : i32 to index
        %get3A_742 = arith.constant 96 : index
        %get3A_743 = tpu.vector_load %arg12[%get3A_741, %get3A_742] {strides = array<i32>} : memref<64x128xf32, #tpu.memory_space<vmem>>, vector<1x16xf32>,
        %get3A_744 = vector.shape_cast %get3A_743 : vector<1x16xf32> to vector<16xf32>
        %mul3A_745 = arith.mulf %get3A_744, %get3A_680 : vector<16xf32>
        %swap3A_746 = arith.index_cast %add3A_675 : i32 to index
        %swap3A_747 = arith.constant 96 : index
        %swap3A_748 = tpu.vector_load %arg14[%swap3A_746, %swap3A_747] {strides = array<i32>} : memref<64x128xf32, #tpu.memory_space<vmem>>, vector<1x16xf32>,
        %swap3A_749 = vector.shape_cast %swap3A_748 : vector<1x16xf32> to vector<16xf32>
        %swap3A_750 = vector.shape_cast %mul3A_745 : vector<16xf32> to vector<1x16xf32>
        tpu.vector_store %arg14[%swap3A_746, %swap3A_747], %swap3A_750 {strides = array<i32>} : memref<64x128xf32, #tpu.memory_space<vmem>>, vector<1x16xf32>,
        %get3A_751 = arith.index_cast %add3A_675 : i32 to index
        %get3A_752 = arith.constant 112 : index
        %get3A_753 = tpu.vector_load %arg12[%get3A_751, %get3A_752] {strides = array<i32>} : memref<64x128xf32, #tpu.memory_space<vmem>>, vector<1x16xf32>,
        %get3A_754 = vector.shape_cast %get3A_753 : vector<1x16xf32> to vector<16xf32>
        %mul3A_755 = arith.mulf %get3A_754, %get3A_680 : vector<16xf32>
        %swap3A_756 = arith.index_cast %add3A_675 : i32 to index
        %swap3A_757 = arith.constant 112 : index
        %swap3A_758 = tpu.vector_load %arg14[%swap3A_756, %swap3A_757] {strides = array<i32>} : memref<64x128xf32, #tpu.memory_space<vmem>>, vector<1x16xf32>,
        %swap3A_759 = vector.shape_cast %swap3A_758 : vector<1x16xf32> to vector<16xf32>
        %swap3A_760 = vector.shape_cast %mul3A_755 : vector<16xf32> to vector<1x16xf32>
        tpu.vector_store %arg14[%swap3A_756, %swap3A_757], %swap3A_760 {strides = array<i32>} : memref<64x128xf32, #tpu.memory_space<vmem>>, vector<1x16xf32>,
        %mul3A_761 = arith.constant 8 : i32
        %mul3A_762 = arith.muli %scan3A_228, %mul3A_761 : i32
        %add3A_763 = arith.constant 6 : i32
        %add3A_764 = arith.addi %mul3A_762, %add3A_763 : i32
        %mul3A_765 = arith.constant 16 : i32
        %mul3A_766 = arith.muli %add3A_764, %mul3A_765 : i32
        %get3A_767 = arith.index_cast %mul3A_766 : i32 to index
        %get3A_768 = tpu.vector_load %arg10[%get3A_767] {strides = array<i32>} : memref<1024xf32, #tpu.memory_space<vmem>>, vector<16xf32>,
        %get3A_769 = vector.shape_cast %get3A_768 : vector<16xf32> to vector<16xf32>
        %get3A_770 = arith.index_cast %add3A_764 : i32 to index
        %get3A_771 = arith.constant 0 : index
        %get3A_772 = tpu.vector_load %arg12[%get3A_770, %get3A_771] {strides = array<i32>} : memref<64x128xf32, #tpu.memory_space<vmem>>, vector<1x16xf32>,
        %get3A_773 = vector.shape_cast %get3A_772 : vector<1x16xf32> to vector<16xf32>
        %mul3A_774 = arith.mulf %get3A_773, %get3A_769 : vector<16xf32>
        %swap3A_775 = arith.index_cast %add3A_764 : i32 to index
        %swap3A_776 = arith.constant 0 : index
        %swap3A_777 = tpu.vector_load %arg14[%swap3A_775, %swap3A_776] {strides = array<i32>} : memref<64x128xf32, #tpu.memory_space<vmem>>, vector<1x16xf32>,
        %swap3A_778 = vector.shape_cast %swap3A_777 : vector<1x16xf32> to vector<16xf32>
        %swap3A_779 = vector.shape_cast %mul3A_774 : vector<16xf32> to vector<1x16xf32>
        tpu.vector_store %arg14[%swap3A_775, %swap3A_776], %swap3A_779 {strides = array<i32>} : memref<64x128xf32, #tpu.memory_space<vmem>>, vector<1x16xf32>,
        %get3A_780 = arith.index_cast %add3A_764 : i32 to index
        %get3A_781 = arith.constant 16 : index
        %get3A_782 = tpu.vector_load %arg12[%get3A_780, %get3A_781] {strides = array<i32>} : memref<64x128xf32, #tpu.memory_space<vmem>>, vector<1x16xf32>,
        %get3A_783 = vector.shape_cast %get3A_782 : vector<1x16xf32> to vector<16xf32>
        %mul3A_784 = arith.mulf %get3A_783, %get3A_769 : vector<16xf32>
        %swap3A_785 = arith.index_cast %add3A_764 : i32 to index
        %swap3A_786 = arith.constant 16 : index
        %swap3A_787 = tpu.vector_load %arg14[%swap3A_785, %swap3A_786] {strides = array<i32>} : memref<64x128xf32, #tpu.memory_space<vmem>>, vector<1x16xf32>,
        %swap3A_788 = vector.shape_cast %swap3A_787 : vector<1x16xf32> to vector<16xf32>
        %swap3A_789 = vector.shape_cast %mul3A_784 : vector<16xf32> to vector<1x16xf32>
        tpu.vector_store %arg14[%swap3A_785, %swap3A_786], %swap3A_789 {strides = array<i32>} : memref<64x128xf32, #tpu.memory_space<vmem>>, vector<1x16xf32>,
        %get3A_790 = arith.index_cast %add3A_764 : i32 to index
        %get3A_791 = arith.constant 32 : index
        %get3A_792 = tpu.vector_load %arg12[%get3A_790, %get3A_791] {strides = array<i32>} : memref<64x128xf32, #tpu.memory_space<vmem>>, vector<1x16xf32>,
        %get3A_793 = vector.shape_cast %get3A_792 : vector<1x16xf32> to vector<16xf32>
        %mul3A_794 = arith.mulf %get3A_793, %get3A_769 : vector<16xf32>
        %swap3A_795 = arith.index_cast %add3A_764 : i32 to index
        %swap3A_796 = arith.constant 32 : index
        %swap3A_797 = tpu.vector_load %arg14[%swap3A_795, %swap3A_796] {strides = array<i32>} : memref<64x128xf32, #tpu.memory_space<vmem>>, vector<1x16xf32>,
        %swap3A_798 = vector.shape_cast %swap3A_797 : vector<1x16xf32> to vector<16xf32>
        %swap3A_799 = vector.shape_cast %mul3A_794 : vector<16xf32> to vector<1x16xf32>
        tpu.vector_store %arg14[%swap3A_795, %swap3A_796], %swap3A_799 {strides = array<i32>} : memref<64x128xf32, #tpu.memory_space<vmem>>, vector<1x16xf32>,
        %get3A_800 = arith.index_cast %add3A_764 : i32 to index
        %get3A_801 = arith.constant 48 : index
        %get3A_802 = tpu.vector_load %arg12[%get3A_800, %get3A_801] {strides = array<i32>} : memref<64x128xf32, #tpu.memory_space<vmem>>, vector<1x16xf32>,
        %get3A_803 = vector.shape_cast %get3A_802 : vector<1x16xf32> to vector<16xf32>
        %mul3A_804 = arith.mulf %get3A_803, %get3A_769 : vector<16xf32>
        %swap3A_805 = arith.index_cast %add3A_764 : i32 to index
        %swap3A_806 = arith.constant 48 : index
        %swap3A_807 = tpu.vector_load %arg14[%swap3A_805, %swap3A_806] {strides = array<i32>} : memref<64x128xf32, #tpu.memory_space<vmem>>, vector<1x16xf32>,
        %swap3A_808 = vector.shape_cast %swap3A_807 : vector<1x16xf32> to vector<16xf32>
        %swap3A_809 = vector.shape_cast %mul3A_804 : vector<16xf32> to vector<1x16xf32>
        tpu.vector_store %arg14[%swap3A_805, %swap3A_806], %swap3A_809 {strides = array<i32>} : memref<64x128xf32, #tpu.memory_space<vmem>>, vector<1x16xf32>,
        %get3A_810 = arith.index_cast %add3A_764 : i32 to index
        %get3A_811 = arith.constant 64 : index
        %get3A_812 = tpu.vector_load %arg12[%get3A_810, %get3A_811] {strides = array<i32>} : memref<64x128xf32, #tpu.memory_space<vmem>>, vector<1x16xf32>,
        %get3A_813 = vector.shape_cast %get3A_812 : vector<1x16xf32> to vector<16xf32>
        %mul3A_814 = arith.mulf %get3A_813, %get3A_769 : vector<16xf32>
        %swap3A_815 = arith.index_cast %add3A_764 : i32 to index
        %swap3A_816 = arith.constant 64 : index
        %swap3A_817 = tpu.vector_load %arg14[%swap3A_815, %swap3A_816] {strides = array<i32>} : memref<64x128xf32, #tpu.memory_space<vmem>>, vector<1x16xf32>,
        %swap3A_818 = vector.shape_cast %swap3A_817 : vector<1x16xf32> to vector<16xf32>
        %swap3A_819 = vector.shape_cast %mul3A_814 : vector<16xf32> to vector<1x16xf32>
        tpu.vector_store %arg14[%swap3A_815, %swap3A_816], %swap3A_819 {strides = array<i32>} : memref<64x128xf32, #tpu.memory_space<vmem>>, vector<1x16xf32>,
        %get3A_820 = arith.index_cast %add3A_764 : i32 to index
        %get3A_821 = arith.constant 80 : index
        %get3A_822 = tpu.vector_load %arg12[%get3A_820, %get3A_821] {strides = array<i32>} : memref<64x128xf32, #tpu.memory_space<vmem>>, vector<1x16xf32>,
        %get3A_823 = vector.shape_cast %get3A_822 : vector<1x16xf32> to vector<16xf32>
        %mul3A_824 = arith.mulf %get3A_823, %get3A_769 : vector<16xf32>
        %swap3A_825 = arith.index_cast %add3A_764 : i32 to index
        %swap3A_826 = arith.constant 80 : index
        %swap3A_827 = tpu.vector_load %arg14[%swap3A_825, %swap3A_826] {strides = array<i32>} : memref<64x128xf32, #tpu.memory_space<vmem>>, vector<1x16xf32>,
        %swap3A_828 = vector.shape_cast %swap3A_827 : vector<1x16xf32> to vector<16xf32>
        %swap3A_829 = vector.shape_cast %mul3A_824 : vector<16xf32> to vector<1x16xf32>
        tpu.vector_store %arg14[%swap3A_825, %swap3A_826], %swap3A_829 {strides = array<i32>} : memref<64x128xf32, #tpu.memory_space<vmem>>, vector<1x16xf32>,
        %get3A_830 = arith.index_cast %add3A_764 : i32 to index
        %get3A_831 = arith.constant 96 : index
        %get3A_832 = tpu.vector_load %arg12[%get3A_830, %get3A_831] {strides = array<i32>} : memref<64x128xf32, #tpu.memory_space<vmem>>, vector<1x16xf32>,
        %get3A_833 = vector.shape_cast %get3A_832 : vector<1x16xf32> to vector<16xf32>
        %mul3A_834 = arith.mulf %get3A_833, %get3A_769 : vector<16xf32>
        %swap3A_835 = arith.index_cast %add3A_764 : i32 to index
        %swap3A_836 = arith.constant 96 : index
        %swap3A_837 = tpu.vector_load %arg14[%swap3A_835, %swap3A_836] {strides = array<i32>} : memref<64x128xf32, #tpu.memory_space<vmem>>, vector<1x16xf32>,
        %swap3A_838 = vector.shape_cast %swap3A_837 : vector<1x16xf32> to vector<16xf32>
        %swap3A_839 = vector.shape_cast %mul3A_834 : vector<16xf32> to vector<1x16xf32>
        tpu.vector_store %arg14[%swap3A_835, %swap3A_836], %swap3A_839 {strides = array<i32>} : memref<64x128xf32, #tpu.memory_space<vmem>>, vector<1x16xf32>,
        %get3A_840 = arith.index_cast %add3A_764 : i32 to index
        %get3A_841 = arith.constant 112 : index
        %get3A_842 = tpu.vector_load %arg12[%get3A_840, %get3A_841] {strides = array<i32>} : memref<64x128xf32, #tpu.memory_space<vmem>>, vector<1x16xf32>,
        %get3A_843 = vector.shape_cast %get3A_842 : vector<1x16xf32> to vector<16xf32>
        %mul3A_844 = arith.mulf %get3A_843, %get3A_769 : vector<16xf32>
        %swap3A_845 = arith.index_cast %add3A_764 : i32 to index
        %swap3A_846 = arith.constant 112 : index
        %swap3A_847 = tpu.vector_load %arg14[%swap3A_845, %swap3A_846] {strides = array<i32>} : memref<64x128xf32, #tpu.memory_space<vmem>>, vector<1x16xf32>,
        %swap3A_848 = vector.shape_cast %swap3A_847 : vector<1x16xf32> to vector<16xf32>
        %swap3A_849 = vector.shape_cast %mul3A_844 : vector<16xf32> to vector<1x16xf32>
        tpu.vector_store %arg14[%swap3A_845, %swap3A_846], %swap3A_849 {strides = array<i32>} : memref<64x128xf32, #tpu.memory_space<vmem>>, vector<1x16xf32>,
        %mul3A_850 = arith.constant 8 : i32
        %mul3A_851 = arith.muli %scan3A_228, %mul3A_850 : i32
        %add3A_852 = arith.constant 7 : i32
        %add3A_853 = arith.addi %mul3A_851, %add3A_852 : i32
        %mul3A_854 = arith.constant 16 : i32
        %mul3A_855 = arith.muli %add3A_853, %mul3A_854 : i32
        %get3A_856 = arith.index_cast %mul3A_855 : i32 to index
        %get3A_857 = tpu.vector_load %arg10[%get3A_856] {strides = array<i32>} : memref<1024xf32, #tpu.memory_space<vmem>>, vector<16xf32>,
        %get3A_858 = vector.shape_cast %get3A_857 : vector<16xf32> to vector<16xf32>
        %get3A_859 = arith.index_cast %add3A_853 : i32 to index
        %get3A_860 = arith.constant 0 : index
        %get3A_861 = tpu.vector_load %arg12[%get3A_859, %get3A_860] {strides = array<i32>} : memref<64x128xf32, #tpu.memory_space<vmem>>, vector<1x16xf32>,
        %get3A_862 = vector.shape_cast %get3A_861 : vector<1x16xf32> to vector<16xf32>
        %mul3A_863 = arith.mulf %get3A_862, %get3A_858 : vector<16xf32>
        %swap3A_864 = arith.index_cast %add3A_853 : i32 to index
        %swap3A_865 = arith.constant 0 : index
        %swap3A_866 = tpu.vector_load %arg14[%swap3A_864, %swap3A_865] {strides = array<i32>} : memref<64x128xf32, #tpu.memory_space<vmem>>, vector<1x16xf32>,
        %swap3A_867 = vector.shape_cast %swap3A_866 : vector<1x16xf32> to vector<16xf32>
        %swap3A_868 = vector.shape_cast %mul3A_863 : vector<16xf32> to vector<1x16xf32>
        tpu.vector_store %arg14[%swap3A_864, %swap3A_865], %swap3A_868 {strides = array<i32>} : memref<64x128xf32, #tpu.memory_space<vmem>>, vector<1x16xf32>,
        %get3A_869 = arith.index_cast %add3A_853 : i32 to index
        %get3A_870 = arith.constant 16 : index
        %get3A_871 = tpu.vector_load %arg12[%get3A_869, %get3A_870] {strides = array<i32>} : memref<64x128xf32, #tpu.memory_space<vmem>>, vector<1x16xf32>,
        %get3A_872 = vector.shape_cast %get3A_871 : vector<1x16xf32> to vector<16xf32>
        %mul3A_873 = arith.mulf %get3A_872, %get3A_858 : vector<16xf32>
        %swap3A_874 = arith.index_cast %add3A_853 : i32 to index
        %swap3A_875 = arith.constant 16 : index
        %swap3A_876 = tpu.vector_load %arg14[%swap3A_874, %swap3A_875] {strides = array<i32>} : memref<64x128xf32, #tpu.memory_space<vmem>>, vector<1x16xf32>,
        %swap3A_877 = vector.shape_cast %swap3A_876 : vector<1x16xf32> to vector<16xf32>
        %swap3A_878 = vector.shape_cast %mul3A_873 : vector<16xf32> to vector<1x16xf32>
        tpu.vector_store %arg14[%swap3A_874, %swap3A_875], %swap3A_878 {strides = array<i32>} : memref<64x128xf32, #tpu.memory_space<vmem>>, vector<1x16xf32>,
        %get3A_879 = arith.index_cast %add3A_853 : i32 to index
        %get3A_880 = arith.constant 32 : index
        %get3A_881 = tpu.vector_load %arg12[%get3A_879, %get3A_880] {strides = array<i32>} : memref<64x128xf32, #tpu.memory_space<vmem>>, vector<1x16xf32>,
        %get3A_882 = vector.shape_cast %get3A_881 : vector<1x16xf32> to vector<16xf32>
        %mul3A_883 = arith.mulf %get3A_882, %get3A_858 : vector<16xf32>
        %swap3A_884 = arith.index_cast %add3A_853 : i32 to index
        %swap3A_885 = arith.constant 32 : index
        %swap3A_886 = tpu.vector_load %arg14[%swap3A_884, %swap3A_885] {strides = array<i32>} : memref<64x128xf32, #tpu.memory_space<vmem>>, vector<1x16xf32>,
        %swap3A_887 = vector.shape_cast %swap3A_886 : vector<1x16xf32> to vector<16xf32>
        %swap3A_888 = vector.shape_cast %mul3A_883 : vector<16xf32> to vector<1x16xf32>
        tpu.vector_store %arg14[%swap3A_884, %swap3A_885], %swap3A_888 {strides = array<i32>} : memref<64x128xf32, #tpu.memory_space<vmem>>, vector<1x16xf32>,
        %get3A_889 = arith.index_cast %add3A_853 : i32 to index
        %get3A_890 = arith.constant 48 : index
        %get3A_891 = tpu.vector_load %arg12[%get3A_889, %get3A_890] {strides = array<i32>} : memref<64x128xf32, #tpu.memory_space<vmem>>, vector<1x16xf32>,
        %get3A_892 = vector.shape_cast %get3A_891 : vector<1x16xf32> to vector<16xf32>
        %mul3A_893 = arith.mulf %get3A_892, %get3A_858 : vector<16xf32>
        %swap3A_894 = arith.index_cast %add3A_853 : i32 to index
        %swap3A_895 = arith.constant 48 : index
        %swap3A_896 = tpu.vector_load %arg14[%swap3A_894, %swap3A_895] {strides = array<i32>} : memref<64x128xf32, #tpu.memory_space<vmem>>, vector<1x16xf32>,
        %swap3A_897 = vector.shape_cast %swap3A_896 : vector<1x16xf32> to vector<16xf32>
        %swap3A_898 = vector.shape_cast %mul3A_893 : vector<16xf32> to vector<1x16xf32>
        tpu.vector_store %arg14[%swap3A_894, %swap3A_895], %swap3A_898 {strides = array<i32>} : memref<64x128xf32, #tpu.memory_space<vmem>>, vector<1x16xf32>,
        %get3A_899 = arith.index_cast %add3A_853 : i32 to index
        %get3A_900 = arith.constant 64 : index
        %get3A_901 = tpu.vector_load %arg12[%get3A_899, %get3A_900] {strides = array<i32>} : memref<64x128xf32, #tpu.memory_space<vmem>>, vector<1x16xf32>,
        %get3A_902 = vector.shape_cast %get3A_901 : vector<1x16xf32> to vector<16xf32>
        %mul3A_903 = arith.mulf %get3A_902, %get3A_858 : vector<16xf32>
        %swap3A_904 = arith.index_cast %add3A_853 : i32 to index
        %swap3A_905 = arith.constant 64 : index
        %swap3A_906 = tpu.vector_load %arg14[%swap3A_904, %swap3A_905] {strides = array<i32>} : memref<64x128xf32, #tpu.memory_space<vmem>>, vector<1x16xf32>,
        %swap3A_907 = vector.shape_cast %swap3A_906 : vector<1x16xf32> to vector<16xf32>
        %swap3A_908 = vector.shape_cast %mul3A_903 : vector<16xf32> to vector<1x16xf32>
        tpu.vector_store %arg14[%swap3A_904, %swap3A_905], %swap3A_908 {strides = array<i32>} : memref<64x128xf32, #tpu.memory_space<vmem>>, vector<1x16xf32>,
        %get3A_909 = arith.index_cast %add3A_853 : i32 to index
        %get3A_910 = arith.constant 80 : index
        %get3A_911 = tpu.vector_load %arg12[%get3A_909, %get3A_910] {strides = array<i32>} : memref<64x128xf32, #tpu.memory_space<vmem>>, vector<1x16xf32>,
        %get3A_912 = vector.shape_cast %get3A_911 : vector<1x16xf32> to vector<16xf32>
        %mul3A_913 = arith.mulf %get3A_912, %get3A_858 : vector<16xf32>
        %swap3A_914 = arith.index_cast %add3A_853 : i32 to index
        %swap3A_915 = arith.constant 80 : index
        %swap3A_916 = tpu.vector_load %arg14[%swap3A_914, %swap3A_915] {strides = array<i32>} : memref<64x128xf32, #tpu.memory_space<vmem>>, vector<1x16xf32>,
        %swap3A_917 = vector.shape_cast %swap3A_916 : vector<1x16xf32> to vector<16xf32>
        %swap3A_918 = vector.shape_cast %mul3A_913 : vector<16xf32> to vector<1x16xf32>
        tpu.vector_store %arg14[%swap3A_914, %swap3A_915], %swap3A_918 {strides = array<i32>} : memref<64x128xf32, #tpu.memory_space<vmem>>, vector<1x16xf32>,
        %get3A_919 = arith.index_cast %add3A_853 : i32 to index
        %get3A_920 = arith.constant 96 : index
        %get3A_921 = tpu.vector_load %arg12[%get3A_919, %get3A_920] {strides = array<i32>} : memref<64x128xf32, #tpu.memory_space<vmem>>, vector<1x16xf32>,
        %get3A_922 = vector.shape_cast %get3A_921 : vector<1x16xf32> to vector<16xf32>
        %mul3A_923 = arith.mulf %get3A_922, %get3A_858 : vector<16xf32>
        %swap3A_924 = arith.index_cast %add3A_853 : i32 to index
        %swap3A_925 = arith.constant 96 : index
        %swap3A_926 = tpu.vector_load %arg14[%swap3A_924, %swap3A_925] {strides = array<i32>} : memref<64x128xf32, #tpu.memory_space<vmem>>, vector<1x16xf32>,
        %swap3A_927 = vector.shape_cast %swap3A_926 : vector<1x16xf32> to vector<16xf32>
        %swap3A_928 = vector.shape_cast %mul3A_923 : vector<16xf32> to vector<1x16xf32>
        tpu.vector_store %arg14[%swap3A_924, %swap3A_925], %swap3A_928 {strides = array<i32>} : memref<64x128xf32, #tpu.memory_space<vmem>>, vector<1x16xf32>,
        %get3A_929 = arith.index_cast %add3A_853 : i32 to index
        %get3A_930 = arith.constant 112 : index
        %get3A_931 = tpu.vector_load %arg12[%get3A_929, %get3A_930] {strides = array<i32>} : memref<64x128xf32, #tpu.memory_space<vmem>>, vector<1x16xf32>,
        %get3A_932 = vector.shape_cast %get3A_931 : vector<1x16xf32> to vector<16xf32>
        %mul3A_933 = arith.mulf %get3A_932, %get3A_858 : vector<16xf32>
        %swap3A_934 = arith.index_cast %add3A_853 : i32 to index
        %swap3A_935 = arith.constant 112 : index
        %swap3A_936 = tpu.vector_load %arg14[%swap3A_934, %swap3A_935] {strides = array<i32>} : memref<64x128xf32, #tpu.memory_space<vmem>>, vector<1x16xf32>,
        %swap3A_937 = vector.shape_cast %swap3A_936 : vector<1x16xf32> to vector<16xf32>
        %swap3A_938 = vector.shape_cast %mul3A_933 : vector<16xf32> to vector<1x16xf32>
        tpu.vector_store %arg14[%swap3A_934, %swap3A_935], %swap3A_938 {strides = array<i32>} : memref<64x128xf32, #tpu.memory_space<vmem>>, vector<1x16xf32>,
      }
      %scan3A_217 = arith.constant 8 : i32
      %dma_start3A_218 = arith.constant 0 : i32
      %dma_start3A_219 = arith.constant 0 : i32
      %dma_start3A_220 = tpu.memref_slice %arg19[%dma_start3A_218, %dma_start3A_219] : memref<10000x128xf32, #tpu.memory_space<vmem_shared>> -> memref<10000x128xf32, #tpu.memory_space<vmem_shared>>
      tpu.enqueue_indirect_dma source(%arg14 : memref<64x128xf32, #tpu.memory_space<vmem>>) target(%dma_start3A_220 : memref<10000x128xf32, #tpu.memory_space<vmem_shared>>) offsets(%arg18 : memref<64xi32, #tpu.memory_space<vmem>>) semaphore(%arg25 : memref<!tpu.dma_semaphore, #tpu.memory_space<semaphore_mem>>) {add = true}
      %add3A_221 = arith.constant 2 : i32
      %add3A_222 = arith.addi %add3A_188, %add3A_221 : i32
      %lt3A_223 = arith.constant 160 : i32
      %lt3A_224 = arith.cmpi slt, %add3A_222, %lt3A_223 : i32
      %convert_element_type3A_225 = arith.extui %lt3A_224 : i1 to i32
      %cond3A_226 = arith.constant 0 : i32
      %cond3A_227 = arith.cmpi ne, %convert_element_type3A_225, %cond3A_226 : i32
      scf.if %cond3A_227 {
        %add3A_228 = arith.constant 2 : i32
        %add3A_229 = arith.addi %add3A_188, %add3A_228 : i32
        %mul3A_230 = arith.constant 64 : i32
        %mul3A_231 = arith.muli %add3A_229, %mul3A_230 : i32
        %add3A_232 = arith.addi %mul3A_6, %mul3A_231 : i32
        %mul3A_233 = arith.constant 16 : i32
        %mul3A_234 = arith.muli %add3A_232, %mul3A_233 : i32
        %dma_start3A_235 = tpu.memref_slice %arg6[%mul3A_234] : memref<2621440xf32, #tpu.memory_space<hbm>> -> memref<1024xf32, #tpu.memory_space<hbm>>
        %dma_start3A_236 = tpu.memref_slice %arg6[%mul3A_234] : memref<2621440xf32, #tpu.memory_space<hbm>> -> memref<1024xf32, #tpu.memory_space<hbm>>
        tpu.enqueue_dma source(%dma_start3A_236 : memref<1024xf32, #tpu.memory_space<hbm>>) target(%arg10 : memref<1024xf32, #tpu.memory_space<vmem>>) target_semaphore(%arg23 : memref<!tpu.dma_semaphore, #tpu.memory_space<semaphore_mem>>)
        %mul3A_237 = arith.constant 64 : i32
        %mul3A_238 = arith.muli %add3A_229, %mul3A_237 : i32
        %add3A_239 = arith.addi %mul3A_6, %mul3A_238 : i32
        %dma_start3A_240 = tpu.memref_slice %arg4[%add3A_239] : memref<163840xi32, #tpu.memory_space<hbm>> -> memref<64xi32, #tpu.memory_space<hbm>>
        %dma_start3A_241 = tpu.memref_slice %arg4[%add3A_239] : memref<163840xi32, #tpu.memory_space<hbm>> -> memref<64xi32, #tpu.memory_space<hbm>>
        tpu.enqueue_dma source(%dma_start3A_241 : memref<64xi32, #tpu.memory_space<hbm>>) target(%arg16 : memref<64xi32, #tpu.memory_space<vmem>>) target_semaphore(%arg21 : memref<!tpu.dma_semaphore, #tpu.memory_space<semaphore_mem>>)
        %mul3A_242 = arith.constant 64 : i32
        %mul3A_243 = arith.muli %add3A_229, %mul3A_242 : i32
        %dma_start3A_244 = tpu.memref_slice %arg8[%mul3A_243] : memref<10240xi32, #tpu.memory_space<vmem>> -> memref<64xi32, #tpu.memory_space<vmem>>
        %dma_start3A_245 = arith.constant 0 : i32
        %dma_start3A_246 = arith.constant 0 : i32
        %dma_start3A_247 = tpu.memref_slice %arg2[%dma_start3A_245, %dma_start3A_246] : memref<20000x128xf32, #tpu.memory_space<hbm>> -> memref<20000x128xf32, #tpu.memory_space<hbm>>
        tpu.enqueue_indirect_dma source(%dma_start3A_247 : memref<20000x128xf32, #tpu.memory_space<hbm>>) target(%arg12 : memref<64x128xf32, #tpu.memory_space<vmem>>) offsets(%dma_start3A_244 : memref<64xi32, #tpu.memory_space<vmem>>) semaphore(%arg21 : memref<!tpu.dma_semaphore, #tpu.memory_space<semaphore_mem>>)
      } else {
      }
    }
    %scan3A_43 = arith.constant 40 : i32
    %dma_wait3A = arith.constant 0 : i32
    %dma_wait3A_44 = arith.constant 0 : i32
    %dma_wait3A_45 = tpu.memref_slice %arg19[%dma_wait3A, %dma_wait3A_44] : memref<10000x128xf32, #tpu.memory_space<vmem_shared>> -> memref<10000x128xf32, #tpu.memory_space<vmem_shared>>
    tpu.wait_indirect_dma semaphore(%arg24 : memref<!tpu.dma_semaphore, #tpu.memory_space<semaphore_mem>>) src(%arg13 : memref<64x128xf32, #tpu.memory_space<vmem>>) dst(%dma_wait3A_45 : memref<10000x128xf32, #tpu.memory_space<vmem_shared>>)
    %dma_wait3A_46 = arith.constant 0 : i32
    %dma_wait3A_47 = arith.constant 0 : i32
    %dma_wait3A_48 = tpu.memref_slice %arg19[%dma_wait3A_46, %dma_wait3A_47] : memref<10000x128xf32, #tpu.memory_space<vmem_shared>> -> memref<10000x128xf32, #tpu.memory_space<vmem_shared>>
    tpu.wait_indirect_dma semaphore(%arg25 : memref<!tpu.dma_semaphore, #tpu.memory_space<semaphore_mem>>) src(%arg14 : memref<64x128xf32, #tpu.memory_space<vmem>>) dst(%dma_wait3A_48 : memref<10000x128xf32, #tpu.memory_space<vmem_shared>>)
    %barrier3A_49 = arith.constant 0 : index
    tpu.barrier barrier_id(%barrier3A_49)
    %mul3A_50 = arith.constant 128 : i32
    %mul3A_51 = arith.muli %arg0, %mul3A_50 : i32
    "tpu.region"() ({
      %run_scoped3A = tpu.sem_alloc : memref<!tpu.dma_semaphore, #tpu.memory_space<semaphore_mem>>
      %dma_start3A_57 = tpu.memref_slice %arg7[%mul3A_0, %mul3A_51] : memref<10000x256xf32, #tpu.memory_space<hbm>> -> memref<624x128xf32, #tpu.memory_space<hbm>>
      %dma_start3A_58 = arith.constant 0 : i32
      %dma_start3A_59 = tpu.memref_slice %arg19[%mul3A_0, %dma_start3A_58] : memref<10000x128xf32, #tpu.memory_space<vmem_shared>> -> memref<624x128xf32, #tpu.memory_space<vmem_shared>>
      tpu.enqueue_dma source(%dma_start3A_59 : memref<624x128xf32, #tpu.memory_space<vmem_shared>>) target(%dma_start3A_57 : memref<624x128xf32, #tpu.memory_space<hbm>>) target_semaphore(%run_scoped3A : memref<!tpu.dma_semaphore, #tpu.memory_space<semaphore_mem>>)
      %dma_wait3A_60 = tpu.memref_slice %arg7[%mul3A_0, %mul3A_51] : memref<10000x256xf32, #tpu.memory_space<hbm>> -> memref<624x128xf32, #tpu.memory_space<hbm>>
      %dma_wait3A_61 = arith.constant 0 : i32
      %dma_wait3A_62 = tpu.memref_slice %arg19[%mul3A_0, %dma_wait3A_61] : memref<10000x128xf32, #tpu.memory_space<vmem_shared>> -> memref<624x128xf32, #tpu.memory_space<vmem_shared>>
      tpu.wait_dma2 semaphore(%run_scoped3A : memref<!tpu.dma_semaphore, #tpu.memory_space<semaphore_mem>>) src(%dma_wait3A_62 : memref<624x128xf32, #tpu.memory_space<vmem_shared>>) dst(%dma_wait3A_60 : memref<624x128xf32, #tpu.memory_space<hbm>>)
      tpu.yield
    }) : () -> ()
    %eq3A_52 = arith.constant 15 : i32
    %eq3A_53 = arith.cmpi eq, %arg1, %eq3A_52 : i32
    %convert_element_type3A_54 = arith.extui %eq3A_53 : i1 to i32
    %cond3A_55 = arith.constant 0 : i32
    %cond3A_56 = arith.cmpi ne, %convert_element_type3A_54, %cond3A_55 : i32
    scf.if %cond3A_56 {
      %mul3A_57 = arith.constant 128 : i32
      %mul3A_58 = arith.muli %arg0, %mul3A_57 : i32
      "tpu.region"() ({
        %run_scoped3A = tpu.sem_alloc : memref<!tpu.dma_semaphore, #tpu.memory_space<semaphore_mem>>
        %dma_start3A_59 = arith.constant 9984 : i32
        %dma_start3A_60 = tpu.memref_slice %arg7[%dma_start3A_59, %mul3A_58] : memref<10000x256xf32, #tpu.memory_space<hbm>> -> memref<16x128xf32, #tpu.memory_space<hbm>>
        %dma_start3A_61 = arith.constant 9984 : i32
        %dma_start3A_62 = arith.constant 0 : i32
        %dma_start3A_63 = tpu.memref_slice %arg19[%dma_start3A_61, %dma_start3A_62] : memref<10000x128xf32, #tpu.memory_space<vmem_shared>> -> memref<16x128xf32, #tpu.memory_space<vmem_shared>>
        tpu.enqueue_dma source(%dma_start3A_63 : memref<16x128xf32, #tpu.memory_space<vmem_shared>>) target(%dma_start3A_60 : memref<16x128xf32, #tpu.memory_space<hbm>>) target_semaphore(%run_scoped3A : memref<!tpu.dma_semaphore, #tpu.memory_space<semaphore_mem>>)
        %dma_wait3A_64 = arith.constant 9984 : i32
        %dma_wait3A_65 = tpu.memref_slice %arg7[%dma_wait3A_64, %mul3A_58] : memref<10000x256xf32, #tpu.memory_space<hbm>> -> memref<16x128xf32, #tpu.memory_space<hbm>>
        %dma_wait3A_66 = arith.constant 9984 : i32
        %dma_wait3A_67 = arith.constant 0 : i32
        %dma_wait3A_68 = tpu.memref_slice %arg19[%dma_wait3A_66, %dma_wait3A_67] : memref<10000x128xf32, #tpu.memory_space<vmem_shared>> -> memref<16x128xf32, #tpu.memory_space<vmem_shared>>
        tpu.wait_dma2 semaphore(%run_scoped3A : memref<!tpu.dma_semaphore, #tpu.memory_space<semaphore_mem>>) src(%dma_wait3A_68 : memref<16x128xf32, #tpu.memory_space<vmem_shared>>) dst(%dma_wait3A_65 : memref<16x128xf32, #tpu.memory_space<hbm>>)
        tpu.yield
      }) : () -> ()
    } else {
    }
    return
  }
}

module attributes {stable_mosaic.version = 14 : i64} {
  func.func @_tc_body(%arg0: i32, %arg1: memref<1000x256xf32, #tpu.memory_space<vmem>>, %arg2: memref<8x256xf32, #tpu.memory_space<vmem>>, %arg3: memref<4x256x256xf32, #tpu.memory_space<vmem>>, %arg4: memref<256x256xf32, #tpu.memory_space<vmem>>, %arg5: memref<256x256xf32, #tpu.memory_space<vmem>>, %arg6: memref<1x256xf32, #tpu.memory_space<vmem>>, %arg7: memref<2x1000x128xf32, #tpu.memory_space<vmem>>, %arg8: memref<2x1000x128xf32, #tpu.memory_space<vmem>>) attributes {dimension_semantics = [#tpu.dimension_semantics<arbitrary>], iteration_bounds = array<i64: 10>, scalar_prefetch = 0 : i64, scratch_operands = 0 : i64, tpu.core_type = #tpu.core_type<tc>, window_params = [{transform_indices = @transform_0, window_bounds = array<i64: 1000, 256>}, {pipeline_mode = #tpu.pipeline_mode<synchronous>, transform_indices = @transform_1, window_bounds = array<i64: 8, 256>}, {pipeline_mode = #tpu.pipeline_mode<synchronous>, transform_indices = @transform_2, window_bounds = array<i64: 4, 256, 256>}, {pipeline_mode = #tpu.pipeline_mode<synchronous>, transform_indices = @transform_3, window_bounds = array<i64: 256, 256>}, {pipeline_mode = #tpu.pipeline_mode<synchronous>, transform_indices = @transform_4, window_bounds = array<i64: 256, 256>}, {pipeline_mode = #tpu.pipeline_mode<synchronous>, transform_indices = @transform_5, window_bounds = array<i64: 1, 256>}, {transform_indices = @transform_6, window_bounds = array<i64: 2, 1000, 128>}, {transform_indices = @transform_7, window_bounds = array<i64: 2, 1000, 128>}]} {
    %get3A = arith.constant 0 : index
    %get3A_0 = arith.constant 0 : index
    %get3A_1 = vector.load %arg1[%get3A, %get3A_0] : memref<1000x256xf32, #tpu.memory_space<vmem>>, vector<1000x256xf32>
    %get3A_2 = arith.constant 0 : index
    %get3A_3 = arith.constant 0 : index
    %get3A_4 = vector.load %arg2[%get3A_2, %get3A_3] : memref<8x256xf32, #tpu.memory_space<vmem>>, vector<8x256xf32>
    %transpose3A = tpu.transpose %get3A_4, [1, 0] : vector<8x256xf32> -> vector<256x8xf32>
    %dot_general3A = arith.constant dense<0.000000e+00> : vector<1000x8xf32>
    %dot_general3A_5 = tpu.matmul %get3A_1, %transpose3A, %dot_general3A {dimension_numbers = #tpu.dot_dimension_numbers<[1], [0], [0], [1], [0, 0, 1, 1], [], []>, transpose_lhs_hint = false} : vector<1000x256xf32>, vector<256x8xf32>, vector<1000x8xf32> -> vector<1000x8xf32>
    %ge3A = arith.constant 0.000000e+00 : f32
    %ge3A_6 = vector.broadcast %ge3A : f32 to vector<1000x8xf32>
    %ge3A_7 = arith.cmpf oge, %dot_general3A_5, %ge3A_6 : vector<1000x8xf32>
    %mul3A = arith.constant 2.000000e-01 : f32
    %mul3A_8 = vector.broadcast %mul3A : f32 to vector<1000x8xf32>
    %mul3A_9 = arith.mulf %mul3A_8, %dot_general3A_5 : vector<1000x8xf32>
    %select_n3A = arith.select %ge3A_7, %dot_general3A_5, %mul3A_9 : vector<1000x8xi1>, vector<1000x8xf32>
    %iota3A = tpu.iota {dimensions = array<i32: 1>} : vector<1000x8xi32>
    %lt3A = arith.constant 4 : i32
    %lt3A_10 = vector.broadcast %lt3A : i32 to vector<1000x8xi32>
    %lt3A_11 = arith.cmpi slt, %iota3A, %lt3A_10 : vector<1000x8xi32>
    %jit3A = arith.constant -1.000000e+30 : f32
    %broadcast_in_dim3A = vector.broadcast %jit3A : f32 to vector<1000x8xf32>
    %select_n3A_12 = arith.select %lt3A_11, %select_n3A, %broadcast_in_dim3A : vector<1000x8xi1>, vector<1000x8xf32>
    %reduce_max3A = arith.constant dense<0xFF800000> : vector<1000xf32>
    %reduce_max3A_13 = vector.multi_reduction <maximumf>, %select_n3A_12, %reduce_max3A [1] : vector<1000x8xf32> to vector<1000xf32>
    %broadcast_in_dim3A_14 = vector.shape_cast %reduce_max3A_13 : vector<1000xf32> to vector<1000x1xf32>
    %sub3A = vector.broadcast %broadcast_in_dim3A_14 : vector<1000x1xf32> to vector<1000x8xf32>
    %sub3A_15 = arith.subf %select_n3A_12, %sub3A : vector<1000x8xf32>
    %exp3A = math.exp %sub3A_15 : vector<1000x8xf32>
    %reduce_sum3A = arith.constant dense<0.000000e+00> : vector<1000xf32>
    %reduce_sum3A_16 = vector.multi_reduction <add>, %exp3A, %reduce_sum3A [1] : vector<1000x8xf32> to vector<1000xf32>
    %broadcast_in_dim3A_17 = vector.shape_cast %reduce_sum3A_16 : vector<1000xf32> to vector<1000x1xf32>
    %div3A = vector.broadcast %broadcast_in_dim3A_17 : vector<1000x1xf32> to vector<1000x8xf32>
    %div3A_18 = arith.divf %exp3A, %div3A : vector<1000x8xf32>
    %broadcast_in_dim3A_19 = arith.constant 0.000000e+00 : f32
    %broadcast_in_dim3A_20 = vector.broadcast %broadcast_in_dim3A_19 : f32 to vector<1000x256xf32>
    %slice3A = vector.extract_strided_slice %div3A_18 {offsets = [0, 0], sizes = [1000, 1], strides = [1, 1]} : vector<1000x8xf32> to vector<1000x1xf32>
    %get3A_21 = arith.constant 0 : index
    %get3A_22 = arith.constant 0 : index
    %get3A_23 = arith.constant 0 : index
    %get3A_24 = vector.load %arg3[%get3A_21, %get3A_22, %get3A_23] : memref<4x256x256xf32, #tpu.memory_space<vmem>>, vector<1x256x256xf32>
    %get3A_25 = vector.shape_cast %get3A_24 : vector<1x256x256xf32> to vector<256x256xf32>
    %dot_general3A_26 = arith.constant dense<0.000000e+00> : vector<1000x256xf32>
    %dot_general3A_27 = tpu.matmul %get3A_1, %get3A_25, %dot_general3A_26 {dimension_numbers = #tpu.dot_dimension_numbers<[1], [0], [0], [1], [0, 0, 1, 1], [], []>, transpose_lhs_hint = false} : vector<1000x256xf32>, vector<256x256xf32>, vector<1000x256xf32> -> vector<1000x256xf32>
    %mul3A_28 = vector.broadcast %slice3A : vector<1000x1xf32> to vector<1000x256xf32>
    %mul3A_29 = arith.mulf %mul3A_28, %dot_general3A_27 : vector<1000x256xf32>
    %add3A = arith.addf %broadcast_in_dim3A_20, %mul3A_29 : vector<1000x256xf32>
    %slice3A_30 = vector.extract_strided_slice %div3A_18 {offsets = [0, 1], sizes = [1000, 1], strides = [1, 1]} : vector<1000x8xf32> to vector<1000x1xf32>
    %get3A_31 = arith.constant 1 : index
    %get3A_32 = arith.constant 0 : index
    %get3A_33 = arith.constant 0 : index
    %get3A_34 = vector.load %arg3[%get3A_31, %get3A_32, %get3A_33] : memref<4x256x256xf32, #tpu.memory_space<vmem>>, vector<1x256x256xf32>
    %get3A_35 = vector.shape_cast %get3A_34 : vector<1x256x256xf32> to vector<256x256xf32>
    %dot_general3A_36 = arith.constant dense<0.000000e+00> : vector<1000x256xf32>
    %dot_general3A_37 = tpu.matmul %get3A_1, %get3A_35, %dot_general3A_36 {dimension_numbers = #tpu.dot_dimension_numbers<[1], [0], [0], [1], [0, 0, 1, 1], [], []>, transpose_lhs_hint = false} : vector<1000x256xf32>, vector<256x256xf32>, vector<1000x256xf32> -> vector<1000x256xf32>
    %mul3A_38 = vector.broadcast %slice3A_30 : vector<1000x1xf32> to vector<1000x256xf32>
    %mul3A_39 = arith.mulf %mul3A_38, %dot_general3A_37 : vector<1000x256xf32>
    %add3A_40 = arith.addf %add3A, %mul3A_39 : vector<1000x256xf32>
    %slice3A_41 = vector.extract_strided_slice %div3A_18 {offsets = [0, 2], sizes = [1000, 1], strides = [1, 1]} : vector<1000x8xf32> to vector<1000x1xf32>
    %get3A_42 = arith.constant 2 : index
    %get3A_43 = arith.constant 0 : index
    %get3A_44 = arith.constant 0 : index
    %get3A_45 = vector.load %arg3[%get3A_42, %get3A_43, %get3A_44] : memref<4x256x256xf32, #tpu.memory_space<vmem>>, vector<1x256x256xf32>
    %get3A_46 = vector.shape_cast %get3A_45 : vector<1x256x256xf32> to vector<256x256xf32>
    %dot_general3A_47 = arith.constant dense<0.000000e+00> : vector<1000x256xf32>
    %dot_general3A_48 = tpu.matmul %get3A_1, %get3A_46, %dot_general3A_47 {dimension_numbers = #tpu.dot_dimension_numbers<[1], [0], [0], [1], [0, 0, 1, 1], [], []>, transpose_lhs_hint = false} : vector<1000x256xf32>, vector<256x256xf32>, vector<1000x256xf32> -> vector<1000x256xf32>
    %mul3A_49 = vector.broadcast %slice3A_41 : vector<1000x1xf32> to vector<1000x256xf32>
    %mul3A_50 = arith.mulf %mul3A_49, %dot_general3A_48 : vector<1000x256xf32>
    %add3A_51 = arith.addf %add3A_40, %mul3A_50 : vector<1000x256xf32>
    %slice3A_52 = vector.extract_strided_slice %div3A_18 {offsets = [0, 3], sizes = [1000, 1], strides = [1, 1]} : vector<1000x8xf32> to vector<1000x1xf32>
    %get3A_53 = arith.constant 3 : index
    %get3A_54 = arith.constant 0 : index
    %get3A_55 = arith.constant 0 : index
    %get3A_56 = vector.load %arg3[%get3A_53, %get3A_54, %get3A_55] : memref<4x256x256xf32, #tpu.memory_space<vmem>>, vector<1x256x256xf32>
    %get3A_57 = vector.shape_cast %get3A_56 : vector<1x256x256xf32> to vector<256x256xf32>
    %dot_general3A_58 = arith.constant dense<0.000000e+00> : vector<1000x256xf32>
    %dot_general3A_59 = tpu.matmul %get3A_1, %get3A_57, %dot_general3A_58 {dimension_numbers = #tpu.dot_dimension_numbers<[1], [0], [0], [1], [0, 0, 1, 1], [], []>, transpose_lhs_hint = false} : vector<1000x256xf32>, vector<256x256xf32>, vector<1000x256xf32> -> vector<1000x256xf32>
    %mul3A_60 = vector.broadcast %slice3A_52 : vector<1000x1xf32> to vector<1000x256xf32>
    %mul3A_61 = arith.mulf %mul3A_60, %dot_general3A_59 : vector<1000x256xf32>
    %add3A_62 = arith.addf %add3A_51, %mul3A_61 : vector<1000x256xf32>
    %get3A_63 = arith.constant 0 : index
    %get3A_64 = arith.constant 0 : index
    %get3A_65 = vector.load %arg4[%get3A_63, %get3A_64] : memref<256x256xf32, #tpu.memory_space<vmem>>, vector<256x256xf32>
    %dot_general3A_66 = arith.constant dense<0.000000e+00> : vector<1000x256xf32>
    %dot_general3A_67 = tpu.matmul %add3A_62, %get3A_65, %dot_general3A_66 {dimension_numbers = #tpu.dot_dimension_numbers<[1], [0], [0], [1], [0, 0, 1, 1], [], []>, transpose_lhs_hint = false} : vector<1000x256xf32>, vector<256x256xf32>, vector<1000x256xf32> -> vector<1000x256xf32>
    %mul3A_68 = arith.mulf %add3A_62, %add3A_62 : vector<1000x256xf32>
    %get3A_69 = arith.constant 0 : index
    %get3A_70 = arith.constant 0 : index
    %get3A_71 = vector.load %arg5[%get3A_69, %get3A_70] : memref<256x256xf32, #tpu.memory_space<vmem>>, vector<256x256xf32>
    %dot_general3A_72 = arith.constant dense<0.000000e+00> : vector<1000x256xf32>
    %dot_general3A_73 = tpu.matmul %mul3A_68, %get3A_71, %dot_general3A_72 {dimension_numbers = #tpu.dot_dimension_numbers<[1], [0], [0], [1], [0, 0, 1, 1], [], []>, transpose_lhs_hint = false} : vector<1000x256xf32>, vector<256x256xf32>, vector<1000x256xf32> -> vector<1000x256xf32>
    %add3A_74 = arith.addf %dot_general3A_67, %dot_general3A_73 : vector<1000x256xf32>
    %get3A_75 = arith.constant 0 : index
    %get3A_76 = arith.constant 0 : index
    %get3A_77 = vector.load %arg6[%get3A_75, %get3A_76] : memref<1x256xf32, #tpu.memory_space<vmem>>, vector<1x256xf32>
    %add3A_78 = vector.broadcast %get3A_77 : vector<1x256xf32> to vector<1000x256xf32>
    %add3A_79 = arith.addf %dot_general3A_67, %add3A_78 : vector<1000x256xf32>
    %slice3A_80 = vector.extract_strided_slice %add3A_74 {offsets = [0, 0], sizes = [1000, 128], strides = [1, 1]} : vector<1000x256xf32> to vector<1000x128xf32>
    %swap3A = arith.constant 0 : index
    %swap3A_81 = arith.constant 0 : index
    %swap3A_82 = arith.constant 0 : index
    %swap3A_83 = vector.load %arg7[%swap3A, %swap3A_81, %swap3A_82] : memref<2x1000x128xf32, #tpu.memory_space<vmem>>, vector<1x1000x128xf32>
    %swap3A_84 = vector.shape_cast %swap3A_83 : vector<1x1000x128xf32> to vector<1000x128xf32>
    %swap3A_85 = vector.shape_cast %slice3A_80 : vector<1000x128xf32> to vector<1x1000x128xf32>
    tpu.vector_store %arg7[%swap3A, %swap3A_81, %swap3A_82], %swap3A_85 {strides = array<i32>} : memref<2x1000x128xf32, #tpu.memory_space<vmem>>, vector<1x1000x128xf32>,
    %slice3A_86 = vector.extract_strided_slice %add3A_74 {offsets = [0, 128], sizes = [1000, 128], strides = [1, 1]} : vector<1000x256xf32> to vector<1000x128xf32>
    %swap3A_87 = arith.constant 1 : index
    %swap3A_88 = arith.constant 0 : index
    %swap3A_89 = arith.constant 0 : index
    %swap3A_90 = vector.load %arg7[%swap3A_87, %swap3A_88, %swap3A_89] : memref<2x1000x128xf32, #tpu.memory_space<vmem>>, vector<1x1000x128xf32>
    %swap3A_91 = vector.shape_cast %swap3A_90 : vector<1x1000x128xf32> to vector<1000x128xf32>
    %swap3A_92 = vector.shape_cast %slice3A_86 : vector<1000x128xf32> to vector<1x1000x128xf32>
    tpu.vector_store %arg7[%swap3A_87, %swap3A_88, %swap3A_89], %swap3A_92 {strides = array<i32>} : memref<2x1000x128xf32, #tpu.memory_space<vmem>>, vector<1x1000x128xf32>,
    %slice3A_93 = vector.extract_strided_slice %add3A_79 {offsets = [0, 0], sizes = [1000, 128], strides = [1, 1]} : vector<1000x256xf32> to vector<1000x128xf32>
    %swap3A_94 = arith.constant 0 : index
    %swap3A_95 = arith.constant 0 : index
    %swap3A_96 = arith.constant 0 : index
    %swap3A_97 = vector.load %arg8[%swap3A_94, %swap3A_95, %swap3A_96] : memref<2x1000x128xf32, #tpu.memory_space<vmem>>, vector<1x1000x128xf32>
    %swap3A_98 = vector.shape_cast %swap3A_97 : vector<1x1000x128xf32> to vector<1000x128xf32>
    %swap3A_99 = vector.shape_cast %slice3A_93 : vector<1000x128xf32> to vector<1x1000x128xf32>
    tpu.vector_store %arg8[%swap3A_94, %swap3A_95, %swap3A_96], %swap3A_99 {strides = array<i32>} : memref<2x1000x128xf32, #tpu.memory_space<vmem>>, vector<1x1000x128xf32>,
    %slice3A_100 = vector.extract_strided_slice %add3A_79 {offsets = [0, 128], sizes = [1000, 128], strides = [1, 1]} : vector<1000x256xf32> to vector<1000x128xf32>
    %swap3A_101 = arith.constant 1 : index
    %swap3A_102 = arith.constant 0 : index
    %swap3A_103 = arith.constant 0 : index
    %swap3A_104 = vector.load %arg8[%swap3A_101, %swap3A_102, %swap3A_103] : memref<2x1000x128xf32, #tpu.memory_space<vmem>>, vector<1x1000x128xf32>
    %swap3A_105 = vector.shape_cast %swap3A_104 : vector<1x1000x128xf32> to vector<1000x128xf32>
    %swap3A_106 = vector.shape_cast %slice3A_100 : vector<1000x128xf32> to vector<1x1000x128xf32>
    tpu.vector_store %arg8[%swap3A_101, %swap3A_102, %swap3A_103], %swap3A_106 {strides = array<i32>} : memref<2x1000x128xf32, #tpu.memory_space<vmem>>, vector<1x1000x128xf32>,
    return
  }
  func.func @transform_0(%arg0: i32) -> (i32, i32) {
    %c0_i32 = arith.constant 0 : i32
    %c0_i32_0 = arith.constant 0 : i32
    return %arg0, %c0_i32 : i32, i32
  }
  func.func @transform_1(%arg0: i32) -> (i32, i32) {
    %c0_i32 = arith.constant 0 : i32
    %c0_i32_0 = arith.constant 0 : i32
    %c0_i32_1 = arith.constant 0 : i32
    return %c0_i32, %c0_i32_0 : i32, i32
  }
  func.func @transform_2(%arg0: i32) -> (i32, i32, i32) {
    %c0_i32 = arith.constant 0 : i32
    %c0_i32_0 = arith.constant 0 : i32
    %c0_i32_1 = arith.constant 0 : i32
    %c0_i32_2 = arith.constant 0 : i32
    return %c0_i32, %c0_i32_0, %c0_i32_1 : i32, i32, i32
  }
  func.func @transform_3(%arg0: i32) -> (i32, i32) {
    %c0_i32 = arith.constant 0 : i32
    %c0_i32_0 = arith.constant 0 : i32
    %c0_i32_1 = arith.constant 0 : i32
    return %c0_i32, %c0_i32_0 : i32, i32
  }
  func.func @transform_4(%arg0: i32) -> (i32, i32) {
    %c0_i32 = arith.constant 0 : i32
    %c0_i32_0 = arith.constant 0 : i32
    %c0_i32_1 = arith.constant 0 : i32
    return %c0_i32, %c0_i32_0 : i32, i32
  }
  func.func @transform_5(%arg0: i32) -> (i32, i32) {
    %c0_i32 = arith.constant 0 : i32
    %c0_i32_0 = arith.constant 0 : i32
    %c0_i32_1 = arith.constant 0 : i32
    return %c0_i32, %c0_i32_0 : i32, i32
  }
  func.func @transform_6(%arg0: i32) -> (i32, i32, i32) {
    %c0_i32 = arith.constant 0 : i32
    %c0_i32_0 = arith.constant 0 : i32
    %c0_i32_1 = arith.constant 0 : i32
    return %c0_i32, %arg0, %c0_i32_0 : i32, i32, i32
  }
  func.func @transform_7(%arg0: i32) -> (i32, i32, i32) {
    %c0_i32 = arith.constant 0 : i32
    %c0_i32_0 = arith.constant 0 : i32
    %c0_i32_1 = arith.constant 0 : i32
    return %c0_i32, %arg0, %c0_i32_0 : i32, i32, i32
  }
}

</mosaic_0001>

<sc_bundles>
// kernel: kernel.4.cloned.1.call-start
scs
__scs_entry_jumppad:
0x0: {  	(pc) =	sbr.rel $0x88, $3  }
0x1: {  	(tag) =	ssettag $0x0;
	lr =	simm.s32 $0x1  }
0x2: {  	[smem:$0x3F96] =	sst lr;
	_ =	strace $0xD0000000  }
0x3: {  	_ = 	snop  }
0x4: {  	_ = 	snop  }
0x5: {  	_ = 	snop  }
0x6: {  	_ = 	snop  }
0x7: {  	_ = 	snop  }
__scs_overlays_trampoline_lowered:
0x8: {  	[smem:$0x3FA5] =	sst s0  }
0x9: {  	[smem:$0x3FA6] =	sst s1  }
0xa: {  	[smem:$0x3FA7] =	sst s2  }
0xb: {  	[smem:$0x3FA8] =	sst s3  }
0xc: {  	[smem:$0x3FA9] =	sst s4  }
0xd: {  	[smem:$0x3FAA] =	sst s5  }
0xe: {  	[smem:$0x3FAB] =	sst s6  }
0xf: {  	[smem:$0x3FAC] =	sst s7  }
0x10: {  	[smem:$0x3FAD] =	sst s8  }
0x11: {  	[smem:$0x3FAE] =	sst s9;
	s0 =	simm.s32 @!p0 $0x0  }
0x12: {  	s1 =	sld [smem:$0x3F94];
	s0 =	simm.s32 @p0 $0x1  }
0x13: {  	[smem:$0x3FAF] =	sst s0;
	s0 =	simm.s32 @!p1 $0x0  }
0x14: {  	s2 =	sld [smem:$0x3F93];
	s0 =	simm.s32 @p1 $0x1  }
0x15: {  	[smem:$0x3FB0] =	sst s0;
	s0 =	simm.s32 @!p2 $0x0  }
0x16: {  	s3 =	sld [smem:$0x3FDB];
	s0 =	simm.s32 @p2 $0x1  }
0x17: {  	s4 =	simm.s32 $0x1BF5;
	[smem:$0x3FB2] =	sst s0  }
0x18: {  	s0 =	sld [smem:$0x3F95];
	_ =	swait.ge [sflag:s4], $0x0  }
0x19: {  	s7 =	sld [smem:$0x3F96]  }
0x1a: {  	s8 =	sadd.s32 $0xFFFFE003, lr  }
0x1b: {  	s9 =	sadd.s32 $0xFFFFFEF7, lr;
	s5 =	simm.s32 $0xFFFFFFFF;
	p2 =	slt.u32 s8, $0xFFFFF086  }
0x1c: {  	p1 =	slt.u32 s9, $0xF7A;
	s5 =	simm.s32 @!p2 $0x0  }
0x1d: {  	s5 =	simm.s32 @p1 $0x1;
	p0 =	seq.s32 s7, s2  }
0x1e: {  	s7 =	smul.u32 @!p0 $0xF7A, s2;
	p2 =	seq.s32 @!p0 s5, $0x0  }
0x1f: {  	s9 =	smul.u32 $0xF7A, s1;
	s8 =	simm.s32 @!p0 $0x1BF5;
	p2 =	por !p2, p0  }
0x20: {  	[sflag:s8] =	ssyncset.s32 @!p0 $0xFFFFF086;
	s6 =	sadd.s32 @!p0 s3, s7;
	s7 =	simm.s32 @!p0 $0x108  }
0x21: {  	s3 =	sadd.s32 s3, s9;
	s6 =	sadd.s32 @!p0 $0x88, s6;
	s7 =	simm.s32 @p2 $0x1082  }
0x22: {  	[simem:s7], [sflag:s8] =	dma.local @!p0 [hbm:s6], $0xF7A  }
0x23: {  	s9 =	sor.u32 $0xD0000000, s2;
	s6 =	simm.s32 $0x108;
	_ =	swait.ge @!p0 [sflag:s8], $0x0  }
0x24: {  	s3 =	sadd.s32 $0x88, s3;
	s6 =	simm.s32 @!p1 $0x1082;
	[sflag:s4] =	ssyncset.s32 $0xFFFFF086  }
0x25: {  	[simem:s6], [sflag:s4] =	dma.local [hbm:s3], $0xF7A  }
0x26: {  	[smem:$0x3F96] =	sst s1;
	(tag) =	ssettag s2;
	_ =	strace s9  }
0x27: {  	s1 =	sld [smem:$0x3FA6]  }
0x28: {  	s2 =	sld [smem:$0x3FA7]  }
0x29: {  	s4 =	sld [smem:$0x3FA9]  }
0x2a: {  	p0 =	seq.s32 s5, $0x0;
	s5 =	sld [smem:$0x3FAA]  }
0x2b: {  	s6 =	sld [smem:$0x3FAB]  }
0x2c: {  	s7 =	sld [smem:$0x3FAC]  }
0x2d: {  	s3 =	simm.s32 $0x108;
	s8 =	sld [smem:$0x3FAD]  }
0x2e: {  	s3 =	simm.s32 @!p0 $0x1082;
	s9 =	sld [smem:$0x3FAE]  }
0x2f: {  	lr =	sadd.s32 s0, s3;
	s0 =	sld [smem:$0x3FA5]  }
0x30: {  	s3 =	sld [smem:$0x3FA8]  }
0x31: {  	[smem:$0x3FB1] =	sst s10  }
0x32: {  	s10 =	sld [smem:$0x3FAF];
	_ =	sdelay $0x3  }
0x33: {  	p0 =	seq.s32 s10, $0x1;
	s10 =	sld [smem:$0x3FB1];
	_ =	sdelay $0x3  }
0x34: {  	[smem:$0x3FB1] =	sst s10  }
0x35: {  	s10 =	sld [smem:$0x3FB0];
	_ =	sdelay $0x3  }
0x36: {  	p1 =	seq.s32 s10, $0x1;
	s10 =	sld [smem:$0x3FB1];
	_ =	sdelay $0x3  }
0x37: {  	[smem:$0x3FB1] =	sst s10  }
0x38: {  	s10 =	sld [smem:$0x3FB2]  }
0x39: {  	_ = 	snop;
	(pc) =	sbr.ind lr, $3  }
0x3a: {  	_ = 	snop  }
0x3b: {  	_ = 	snop  }
0x3c: {  	p2 =	seq.s32 s10, $0x1;
	s10 =	sld [smem:$0x3FB1]  }
0x3d: {  	_ =	shalt  }
0x3e: {  	_ =	shalt  }
0x3f: {  	_ =	shalt  }
0x40: {  	_ =	shalt  }
0x41: {  	_ =	shalt  }
0x42: {  	_ =	shalt  }
0x43: {  	_ =	shalt  }
0x44: {  	_ =	shalt  }
0x45: {  	_ =	shalt  }
0x46: {  	_ =	shalt  }
0x47: {  	_ =	shalt  }
0x48: {  	_ =	shalt  }
0x49: {  	_ =	shalt  }
0x4a: {  	_ =	shalt  }
0x4b: {  	_ =	shalt  }
0x4c: {  	_ =	shalt  }
0x4d: {  	_ =	shalt  }
0x4e: {  	_ =	shalt  }
0x4f: {  	_ =	shalt  }
0x50: {  	_ =	shalt  }
0x51: {  	_ =	shalt  }
0x52: {  	_ =	shalt  }
0x53: {  	_ =	shalt  }
0x54: {  	_ =	shalt  }
0x55: {  	_ =	shalt  }
0x56: {  	_ =	shalt  }
0x57: {  	_ =	shalt  }
0x58: {  	_ =	shalt  }
0x59: {  	_ =	shalt  }
0x5a: {  	_ =	shalt  }
0x5b: {  	_ =	shalt  }
0x5c: {  	_ =	shalt  }
0x5d: {  	_ =	shalt  }
0x5e: {  	_ =	shalt  }
0x5f: {  	_ =	shalt  }
0x60: {  	_ =	shalt  }
0x61: {  	_ =	shalt  }
0x62: {  	_ =	shalt  }
0x63: {  	_ =	shalt  }
0x64: {  	_ =	shalt  }
0x65: {  	_ =	shalt  }
0x66: {  	_ =	shalt  }
0x67: {  	_ =	shalt  }
0x68: {  	_ =	shalt  }
0x69: {  	_ =	shalt  }
0x6a: {  	_ =	shalt  }
0x6b: {  	_ =	shalt  }
0x6c: {  	_ =	shalt  }
0x6d: {  	_ =	shalt  }
0x6e: {  	_ =	shalt  }
0x6f: {  	_ =	shalt  }
0x70: {  	_ =	shalt  }
0x71: {  	_ =	shalt  }
0x72: {  	_ =	shalt  }
0x73: {  	_ =	shalt  }
0x74: {  	_ =	shalt  }
0x75: {  	_ =	shalt  }
0x76: {  	_ =	shalt  }
0x77: {  	_ =	shalt  }
0x78: {  	_ =	shalt  }
0x79: {  	_ =	shalt  }
0x7a: {  	_ =	shalt  }
0x7b: {  	_ =	shalt  }
0x7c: {  	_ =	shalt  }
0x7d: {  	_ =	shalt  }
0x7e: {  	_ =	shalt  }
0x7f: {  	_ =	shalt  }
0x80: {  	_ =	shalt  }
0x81: {  	_ =	shalt  }
0x82: {  	_ =	shalt  }
0x83: {  	_ =	shalt  }
0x84: {  	_ =	shalt  }
0x85: {  	_ =	shalt  }
0x86: {  	_ =	shalt  }
0x87: {  	_ =	shalt  }
.Lfunc_end0:
.L_simem_size_0:
called_computation_lowered:
.L_overlay_start_0:
0x88: {  	s2 =	sld [smem:$0x3FD9]  }
0x89: {  	s3 =	sld [smem:$0x3FFE];
	_ =	sdelay $0x1  }
0x8a: {  	s1 =	srdreg.scid  }
0x8b: {  	s0 =	sand.u32 $0x1, s1  }
0x8c: {  	s17 =	sshll.u32 s0, $0xA;
	s2 =	sadd.s32 s3, s2  }
0x8d: {  	s2 =	sadd.s32 s2, s17  }
0x8e: {  	[smem:$0x3FBD] =	sst s2  }
0x8f: {  	_ = 	snop  }
0x90: {  	s2 =	sld [smem:$0x3FD0];
	(tm) =	ssettm $0x1  }
0x91: {  	s18 =	sld [smem:$0x3FFB];
	_ =	sdelay $0x3  }
0x92: {  	_ =	strace s18  }
0x93: {  	s3 =	sld [smem:$0x3FFC];
	_ =	sdelay $0x3  }
0x94: {  	_ =	strace s3  }
0x95: {  	s3 =	sld [smem:$0x3FFD];
	_ =	sdelay $0x3  }
0x96: {  	_ =	strace s3  }
0x97: {  	_ =	strace $0x8FFFFFFF  }
0x98: {  	s19 =	sld [smem:$0x3FDB];
	_ =	sdelay $0x1  }
0x99: {  	s4 =	simm.s32 $_scs_section_size  }
0x9a: {  	s5 =	simm.s32 $_size__tile_overlayer_lowered;
	s6 =	simm.s32 $_tile_overlayer_lowered  }
0x9b: {  	s22 =	simm.s32 $0x1BFF;
	s21 =	sshll.u32 s6, $0x1;
	s3 =	sadd.s32 s4, s19  }
0x9c: {  	s7 =	simm.s32 $0x0;
	s20 =	sshll.u32 s5, $0x1;
	s5 =	sadd.s32 s21, s3  }
0x9d: {  	[timem:s7], [sflag:s22] =	dma.local [hbm:s5], s20  }
0x9e: {  	_ =	swait.ge [sflag:s22], s20  }
0x9f: {  	s4 =	ssub.s32 $0x0, s20;
	[sflag:s22] =	ssyncset.done $0x0  }
0xa0: {  	[sflag:s22] =	ssyncadd.s32 s4;
	_ =	sdelay $0x1  }
0xa1: {  	s23 =	simm.s32 $0x1B8B  }
0xa2: {  	_ =	swait.ge [sflag:s23], $0x1  }
0xa3: {  	[sflag:s23] =	ssyncset.done $0x0  }
0xa4: {  	s25 =	simm.s32 $0x1B8E;
	s24 =	sld [smem:$0x3FFE];
	[sflag:s23] =	ssyncadd.s32 $0xFFFFFFFF  }
0xa5: {  	s26 =	simm.s32 $execute0_lowered;
	[smem:$0x3FD2] =	sst s25  }
0xa6: {  	s5 =	sshll.u32 s26, $0x1;
	_ =	strace $0x80000046;
	[dreg:$0x1] =	wrdreg $0xFFFFFFFF  }
0xa7: {  	s28 =	simm.s32 $_size_execute0_lowered;
	s3 =	sadd.s32 s3, s5;
	[dreg:$0x0] =	wrdreg $0x0  }
0xa8: {  	s5 =	sshll.u32 s28, $0x1;
	[dreg:$0x2] =	wrdreg s3  }
0xa9: {  	[dreg:$0x3] =	wrdreg s5  }
0xaa: {  	[dreg:$0x4] =	wrdreg $0xC0  }
0xab: {  	_ =	task [dreg:s7], $0x5FFFF  }
0xac: {  	[dreg:$0x1] =	wrdreg $0xFFFFFFFF  }
0xad: {  	[dreg:$0x0] =	wrdreg $0x60  }
0xae: {  	[dreg:$0x2] =	wrdreg s24  }
0xaf: {  	[dreg:$0x3] =	wrdreg s2  }
0xb0: {  	[dreg:$0x4] =	wrdreg $0xB2000  }
0xb1: {  	[dreg:$0x5] =	wrdreg $0x9  }
0xb2: {  	_ =	task.clear_ibuf [dreg:s7], $0x6FFFF;
	_ =	strace $0x90000046  }
0xb3: {  	s29 =	simm.s32 $0x9;
	_ =	strace $0x80000048  }
0xb4: {  	_ =	swait.ge [sflag:s29], $0x1  }
0xb5: {  	[sflag:s29] =	ssyncadd.s32 $0xFFFFFFFF  }
0xb6: {  	_ =	strace $0x90000048  }
0xb7: {  	_ =	sfence  }
0xb8: {  	s30 =	sld [smem:$0x0];
	_ =	sdelay $0x2  }
0xb9: {  	s31 =	sshll.u32 s1, $0xD;
	s1 =	sshrl.u32 s1, $0x2  }
0xba: {  	s3 =	sand.u32 $0x4000, s31;
	s1 =	sadd.s32 s1, s30  }
0xbb: {  	s0 =	sor.u32 s3, s0;
	s1 =	sshll.u32 s1, $0x11  }
0xbc: {  	s0 =	sor.u32 s1, s0  }
0xbd: {  	s0 =	sadd.s32 $0x8F2B, s0  }
0xbe: {  	[sflag:s0] =	ssyncadd.remote.s32 $0x1  }
0xbf: {  	_ =	sfence.sel $0xFFFF  }
0xc0: {  	[dreg:$0x0] =	wrdreg $0xFFFFFFFF;
	(pc) =	sbr.abs _section_cstart, $3  }
0xc1: {  	[dreg:$0x1] =	wrdreg $0xFFFFFFFF  }
0xc2: {  	_ =	task.clear_ibuf [dreg:s7], $0x2FFFF;
	_ =	strace $0x9FFFFFFF  }
0xc3: {  	(tm) =	ssettm $0x7FFFFFFF  }
tec
execute0_lowered:
.L_overlay_start_1:
0x0: {  	(tag) =	ssettag $0x1  }
0x1: {  	s0 =	rddreg [dreg:$0x0]  }
0x2: {  	s3 =	srdreg.scid;
	s16 =	stileid.u32  }
0x3: {  	s1 =	rddreg [dreg:$0x1];
	s8 =	sand.u32 $0x1, s3;
	s3 =	smul.u32 $0x2800, s16  }
0x4: {  	s2 =	rddreg [dreg:$0x2];
	s4 =	simm.s32 $0x0;
	s10 =	smul.u32 $0x4E000, s16  }
0x5: {  	s28 =	simm.s32 $0xB080;
	s29 =	simm.s32 $0x5000;
	s13 =	smul.u32 $0x2700, s16  }
0x6: {  	s30 =	simm.s32 $0x3;
	s31 =	simm.s32 $0x1;
	s21 =	smul.u32 $0x27000, s16  }
0x7: {  	[smem:$0x7FF] =	sst s4;
	s5 =	sadd.s32 $0x11800, s0;
	s6 =	smul.u32 $0x28000, s8  }
0x8: {  	s9 =	sadd.s32 $0x5FA00, s0;
	p0 =	sne.s32 s16, $0xF;
	s12 =	smul.u32 $0x27100, s8  }
0x9: {  	_ =	strace $0x80000047;
	s26 =	ssub.s32 $0x2, s8;
	s15 =	smul.u32 $0x138800, s8  }
0xa: {  	s24 =	sshll.u32 s8, $0xA;
	s8 =	sshll.u32 s8, $0x7;
	s14 =	sshrl.u32 s26, $0x1  }
0xb: {  	s10 =	sshrl.u32 s10, $0x2;
	s20 =	sor.u32 $0x40, s3;
	s22 =	sshrl.u32 s3, $0x3  }
0xc: {  	s6 =	sadd.s32 s3, s6;
	s10 =	sadd.s32 s10, s2;
	s12 =	sadd.s32 s13, s12  }
0xd: {  	s13 =	sshll.u32 s16, $0x6;
	s23 =	sshll.u32 s20, $0x1;
	s7 =	sshrl.u32 s6, $0x3  }
0xe: {  	s6 =	sadd.s32 $0x2800, s0;
	s12 =	sadd.s32 s9, s12;
	s18 =	sor.u32 $0x1C07, s13  }
0xf: {  	s13 =	sadd.s32 $0x138000, s2;
	s11 =	sadd.s32 s7, s0;
	s7 =	sadd.s32 $0x282800, s0  }
0x10: {  	s0 =	ssub.s32 s26, s14;
	[dreg:$0x4] =	wrdreg s12;
	s14 =	sshrl.u32 s15, $0x3  }
0x11: {  	s15 =	smul.u32 $0x5000, s16;
	s12 =	sadd.s32 s6, s22;
	s22 =	simm.s32 $0x2800  }
0x12: {  	[dreg:$0x5] =	wrdreg s18;
	s9 =	sadd.s32 s9, s14;
	s17 =	sadd.s32 $0x7800, s11  }
0x13: {  	[dreg:$0x9] =	wrdreg s12;
	s25 =	sadd.s32 s7, s23;
	s11 =	sor.u32 s24, s21  }
0x14: {  	s0 =	smax.u32 s0, $0x1;
	s21 =	simm.s32 $0x7;
	s23 =	simm.s32 $0xB000  }
0x15: {  	s24 =	simm.s32 $0x40;
	s12 =	simm.s32 $0xB180;
	[dreg:$0x7] =	wrdreg s17  }
0x16: {  	s14 =	simm.s32 $0x6;
	s9 =	sadd.s32 $0x27000, s9;
	[dreg:$0xa] =	wrdreg s25  }
0x17: {  	s19 =	sadd.s32 s7, s15;
	s11 =	sshrl.u32 s11, $0x3;
	[dreg:$0xe] =	wrdreg s0  }
0x18: {  	s17 =	sshrl.u32 @!p0 s13, $0x3;
	s25 =	simm.s32 $0x3000;
	s0 =	simm.s32 $0xB100  }
0x19: {  	s13 =	simm.s32 $0x5;
	s15 =	simm.s32 $0x0;
	[dreg:$0x6] =	wrdreg s9  }
0x1a: {  	[dreg:$0x8] =	wrdreg s19;
	s9 =	sshrl.u32 s20, $0x3;
	s26 =	sadd.s32 s1, s11  }
.Ltmp0:
0x1b: {  	s1 =	sadd.s32 s8, s1;
	[dreg:$0x10] =	wrdreg s17;
	(pc) =	sbr.rel .LBB2_1-.Ltmp0, $4  }
0x1c: {  	s20 =	sshrl.u32 s10, $0x3;
	s8 =	simm.s32 $0x4;
	[dreg:$0xc] =	wrdreg s26  }
0x1d: {  	s10 =	simm.s32 $0x2;
	s9 =	sadd.s32 s6, s9;
	[dreg:$0xf] =	wrdreg s20  }
0x1e: {  	s11 =	simm.s32 $0x9000;
	s1 =	sadd.s32 $0x4E000, s1;
	[dreg:$0xb] =	wrdreg s9  }
0x1f: {  	s26 =	simm.s32 $0x2C00;
	[dreg:$0xd] =	wrdreg s1;
	s1 =	simm.s32 $0x7000  }
.LBB2_12:
0x20: {  	_ =	swait.ge [sflag:s13], $0x2000  }
0x21: {  	[sflag:s13] =	ssyncset.done $0x0  }
0x22: {  	[sflag:s13] =	ssyncadd.s32 $0xFFFFE000  }
0x23: {  	_ =	swait.ge [sflag:s14], $0x2000  }
0x24: {  	[sflag:s14] =	ssyncset.done $0x0  }
0x25: {  	[sflag:s14] =	ssyncadd.s32 $0xFFFFE000  }
0x26: {  	[bflag:$0x0] =	sbarrier.arrive $0xFFFF  }
0x27: {  	s18 =	rddreg [dreg:$0x5]  }
0x28: {  	s21 =	simm.s32 $0x8;
	s9 =	rddreg [dreg:$0xc]  }
0x29: {  	s16 =	simm.s32 $0x100;
	s17 =	simm.s32 $0x80;
	s20 =	rddreg [dreg:$0xf]  }
0x2a: {  	[hbm:s9@s16], [sflag:s18] =	dma.strided [spmem:s20@s17], $0x2700, s21, $0x10   }
0x2b: {  	s21 =	simm.s32 $0x7  }
0x2c: {  	s22 =	smov.u32 s15;
	s9 =	simm.s32 @!p0 $0x8;
	_ =	swait.ge [sflag:s21], $0x2700  }
0x2d: {  	s16 =	simm.s32 @!p0 $0x100;
	[sflag:s21] =	ssyncset.done $0x0;
	s19 =	rddreg [dreg:$0xd]  }
0x2e: {  	s17 =	simm.s32 @!p0 $0x80;
	s15 =	rddreg [dreg:$0x10];
	[sflag:s21] =	ssyncadd.s32 $0xFFFFD900  }
0x2f: {  	[hbm:s19@s16], [sflag:s18] =	dma.strided @!p0 [spmem:s15@s17], $0x100, s9, $0x10   }
0x30: {  	s9 =	simm.s32 @!p0 $0x7  }
0x31: {  	s16 =	smov.u32 s22;
	_ =	swait.ge @!p0 [sflag:s9], $0x100  }
0x32: {  	s17 =	smov.u32 s15;
	s15 =	sadd.s32 $0x1, s16;
	s19 =	rddreg [dreg:$0xe]  }
0x33: {  	p1 =	sne.s32 s15, s19  }
.Ltmp1:
0x34: {  	_ = 	snop;
	(pc) =	sbr.rel @!p1 .LBB2_13-.Ltmp1, $3  }
0x35: {  	_ =	sdelay $0x1  }
0x36: {  	[sflag:s9] =	ssyncset.done @!p0 $0x0  }
0x37: {  	s22 =	simm.s32 $0x2800;
	[sflag:s9] =	ssyncadd.s32 @!p0 $0xFFFFFF00  }
.LBB2_1:
0x38: {  	s9 =	rddreg [dreg:$0x4]  }
0x39: {  	[spmem:s20], [sflag:s18] =	dma.local [hbm:s9], $0x2700  }
0x3a: {  	_ =	swait.ge [sflag:s21], $0x2700  }
0x3b: {  	[sflag:s21] =	ssyncset.done $0x0  }
0x3c: {  	s9 =	rddreg [dreg:$0x6];
	[sflag:s21] =	ssyncadd.s32 $0xFFFFD900  }
0x3d: {  	[spmem:s17], [sflag:s18] =	dma.local @!p0 [hbm:s9], $0x100  }
0x3e: {  	s9 =	simm.s32 @!p0 $0x7  }
0x3f: {  	_ =	swait.ge @!p0 [sflag:s9], $0x100  }
0x40: {  	[sflag:s9] =	ssyncset.done @!p0 $0x0  }
0x41: {  	s17 =	rddreg [dreg:$0x7];
	[sflag:s9] =	ssyncadd.s32 @!p0 $0xFFFFFF00  }
0x42: {  	[tilespmem:s4], [sflag:$0x7] =	stream.linear.gather [hbm4b:s17+s4], $0x2800, $0x38;
	[tilespmem:$0x1EA80] =	vst v63  }
0x43: {  	_ =	swait.ge [sflag:s21], $0x2800  }
0x44: {  	[sflag:s21] =	ssyncset.done $0x0  }
0x45: {  	[sflag:s21] =	ssyncadd.s32 $0xFFFFD800  }
0x46: {  	[bflag:$0x0] =	sbarrier.arrive $0xFFFF  }
0x47: {  	s18 =	rddreg [dreg:$0x8]  }
0x48: {  	[tilespmem:s22], [sflag:$0x3] =	stream.linear.gather [hbm4b:s18+s4], $0x400, $0x38;
	[tilespmem:$0x1EA80] =	vst v63  }
0x49: {  	s19 =	rddreg [dreg:$0x9]  }
0x4a: {  	[tilespmem:s23], [sflag:$0x1] =	stream.linear.gather [hbm4b:s19+s4], $0x40, $0x38;
	[tilespmem:$0x1EA80] =	vst v63  }
0x4b: {  	_ = 	snop  }
0x4c: {  	[tilespmem:s25], [sflag:$0x1] =	stream.indirect.gather [hbm4b:s5+s24], $0x80, s4, s24, $0xb8;
	[tilespmem:$0x1EA80] =	vst v63  }
0x4d: {  	s20 =	rddreg [dreg:$0xa]  }
0x4e: {  	[tilespmem:s26], [sflag:$0x4] =	stream.linear.gather [hbm4b:s20+s4], $0x400, $0x38;
	[tilespmem:$0x1EA80] =	vst v63  }
0x4f: {  	s21 =	rddreg [dreg:$0xb]  }
0x50: {  	[tilespmem:s28], [sflag:$0x2] =	stream.linear.gather [hbm4b:s21+s4], $0x40, $0x38;
	[tilespmem:$0x1EA80] =	vst v63  }
0x51: {  	s16 =	simm.s32 $0x0  }
0x52: {  	[tilespmem:s29], [sflag:$0x2] =	stream.indirect.gather [hbm4b:s5+s24], $0x80, s24, s24, $0xb8;
	[tilespmem:$0x1EA80] =	vst v63  }
.LBB2_2:
0x53: {  	_ =	swait.ge [sflag:s30], $0x400  }
0x54: {  	[sflag:s30] =	ssyncset.done $0x0  }
0x55: {  	[sflag:s30] =	ssyncadd.s32 $0xFFFFFC00  }
0x56: {  	_ =	swait.ge [sflag:s31], $0x40  }
0x57: {  	[sflag:s31] =	ssyncset.done $0x0  }
0x58: {  	[sflag:s31] =	ssyncadd.s32 $0xFFFFFFC0  }
0x59: {  	_ =	swait.ge [sflag:s31], $0x2000  }
0x5a: {  	p1 =	seq.s32 s16, $0x0;
	[sflag:s31] =	ssyncset.done $0x0  }
0x5b: {  	s9 =	simm.s32 @!p1 $0x5;
	[sflag:s31] =	ssyncadd.s32 $0xFFFFE000  }
0x5c: {  	_ =	swait.ge @!p1 [sflag:s9], $0x2000  }
0x5d: {  	[sflag:s9] =	ssyncset.done @!p1 $0x0  }
0x5e: {  	s19 =	simm.s32 $0x2840;
	[sflag:s9] =	ssyncadd.s32 @!p1 $0xFFFFE000  }
0x5f: {  	s18 =	simm.s32 $0x0;
	v2 =	vld [tilespmem:s19+$0xFFFFFFC0]  }
0x60: {  	v0 =	vld [tilespmem:s18+$0x3070]  }
0x61: {  	v1 =	vld [tilespmem:s18+$0x3020]  }
0x62: {  	v3 =	vld [tilespmem:s18+$0x3040]  }
0x63: {  	v4 =	vld [tilespmem:s18+$0x3030]  }
0x64: {  	v5 =	vld [tilespmem:s18+$0x3050]  }
0x65: {  	v6 =	vld [tilespmem:s18+$0x3010];
	v0 =	vmul.f32 v0, v2  }
0x66: {  	v7 =	vld [tilespmem:s18+$0x3060];
	v1 =	vmul.f32 v1, v2  }
0x67: {  	v8 =	vld [tilespmem:s18+$0x3000];
	v3 =	vmul.f32 v3, v2;
	[tilespmem:s18+$0x7070] =	vst v0  }
0x68: {  	v4 =	vmul.f32 v4, v2;
	[tilespmem:s18+$0x7020] =	vst v1  }
0x69: {  	[tilespmem:s18+$0x7040] =	vst v3;
	v3 =	vmul.f32 v5, v2  }
0x6a: {  	[tilespmem:s18+$0x7030] =	vst v4;
	v5 =	vmul.f32 v6, v2  }
0x6b: {  	v6 =	vmul.f32 v7, v2;
	[tilespmem:s18+$0x7050] =	vst v3  }
0x6c: {  	v2 =	vmul.f32 v8, v2;
	[tilespmem:s18+$0x7010] =	vst v5  }
0x6d: {  	[tilespmem:s18+$0x7060] =	vst v6  }
0x6e: {  	[tilespmem:s18+$0x7000] =	vst v2;
	v2 =	vld [tilespmem:s18+$0x30B0]  }
0x6f: {  	v7 =	vld [tilespmem:s19+$0xFFFFFFD0]  }
0x70: {  	v6 =	vld [tilespmem:s18+$0x30E0]  }
0x71: {  	v8 =	vld [tilespmem:s18+$0x3080]  }
0x72: {  	v3 =	vld [tilespmem:s18+$0x30D0]  }
0x73: {  	v4 =	vld [tilespmem:s18+$0x30F0]  }
0x74: {  	v5 =	vld [tilespmem:s18+$0x3090];
	v2 =	vmul.f32 v2, v7  }
0x75: {  	v10 =	vld [tilespmem:s18+$0x30A0];
	v6 =	vmul.f32 v6, v7  }
0x76: {  	v9 =	vld [tilespmem:s18+$0x30C0];
	v8 =	vmul.f32 v8, v7;
	[tilespmem:s18+$0x70B0] =	vst v2  }
0x77: {  	v2 =	vmul.f32 v3, v7;
	[tilespmem:s18+$0x70E0] =	vst v6  }
0x78: {  	[tilespmem:s18+$0x7080] =	vst v8;
	v3 =	vmul.f32 v4, v7  }
0x79: {  	v4 =	vmul.f32 v5, v7;
	[tilespmem:s18+$0x70D0] =	vst v2  }
0x7a: {  	v5 =	vmul.f32 v10, v7;
	[tilespmem:s18+$0x70F0] =	vst v3  }
0x7b: {  	v6 =	vmul.f32 v9, v7;
	[tilespmem:s18+$0x7090] =	vst v4  }
0x7c: {  	[tilespmem:s18+$0x70A0] =	vst v5  }
0x7d: {  	[tilespmem:s18+$0x70C0] =	vst v6;
	v6 =	vld [tilespmem:s18+$0x3100]  }
0x7e: {  	v7 =	vld [tilespmem:s19+$0xFFFFFFE0]  }
0x7f: {  	v5 =	vld [tilespmem:s18+$0x3130]  }
0x80: {  	v8 =	vld [tilespmem:s18+$0x3110]  }
0x81: {  	v3 =	vld [tilespmem:s18+$0x3150]  }
0x82: {  	v2 =	vld [tilespmem:s18+$0x3170]  }
0x83: {  	v4 =	vld [tilespmem:s18+$0x3120];
	v6 =	vmul.f32 v6, v7  }
0x84: {  	v10 =	vld [tilespmem:s18+$0x3160];
	v5 =	vmul.f32 v5, v7  }
0x85: {  	v9 =	vld [tilespmem:s18+$0x3140];
	v8 =	vmul.f32 v8, v7;
	[tilespmem:s18+$0x7100] =	vst v6  }
0x86: {  	v3 =	vmul.f32 v3, v7;
	[tilespmem:s18+$0x7130] =	vst v5  }
0x87: {  	v2 =	vmul.f32 v2, v7;
	[tilespmem:s18+$0x7110] =	vst v8  }
0x88: {  	v4 =	vmul.f32 v4, v7;
	[tilespmem:s18+$0x7150] =	vst v3  }
0x89: {  	[tilespmem:s18+$0x7170] =	vst v2;
	v5 =	vmul.f32 v10, v7  }
0x8a: {  	[tilespmem:s18+$0x7120] =	vst v4;
	v6 =	vmul.f32 v9, v7  }
0x8b: {  	[tilespmem:s18+$0x7160] =	vst v5  }
0x8c: {  	[tilespmem:s18+$0x7140] =	vst v6;
	v6 =	vld [tilespmem:s18+$0x3190]  }
0x8d: {  	v7 =	vld [tilespmem:s19+$0xFFFFFFF0]  }
0x8e: {  	v5 =	vld [tilespmem:s18+$0x31F0]  }
0x8f: {  	v2 =	vld [tilespmem:s18+$0x31C0]  }
0x90: {  	v3 =	vld [tilespmem:s18+$0x31E0]  }
0x91: {  	v4 =	vld [tilespmem:s18+$0x31A0]  }
0x92: {  	v8 =	vld [tilespmem:s18+$0x3180];
	v6 =	vmul.f32 v6, v7  }
0x93: {  	v10 =	vld [tilespmem:s18+$0x31D0];
	v5 =	vmul.f32 v5, v7  }
0x94: {  	v9 =	vld [tilespmem:s18+$0x31B0];
	v2 =	vmul.f32 v2, v7;
	[tilespmem:s18+$0x7190] =	vst v6  }
0x95: {  	v0 =	vld [tilespmem:s18+$0x3240];
	v3 =	vmul.f32 v3, v7;
	[tilespmem:s18+$0x71F0] =	vst v5  }
0x96: {  	v1 =	vld [tilespmem:s18+$0x3270];
	v4 =	vmul.f32 v4, v7;
	[tilespmem:s18+$0x71C0] =	vst v2  }
0x97: {  	v8 =	vmul.f32 v8, v7;
	[tilespmem:s18+$0x71E0] =	vst v3;
	v2 =	vld [tilespmem:s18+$0x3250]  }
0x98: {  	v3 =	vmul.f32 v10, v7;
	[tilespmem:s18+$0x71A0] =	vst v4;
	v4 =	vld [tilespmem:s18+$0x3210]  }
0x99: {  	[tilespmem:s18+$0x7180] =	vst v8;
	v5 =	vmul.f32 v9, v7;
	v6 =	vld [tilespmem:s18+$0x3260]  }
0x9a: {  	v7 =	vld [tilespmem:s18+$0x3220];
	[tilespmem:s18+$0x71D0] =	vst v3  }
0x9b: {  	v8 =	vld [tilespmem:s18+$0x3200];
	[tilespmem:s18+$0x71B0] =	vst v5  }
0x9c: {  	v3 =	vld [tilespmem:s19+$0x0]  }
0x9d: {  	s17 =	sshll.u32 s16, $0x8;
	s21 =	simm.s32 $0x2840;
	s9 =	simm.s32 $0x1000;
	v5 =	vld [tilespmem:s18+$0x3230]  }
.LBB2_3:
0x9e: {  	p2 =	sne.s32 s9, $0x7000  }
0x9f: {  	s19 =	sadd.s32 $0x80, s19;
	s20 =	smov.u32 s9;
	s9 =	sadd.s32 $0x1000, s9  }
0xa0: {  	_ = 	snop  }
0xa1: {  	v7 =	vmul.f32 v7, v3;
	v6 =	vmul.f32 v6, v3  }
0xa2: {  	v4 =	vmul.f32 v4, v3;
	v8 =	vmul.f32 v8, v3  }
0xa3: {  	v2 =	vmul.f32 v2, v3;
	[tilespmem:s18+$0x7220] =	vst v7;
	v5 =	vmul.f32 v5, v3  }
0xa4: {  	v0 =	vmul.f32 v0, v3;
	v1 =	vmul.f32 v1, v3;
	[tilespmem:s18+$0x7200] =	vst v8  }
0xa5: {  	[tilespmem:s18+$0x7260] =	vst v6  }
0xa6: {  	[tilespmem:s18+$0x7250] =	vst v2;
	v2 =	vld [tilespmem:s18+$0x32E0]  }
0xa7: {  	[tilespmem:s18+$0x7270] =	vst v1;
	v1 =	vld [tilespmem:s18+$0x32D0]  }
0xa8: {  	[tilespmem:s18+$0x7210] =	vst v4;
	v3 =	vld [tilespmem:s18+$0x32B0]  }
0xa9: {  	[tilespmem:s18+$0x7240] =	vst v0;
	v0 =	vld [tilespmem:s18+$0x32F0]  }
0xaa: {  	[tilespmem:s18+$0x7230] =	vst v5;
	v4 =	vld [tilespmem:s18+$0x3280]  }
0xab: {  	v5 =	vld [tilespmem:s21+$0x10]  }
0xac: {  	v6 =	vld [tilespmem:s18+$0x32A0]  }
0xad: {  	v7 =	vld [tilespmem:s18+$0x32C0]  }
0xae: {  	v8 =	vld [tilespmem:s18+$0x3290];
	_ =	sdelay $0x1  }
0xaf: {  	v4 =	vmul.f32 v4, v5;
	v0 =	vmul.f32 v0, v5  }
0xb0: {  	v3 =	vmul.f32 v3, v5;
	v6 =	vmul.f32 v6, v5  }
0xb1: {  	v1 =	vmul.f32 v1, v5;
	[tilespmem:s18+$0x7280] =	vst v4;
	v4 =	vmul.f32 v7, v5  }
0xb2: {  	v2 =	vmul.f32 v2, v5;
	v7 =	vmul.f32 v8, v5;
	[tilespmem:s18+$0x72B0] =	vst v3  }
0xb3: {  	[tilespmem:s18+$0x72F0] =	vst v0  }
0xb4: {  	[tilespmem:s18+$0x72A0] =	vst v6  }
0xb5: {  	[tilespmem:s18+$0x7290] =	vst v7;
	v0 =	vld [tilespmem:s18+$0x3350]  }
0xb6: {  	[tilespmem:s18+$0x72D0] =	vst v1;
	v1 =	vld [tilespmem:s18+$0x3330]  }
0xb7: {  	[tilespmem:s18+$0x72E0] =	vst v2;
	v2 =	vld [tilespmem:s18+$0x3310]  }
0xb8: {  	[tilespmem:s18+$0x72C0] =	vst v4;
	v3 =	vld [tilespmem:s18+$0x3300]  }
0xb9: {  	v4 =	vld [tilespmem:s21+$0x20]  }
0xba: {  	v5 =	vld [tilespmem:s18+$0x3320]  }
0xbb: {  	v6 =	vld [tilespmem:s18+$0x3340]  }
0xbc: {  	v7 =	vld [tilespmem:s18+$0x3370]  }
0xbd: {  	v8 =	vld [tilespmem:s18+$0x3360]  }
0xbe: {  	v3 =	vmul.f32 v3, v4;
	v2 =	vmul.f32 v2, v4  }
0xbf: {  	v1 =	vmul.f32 v1, v4;
	v5 =	vmul.f32 v5, v4  }
0xc0: {  	v0 =	vmul.f32 v0, v4;
	[tilespmem:s18+$0x7300] =	vst v3;
	v3 =	vmul.f32 v6, v4  }
0xc1: {  	[tilespmem:s18+$0x7310] =	vst v2;
	v2 =	vmul.f32 v7, v4  }
0xc2: {  	[tilespmem:s18+$0x7330] =	vst v1;
	v1 =	vmul.f32 v8, v4  }
0xc3: {  	[tilespmem:s18+$0x7340] =	vst v3;
	v3 =	vld [tilespmem:s18+$0x33F0]  }
0xc4: {  	[tilespmem:s18+$0x7360] =	vst v1;
	v1 =	vld [tilespmem:s18+$0x33D0]  }
0xc5: {  	[tilespmem:s18+$0x7350] =	vst v0;
	v0 =	vld [tilespmem:s18+$0x33B0]  }
0xc6: {  	[tilespmem:s18+$0x7320] =	vst v5;
	v4 =	vld [tilespmem:s18+$0x3390]  }
0xc7: {  	[tilespmem:s18+$0x7370] =	vst v2;
	v2 =	vld [tilespmem:s18+$0x3380]  }
0xc8: {  	v5 =	vld [tilespmem:s21+$0x30];
	s21 =	smov.u32 s19  }
0xc9: {  	v6 =	vld [tilespmem:s18+$0x33A0]  }
0xca: {  	v7 =	vld [tilespmem:s18+$0x33C0]  }
0xcb: {  	v8 =	vld [tilespmem:s18+$0x33E0];
	_ =	sdelay $0x1  }
0xcc: {  	v2 =	vmul.f32 v2, v5;
	v4 =	vmul.f32 v4, v5  }
0xcd: {  	v0 =	vmul.f32 v0, v5;
	v6 =	vmul.f32 v6, v5  }
0xce: {  	v1 =	vmul.f32 v1, v5;
	[tilespmem:s18+$0x7380] =	vst v2;
	v2 =	vmul.f32 v7, v5  }
0xcf: {  	v3 =	vmul.f32 v3, v5;
	[tilespmem:s18+$0x73A0] =	vst v6;
	v6 =	vmul.f32 v8, v5  }
0xd0: {  	[tilespmem:s18+$0x73B0] =	vst v0  }
0xd1: {  	[tilespmem:s18+$0x73E0] =	vst v6  }
0xd2: {  	[tilespmem:s18+$0x7390] =	vst v4  }
0xd3: {  	[tilespmem:s18+$0x73F0] =	vst v3  }
0xd4: {  	[tilespmem:s18+$0x73C0] =	vst v2  }
0xd5: {  	[tilespmem:s18+$0x73D0] =	vst v1  }
0xd6: {  	s18 =	sshra.s32 s20, $0x2;
	v2 =	vld [tilespmem:s19+$0xFFFFFFC0]  }
0xd7: {  	v0 =	vld [tilespmem:s18+$0x3070]  }
0xd8: {  	v1 =	vld [tilespmem:s18+$0x3020]  }
0xd9: {  	v3 =	vld [tilespmem:s18+$0x3040]  }
0xda: {  	v4 =	vld [tilespmem:s18+$0x3030]  }
0xdb: {  	v5 =	vld [tilespmem:s18+$0x3050]  }
0xdc: {  	v6 =	vld [tilespmem:s18+$0x3010];
	v0 =	vmul.f32 v0, v2  }
0xdd: {  	v1 =	vmul.f32 v1, v2;
	v7 =	vld [tilespmem:s18+$0x3060]  }
0xde: {  	v8 =	vld [tilespmem:s18+$0x3000];
	v3 =	vmul.f32 v3, v2;
	[tilespmem:s18+$0x7070] =	vst v0  }
0xdf: {  	[tilespmem:s18+$0x7020] =	vst v1;
	v4 =	vmul.f32 v4, v2;
	v0 =	vld [tilespmem:s18+$0x3240]  }
0xe0: {  	[tilespmem:s18+$0x7040] =	vst v3;
	v3 =	vmul.f32 v5, v2;
	v1 =	vld [tilespmem:s18+$0x3270]  }
0xe1: {  	v5 =	vmul.f32 v6, v2;
	[tilespmem:s18+$0x7030] =	vst v4;
	v4 =	vld [tilespmem:s18+$0x30F0]  }
0xe2: {  	[tilespmem:s18+$0x7050] =	vst v3;
	v3 =	vmul.f32 v7, v2;
	v6 =	vld [tilespmem:s18+$0x30D0]  }
0xe3: {  	v2 =	vmul.f32 v8, v2;
	[tilespmem:s18+$0x7010] =	vst v5;
	v5 =	vld [tilespmem:s18+$0x3090]  }
0xe4: {  	[tilespmem:s18+$0x7060] =	vst v3;
	v3 =	vld [tilespmem:s18+$0x30E0]  }
0xe5: {  	[tilespmem:s18+$0x7000] =	vst v2;
	v2 =	vld [tilespmem:s18+$0x30B0]  }
0xe6: {  	v7 =	vld [tilespmem:s19+$0xFFFFFFD0]  }
0xe7: {  	v8 =	vld [tilespmem:s18+$0x3080]  }
0xe8: {  	v9 =	vld [tilespmem:s18+$0x30C0]  }
0xe9: {  	v10 =	vld [tilespmem:s18+$0x30A0];
	_ =	sdelay $0x1  }
0xea: {  	v2 =	vmul.f32 v2, v7;
	v3 =	vmul.f32 v3, v7  }
0xeb: {  	v5 =	vmul.f32 v5, v7;
	v8 =	vmul.f32 v8, v7  }
0xec: {  	v6 =	vmul.f32 v6, v7;
	[tilespmem:s18+$0x70B0] =	vst v2;
	v2 =	vmul.f32 v9, v7  }
0xed: {  	v9 =	vmul.f32 v10, v7;
	[tilespmem:s18+$0x70E0] =	vst v3;
	v3 =	vmul.f32 v4, v7  }
0xee: {  	[tilespmem:s18+$0x7080] =	vst v8  }
0xef: {  	[tilespmem:s18+$0x70D0] =	vst v6;
	v4 =	vld [tilespmem:s18+$0x3170]  }
0xf0: {  	[tilespmem:s18+$0x70F0] =	vst v3;
	v3 =	vld [tilespmem:s18+$0x3150]  }
0xf1: {  	[tilespmem:s18+$0x7090] =	vst v5;
	v5 =	vld [tilespmem:s18+$0x3120]  }
0xf2: {  	[tilespmem:s18+$0x70A0] =	vst v9;
	v6 =	vld [tilespmem:s18+$0x3130]  }
0xf3: {  	[tilespmem:s18+$0x70C0] =	vst v2;
	v2 =	vld [tilespmem:s18+$0x3100]  }
0xf4: {  	v7 =	vld [tilespmem:s19+$0xFFFFFFE0]  }
0xf5: {  	v8 =	vld [tilespmem:s18+$0x3110]  }
0xf6: {  	v9 =	vld [tilespmem:s18+$0x3140]  }
0xf7: {  	v10 =	vld [tilespmem:s18+$0x3160];
	_ =	sdelay $0x1  }
0xf8: {  	v2 =	vmul.f32 v2, v7;
	v6 =	vmul.f32 v6, v7  }
0xf9: {  	v5 =	vmul.f32 v5, v7;
	v8 =	vmul.f32 v8, v7  }
0xfa: {  	v3 =	vmul.f32 v3, v7;
	[tilespmem:s18+$0x7100] =	vst v2;
	v2 =	vmul.f32 v9, v7  }
0xfb: {  	v4 =	vmul.f32 v4, v7;
	[tilespmem:s18+$0x7130] =	vst v6;
	v6 =	vmul.f32 v10, v7  }
0xfc: {  	[tilespmem:s18+$0x7110] =	vst v8  }
0xfd: {  	[tilespmem:s18+$0x7150] =	vst v3;
	v3 =	vld [tilespmem:s18+$0x31E0]  }
0xfe: {  	[tilespmem:s18+$0x7170] =	vst v4;
	v4 =	vld [tilespmem:s18+$0x31C0]  }
0xff: {  	[tilespmem:s18+$0x7120] =	vst v5;
	v5 =	vld [tilespmem:s18+$0x31A0]  }
0x100: {  	[tilespmem:s18+$0x7160] =	vst v6;
	v6 =	vld [tilespmem:s18+$0x31F0]  }
0x101: {  	[tilespmem:s18+$0x7140] =	vst v2;
	v2 =	vld [tilespmem:s18+$0x3190]  }
0x102: {  	v7 =	vld [tilespmem:s19+$0xFFFFFFF0]  }
0x103: {  	v8 =	vld [tilespmem:s18+$0x3180]  }
0x104: {  	v9 =	vld [tilespmem:s18+$0x31B0]  }
0x105: {  	v10 =	vld [tilespmem:s18+$0x31D0];
	_ =	sdelay $0x1  }
0x106: {  	v2 =	vmul.f32 v2, v7;
	v6 =	vmul.f32 v6, v7  }
0x107: {  	v5 =	vmul.f32 v5, v7;
	v8 =	vmul.f32 v8, v7  }
0x108: {  	[tilespmem:s18+$0x7190] =	vst v2;
	v9 =	vmul.f32 v9, v7;
	v2 =	vmul.f32 v4, v7  }
0x109: {  	v3 =	vmul.f32 v3, v7;
	v10 =	vmul.f32 v10, v7;
	[tilespmem:s18+$0x71F0] =	vst v6  }
0x10a: {  	[tilespmem:s18+$0x7180] =	vst v8  }
0x10b: {  	[tilespmem:s18+$0x71C0] =	vst v2  }
0x10c: {  	[tilespmem:s18+$0x71E0] =	vst v3;
	v2 =	vld [tilespmem:s18+$0x3250]  }
0x10d: {  	[tilespmem:s18+$0x71A0] =	vst v5;
	v4 =	vld [tilespmem:s18+$0x3210]  }
.Ltmp2:
0x10e: {  	[tilespmem:s18+$0x71D0] =	vst v10;
	v6 =	vld [tilespmem:s18+$0x3260];
	(pc) =	sbr.rel @p2 .LBB2_3-.Ltmp2, $4  }
0x10f: {  	[tilespmem:s18+$0x71B0] =	vst v9;
	v7 =	vld [tilespmem:s18+$0x3220]  }
0x110: {  	v3 =	vld [tilespmem:s19+$0x0]  }
0x111: {  	v8 =	vld [tilespmem:s18+$0x3200]  }
0x112: {  	v5 =	vld [tilespmem:s18+$0x3230]  }
0x113: {  	_ =	sdelay $0x1  }
0x114: {  	v7 =	vmul.f32 v7, v3  }
0x115: {  	v6 =	vmul.f32 v6, v3  }
0x116: {  	v2 =	vmul.f32 v2, v3;
	[tilespmem:s18+$0x7220] =	vst v7  }
0x117: {  	v1 =	vmul.f32 v1, v3;
	[tilespmem:s18+$0x7260] =	vst v6  }
0x118: {  	v4 =	vmul.f32 v4, v3;
	[tilespmem:s18+$0x7250] =	vst v2  }
0x119: {  	v0 =	vmul.f32 v0, v3;
	[tilespmem:s18+$0x7270] =	vst v1  }
0x11a: {  	v8 =	vmul.f32 v8, v3;
	[tilespmem:s18+$0x7210] =	vst v4  }
0x11b: {  	v3 =	vmul.f32 v5, v3;
	[tilespmem:s18+$0x7240] =	vst v0  }
0x11c: {  	[tilespmem:s18+$0x7200] =	vst v8  }
0x11d: {  	[tilespmem:s18+$0x7230] =	vst v3;
	v3 =	vld [tilespmem:s18+$0x3280]  }
0x11e: {  	v5 =	vld [tilespmem:s21+$0x10]  }
0x11f: {  	v4 =	vld [tilespmem:s18+$0x32B0]  }
0x120: {  	v0 =	vld [tilespmem:s18+$0x32F0]  }
0x121: {  	v2 =	vld [tilespmem:s18+$0x32E0]  }
0x122: {  	v6 =	vld [tilespmem:s18+$0x32A0]  }
0x123: {  	v7 =	vld [tilespmem:s18+$0x3290];
	v3 =	vmul.f32 v3, v5  }
0x124: {  	v1 =	vld [tilespmem:s18+$0x32D0];
	v4 =	vmul.f32 v4, v5  }
0x125: {  	v8 =	vld [tilespmem:s18+$0x32C0];
	v0 =	vmul.f32 v0, v5;
	[tilespmem:s18+$0x7280] =	vst v3  }
0x126: {  	v2 =	vmul.f32 v2, v5;
	[tilespmem:s18+$0x72B0] =	vst v4  }
0x127: {  	v3 =	vmul.f32 v6, v5;
	[tilespmem:s18+$0x72F0] =	vst v0  }
0x128: {  	v4 =	vmul.f32 v7, v5;
	[tilespmem:s18+$0x72E0] =	vst v2  }
0x129: {  	v0 =	vmul.f32 v1, v5;
	[tilespmem:s18+$0x72A0] =	vst v3  }
0x12a: {  	[tilespmem:s18+$0x7290] =	vst v4;
	v3 =	vmul.f32 v8, v5  }
0x12b: {  	[tilespmem:s18+$0x72D0] =	vst v0  }
0x12c: {  	[tilespmem:s18+$0x72C0] =	vst v3;
	v3 =	vld [tilespmem:s18+$0x3300]  }
0x12d: {  	v4 =	vld [tilespmem:s21+$0x20]  }
0x12e: {  	v2 =	vld [tilespmem:s18+$0x3310]  }
0x12f: {  	v0 =	vld [tilespmem:s18+$0x3330]  }
0x130: {  	v1 =	vld [tilespmem:s18+$0x3350]  }
0x131: {  	v5 =	vld [tilespmem:s18+$0x3340]  }
0x132: {  	v7 =	vld [tilespmem:s18+$0x3360];
	v3 =	vmul.f32 v3, v4  }
0x133: {  	v6 =	vld [tilespmem:s18+$0x3320];
	v2 =	vmul.f32 v2, v4  }
0x134: {  	v8 =	vld [tilespmem:s18+$0x3370];
	v0 =	vmul.f32 v0, v4;
	[tilespmem:s18+$0x7300] =	vst v3  }
0x135: {  	v1 =	vmul.f32 v1, v4;
	[tilespmem:s18+$0x7310] =	vst v2  }
0x136: {  	v3 =	vmul.f32 v5, v4;
	[tilespmem:s18+$0x7330] =	vst v0  }
0x137: {  	v0 =	vmul.f32 v7, v4;
	[tilespmem:s18+$0x7350] =	vst v1  }
0x138: {  	[tilespmem:s18+$0x7340] =	vst v3;
	v3 =	vmul.f32 v6, v4  }
0x139: {  	[tilespmem:s18+$0x7360] =	vst v0;
	v4 =	vmul.f32 v8, v4  }
0x13a: {  	[tilespmem:s18+$0x7320] =	vst v3  }
0x13b: {  	[tilespmem:s18+$0x7370] =	vst v4;
	v4 =	vld [tilespmem:s18+$0x3380]  }
0x13c: {  	v5 =	vld [tilespmem:s21+$0x30]  }
0x13d: {  	v6 =	vld [tilespmem:s18+$0x33A0]  }
0x13e: {  	v1 =	vld [tilespmem:s18+$0x33B0]  }
0x13f: {  	v3 =	vld [tilespmem:s18+$0x3390]  }
0x140: {  	v0 =	vld [tilespmem:s18+$0x33D0]  }
0x141: {  	v7 =	vld [tilespmem:s18+$0x33E0];
	v4 =	vmul.f32 v4, v5  }
0x142: {  	v2 =	vld [tilespmem:s18+$0x33F0];
	v6 =	vmul.f32 v6, v5  }
0x143: {  	v8 =	vld [tilespmem:s18+$0x33C0];
	v1 =	vmul.f32 v1, v5;
	[tilespmem:s18+$0x7380] =	vst v4  }
0x144: {  	v3 =	vmul.f32 v3, v5;
	[tilespmem:s18+$0x73A0] =	vst v6  }
0x145: {  	v0 =	vmul.f32 v0, v5;
	[tilespmem:s18+$0x73B0] =	vst v1  }
0x146: {  	v4 =	vmul.f32 v7, v5;
	[tilespmem:s18+$0x7390] =	vst v3  }
0x147: {  	v1 =	vmul.f32 v2, v5;
	[tilespmem:s18+$0x73D0] =	vst v0  }
0x148: {  	s9 =	sor.u32 $0x80, s17;
	v2 =	vmul.f32 v8, v5;
	[tilespmem:s18+$0x73E0] =	vst v4  }
0x149: {  	s21 =	sadd.s32 s3, s9;
	[tilespmem:s18+$0x73F0] =	vst v1  }
0x14a: {  	s19 =	sshll.u32 s21, $0x1;
	[tilespmem:s18+$0x73C0] =	vst v2  }
0x14b: {  	[spmem:s2] =	stream.indirect.scatter.add.f32 [tilespmem:s1], [sflag:$0x5], $0x80, s23, s24, $0xb8;
	[tilespmem:$0x1EA80] =	vst v63  }
0x14c: {  	s19 =	sadd.s32 s7, s19;
	s18 =	sshrl.u32 s21, $0x3  }
0x14d: {  	[tilespmem:s22], [sflag:$0x3] =	stream.linear.gather [hbm4b:s19+s4], $0x400, $0x38;
	[tilespmem:$0x1EA80] =	vst v63  }
0x14e: {  	s18 =	sadd.s32 s6, s18  }
0x14f: {  	[tilespmem:s0], [sflag:$0x1] =	stream.linear.gather [hbm4b:s18+s4], $0x40, $0x38;
	[tilespmem:$0x1EA80] =	vst v63  }
0x150: {  	_ = 	snop  }
0x151: {  	[tilespmem:s25], [sflag:$0x1] =	stream.indirect.gather [hbm4b:s5+s24], $0x80, s9, s24, $0xb8;
	[tilespmem:$0x1EA80] =	vst v63  }
0x152: {  	_ =	swait.ge [sflag:s8], $0x400  }
0x153: {  	[sflag:s8] =	ssyncset.done $0x0  }
0x154: {  	[sflag:s8] =	ssyncadd.s32 $0xFFFFFC00  }
0x155: {  	_ =	swait.ge [sflag:s10], $0x40  }
0x156: {  	[sflag:s10] =	ssyncset.done $0x0  }
0x157: {  	[sflag:s10] =	ssyncadd.s32 $0xFFFFFFC0  }
0x158: {  	_ =	swait.ge [sflag:s10], $0x2000  }
0x159: {  	[sflag:s10] =	ssyncset.done $0x0  }
0x15a: {  	s9 =	simm.s32 @!p1 $0x6;
	[sflag:s10] =	ssyncadd.s32 $0xFFFFE000  }
0x15b: {  	_ =	swait.ge @!p1 [sflag:s9], $0x2000  }
0x15c: {  	[sflag:s9] =	ssyncset.done @!p1 $0x0  }
0x15d: {  	s19 =	simm.s32 $0x2C40;
	[sflag:s9] =	ssyncadd.s32 @!p1 $0xFFFFE000  }
0x15e: {  	s18 =	simm.s32 $0x0;
	v2 =	vld [tilespmem:s19+$0xFFFFFFC0]  }
0x15f: {  	v0 =	vld [tilespmem:s18+$0x5070]  }
0x160: {  	v1 =	vld [tilespmem:s18+$0x5020]  }
0x161: {  	v3 =	vld [tilespmem:s18+$0x5040]  }
0x162: {  	v4 =	vld [tilespmem:s18+$0x5030]  }
0x163: {  	v5 =	vld [tilespmem:s18+$0x5050]  }
0x164: {  	v6 =	vld [tilespmem:s18+$0x5010];
	v0 =	vmul.f32 v0, v2  }
0x165: {  	v7 =	vld [tilespmem:s18+$0x5060];
	v1 =	vmul.f32 v1, v2  }
0x166: {  	v8 =	vld [tilespmem:s18+$0x5000];
	v3 =	vmul.f32 v3, v2;
	[tilespmem:s18+$0x9070] =	vst v0  }
0x167: {  	v4 =	vmul.f32 v4, v2;
	[tilespmem:s18+$0x9020] =	vst v1  }
0x168: {  	[tilespmem:s18+$0x9040] =	vst v3;
	v3 =	vmul.f32 v5, v2  }
0x169: {  	[tilespmem:s18+$0x9030] =	vst v4;
	v5 =	vmul.f32 v6, v2  }
0x16a: {  	v6 =	vmul.f32 v7, v2;
	[tilespmem:s18+$0x9050] =	vst v3  }
0x16b: {  	v2 =	vmul.f32 v8, v2;
	[tilespmem:s18+$0x9010] =	vst v5  }
0x16c: {  	[tilespmem:s18+$0x9060] =	vst v6  }
0x16d: {  	[tilespmem:s18+$0x9000] =	vst v2;
	v2 =	vld [tilespmem:s18+$0x50B0]  }
0x16e: {  	v7 =	vld [tilespmem:s19+$0xFFFFFFD0]  }
0x16f: {  	v6 =	vld [tilespmem:s18+$0x50E0]  }
0x170: {  	v8 =	vld [tilespmem:s18+$0x5080]  }
0x171: {  	v3 =	vld [tilespmem:s18+$0x50D0]  }
0x172: {  	v4 =	vld [tilespmem:s18+$0x50F0]  }
0x173: {  	v5 =	vld [tilespmem:s18+$0x5090];
	v2 =	vmul.f32 v2, v7  }
0x174: {  	v10 =	vld [tilespmem:s18+$0x50A0];
	v6 =	vmul.f32 v6, v7  }
0x175: {  	v9 =	vld [tilespmem:s18+$0x50C0];
	v8 =	vmul.f32 v8, v7;
	[tilespmem:s18+$0x90B0] =	vst v2  }
0x176: {  	v2 =	vmul.f32 v3, v7;
	[tilespmem:s18+$0x90E0] =	vst v6  }
0x177: {  	[tilespmem:s18+$0x9080] =	vst v8;
	v3 =	vmul.f32 v4, v7  }
0x178: {  	v4 =	vmul.f32 v5, v7;
	[tilespmem:s18+$0x90D0] =	vst v2  }
0x179: {  	v5 =	vmul.f32 v10, v7;
	[tilespmem:s18+$0x90F0] =	vst v3  }
0x17a: {  	v6 =	vmul.f32 v9, v7;
	[tilespmem:s18+$0x9090] =	vst v4  }
0x17b: {  	[tilespmem:s18+$0x90A0] =	vst v5  }
0x17c: {  	[tilespmem:s18+$0x90C0] =	vst v6;
	v6 =	vld [tilespmem:s18+$0x5100]  }
0x17d: {  	v7 =	vld [tilespmem:s19+$0xFFFFFFE0]  }
0x17e: {  	v5 =	vld [tilespmem:s18+$0x5130]  }
0x17f: {  	v8 =	vld [tilespmem:s18+$0x5110]  }
0x180: {  	v3 =	vld [tilespmem:s18+$0x5150]  }
0x181: {  	v2 =	vld [tilespmem:s18+$0x5170]  }
0x182: {  	v4 =	vld [tilespmem:s18+$0x5120];
	v6 =	vmul.f32 v6, v7  }
0x183: {  	v10 =	vld [tilespmem:s18+$0x5160];
	v5 =	vmul.f32 v5, v7  }
0x184: {  	v9 =	vld [tilespmem:s18+$0x5140];
	v8 =	vmul.f32 v8, v7;
	[tilespmem:s18+$0x9100] =	vst v6  }
0x185: {  	v3 =	vmul.f32 v3, v7;
	[tilespmem:s18+$0x9130] =	vst v5  }
0x186: {  	v2 =	vmul.f32 v2, v7;
	[tilespmem:s18+$0x9110] =	vst v8  }
0x187: {  	v4 =	vmul.f32 v4, v7;
	[tilespmem:s18+$0x9150] =	vst v3  }
0x188: {  	[tilespmem:s18+$0x9170] =	vst v2;
	v5 =	vmul.f32 v10, v7  }
0x189: {  	[tilespmem:s18+$0x9120] =	vst v4;
	v6 =	vmul.f32 v9, v7  }
0x18a: {  	[tilespmem:s18+$0x9160] =	vst v5  }
0x18b: {  	[tilespmem:s18+$0x9140] =	vst v6;
	v6 =	vld [tilespmem:s18+$0x5190]  }
0x18c: {  	v7 =	vld [tilespmem:s19+$0xFFFFFFF0]  }
0x18d: {  	v5 =	vld [tilespmem:s18+$0x51F0]  }
0x18e: {  	v2 =	vld [tilespmem:s18+$0x51C0]  }
0x18f: {  	v3 =	vld [tilespmem:s18+$0x51E0]  }
0x190: {  	v4 =	vld [tilespmem:s18+$0x51A0]  }
0x191: {  	v8 =	vld [tilespmem:s18+$0x5180];
	v6 =	vmul.f32 v6, v7  }
0x192: {  	v10 =	vld [tilespmem:s18+$0x51D0];
	v5 =	vmul.f32 v5, v7  }
0x193: {  	v9 =	vld [tilespmem:s18+$0x51B0];
	v2 =	vmul.f32 v2, v7;
	[tilespmem:s18+$0x9190] =	vst v6  }
0x194: {  	v0 =	vld [tilespmem:s18+$0x5240];
	v3 =	vmul.f32 v3, v7;
	[tilespmem:s18+$0x91F0] =	vst v5  }
0x195: {  	v1 =	vld [tilespmem:s18+$0x5270];
	v4 =	vmul.f32 v4, v7;
	[tilespmem:s18+$0x91C0] =	vst v2  }
0x196: {  	v8 =	vmul.f32 v8, v7;
	[tilespmem:s18+$0x91E0] =	vst v3;
	v2 =	vld [tilespmem:s18+$0x5250]  }
0x197: {  	v3 =	vmul.f32 v10, v7;
	[tilespmem:s18+$0x91A0] =	vst v4;
	v4 =	vld [tilespmem:s18+$0x5210]  }
0x198: {  	[tilespmem:s18+$0x9180] =	vst v8;
	v5 =	vmul.f32 v9, v7;
	v6 =	vld [tilespmem:s18+$0x5260]  }
0x199: {  	v7 =	vld [tilespmem:s18+$0x5220];
	[tilespmem:s18+$0x91D0] =	vst v3  }
0x19a: {  	v8 =	vld [tilespmem:s18+$0x5200];
	[tilespmem:s18+$0x91B0] =	vst v5  }
0x19b: {  	v3 =	vld [tilespmem:s19+$0x0]  }
0x19c: {  	s21 =	simm.s32 $0x2C40;
	s9 =	simm.s32 $0x1000;
	v5 =	vld [tilespmem:s18+$0x5230]  }
.LBB2_5:
0x19d: {  	p1 =	sne.s32 s9, $0x7000  }
0x19e: {  	s19 =	sadd.s32 $0x80, s19;
	s20 =	smov.u32 s9;
	s9 =	sadd.s32 $0x1000, s9  }
0x19f: {  	_ = 	snop  }
0x1a0: {  	v7 =	vmul.f32 v7, v3;
	v6 =	vmul.f32 v6, v3  }
0x1a1: {  	v4 =	vmul.f32 v4, v3;
	v8 =	vmul.f32 v8, v3  }
0x1a2: {  	v2 =	vmul.f32 v2, v3;
	[tilespmem:s18+$0x9220] =	vst v7;
	v5 =	vmul.f32 v5, v3  }
0x1a3: {  	v0 =	vmul.f32 v0, v3;
	v1 =	vmul.f32 v1, v3;
	[tilespmem:s18+$0x9200] =	vst v8  }
0x1a4: {  	[tilespmem:s18+$0x9260] =	vst v6  }
0x1a5: {  	[tilespmem:s18+$0x9250] =	vst v2;
	v2 =	vld [tilespmem:s18+$0x52E0]  }
0x1a6: {  	[tilespmem:s18+$0x9270] =	vst v1;
	v1 =	vld [tilespmem:s18+$0x52D0]  }
0x1a7: {  	[tilespmem:s18+$0x9210] =	vst v4;
	v3 =	vld [tilespmem:s18+$0x52B0]  }
0x1a8: {  	[tilespmem:s18+$0x9240] =	vst v0;
	v0 =	vld [tilespmem:s18+$0x52F0]  }
0x1a9: {  	[tilespmem:s18+$0x9230] =	vst v5;
	v4 =	vld [tilespmem:s18+$0x5280]  }
0x1aa: {  	v5 =	vld [tilespmem:s21+$0x10]  }
0x1ab: {  	v6 =	vld [tilespmem:s18+$0x52A0]  }
0x1ac: {  	v7 =	vld [tilespmem:s18+$0x52C0]  }
0x1ad: {  	v8 =	vld [tilespmem:s18+$0x5290];
	_ =	sdelay $0x1  }
0x1ae: {  	v4 =	vmul.f32 v4, v5;
	v0 =	vmul.f32 v0, v5  }
0x1af: {  	v3 =	vmul.f32 v3, v5;
	v6 =	vmul.f32 v6, v5  }
0x1b0: {  	v1 =	vmul.f32 v1, v5;
	[tilespmem:s18+$0x9280] =	vst v4;
	v4 =	vmul.f32 v7, v5  }
0x1b1: {  	v2 =	vmul.f32 v2, v5;
	v7 =	vmul.f32 v8, v5;
	[tilespmem:s18+$0x92B0] =	vst v3  }
0x1b2: {  	[tilespmem:s18+$0x92F0] =	vst v0  }
0x1b3: {  	[tilespmem:s18+$0x92A0] =	vst v6  }
0x1b4: {  	[tilespmem:s18+$0x9290] =	vst v7;
	v0 =	vld [tilespmem:s18+$0x5350]  }
0x1b5: {  	[tilespmem:s18+$0x92D0] =	vst v1;
	v1 =	vld [tilespmem:s18+$0x5330]  }
0x1b6: {  	[tilespmem:s18+$0x92E0] =	vst v2;
	v2 =	vld [tilespmem:s18+$0x5310]  }
0x1b7: {  	[tilespmem:s18+$0x92C0] =	vst v4;
	v3 =	vld [tilespmem:s18+$0x5300]  }
0x1b8: {  	v4 =	vld [tilespmem:s21+$0x20]  }
0x1b9: {  	v5 =	vld [tilespmem:s18+$0x5320]  }
0x1ba: {  	v6 =	vld [tilespmem:s18+$0x5340]  }
0x1bb: {  	v7 =	vld [tilespmem:s18+$0x5370]  }
0x1bc: {  	v8 =	vld [tilespmem:s18+$0x5360]  }
0x1bd: {  	v3 =	vmul.f32 v3, v4;
	v2 =	vmul.f32 v2, v4  }
0x1be: {  	v1 =	vmul.f32 v1, v4;
	v5 =	vmul.f32 v5, v4  }
0x1bf: {  	v0 =	vmul.f32 v0, v4;
	[tilespmem:s18+$0x9300] =	vst v3;
	v3 =	vmul.f32 v6, v4  }
0x1c0: {  	[tilespmem:s18+$0x9310] =	vst v2;
	v2 =	vmul.f32 v7, v4  }
0x1c1: {  	[tilespmem:s18+$0x9330] =	vst v1;
	v1 =	vmul.f32 v8, v4  }
0x1c2: {  	[tilespmem:s18+$0x9340] =	vst v3;
	v3 =	vld [tilespmem:s18+$0x53F0]  }
0x1c3: {  	[tilespmem:s18+$0x9360] =	vst v1;
	v1 =	vld [tilespmem:s18+$0x53D0]  }
0x1c4: {  	[tilespmem:s18+$0x9350] =	vst v0;
	v0 =	vld [tilespmem:s18+$0x53B0]  }
0x1c5: {  	[tilespmem:s18+$0x9320] =	vst v5;
	v4 =	vld [tilespmem:s18+$0x5390]  }
0x1c6: {  	[tilespmem:s18+$0x9370] =	vst v2;
	v2 =	vld [tilespmem:s18+$0x5380]  }
0x1c7: {  	v5 =	vld [tilespmem:s21+$0x30];
	s21 =	smov.u32 s19  }
0x1c8: {  	v6 =	vld [tilespmem:s18+$0x53A0]  }
0x1c9: {  	v7 =	vld [tilespmem:s18+$0x53C0]  }
0x1ca: {  	v8 =	vld [tilespmem:s18+$0x53E0];
	_ =	sdelay $0x1  }
0x1cb: {  	v2 =	vmul.f32 v2, v5;
	v4 =	vmul.f32 v4, v5  }
0x1cc: {  	v0 =	vmul.f32 v0, v5;
	v6 =	vmul.f32 v6, v5  }
0x1cd: {  	v1 =	vmul.f32 v1, v5;
	[tilespmem:s18+$0x9380] =	vst v2;
	v2 =	vmul.f32 v7, v5  }
0x1ce: {  	v3 =	vmul.f32 v3, v5;
	[tilespmem:s18+$0x93A0] =	vst v6;
	v6 =	vmul.f32 v8, v5  }
0x1cf: {  	[tilespmem:s18+$0x93B0] =	vst v0  }
0x1d0: {  	[tilespmem:s18+$0x93E0] =	vst v6  }
0x1d1: {  	[tilespmem:s18+$0x9390] =	vst v4  }
0x1d2: {  	[tilespmem:s18+$0x93F0] =	vst v3  }
0x1d3: {  	[tilespmem:s18+$0x93C0] =	vst v2  }
0x1d4: {  	[tilespmem:s18+$0x93D0] =	vst v1  }
0x1d5: {  	s18 =	sshra.s32 s20, $0x2;
	v2 =	vld [tilespmem:s19+$0xFFFFFFC0]  }
0x1d6: {  	v0 =	vld [tilespmem:s18+$0x5070]  }
0x1d7: {  	v1 =	vld [tilespmem:s18+$0x5020]  }
0x1d8: {  	v3 =	vld [tilespmem:s18+$0x5040]  }
0x1d9: {  	v4 =	vld [tilespmem:s18+$0x5030]  }
0x1da: {  	v5 =	vld [tilespmem:s18+$0x5050]  }
0x1db: {  	v6 =	vld [tilespmem:s18+$0x5010];
	v0 =	vmul.f32 v0, v2  }
0x1dc: {  	v1 =	vmul.f32 v1, v2;
	v7 =	vld [tilespmem:s18+$0x5060]  }
0x1dd: {  	v8 =	vld [tilespmem:s18+$0x5000];
	v3 =	vmul.f32 v3, v2;
	[tilespmem:s18+$0x9070] =	vst v0  }
0x1de: {  	[tilespmem:s18+$0x9020] =	vst v1;
	v4 =	vmul.f32 v4, v2;
	v0 =	vld [tilespmem:s18+$0x5240]  }
0x1df: {  	[tilespmem:s18+$0x9040] =	vst v3;
	v3 =	vmul.f32 v5, v2;
	v1 =	vld [tilespmem:s18+$0x5270]  }
0x1e0: {  	v5 =	vmul.f32 v6, v2;
	[tilespmem:s18+$0x9030] =	vst v4;
	v4 =	vld [tilespmem:s18+$0x50F0]  }
0x1e1: {  	[tilespmem:s18+$0x9050] =	vst v3;
	v3 =	vmul.f32 v7, v2;
	v6 =	vld [tilespmem:s18+$0x50D0]  }
0x1e2: {  	v2 =	vmul.f32 v8, v2;
	[tilespmem:s18+$0x9010] =	vst v5;
	v5 =	vld [tilespmem:s18+$0x5090]  }
0x1e3: {  	[tilespmem:s18+$0x9060] =	vst v3;
	v3 =	vld [tilespmem:s18+$0x50E0]  }
0x1e4: {  	[tilespmem:s18+$0x9000] =	vst v2;
	v2 =	vld [tilespmem:s18+$0x50B0]  }
0x1e5: {  	v7 =	vld [tilespmem:s19+$0xFFFFFFD0]  }
0x1e6: {  	v8 =	vld [tilespmem:s18+$0x5080]  }
0x1e7: {  	v9 =	vld [tilespmem:s18+$0x50C0]  }
0x1e8: {  	v10 =	vld [tilespmem:s18+$0x50A0];
	_ =	sdelay $0x1  }
0x1e9: {  	v2 =	vmul.f32 v2, v7;
	v3 =	vmul.f32 v3, v7  }
0x1ea: {  	v5 =	vmul.f32 v5, v7;
	v8 =	vmul.f32 v8, v7  }
0x1eb: {  	v6 =	vmul.f32 v6, v7;
	[tilespmem:s18+$0x90B0] =	vst v2;
	v2 =	vmul.f32 v9, v7  }
0x1ec: {  	v9 =	vmul.f32 v10, v7;
	[tilespmem:s18+$0x90E0] =	vst v3;
	v3 =	vmul.f32 v4, v7  }
0x1ed: {  	[tilespmem:s18+$0x9080] =	vst v8  }
0x1ee: {  	[tilespmem:s18+$0x90D0] =	vst v6;
	v4 =	vld [tilespmem:s18+$0x5170]  }
0x1ef: {  	[tilespmem:s18+$0x90F0] =	vst v3;
	v3 =	vld [tilespmem:s18+$0x5150]  }
0x1f0: {  	[tilespmem:s18+$0x9090] =	vst v5;
	v5 =	vld [tilespmem:s18+$0x5120]  }
0x1f1: {  	[tilespmem:s18+$0x90A0] =	vst v9;
	v6 =	vld [tilespmem:s18+$0x5130]  }
0x1f2: {  	[tilespmem:s18+$0x90C0] =	vst v2;
	v2 =	vld [tilespmem:s18+$0x5100]  }
0x1f3: {  	v7 =	vld [tilespmem:s19+$0xFFFFFFE0]  }
0x1f4: {  	v8 =	vld [tilespmem:s18+$0x5110]  }
0x1f5: {  	v9 =	vld [tilespmem:s18+$0x5140]  }
0x1f6: {  	v10 =	vld [tilespmem:s18+$0x5160];
	_ =	sdelay $0x1  }
0x1f7: {  	v2 =	vmul.f32 v2, v7;
	v6 =	vmul.f32 v6, v7  }
0x1f8: {  	v5 =	vmul.f32 v5, v7;
	v8 =	vmul.f32 v8, v7  }
0x1f9: {  	v3 =	vmul.f32 v3, v7;
	[tilespmem:s18+$0x9100] =	vst v2;
	v2 =	vmul.f32 v9, v7  }
0x1fa: {  	v4 =	vmul.f32 v4, v7;
	[tilespmem:s18+$0x9130] =	vst v6;
	v6 =	vmul.f32 v10, v7  }
0x1fb: {  	[tilespmem:s18+$0x9110] =	vst v8  }
0x1fc: {  	[tilespmem:s18+$0x9150] =	vst v3;
	v3 =	vld [tilespmem:s18+$0x51E0]  }
0x1fd: {  	[tilespmem:s18+$0x9170] =	vst v4;
	v4 =	vld [tilespmem:s18+$0x51C0]  }
0x1fe: {  	[tilespmem:s18+$0x9120] =	vst v5;
	v5 =	vld [tilespmem:s18+$0x51A0]  }
0x1ff: {  	[tilespmem:s18+$0x9160] =	vst v6;
	v6 =	vld [tilespmem:s18+$0x51F0]  }
0x200: {  	[tilespmem:s18+$0x9140] =	vst v2;
	v2 =	vld [tilespmem:s18+$0x5190]  }
0x201: {  	v7 =	vld [tilespmem:s19+$0xFFFFFFF0]  }
0x202: {  	v8 =	vld [tilespmem:s18+$0x5180]  }
0x203: {  	v9 =	vld [tilespmem:s18+$0x51B0]  }
0x204: {  	v10 =	vld [tilespmem:s18+$0x51D0];
	_ =	sdelay $0x1  }
0x205: {  	v2 =	vmul.f32 v2, v7;
	v6 =	vmul.f32 v6, v7  }
0x206: {  	v5 =	vmul.f32 v5, v7;
	v8 =	vmul.f32 v8, v7  }
0x207: {  	[tilespmem:s18+$0x9190] =	vst v2;
	v9 =	vmul.f32 v9, v7;
	v2 =	vmul.f32 v4, v7  }
0x208: {  	v3 =	vmul.f32 v3, v7;
	v10 =	vmul.f32 v10, v7;
	[tilespmem:s18+$0x91F0] =	vst v6  }
0x209: {  	[tilespmem:s18+$0x9180] =	vst v8  }
0x20a: {  	[tilespmem:s18+$0x91C0] =	vst v2  }
0x20b: {  	[tilespmem:s18+$0x91E0] =	vst v3;
	v2 =	vld [tilespmem:s18+$0x5250]  }
0x20c: {  	[tilespmem:s18+$0x91A0] =	vst v5;
	v4 =	vld [tilespmem:s18+$0x5210]  }
.Ltmp3:
0x20d: {  	[tilespmem:s18+$0x91D0] =	vst v10;
	v6 =	vld [tilespmem:s18+$0x5260];
	(pc) =	sbr.rel @p1 .LBB2_5-.Ltmp3, $4  }
0x20e: {  	[tilespmem:s18+$0x91B0] =	vst v9;
	v7 =	vld [tilespmem:s18+$0x5220]  }
0x20f: {  	v3 =	vld [tilespmem:s19+$0x0]  }
0x210: {  	v8 =	vld [tilespmem:s18+$0x5200]  }
0x211: {  	v5 =	vld [tilespmem:s18+$0x5230]  }
0x212: {  	_ =	sdelay $0x1  }
0x213: {  	v7 =	vmul.f32 v7, v3  }
0x214: {  	v6 =	vmul.f32 v6, v3  }
0x215: {  	v2 =	vmul.f32 v2, v3;
	[tilespmem:s18+$0x9220] =	vst v7  }
0x216: {  	v1 =	vmul.f32 v1, v3;
	[tilespmem:s18+$0x9260] =	vst v6  }
0x217: {  	v4 =	vmul.f32 v4, v3;
	[tilespmem:s18+$0x9250] =	vst v2  }
0x218: {  	v0 =	vmul.f32 v0, v3;
	[tilespmem:s18+$0x9270] =	vst v1  }
0x219: {  	v8 =	vmul.f32 v8, v3;
	[tilespmem:s18+$0x9210] =	vst v4  }
0x21a: {  	v3 =	vmul.f32 v5, v3;
	[tilespmem:s18+$0x9240] =	vst v0  }
0x21b: {  	[tilespmem:s18+$0x9200] =	vst v8  }
0x21c: {  	[tilespmem:s18+$0x9230] =	vst v3;
	v3 =	vld [tilespmem:s18+$0x5280]  }
0x21d: {  	v5 =	vld [tilespmem:s21+$0x10]  }
0x21e: {  	v4 =	vld [tilespmem:s18+$0x52B0]  }
0x21f: {  	v0 =	vld [tilespmem:s18+$0x52F0]  }
0x220: {  	v2 =	vld [tilespmem:s18+$0x52E0]  }
0x221: {  	v6 =	vld [tilespmem:s18+$0x52A0]  }
0x222: {  	v7 =	vld [tilespmem:s18+$0x5290];
	v3 =	vmul.f32 v3, v5  }
0x223: {  	v1 =	vld [tilespmem:s18+$0x52D0];
	v4 =	vmul.f32 v4, v5  }
0x224: {  	v8 =	vld [tilespmem:s18+$0x52C0];
	v0 =	vmul.f32 v0, v5;
	[tilespmem:s18+$0x9280] =	vst v3  }
0x225: {  	v2 =	vmul.f32 v2, v5;
	[tilespmem:s18+$0x92B0] =	vst v4  }
0x226: {  	v3 =	vmul.f32 v6, v5;
	[tilespmem:s18+$0x92F0] =	vst v0  }
0x227: {  	v4 =	vmul.f32 v7, v5;
	[tilespmem:s18+$0x92E0] =	vst v2  }
0x228: {  	v0 =	vmul.f32 v1, v5;
	[tilespmem:s18+$0x92A0] =	vst v3  }
0x229: {  	[tilespmem:s18+$0x9290] =	vst v4;
	v3 =	vmul.f32 v8, v5  }
0x22a: {  	[tilespmem:s18+$0x92D0] =	vst v0  }
0x22b: {  	[tilespmem:s18+$0x92C0] =	vst v3;
	v3 =	vld [tilespmem:s18+$0x5300]  }
0x22c: {  	v4 =	vld [tilespmem:s21+$0x20]  }
0x22d: {  	v2 =	vld [tilespmem:s18+$0x5310]  }
0x22e: {  	v0 =	vld [tilespmem:s18+$0x5330]  }
0x22f: {  	v1 =	vld [tilespmem:s18+$0x5350]  }
0x230: {  	v5 =	vld [tilespmem:s18+$0x5340]  }
0x231: {  	v7 =	vld [tilespmem:s18+$0x5360];
	v3 =	vmul.f32 v3, v4  }
0x232: {  	v6 =	vld [tilespmem:s18+$0x5320];
	v2 =	vmul.f32 v2, v4  }
0x233: {  	v8 =	vld [tilespmem:s18+$0x5370];
	v0 =	vmul.f32 v0, v4;
	[tilespmem:s18+$0x9300] =	vst v3  }
0x234: {  	v1 =	vmul.f32 v1, v4;
	[tilespmem:s18+$0x9310] =	vst v2  }
0x235: {  	v3 =	vmul.f32 v5, v4;
	[tilespmem:s18+$0x9330] =	vst v0  }
0x236: {  	v0 =	vmul.f32 v7, v4;
	[tilespmem:s18+$0x9350] =	vst v1  }
0x237: {  	[tilespmem:s18+$0x9340] =	vst v3;
	v3 =	vmul.f32 v6, v4  }
0x238: {  	[tilespmem:s18+$0x9360] =	vst v0;
	v4 =	vmul.f32 v8, v4  }
0x239: {  	[tilespmem:s18+$0x9320] =	vst v3  }
0x23a: {  	[tilespmem:s18+$0x9370] =	vst v4;
	v4 =	vld [tilespmem:s18+$0x5380]  }
0x23b: {  	v5 =	vld [tilespmem:s21+$0x30]  }
0x23c: {  	v6 =	vld [tilespmem:s18+$0x53A0]  }
0x23d: {  	v1 =	vld [tilespmem:s18+$0x53B0]  }
0x23e: {  	v3 =	vld [tilespmem:s18+$0x5390]  }
0x23f: {  	v0 =	vld [tilespmem:s18+$0x53D0]  }
0x240: {  	v7 =	vld [tilespmem:s18+$0x53E0];
	v4 =	vmul.f32 v4, v5  }
0x241: {  	v2 =	vld [tilespmem:s18+$0x53F0];
	v6 =	vmul.f32 v6, v5  }
0x242: {  	v8 =	vld [tilespmem:s18+$0x53C0];
	v1 =	vmul.f32 v1, v5;
	[tilespmem:s18+$0x9380] =	vst v4  }
0x243: {  	v3 =	vmul.f32 v3, v5;
	[tilespmem:s18+$0x93A0] =	vst v6  }
0x244: {  	v0 =	vmul.f32 v0, v5;
	[tilespmem:s18+$0x93B0] =	vst v1  }
0x245: {  	v4 =	vmul.f32 v7, v5;
	[tilespmem:s18+$0x9390] =	vst v3  }
0x246: {  	v1 =	vmul.f32 v2, v5;
	[tilespmem:s18+$0x93D0] =	vst v0  }
0x247: {  	s9 =	sor.u32 $0xC0, s17;
	v2 =	vmul.f32 v8, v5;
	[tilespmem:s18+$0x93E0] =	vst v4  }
0x248: {  	s21 =	sadd.s32 s3, s9;
	[tilespmem:s18+$0x93F0] =	vst v1  }
0x249: {  	s19 =	sshll.u32 s21, $0x1;
	[tilespmem:s18+$0x93C0] =	vst v2  }
0x24a: {  	[spmem:s2] =	stream.indirect.scatter.add.f32 [tilespmem:s11], [sflag:$0x6], $0x80, s28, s24, $0xb8;
	[tilespmem:$0x1EA80] =	vst v63  }
0x24b: {  	s20 =	simm.s32 $0x0;
	s19 =	sadd.s32 s7, s19;
	s18 =	sshrl.u32 s21, $0x3  }
0x24c: {  	[tilespmem:s26], [sflag:$0x4] =	stream.linear.gather [hbm4b:s19+s20], $0x400, $0x38;
	[tilespmem:$0x1EA80] =	vst v63  }
0x24d: {  	s18 =	sadd.s32 s6, s18  }
0x24e: {  	[tilespmem:s12], [sflag:$0x2] =	stream.linear.gather [hbm4b:s18+s20], $0x40, $0x38;
	[tilespmem:$0x1EA80] =	vst v63  }
0x24f: {  	_ = 	snop  }
0x250: {  	[tilespmem:s29], [sflag:$0x2] =	stream.indirect.gather [hbm4b:s5+s24], $0x80, s9, s24, $0xb8;
	[tilespmem:$0x1EA80] =	vst v63  }
0x251: {  	_ =	swait.ge [sflag:s30], $0x400  }
0x252: {  	[sflag:s30] =	ssyncset.done $0x0  }
0x253: {  	[sflag:s30] =	ssyncadd.s32 $0xFFFFFC00  }
0x254: {  	_ =	swait.ge [sflag:s31], $0x40  }
0x255: {  	[sflag:s31] =	ssyncset.done $0x0  }
0x256: {  	[sflag:s31] =	ssyncadd.s32 $0xFFFFFFC0  }
0x257: {  	_ =	swait.ge [sflag:s31], $0x2000  }
0x258: {  	[sflag:s31] =	ssyncset.done $0x0  }
0x259: {  	[sflag:s31] =	ssyncadd.s32 $0xFFFFE000  }
0x25a: {  	_ =	swait.ge [sflag:s13], $0x2000  }
0x25b: {  	[sflag:s13] =	ssyncset.done $0x0  }
0x25c: {  	s19 =	simm.s32 $0x2840;
	[sflag:s13] =	ssyncadd.s32 $0xFFFFE000  }
0x25d: {  	s18 =	simm.s32 $0x0;
	v2 =	vld [tilespmem:s19+$0xFFFFFFC0]  }
0x25e: {  	v0 =	vld [tilespmem:s18+$0x3070]  }
0x25f: {  	v1 =	vld [tilespmem:s18+$0x3020]  }
0x260: {  	v3 =	vld [tilespmem:s18+$0x3040]  }
0x261: {  	v4 =	vld [tilespmem:s18+$0x3030]  }
0x262: {  	v5 =	vld [tilespmem:s18+$0x3050]  }
0x263: {  	v6 =	vld [tilespmem:s18+$0x3010];
	v0 =	vmul.f32 v0, v2  }
0x264: {  	v7 =	vld [tilespmem:s18+$0x3060];
	v1 =	vmul.f32 v1, v2  }
0x265: {  	v8 =	vld [tilespmem:s18+$0x3000];
	v3 =	vmul.f32 v3, v2;
	[tilespmem:s18+$0x7070] =	vst v0  }
0x266: {  	v4 =	vmul.f32 v4, v2;
	[tilespmem:s18+$0x7020] =	vst v1  }
0x267: {  	[tilespmem:s18+$0x7040] =	vst v3;
	v3 =	vmul.f32 v5, v2  }
0x268: {  	[tilespmem:s18+$0x7030] =	vst v4;
	v5 =	vmul.f32 v6, v2  }
0x269: {  	v6 =	vmul.f32 v7, v2;
	[tilespmem:s18+$0x7050] =	vst v3  }
0x26a: {  	v2 =	vmul.f32 v8, v2;
	[tilespmem:s18+$0x7010] =	vst v5  }
0x26b: {  	[tilespmem:s18+$0x7060] =	vst v6  }
0x26c: {  	[tilespmem:s18+$0x7000] =	vst v2;
	v2 =	vld [tilespmem:s18+$0x30B0]  }
0x26d: {  	v7 =	vld [tilespmem:s19+$0xFFFFFFD0]  }
0x26e: {  	v6 =	vld [tilespmem:s18+$0x30E0]  }
0x26f: {  	v8 =	vld [tilespmem:s18+$0x3080]  }
0x270: {  	v3 =	vld [tilespmem:s18+$0x30D0]  }
0x271: {  	v4 =	vld [tilespmem:s18+$0x30F0]  }
0x272: {  	v5 =	vld [tilespmem:s18+$0x3090];
	v2 =	vmul.f32 v2, v7  }
0x273: {  	v10 =	vld [tilespmem:s18+$0x30A0];
	v6 =	vmul.f32 v6, v7  }
0x274: {  	v9 =	vld [tilespmem:s18+$0x30C0];
	v8 =	vmul.f32 v8, v7;
	[tilespmem:s18+$0x70B0] =	vst v2  }
0x275: {  	v2 =	vmul.f32 v3, v7;
	[tilespmem:s18+$0x70E0] =	vst v6  }
0x276: {  	[tilespmem:s18+$0x7080] =	vst v8;
	v3 =	vmul.f32 v4, v7  }
0x277: {  	v4 =	vmul.f32 v5, v7;
	[tilespmem:s18+$0x70D0] =	vst v2  }
0x278: {  	v5 =	vmul.f32 v10, v7;
	[tilespmem:s18+$0x70F0] =	vst v3  }
0x279: {  	v6 =	vmul.f32 v9, v7;
	[tilespmem:s18+$0x7090] =	vst v4  }
0x27a: {  	[tilespmem:s18+$0x70A0] =	vst v5  }
0x27b: {  	[tilespmem:s18+$0x70C0] =	vst v6;
	v6 =	vld [tilespmem:s18+$0x3100]  }
0x27c: {  	v7 =	vld [tilespmem:s19+$0xFFFFFFE0]  }
0x27d: {  	v5 =	vld [tilespmem:s18+$0x3130]  }
0x27e: {  	v8 =	vld [tilespmem:s18+$0x3110]  }
0x27f: {  	v3 =	vld [tilespmem:s18+$0x3150]  }
0x280: {  	v2 =	vld [tilespmem:s18+$0x3170]  }
0x281: {  	v4 =	vld [tilespmem:s18+$0x3120];
	v6 =	vmul.f32 v6, v7  }
0x282: {  	v10 =	vld [tilespmem:s18+$0x3160];
	v5 =	vmul.f32 v5, v7  }
0x283: {  	v9 =	vld [tilespmem:s18+$0x3140];
	v8 =	vmul.f32 v8, v7;
	[tilespmem:s18+$0x7100] =	vst v6  }
0x284: {  	v3 =	vmul.f32 v3, v7;
	[tilespmem:s18+$0x7130] =	vst v5  }
0x285: {  	v2 =	vmul.f32 v2, v7;
	[tilespmem:s18+$0x7110] =	vst v8  }
0x286: {  	v4 =	vmul.f32 v4, v7;
	[tilespmem:s18+$0x7150] =	vst v3  }
0x287: {  	[tilespmem:s18+$0x7170] =	vst v2;
	v5 =	vmul.f32 v10, v7  }
0x288: {  	[tilespmem:s18+$0x7120] =	vst v4;
	v6 =	vmul.f32 v9, v7  }
0x289: {  	[tilespmem:s18+$0x7160] =	vst v5  }
0x28a: {  	[tilespmem:s18+$0x7140] =	vst v6;
	v6 =	vld [tilespmem:s18+$0x3190]  }
0x28b: {  	v7 =	vld [tilespmem:s19+$0xFFFFFFF0]  }
0x28c: {  	v5 =	vld [tilespmem:s18+$0x31F0]  }
0x28d: {  	v2 =	vld [tilespmem:s18+$0x31C0]  }
0x28e: {  	v3 =	vld [tilespmem:s18+$0x31E0]  }
0x28f: {  	v4 =	vld [tilespmem:s18+$0x31A0]  }
0x290: {  	v8 =	vld [tilespmem:s18+$0x3180];
	v6 =	vmul.f32 v6, v7  }
0x291: {  	v10 =	vld [tilespmem:s18+$0x31D0];
	v5 =	vmul.f32 v5, v7  }
0x292: {  	v9 =	vld [tilespmem:s18+$0x31B0];
	v2 =	vmul.f32 v2, v7;
	[tilespmem:s18+$0x7190] =	vst v6  }
0x293: {  	v0 =	vld [tilespmem:s18+$0x3240];
	v3 =	vmul.f32 v3, v7;
	[tilespmem:s18+$0x71F0] =	vst v5  }
0x294: {  	v1 =	vld [tilespmem:s18+$0x3270];
	v4 =	vmul.f32 v4, v7;
	[tilespmem:s18+$0x71C0] =	vst v2  }
0x295: {  	v8 =	vmul.f32 v8, v7;
	[tilespmem:s18+$0x71E0] =	vst v3;
	v2 =	vld [tilespmem:s18+$0x3250]  }
0x296: {  	v3 =	vmul.f32 v10, v7;
	[tilespmem:s18+$0x71A0] =	vst v4;
	v4 =	vld [tilespmem:s18+$0x3210]  }
0x297: {  	[tilespmem:s18+$0x7180] =	vst v8;
	v5 =	vmul.f32 v9, v7;
	v6 =	vld [tilespmem:s18+$0x3260]  }
0x298: {  	v7 =	vld [tilespmem:s18+$0x3220];
	[tilespmem:s18+$0x71D0] =	vst v3  }
0x299: {  	v8 =	vld [tilespmem:s18+$0x3200];
	[tilespmem:s18+$0x71B0] =	vst v5  }
0x29a: {  	v3 =	vld [tilespmem:s19+$0x0]  }
0x29b: {  	s21 =	simm.s32 $0x2840;
	s9 =	simm.s32 $0x1000;
	v5 =	vld [tilespmem:s18+$0x3230]  }
.LBB2_7:
0x29c: {  	p1 =	sne.s32 s9, $0x7000  }
0x29d: {  	s19 =	sadd.s32 $0x80, s19;
	s20 =	smov.u32 s9;
	s9 =	sadd.s32 $0x1000, s9  }
0x29e: {  	_ = 	snop  }
0x29f: {  	v7 =	vmul.f32 v7, v3;
	v6 =	vmul.f32 v6, v3  }
0x2a0: {  	v4 =	vmul.f32 v4, v3;
	v8 =	vmul.f32 v8, v3  }
0x2a1: {  	v2 =	vmul.f32 v2, v3;
	[tilespmem:s18+$0x7220] =	vst v7;
	v5 =	vmul.f32 v5, v3  }
0x2a2: {  	v0 =	vmul.f32 v0, v3;
	v1 =	vmul.f32 v1, v3;
	[tilespmem:s18+$0x7200] =	vst v8  }
0x2a3: {  	[tilespmem:s18+$0x7260] =	vst v6  }
0x2a4: {  	[tilespmem:s18+$0x7250] =	vst v2;
	v2 =	vld [tilespmem:s18+$0x32E0]  }
0x2a5: {  	[tilespmem:s18+$0x7270] =	vst v1;
	v1 =	vld [tilespmem:s18+$0x32D0]  }
0x2a6: {  	[tilespmem:s18+$0x7210] =	vst v4;
	v3 =	vld [tilespmem:s18+$0x32B0]  }
0x2a7: {  	[tilespmem:s18+$0x7240] =	vst v0;
	v0 =	vld [tilespmem:s18+$0x32F0]  }
0x2a8: {  	[tilespmem:s18+$0x7230] =	vst v5;
	v4 =	vld [tilespmem:s18+$0x3280]  }
0x2a9: {  	v5 =	vld [tilespmem:s21+$0x10]  }
0x2aa: {  	v6 =	vld [tilespmem:s18+$0x32A0]  }
0x2ab: {  	v7 =	vld [tilespmem:s18+$0x32C0]  }
0x2ac: {  	v8 =	vld [tilespmem:s18+$0x3290];
	_ =	sdelay $0x1  }
0x2ad: {  	v4 =	vmul.f32 v4, v5;
	v0 =	vmul.f32 v0, v5  }
0x2ae: {  	v3 =	vmul.f32 v3, v5;
	v6 =	vmul.f32 v6, v5  }
0x2af: {  	v1 =	vmul.f32 v1, v5;
	[tilespmem:s18+$0x7280] =	vst v4;
	v4 =	vmul.f32 v7, v5  }
0x2b0: {  	v2 =	vmul.f32 v2, v5;
	v7 =	vmul.f32 v8, v5;
	[tilespmem:s18+$0x72B0] =	vst v3  }
0x2b1: {  	[tilespmem:s18+$0x72F0] =	vst v0  }
0x2b2: {  	[tilespmem:s18+$0x72A0] =	vst v6  }
0x2b3: {  	[tilespmem:s18+$0x7290] =	vst v7;
	v0 =	vld [tilespmem:s18+$0x3350]  }
0x2b4: {  	[tilespmem:s18+$0x72D0] =	vst v1;
	v1 =	vld [tilespmem:s18+$0x3330]  }
0x2b5: {  	[tilespmem:s18+$0x72E0] =	vst v2;
	v2 =	vld [tilespmem:s18+$0x3310]  }
0x2b6: {  	[tilespmem:s18+$0x72C0] =	vst v4;
	v3 =	vld [tilespmem:s18+$0x3300]  }
0x2b7: {  	v4 =	vld [tilespmem:s21+$0x20]  }
0x2b8: {  	v5 =	vld [tilespmem:s18+$0x3320]  }
0x2b9: {  	v6 =	vld [tilespmem:s18+$0x3340]  }
0x2ba: {  	v7 =	vld [tilespmem:s18+$0x3370]  }
0x2bb: {  	v8 =	vld [tilespmem:s18+$0x3360]  }
0x2bc: {  	v3 =	vmul.f32 v3, v4;
	v2 =	vmul.f32 v2, v4  }
0x2bd: {  	v1 =	vmul.f32 v1, v4;
	v5 =	vmul.f32 v5, v4  }
0x2be: {  	v0 =	vmul.f32 v0, v4;
	[tilespmem:s18+$0x7300] =	vst v3;
	v3 =	vmul.f32 v6, v4  }
0x2bf: {  	[tilespmem:s18+$0x7310] =	vst v2;
	v2 =	vmul.f32 v7, v4  }
0x2c0: {  	[tilespmem:s18+$0x7330] =	vst v1;
	v1 =	vmul.f32 v8, v4  }
0x2c1: {  	[tilespmem:s18+$0x7340] =	vst v3;
	v3 =	vld [tilespmem:s18+$0x33F0]  }
0x2c2: {  	[tilespmem:s18+$0x7360] =	vst v1;
	v1 =	vld [tilespmem:s18+$0x33D0]  }
0x2c3: {  	[tilespmem:s18+$0x7350] =	vst v0;
	v0 =	vld [tilespmem:s18+$0x33B0]  }
0x2c4: {  	[tilespmem:s18+$0x7320] =	vst v5;
	v4 =	vld [tilespmem:s18+$0x3390]  }
0x2c5: {  	[tilespmem:s18+$0x7370] =	vst v2;
	v2 =	vld [tilespmem:s18+$0x3380]  }
0x2c6: {  	v5 =	vld [tilespmem:s21+$0x30];
	s21 =	smov.u32 s19  }
0x2c7: {  	v6 =	vld [tilespmem:s18+$0x33A0]  }
0x2c8: {  	v7 =	vld [tilespmem:s18+$0x33C0]  }
0x2c9: {  	v8 =	vld [tilespmem:s18+$0x33E0];
	_ =	sdelay $0x1  }
0x2ca: {  	v2 =	vmul.f32 v2, v5;
	v4 =	vmul.f32 v4, v5  }
0x2cb: {  	v0 =	vmul.f32 v0, v5;
	v6 =	vmul.f32 v6, v5  }
0x2cc: {  	v1 =	vmul.f32 v1, v5;
	[tilespmem:s18+$0x7380] =	vst v2;
	v2 =	vmul.f32 v7, v5  }
0x2cd: {  	v3 =	vmul.f32 v3, v5;
	[tilespmem:s18+$0x73A0] =	vst v6;
	v6 =	vmul.f32 v8, v5  }
0x2ce: {  	[tilespmem:s18+$0x73B0] =	vst v0  }
0x2cf: {  	[tilespmem:s18+$0x73E0] =	vst v6  }
0x2d0: {  	[tilespmem:s18+$0x7390] =	vst v4  }
0x2d1: {  	[tilespmem:s18+$0x73F0] =	vst v3  }
0x2d2: {  	[tilespmem:s18+$0x73C0] =	vst v2  }
0x2d3: {  	[tilespmem:s18+$0x73D0] =	vst v1  }
0x2d4: {  	s18 =	sshra.s32 s20, $0x2;
	v2 =	vld [tilespmem:s19+$0xFFFFFFC0]  }
0x2d5: {  	v0 =	vld [tilespmem:s18+$0x3070]  }
0x2d6: {  	v1 =	vld [tilespmem:s18+$0x3020]  }
0x2d7: {  	v3 =	vld [tilespmem:s18+$0x3040]  }
0x2d8: {  	v4 =	vld [tilespmem:s18+$0x3030]  }
0x2d9: {  	v5 =	vld [tilespmem:s18+$0x3050]  }
0x2da: {  	v6 =	vld [tilespmem:s18+$0x3010];
	v0 =	vmul.f32 v0, v2  }
0x2db: {  	v1 =	vmul.f32 v1, v2;
	v7 =	vld [tilespmem:s18+$0x3060]  }
0x2dc: {  	v8 =	vld [tilespmem:s18+$0x3000];
	v3 =	vmul.f32 v3, v2;
	[tilespmem:s18+$0x7070] =	vst v0  }
0x2dd: {  	[tilespmem:s18+$0x7020] =	vst v1;
	v4 =	vmul.f32 v4, v2;
	v0 =	vld [tilespmem:s18+$0x3240]  }
0x2de: {  	[tilespmem:s18+$0x7040] =	vst v3;
	v3 =	vmul.f32 v5, v2;
	v1 =	vld [tilespmem:s18+$0x3270]  }
0x2df: {  	v5 =	vmul.f32 v6, v2;
	[tilespmem:s18+$0x7030] =	vst v4;
	v4 =	vld [tilespmem:s18+$0x30F0]  }
0x2e0: {  	[tilespmem:s18+$0x7050] =	vst v3;
	v3 =	vmul.f32 v7, v2;
	v6 =	vld [tilespmem:s18+$0x30D0]  }
0x2e1: {  	v2 =	vmul.f32 v8, v2;
	[tilespmem:s18+$0x7010] =	vst v5;
	v5 =	vld [tilespmem:s18+$0x3090]  }
0x2e2: {  	[tilespmem:s18+$0x7060] =	vst v3;
	v3 =	vld [tilespmem:s18+$0x30E0]  }
0x2e3: {  	[tilespmem:s18+$0x7000] =	vst v2;
	v2 =	vld [tilespmem:s18+$0x30B0]  }
0x2e4: {  	v7 =	vld [tilespmem:s19+$0xFFFFFFD0]  }
0x2e5: {  	v8 =	vld [tilespmem:s18+$0x3080]  }
0x2e6: {  	v9 =	vld [tilespmem:s18+$0x30C0]  }
0x2e7: {  	v10 =	vld [tilespmem:s18+$0x30A0];
	_ =	sdelay $0x1  }
0x2e8: {  	v2 =	vmul.f32 v2, v7;
	v3 =	vmul.f32 v3, v7  }
0x2e9: {  	v5 =	vmul.f32 v5, v7;
	v8 =	vmul.f32 v8, v7  }
0x2ea: {  	v6 =	vmul.f32 v6, v7;
	[tilespmem:s18+$0x70B0] =	vst v2;
	v2 =	vmul.f32 v9, v7  }
0x2eb: {  	v9 =	vmul.f32 v10, v7;
	[tilespmem:s18+$0x70E0] =	vst v3;
	v3 =	vmul.f32 v4, v7  }
0x2ec: {  	[tilespmem:s18+$0x7080] =	vst v8  }
0x2ed: {  	[tilespmem:s18+$0x70D0] =	vst v6;
	v4 =	vld [tilespmem:s18+$0x3170]  }
0x2ee: {  	[tilespmem:s18+$0x70F0] =	vst v3;
	v3 =	vld [tilespmem:s18+$0x3150]  }
0x2ef: {  	[tilespmem:s18+$0x7090] =	vst v5;
	v5 =	vld [tilespmem:s18+$0x3120]  }
0x2f0: {  	[tilespmem:s18+$0x70A0] =	vst v9;
	v6 =	vld [tilespmem:s18+$0x3130]  }
0x2f1: {  	[tilespmem:s18+$0x70C0] =	vst v2;
	v2 =	vld [tilespmem:s18+$0x3100]  }
0x2f2: {  	v7 =	vld [tilespmem:s19+$0xFFFFFFE0]  }
0x2f3: {  	v8 =	vld [tilespmem:s18+$0x3110]  }
0x2f4: {  	v9 =	vld [tilespmem:s18+$0x3140]  }
0x2f5: {  	v10 =	vld [tilespmem:s18+$0x3160];
	_ =	sdelay $0x1  }
0x2f6: {  	v2 =	vmul.f32 v2, v7;
	v6 =	vmul.f32 v6, v7  }
0x2f7: {  	v5 =	vmul.f32 v5, v7;
	v8 =	vmul.f32 v8, v7  }
0x2f8: {  	v3 =	vmul.f32 v3, v7;
	[tilespmem:s18+$0x7100] =	vst v2;
	v2 =	vmul.f32 v9, v7  }
0x2f9: {  	v4 =	vmul.f32 v4, v7;
	[tilespmem:s18+$0x7130] =	vst v6;
	v6 =	vmul.f32 v10, v7  }
0x2fa: {  	[tilespmem:s18+$0x7110] =	vst v8  }
0x2fb: {  	[tilespmem:s18+$0x7150] =	vst v3;
	v3 =	vld [tilespmem:s18+$0x31E0]  }
0x2fc: {  	[tilespmem:s18+$0x7170] =	vst v4;
	v4 =	vld [tilespmem:s18+$0x31C0]  }
0x2fd: {  	[tilespmem:s18+$0x7120] =	vst v5;
	v5 =	vld [tilespmem:s18+$0x31A0]  }
0x2fe: {  	[tilespmem:s18+$0x7160] =	vst v6;
	v6 =	vld [tilespmem:s18+$0x31F0]  }
0x2ff: {  	[tilespmem:s18+$0x7140] =	vst v2;
	v2 =	vld [tilespmem:s18+$0x3190]  }
0x300: {  	v7 =	vld [tilespmem:s19+$0xFFFFFFF0]  }
0x301: {  	v8 =	vld [tilespmem:s18+$0x3180]  }
0x302: {  	v9 =	vld [tilespmem:s18+$0x31B0]  }
0x303: {  	v10 =	vld [tilespmem:s18+$0x31D0];
	_ =	sdelay $0x1  }
0x304: {  	v2 =	vmul.f32 v2, v7;
	v6 =	vmul.f32 v6, v7  }
0x305: {  	v5 =	vmul.f32 v5, v7;
	v8 =	vmul.f32 v8, v7  }
0x306: {  	[tilespmem:s18+$0x7190] =	vst v2;
	v9 =	vmul.f32 v9, v7;
	v2 =	vmul.f32 v4, v7  }
0x307: {  	v3 =	vmul.f32 v3, v7;
	v10 =	vmul.f32 v10, v7;
	[tilespmem:s18+$0x71F0] =	vst v6  }
0x308: {  	[tilespmem:s18+$0x7180] =	vst v8  }
0x309: {  	[tilespmem:s18+$0x71C0] =	vst v2  }
0x30a: {  	[tilespmem:s18+$0x71E0] =	vst v3;
	v2 =	vld [tilespmem:s18+$0x3250]  }
0x30b: {  	[tilespmem:s18+$0x71A0] =	vst v5;
	v4 =	vld [tilespmem:s18+$0x3210]  }
.Ltmp4:
0x30c: {  	[tilespmem:s18+$0x71D0] =	vst v10;
	v6 =	vld [tilespmem:s18+$0x3260];
	(pc) =	sbr.rel @p1 .LBB2_7-.Ltmp4, $4  }
0x30d: {  	[tilespmem:s18+$0x71B0] =	vst v9;
	v7 =	vld [tilespmem:s18+$0x3220]  }
0x30e: {  	v3 =	vld [tilespmem:s19+$0x0]  }
0x30f: {  	v8 =	vld [tilespmem:s18+$0x3200]  }
0x310: {  	v5 =	vld [tilespmem:s18+$0x3230]  }
0x311: {  	_ =	sdelay $0x1  }
0x312: {  	v7 =	vmul.f32 v7, v3  }
0x313: {  	v6 =	vmul.f32 v6, v3  }
0x314: {  	v2 =	vmul.f32 v2, v3;
	[tilespmem:s18+$0x7220] =	vst v7  }
0x315: {  	v1 =	vmul.f32 v1, v3;
	[tilespmem:s18+$0x7260] =	vst v6  }
0x316: {  	v4 =	vmul.f32 v4, v3;
	[tilespmem:s18+$0x7250] =	vst v2  }
0x317: {  	v0 =	vmul.f32 v0, v3;
	[tilespmem:s18+$0x7270] =	vst v1  }
0x318: {  	v8 =	vmul.f32 v8, v3;
	[tilespmem:s18+$0x7210] =	vst v4  }
0x319: {  	v3 =	vmul.f32 v5, v3;
	[tilespmem:s18+$0x7240] =	vst v0  }
0x31a: {  	[tilespmem:s18+$0x7200] =	vst v8  }
0x31b: {  	[tilespmem:s18+$0x7230] =	vst v3;
	v3 =	vld [tilespmem:s18+$0x3280]  }
0x31c: {  	v5 =	vld [tilespmem:s21+$0x10]  }
0x31d: {  	v4 =	vld [tilespmem:s18+$0x32B0]  }
0x31e: {  	v0 =	vld [tilespmem:s18+$0x32F0]  }
0x31f: {  	v2 =	vld [tilespmem:s18+$0x32E0]  }
0x320: {  	v6 =	vld [tilespmem:s18+$0x32A0]  }
0x321: {  	v7 =	vld [tilespmem:s18+$0x3290];
	v3 =	vmul.f32 v3, v5  }
0x322: {  	v1 =	vld [tilespmem:s18+$0x32D0];
	v4 =	vmul.f32 v4, v5  }
0x323: {  	v8 =	vld [tilespmem:s18+$0x32C0];
	v0 =	vmul.f32 v0, v5;
	[tilespmem:s18+$0x7280] =	vst v3  }
0x324: {  	v2 =	vmul.f32 v2, v5;
	[tilespmem:s18+$0x72B0] =	vst v4  }
0x325: {  	v3 =	vmul.f32 v6, v5;
	[tilespmem:s18+$0x72F0] =	vst v0  }
0x326: {  	v4 =	vmul.f32 v7, v5;
	[tilespmem:s18+$0x72E0] =	vst v2  }
0x327: {  	v0 =	vmul.f32 v1, v5;
	[tilespmem:s18+$0x72A0] =	vst v3  }
0x328: {  	[tilespmem:s18+$0x7290] =	vst v4;
	v3 =	vmul.f32 v8, v5  }
0x329: {  	[tilespmem:s18+$0x72D0] =	vst v0  }
0x32a: {  	[tilespmem:s18+$0x72C0] =	vst v3;
	v3 =	vld [tilespmem:s18+$0x3300]  }
0x32b: {  	v4 =	vld [tilespmem:s21+$0x20]  }
0x32c: {  	v2 =	vld [tilespmem:s18+$0x3310]  }
0x32d: {  	v0 =	vld [tilespmem:s18+$0x3330]  }
0x32e: {  	v1 =	vld [tilespmem:s18+$0x3350]  }
0x32f: {  	v5 =	vld [tilespmem:s18+$0x3340]  }
0x330: {  	v7 =	vld [tilespmem:s18+$0x3360];
	v3 =	vmul.f32 v3, v4  }
0x331: {  	v6 =	vld [tilespmem:s18+$0x3320];
	v2 =	vmul.f32 v2, v4  }
0x332: {  	v8 =	vld [tilespmem:s18+$0x3370];
	v0 =	vmul.f32 v0, v4;
	[tilespmem:s18+$0x7300] =	vst v3  }
0x333: {  	v1 =	vmul.f32 v1, v4;
	[tilespmem:s18+$0x7310] =	vst v2  }
0x334: {  	v3 =	vmul.f32 v5, v4;
	[tilespmem:s18+$0x7330] =	vst v0  }
0x335: {  	v0 =	vmul.f32 v7, v4;
	[tilespmem:s18+$0x7350] =	vst v1  }
0x336: {  	[tilespmem:s18+$0x7340] =	vst v3;
	v3 =	vmul.f32 v6, v4  }
0x337: {  	[tilespmem:s18+$0x7360] =	vst v0;
	v4 =	vmul.f32 v8, v4  }
0x338: {  	[tilespmem:s18+$0x7320] =	vst v3  }
0x339: {  	[tilespmem:s18+$0x7370] =	vst v4;
	v4 =	vld [tilespmem:s18+$0x3380]  }
0x33a: {  	v5 =	vld [tilespmem:s21+$0x30]  }
0x33b: {  	v6 =	vld [tilespmem:s18+$0x33A0]  }
0x33c: {  	v1 =	vld [tilespmem:s18+$0x33B0]  }
0x33d: {  	v3 =	vld [tilespmem:s18+$0x3390]  }
0x33e: {  	v0 =	vld [tilespmem:s18+$0x33D0]  }
0x33f: {  	v7 =	vld [tilespmem:s18+$0x33E0];
	v4 =	vmul.f32 v4, v5  }
0x340: {  	v2 =	vld [tilespmem:s18+$0x33F0];
	v6 =	vmul.f32 v6, v5  }
0x341: {  	v8 =	vld [tilespmem:s18+$0x33C0];
	v1 =	vmul.f32 v1, v5;
	[tilespmem:s18+$0x7380] =	vst v4  }
0x342: {  	v3 =	vmul.f32 v3, v5;
	[tilespmem:s18+$0x73A0] =	vst v6  }
0x343: {  	v0 =	vmul.f32 v0, v5;
	[tilespmem:s18+$0x73B0] =	vst v1  }
0x344: {  	v4 =	vmul.f32 v7, v5;
	[tilespmem:s18+$0x7390] =	vst v3  }
0x345: {  	v1 =	vmul.f32 v2, v5;
	[tilespmem:s18+$0x73D0] =	vst v0  }
0x346: {  	p1 =	seq.s32 s16, $0x27;
	v2 =	vmul.f32 v8, v5;
	[tilespmem:s18+$0x73E0] =	vst v4  }
0x347: {  	s9 =	sadd.s32 @!p1 $0x100, s17;
	[tilespmem:s18+$0x73F0] =	vst v1  }
0x348: {  	[tilespmem:s18+$0x73C0] =	vst v2;
	s18 =	sadd.s32 @!p1 s3, s9  }
0x349: {  	[spmem:s2] =	stream.indirect.scatter.add.f32 [tilespmem:s1], [sflag:$0x5], $0x80, s0, s24, $0xb8;
	[tilespmem:$0x1EA80] =	vst v63  }
0x34a: {  	s20 =	simm.s32 @!p1 $0x0;
	s19 =	sshll.u32 @!p1 s18, $0x1  }
0x34b: {  	s21 =	simm.s32 @!p1 $0x2800;
	s18 =	sshrl.u32 @!p1 s18, $0x3;
	s19 =	sadd.s32 @!p1 s7, s19  }
0x34c: {  	[tilespmem:s21], [sflag:$0x3] =	stream.linear.gather @!p1 [hbm4b:s19+s20], $0x400, $0x38;
	[tilespmem:$0x1EA80] =	vst v63  }
0x34d: {  	s18 =	sadd.s32 @!p1 s6, s18;
	s19 =	simm.s32 @!p1 $0xB000  }
0x34e: {  	[tilespmem:s19], [sflag:$0x1] =	stream.linear.gather @!p1 [hbm4b:s18+s20], $0x40, $0x38;
	[tilespmem:$0x1EA80] =	vst v63  }
0x34f: {  	s18 =	simm.s32 @!p1 $0x40;
	s19 =	simm.s32 @!p1 $0x3000  }
0x350: {  	[tilespmem:s19], [sflag:$0x1] =	stream.indirect.gather @!p1 [hbm4b:s5+s18], $0x80, s9, s18, $0xb8;
	[tilespmem:$0x1EA80] =	vst v63  }
0x351: {  	_ =	swait.ge [sflag:s8], $0x400  }
0x352: {  	[sflag:s8] =	ssyncset.done $0x0  }
0x353: {  	[sflag:s8] =	ssyncadd.s32 $0xFFFFFC00  }
0x354: {  	_ =	swait.ge [sflag:s10], $0x40  }
0x355: {  	[sflag:s10] =	ssyncset.done $0x0  }
0x356: {  	[sflag:s10] =	ssyncadd.s32 $0xFFFFFFC0  }
0x357: {  	_ =	swait.ge [sflag:s10], $0x2000  }
0x358: {  	[sflag:s10] =	ssyncset.done $0x0  }
0x359: {  	[sflag:s10] =	ssyncadd.s32 $0xFFFFE000  }
0x35a: {  	_ =	swait.ge [sflag:s14], $0x2000  }
0x35b: {  	[sflag:s14] =	ssyncset.done $0x0  }
0x35c: {  	s19 =	simm.s32 $0x2C40;
	[sflag:s14] =	ssyncadd.s32 $0xFFFFE000  }
0x35d: {  	s18 =	simm.s32 $0x0;
	v2 =	vld [tilespmem:s19+$0xFFFFFFC0]  }
0x35e: {  	v0 =	vld [tilespmem:s18+$0x5070]  }
0x35f: {  	v1 =	vld [tilespmem:s18+$0x5020]  }
0x360: {  	v3 =	vld [tilespmem:s18+$0x5040]  }
0x361: {  	v4 =	vld [tilespmem:s18+$0x5030]  }
0x362: {  	v5 =	vld [tilespmem:s18+$0x5050]  }
0x363: {  	v6 =	vld [tilespmem:s18+$0x5010];
	v0 =	vmul.f32 v0, v2  }
0x364: {  	v7 =	vld [tilespmem:s18+$0x5060];
	v1 =	vmul.f32 v1, v2  }
0x365: {  	v8 =	vld [tilespmem:s18+$0x5000];
	v3 =	vmul.f32 v3, v2;
	[tilespmem:s18+$0x9070] =	vst v0  }
0x366: {  	v4 =	vmul.f32 v4, v2;
	[tilespmem:s18+$0x9020] =	vst v1  }
0x367: {  	[tilespmem:s18+$0x9040] =	vst v3;
	v3 =	vmul.f32 v5, v2  }
0x368: {  	[tilespmem:s18+$0x9030] =	vst v4;
	v5 =	vmul.f32 v6, v2  }
0x369: {  	v6 =	vmul.f32 v7, v2;
	[tilespmem:s18+$0x9050] =	vst v3  }
0x36a: {  	v2 =	vmul.f32 v8, v2;
	[tilespmem:s18+$0x9010] =	vst v5  }
0x36b: {  	[tilespmem:s18+$0x9060] =	vst v6  }
0x36c: {  	[tilespmem:s18+$0x9000] =	vst v2;
	v2 =	vld [tilespmem:s18+$0x50B0]  }
0x36d: {  	v7 =	vld [tilespmem:s19+$0xFFFFFFD0]  }
0x36e: {  	v6 =	vld [tilespmem:s18+$0x50E0]  }
0x36f: {  	v8 =	vld [tilespmem:s18+$0x5080]  }
0x370: {  	v3 =	vld [tilespmem:s18+$0x50D0]  }
0x371: {  	v4 =	vld [tilespmem:s18+$0x50F0]  }
0x372: {  	v5 =	vld [tilespmem:s18+$0x5090];
	v2 =	vmul.f32 v2, v7  }
0x373: {  	v10 =	vld [tilespmem:s18+$0x50A0];
	v6 =	vmul.f32 v6, v7  }
0x374: {  	v9 =	vld [tilespmem:s18+$0x50C0];
	v8 =	vmul.f32 v8, v7;
	[tilespmem:s18+$0x90B0] =	vst v2  }
0x375: {  	v2 =	vmul.f32 v3, v7;
	[tilespmem:s18+$0x90E0] =	vst v6  }
0x376: {  	[tilespmem:s18+$0x9080] =	vst v8;
	v3 =	vmul.f32 v4, v7  }
0x377: {  	v4 =	vmul.f32 v5, v7;
	[tilespmem:s18+$0x90D0] =	vst v2  }
0x378: {  	v5 =	vmul.f32 v10, v7;
	[tilespmem:s18+$0x90F0] =	vst v3  }
0x379: {  	v6 =	vmul.f32 v9, v7;
	[tilespmem:s18+$0x9090] =	vst v4  }
0x37a: {  	[tilespmem:s18+$0x90A0] =	vst v5  }
0x37b: {  	[tilespmem:s18+$0x90C0] =	vst v6;
	v6 =	vld [tilespmem:s18+$0x5100]  }
0x37c: {  	v7 =	vld [tilespmem:s19+$0xFFFFFFE0]  }
0x37d: {  	v5 =	vld [tilespmem:s18+$0x5130]  }
0x37e: {  	v8 =	vld [tilespmem:s18+$0x5110]  }
0x37f: {  	v3 =	vld [tilespmem:s18+$0x5150]  }
0x380: {  	v2 =	vld [tilespmem:s18+$0x5170]  }
0x381: {  	v4 =	vld [tilespmem:s18+$0x5120];
	v6 =	vmul.f32 v6, v7  }
0x382: {  	v10 =	vld [tilespmem:s18+$0x5160];
	v5 =	vmul.f32 v5, v7  }
0x383: {  	v9 =	vld [tilespmem:s18+$0x5140];
	v8 =	vmul.f32 v8, v7;
	[tilespmem:s18+$0x9100] =	vst v6  }
0x384: {  	v3 =	vmul.f32 v3, v7;
	[tilespmem:s18+$0x9130] =	vst v5  }
0x385: {  	v2 =	vmul.f32 v2, v7;
	[tilespmem:s18+$0x9110] =	vst v8  }
0x386: {  	v4 =	vmul.f32 v4, v7;
	[tilespmem:s18+$0x9150] =	vst v3  }
0x387: {  	[tilespmem:s18+$0x9170] =	vst v2;
	v5 =	vmul.f32 v10, v7  }
0x388: {  	[tilespmem:s18+$0x9120] =	vst v4;
	v6 =	vmul.f32 v9, v7  }
0x389: {  	[tilespmem:s18+$0x9160] =	vst v5  }
0x38a: {  	[tilespmem:s18+$0x9140] =	vst v6;
	v6 =	vld [tilespmem:s18+$0x5190]  }
0x38b: {  	v7 =	vld [tilespmem:s19+$0xFFFFFFF0]  }
0x38c: {  	v5 =	vld [tilespmem:s18+$0x51F0]  }
0x38d: {  	v2 =	vld [tilespmem:s18+$0x51C0]  }
0x38e: {  	v3 =	vld [tilespmem:s18+$0x51E0]  }
0x38f: {  	v4 =	vld [tilespmem:s18+$0x51A0]  }
0x390: {  	v8 =	vld [tilespmem:s18+$0x5180];
	v6 =	vmul.f32 v6, v7  }
0x391: {  	v10 =	vld [tilespmem:s18+$0x51D0];
	v5 =	vmul.f32 v5, v7  }
0x392: {  	v9 =	vld [tilespmem:s18+$0x51B0];
	v2 =	vmul.f32 v2, v7;
	[tilespmem:s18+$0x9190] =	vst v6  }
0x393: {  	v0 =	vld [tilespmem:s18+$0x5240];
	v3 =	vmul.f32 v3, v7;
	[tilespmem:s18+$0x91F0] =	vst v5  }
0x394: {  	v1 =	vld [tilespmem:s18+$0x5270];
	v4 =	vmul.f32 v4, v7;
	[tilespmem:s18+$0x91C0] =	vst v2  }
0x395: {  	v8 =	vmul.f32 v8, v7;
	[tilespmem:s18+$0x91E0] =	vst v3;
	v2 =	vld [tilespmem:s18+$0x5250]  }
0x396: {  	v3 =	vmul.f32 v10, v7;
	[tilespmem:s18+$0x91A0] =	vst v4;
	v4 =	vld [tilespmem:s18+$0x5210]  }
0x397: {  	[tilespmem:s18+$0x9180] =	vst v8;
	v5 =	vmul.f32 v9, v7;
	v6 =	vld [tilespmem:s18+$0x5260]  }
0x398: {  	v7 =	vld [tilespmem:s18+$0x5220];
	[tilespmem:s18+$0x91D0] =	vst v3  }
0x399: {  	v8 =	vld [tilespmem:s18+$0x5200];
	[tilespmem:s18+$0x91B0] =	vst v5  }
0x39a: {  	v3 =	vld [tilespmem:s19+$0x0]  }
0x39b: {  	s21 =	simm.s32 $0x2C40;
	s9 =	simm.s32 $0x1000;
	v5 =	vld [tilespmem:s18+$0x5230]  }
.LBB2_9:
0x39c: {  	p2 =	sne.s32 s9, $0x7000  }
0x39d: {  	s19 =	sadd.s32 $0x80, s19;
	s20 =	smov.u32 s9;
	s9 =	sadd.s32 $0x1000, s9  }
0x39e: {  	_ = 	snop  }
0x39f: {  	v7 =	vmul.f32 v7, v3;
	v6 =	vmul.f32 v6, v3  }
0x3a0: {  	v4 =	vmul.f32 v4, v3;
	v8 =	vmul.f32 v8, v3  }
0x3a1: {  	v2 =	vmul.f32 v2, v3;
	[tilespmem:s18+$0x9220] =	vst v7;
	v5 =	vmul.f32 v5, v3  }
0x3a2: {  	v0 =	vmul.f32 v0, v3;
	v1 =	vmul.f32 v1, v3;
	[tilespmem:s18+$0x9200] =	vst v8  }
0x3a3: {  	[tilespmem:s18+$0x9260] =	vst v6  }
0x3a4: {  	[tilespmem:s18+$0x9250] =	vst v2;
	v2 =	vld [tilespmem:s18+$0x52E0]  }
0x3a5: {  	[tilespmem:s18+$0x9270] =	vst v1;
	v1 =	vld [tilespmem:s18+$0x52D0]  }
0x3a6: {  	[tilespmem:s18+$0x9210] =	vst v4;
	v3 =	vld [tilespmem:s18+$0x52B0]  }
0x3a7: {  	[tilespmem:s18+$0x9240] =	vst v0;
	v0 =	vld [tilespmem:s18+$0x52F0]  }
0x3a8: {  	[tilespmem:s18+$0x9230] =	vst v5;
	v4 =	vld [tilespmem:s18+$0x5280]  }
0x3a9: {  	v5 =	vld [tilespmem:s21+$0x10]  }
0x3aa: {  	v6 =	vld [tilespmem:s18+$0x52A0]  }
0x3ab: {  	v7 =	vld [tilespmem:s18+$0x52C0]  }
0x3ac: {  	v8 =	vld [tilespmem:s18+$0x5290];
	_ =	sdelay $0x1  }
0x3ad: {  	v4 =	vmul.f32 v4, v5;
	v0 =	vmul.f32 v0, v5  }
0x3ae: {  	v3 =	vmul.f32 v3, v5;
	v6 =	vmul.f32 v6, v5  }
0x3af: {  	v1 =	vmul.f32 v1, v5;
	[tilespmem:s18+$0x9280] =	vst v4;
	v4 =	vmul.f32 v7, v5  }
0x3b0: {  	v2 =	vmul.f32 v2, v5;
	v7 =	vmul.f32 v8, v5;
	[tilespmem:s18+$0x92B0] =	vst v3  }
0x3b1: {  	[tilespmem:s18+$0x92F0] =	vst v0  }
0x3b2: {  	[tilespmem:s18+$0x92A0] =	vst v6  }
0x3b3: {  	[tilespmem:s18+$0x9290] =	vst v7;
	v0 =	vld [tilespmem:s18+$0x5350]  }
0x3b4: {  	[tilespmem:s18+$0x92D0] =	vst v1;
	v1 =	vld [tilespmem:s18+$0x5330]  }
0x3b5: {  	[tilespmem:s18+$0x92E0] =	vst v2;
	v2 =	vld [tilespmem:s18+$0x5310]  }
0x3b6: {  	[tilespmem:s18+$0x92C0] =	vst v4;
	v3 =	vld [tilespmem:s18+$0x5300]  }
0x3b7: {  	v4 =	vld [tilespmem:s21+$0x20]  }
0x3b8: {  	v5 =	vld [tilespmem:s18+$0x5320]  }
0x3b9: {  	v6 =	vld [tilespmem:s18+$0x5340]  }
0x3ba: {  	v7 =	vld [tilespmem:s18+$0x5370]  }
0x3bb: {  	v8 =	vld [tilespmem:s18+$0x5360]  }
0x3bc: {  	v3 =	vmul.f32 v3, v4;
	v2 =	vmul.f32 v2, v4  }
0x3bd: {  	v1 =	vmul.f32 v1, v4;
	v5 =	vmul.f32 v5, v4  }
0x3be: {  	v0 =	vmul.f32 v0, v4;
	[tilespmem:s18+$0x9300] =	vst v3;
	v3 =	vmul.f32 v6, v4  }
0x3bf: {  	[tilespmem:s18+$0x9310] =	vst v2;
	v2 =	vmul.f32 v7, v4  }
0x3c0: {  	[tilespmem:s18+$0x9330] =	vst v1;
	v1 =	vmul.f32 v8, v4  }
0x3c1: {  	[tilespmem:s18+$0x9340] =	vst v3;
	v3 =	vld [tilespmem:s18+$0x53F0]  }
0x3c2: {  	[tilespmem:s18+$0x9360] =	vst v1;
	v1 =	vld [tilespmem:s18+$0x53D0]  }
0x3c3: {  	[tilespmem:s18+$0x9350] =	vst v0;
	v0 =	vld [tilespmem:s18+$0x53B0]  }
0x3c4: {  	[tilespmem:s18+$0x9320] =	vst v5;
	v4 =	vld [tilespmem:s18+$0x5390]  }
0x3c5: {  	[tilespmem:s18+$0x9370] =	vst v2;
	v2 =	vld [tilespmem:s18+$0x5380]  }
0x3c6: {  	v5 =	vld [tilespmem:s21+$0x30];
	s21 =	smov.u32 s19  }
0x3c7: {  	v6 =	vld [tilespmem:s18+$0x53A0]  }
0x3c8: {  	v7 =	vld [tilespmem:s18+$0x53C0]  }
0x3c9: {  	v8 =	vld [tilespmem:s18+$0x53E0];
	_ =	sdelay $0x1  }
0x3ca: {  	v2 =	vmul.f32 v2, v5;
	v4 =	vmul.f32 v4, v5  }
0x3cb: {  	v0 =	vmul.f32 v0, v5;
	v6 =	vmul.f32 v6, v5  }
0x3cc: {  	v1 =	vmul.f32 v1, v5;
	[tilespmem:s18+$0x9380] =	vst v2;
	v2 =	vmul.f32 v7, v5  }
0x3cd: {  	v3 =	vmul.f32 v3, v5;
	[tilespmem:s18+$0x93A0] =	vst v6;
	v6 =	vmul.f32 v8, v5  }
0x3ce: {  	[tilespmem:s18+$0x93B0] =	vst v0  }
0x3cf: {  	[tilespmem:s18+$0x93E0] =	vst v6  }
0x3d0: {  	[tilespmem:s18+$0x9390] =	vst v4  }
0x3d1: {  	[tilespmem:s18+$0x93F0] =	vst v3  }
0x3d2: {  	[tilespmem:s18+$0x93C0] =	vst v2  }
0x3d3: {  	[tilespmem:s18+$0x93D0] =	vst v1  }
0x3d4: {  	s18 =	sshra.s32 s20, $0x2;
	v2 =	vld [tilespmem:s19+$0xFFFFFFC0]  }
0x3d5: {  	v0 =	vld [tilespmem:s18+$0x5070]  }
0x3d6: {  	v1 =	vld [tilespmem:s18+$0x5020]  }
0x3d7: {  	v3 =	vld [tilespmem:s18+$0x5040]  }
0x3d8: {  	v4 =	vld [tilespmem:s18+$0x5030]  }
0x3d9: {  	v5 =	vld [tilespmem:s18+$0x5050]  }
0x3da: {  	v6 =	vld [tilespmem:s18+$0x5010];
	v0 =	vmul.f32 v0, v2  }
0x3db: {  	v1 =	vmul.f32 v1, v2;
	v7 =	vld [tilespmem:s18+$0x5060]  }
0x3dc: {  	v8 =	vld [tilespmem:s18+$0x5000];
	v3 =	vmul.f32 v3, v2;
	[tilespmem:s18+$0x9070] =	vst v0  }
0x3dd: {  	[tilespmem:s18+$0x9020] =	vst v1;
	v4 =	vmul.f32 v4, v2;
	v0 =	vld [tilespmem:s18+$0x5240]  }
0x3de: {  	[tilespmem:s18+$0x9040] =	vst v3;
	v3 =	vmul.f32 v5, v2;
	v1 =	vld [tilespmem:s18+$0x5270]  }
0x3df: {  	v5 =	vmul.f32 v6, v2;
	[tilespmem:s18+$0x9030] =	vst v4;
	v4 =	vld [tilespmem:s18+$0x50F0]  }
0x3e0: {  	[tilespmem:s18+$0x9050] =	vst v3;
	v3 =	vmul.f32 v7, v2;
	v6 =	vld [tilespmem:s18+$0x50D0]  }
0x3e1: {  	v2 =	vmul.f32 v8, v2;
	[tilespmem:s18+$0x9010] =	vst v5;
	v5 =	vld [tilespmem:s18+$0x5090]  }
0x3e2: {  	[tilespmem:s18+$0x9060] =	vst v3;
	v3 =	vld [tilespmem:s18+$0x50E0]  }
0x3e3: {  	[tilespmem:s18+$0x9000] =	vst v2;
	v2 =	vld [tilespmem:s18+$0x50B0]  }
0x3e4: {  	v7 =	vld [tilespmem:s19+$0xFFFFFFD0]  }
0x3e5: {  	v8 =	vld [tilespmem:s18+$0x5080]  }
0x3e6: {  	v9 =	vld [tilespmem:s18+$0x50C0]  }
0x3e7: {  	v10 =	vld [tilespmem:s18+$0x50A0];
	_ =	sdelay $0x1  }
0x3e8: {  	v2 =	vmul.f32 v2, v7;
	v3 =	vmul.f32 v3, v7  }
0x3e9: {  	v5 =	vmul.f32 v5, v7;
	v8 =	vmul.f32 v8, v7  }
0x3ea: {  	v6 =	vmul.f32 v6, v7;
	[tilespmem:s18+$0x90B0] =	vst v2;
	v2 =	vmul.f32 v9, v7  }
0x3eb: {  	v9 =	vmul.f32 v10, v7;
	[tilespmem:s18+$0x90E0] =	vst v3;
	v3 =	vmul.f32 v4, v7  }
0x3ec: {  	[tilespmem:s18+$0x9080] =	vst v8  }
0x3ed: {  	[tilespmem:s18+$0x90D0] =	vst v6;
	v4 =	vld [tilespmem:s18+$0x5170]  }
0x3ee: {  	[tilespmem:s18+$0x90F0] =	vst v3;
	v3 =	vld [tilespmem:s18+$0x5150]  }
0x3ef: {  	[tilespmem:s18+$0x9090] =	vst v5;
	v5 =	vld [tilespmem:s18+$0x5120]  }
0x3f0: {  	[tilespmem:s18+$0x90A0] =	vst v9;
	v6 =	vld [tilespmem:s18+$0x5130]  }
0x3f1: {  	[tilespmem:s18+$0x90C0] =	vst v2;
	v2 =	vld [tilespmem:s18+$0x5100]  }
0x3f2: {  	v7 =	vld [tilespmem:s19+$0xFFFFFFE0]  }
0x3f3: {  	v8 =	vld [tilespmem:s18+$0x5110]  }
0x3f4: {  	v9 =	vld [tilespmem:s18+$0x5140]  }
0x3f5: {  	v10 =	vld [tilespmem:s18+$0x5160];
	_ =	sdelay $0x1  }
0x3f6: {  	v2 =	vmul.f32 v2, v7;
	v6 =	vmul.f32 v6, v7  }
0x3f7: {  	v5 =	vmul.f32 v5, v7;
	v8 =	vmul.f32 v8, v7  }
0x3f8: {  	v3 =	vmul.f32 v3, v7;
	[tilespmem:s18+$0x9100] =	vst v2;
	v2 =	vmul.f32 v9, v7  }
0x3f9: {  	v4 =	vmul.f32 v4, v7;
	[tilespmem:s18+$0x9130] =	vst v6;
	v6 =	vmul.f32 v10, v7  }
0x3fa: {  	[tilespmem:s18+$0x9110] =	vst v8  }
0x3fb: {  	[tilespmem:s18+$0x9150] =	vst v3;
	v3 =	vld [tilespmem:s18+$0x51E0]  }
0x3fc: {  	[tilespmem:s18+$0x9170] =	vst v4;
	v4 =	vld [tilespmem:s18+$0x51C0]  }
0x3fd: {  	[tilespmem:s18+$0x9120] =	vst v5;
	v5 =	vld [tilespmem:s18+$0x51A0]  }
0x3fe: {  	[tilespmem:s18+$0x9160] =	vst v6;
	v6 =	vld [tilespmem:s18+$0x51F0]  }
0x3ff: {  	[tilespmem:s18+$0x9140] =	vst v2;
	v2 =	vld [tilespmem:s18+$0x5190]  }
0x400: {  	v7 =	vld [tilespmem:s19+$0xFFFFFFF0]  }
0x401: {  	v8 =	vld [tilespmem:s18+$0x5180]  }
0x402: {  	v9 =	vld [tilespmem:s18+$0x51B0]  }
0x403: {  	v10 =	vld [tilespmem:s18+$0x51D0];
	_ =	sdelay $0x1  }
0x404: {  	v2 =	vmul.f32 v2, v7;
	v6 =	vmul.f32 v6, v7  }
0x405: {  	v5 =	vmul.f32 v5, v7;
	v8 =	vmul.f32 v8, v7  }
0x406: {  	[tilespmem:s18+$0x9190] =	vst v2;
	v9 =	vmul.f32 v9, v7;
	v2 =	vmul.f32 v4, v7  }
0x407: {  	v3 =	vmul.f32 v3, v7;
	v10 =	vmul.f32 v10, v7;
	[tilespmem:s18+$0x91F0] =	vst v6  }
0x408: {  	[tilespmem:s18+$0x9180] =	vst v8  }
0x409: {  	[tilespmem:s18+$0x91C0] =	vst v2  }
0x40a: {  	[tilespmem:s18+$0x91E0] =	vst v3;
	v2 =	vld [tilespmem:s18+$0x5250]  }
0x40b: {  	[tilespmem:s18+$0x91A0] =	vst v5;
	v4 =	vld [tilespmem:s18+$0x5210]  }
.Ltmp5:
0x40c: {  	[tilespmem:s18+$0x91D0] =	vst v10;
	v6 =	vld [tilespmem:s18+$0x5260];
	(pc) =	sbr.rel @p2 .LBB2_9-.Ltmp5, $4  }
0x40d: {  	[tilespmem:s18+$0x91B0] =	vst v9;
	v7 =	vld [tilespmem:s18+$0x5220]  }
0x40e: {  	v3 =	vld [tilespmem:s19+$0x0]  }
0x40f: {  	v8 =	vld [tilespmem:s18+$0x5200]  }
0x410: {  	v5 =	vld [tilespmem:s18+$0x5230]  }
0x411: {  	_ =	sdelay $0x1  }
0x412: {  	v7 =	vmul.f32 v7, v3  }
0x413: {  	v6 =	vmul.f32 v6, v3  }
0x414: {  	v2 =	vmul.f32 v2, v3;
	[tilespmem:s18+$0x9220] =	vst v7  }
0x415: {  	v1 =	vmul.f32 v1, v3;
	[tilespmem:s18+$0x9260] =	vst v6  }
0x416: {  	v4 =	vmul.f32 v4, v3;
	[tilespmem:s18+$0x9250] =	vst v2  }
0x417: {  	v0 =	vmul.f32 v0, v3;
	[tilespmem:s18+$0x9270] =	vst v1  }
0x418: {  	v8 =	vmul.f32 v8, v3;
	[tilespmem:s18+$0x9210] =	vst v4  }
0x419: {  	v30 =	vmul.f32 v5, v3;
	[tilespmem:s18+$0x9240] =	vst v0  }
0x41a: {  	[tilespmem:s18+$0x9200] =	vst v8  }
0x41b: {  	v32 =	vld [tilespmem:s18+$0x5280];
	[tilespmem:s18+$0x9230] =	vst v30  }
0x41c: {  	v33 =	vld [tilespmem:s21+$0x10]  }
0x41d: {  	v29 =	vld [tilespmem:s18+$0x52B0]  }
0x41e: {  	v31 =	vld [tilespmem:s18+$0x52F0]  }
0x41f: {  	v34 =	vld [tilespmem:s18+$0x52A0]  }
0x420: {  	v35 =	vld [tilespmem:s18+$0x5290]  }
0x421: {  	v28 =	vld [tilespmem:s18+$0x52D0];
	v3 =	vmul.f32 v32, v33  }
0x422: {  	v27 =	vld [tilespmem:s18+$0x52E0];
	v4 =	vmul.f32 v29, v33  }
0x423: {  	v36 =	vld [tilespmem:s18+$0x52C0];
	v0 =	vmul.f32 v31, v33;
	[tilespmem:s18+$0x9280] =	vst v3  }
0x424: {  	v37 =	vmul.f32 v34, v33;
	[tilespmem:s18+$0x92B0] =	vst v4  }
0x425: {  	v38 =	vmul.f32 v35, v33;
	[tilespmem:s18+$0x92F0] =	vst v0  }
0x426: {  	v39 =	vmul.f32 v28, v33;
	[tilespmem:s18+$0x92A0] =	vst v37  }
0x427: {  	v2 =	vmul.f32 v27, v33;
	[tilespmem:s18+$0x9290] =	vst v38  }
0x428: {  	v42 =	vmul.f32 v36, v33;
	[tilespmem:s18+$0x92D0] =	vst v39  }
0x429: {  	[tilespmem:s18+$0x92E0] =	vst v2  }
0x42a: {  	v44 =	vld [tilespmem:s18+$0x5300];
	[tilespmem:s18+$0x92C0] =	vst v42  }
0x42b: {  	v4 =	vld [tilespmem:s21+$0x20]  }
0x42c: {  	v43 =	vld [tilespmem:s18+$0x5310]  }
0x42d: {  	v41 =	vld [tilespmem:s18+$0x5330]  }
0x42e: {  	v45 =	vld [tilespmem:s18+$0x5340]  }
0x42f: {  	v47 =	vld [tilespmem:s18+$0x5360]  }
0x430: {  	v40 =	vld [tilespmem:s18+$0x5350];
	v3 =	vmul.f32 v44, v4  }
0x431: {  	v46 =	vld [tilespmem:s18+$0x5320];
	v2 =	vmul.f32 v43, v4  }
0x432: {  	v48 =	vld [tilespmem:s18+$0x5370];
	v0 =	vmul.f32 v41, v4;
	[tilespmem:s18+$0x9300] =	vst v3  }
0x433: {  	v49 =	vmul.f32 v45, v4;
	[tilespmem:s18+$0x9310] =	vst v2  }
0x434: {  	v50 =	vmul.f32 v47, v4;
	[tilespmem:s18+$0x9330] =	vst v0  }
0x435: {  	v1 =	vmul.f32 v40, v4;
	[tilespmem:s18+$0x9340] =	vst v49  }
0x436: {  	v53 =	vmul.f32 v46, v4;
	[tilespmem:s18+$0x9360] =	vst v50  }
0x437: {  	v4 =	vmul.f32 v48, v4;
	[tilespmem:s18+$0x9350] =	vst v1  }
0x438: {  	[tilespmem:s18+$0x9320] =	vst v53  }
0x439: {  	v56 =	vld [tilespmem:s18+$0x5380];
	[tilespmem:s18+$0x9370] =	vst v4  }
0x43a: {  	v57 =	vld [tilespmem:s21+$0x30]  }
0x43b: {  	v58 =	vld [tilespmem:s18+$0x53A0]  }
0x43c: {  	v54 =	vld [tilespmem:s18+$0x53B0]  }
0x43d: {  	v59 =	vld [tilespmem:s18+$0x53E0]  }
0x43e: {  	v55 =	vld [tilespmem:s18+$0x5390]  }
0x43f: {  	v51 =	vld [tilespmem:s18+$0x53F0];
	v4 =	vmul.f32 v56, v57  }
0x440: {  	v60 =	vld [tilespmem:s18+$0x53C0];
	v6 =	vmul.f32 v58, v57  }
0x441: {  	v52 =	vld [tilespmem:s18+$0x53D0];
	v1 =	vmul.f32 v54, v57;
	[tilespmem:s18+$0x9380] =	vst v4  }
0x442: {  	v61 =	vmul.f32 v59, v57;
	[tilespmem:s18+$0x93A0] =	vst v6  }
0x443: {  	v3 =	vmul.f32 v55, v57;
	[tilespmem:s18+$0x93B0] =	vst v1  }
0x444: {  	v62 =	vmul.f32 v51, v57;
	[tilespmem:s18+$0x93E0] =	vst v61  }
.Ltmp6:
0x445: {  	v63 =	vmul.f32 v60, v57;
	[tilespmem:s18+$0x9390] =	vst v3;
	(pc) =	sbr.rel @p1 .LBB2_12-.Ltmp6, $4  }
0x446: {  	v0 =	vmul.f32 v52, v57;
	[tilespmem:s18+$0x93F0] =	vst v62  }
0x447: {  	[tilespmem:s18+$0x93C0] =	vst v63  }
0x448: {  	[tilespmem:s18+$0x93D0] =	vst v0  }
0x449: {  	[spmem:s2] =	stream.indirect.scatter.add.f32 [tilespmem:s11], [sflag:$0x6], $0x80, s12, s24, $0xb8;
	[tilespmem:$0x1EA80] =	vst v63  }
0x44a: {  	s9 =	sadd.s32 $0x140, s17  }
0x44b: {  	s17 =	sadd.s32 s3, s9  }
0x44c: {  	s18 =	sshll.u32 s17, $0x1  }
0x44d: {  	s18 =	sadd.s32 s7, s18  }
0x44e: {  	[tilespmem:s26], [sflag:$0x4] =	stream.linear.gather [hbm4b:s18+s4], $0x400, $0x38;
	[tilespmem:$0x1EA80] =	vst v63  }
.Ltmp7:
0x44f: {  	s17 =	sshrl.u32 s17, $0x3;
	(pc) =	sbr.rel .LBB2_2-.Ltmp7, $4  }
0x450: {  	s17 =	sadd.s32 s6, s17  }
0x451: {  	[tilespmem:s28], [sflag:$0x2] =	stream.linear.gather [hbm4b:s17+s4], $0x40, $0x38;
	[tilespmem:$0x1EA80] =	vst v63  }
0x452: {  	s16 =	sadd.s32 $0x1, s16  }
0x453: {  	[tilespmem:s29], [sflag:$0x2] =	stream.indirect.gather [hbm4b:s5+s24], $0x80, s9, s24, $0xb8;
	[tilespmem:$0x1EA80] =	vst v63  }
.LBB2_13:
0x454: {  	_ =	sfence.sel $0x180000  }
0x455: {  	[bflag:$0x0] =	sbarrier.arrive $0xFFFF  }
0x456: {  	_ =	strace $0x90000047  }
0x457: {  	s0 =	stileid.u32;
	[bflag:$0x2] =	sbarrier.arrive $0xFFFF  }
0x458: {  	p0 =	sne.s32 s0, $0x0;
	s0 =	rddreg [dreg:$0x3]  }
0x459: {  	s0 =	sadd.s32 @!p0 $0x100000, s0  }
0x45a: {  	[sflag:s0] =	ssyncadd.tile.s32 @!p0 $0x1;
	_ =	shalt  }
.Lfunc_end2:
_tile_overlayer_lowered:
.L_overlay_start_2:
0x45b: {  	(tag) =	ssettag $0x2  }
0x45c: {  	s0 =	rddreg [dreg:$0x0];
	s2 =	stileid.u32  }
0x45d: {  	s1 =	rddreg [dreg:$0x1];
	p0 =	sne.s32 s2, $0x0  }
0x45e: {  	s3 =	rddreg [dreg:$0x2];
	[bflag:$0x3] =	sbarrier.arrive $0xFFFF;
	s2 =	simm.s32 @!p0 $0x1C07  }
0x45f: {  	[timem:s3], [sflag:s2] =	dma.local @!p0 [hbm:s0], s1  }
0x460: {  	s0 =	simm.s32 @!p0 $0x7  }
0x461: {  	_ =	swait.ge @!p0 [sflag:s0], s1  }
0x462: {  	s1 =	ssub.s32 @!p0 $0x0, s1;
	[sflag:s0] =	ssyncset.done @!p0 $0x0  }
0x463: {  	[sflag:s0] =	ssyncadd.s32 @!p0 s1  }
0x464: {  	[bflag:$0x3] =	sbarrier.arrive $0xFFFF  }
0x465: {  	_ =	shalt  }

</sc_bundles>
